<compile_context>
chip_gen: v7x
topology: tpu7x:2x2x1
jax: 0.10.2.dev20260603
libtpu: 0.0.44.dev20260713+nightly
codegen_flags: <defaults>
</compile_context>

<pallas_src>
import functools

import jax
import jax.numpy as jnp
from jax import lax
from jax.experimental import pallas as pl
from jax.experimental.pallas import tpu as pltpu
from jax.experimental.pallas import tpu_sc as plsc

N = 320000
D = 128
NB = 10000

NC = 2
NS = 16
NW = NC * NS
C = N // NW
NBP = 10240
BPW = NBP // NW
L = 16

RCH = 400
NCHK = C // RCH
GPC = RCH // L

NEG = float("-inf")

_MESH = plsc.VectorSubcoreMesh(core_axis_name="c", subcore_axis_name="s")
_SC_PARAMS = pltpu.CompilerParams(
    needs_layout_passes=False, use_tc_tiling_on_sc=False)


def _take(v, idx):
    return jnp.take_along_axis(v, idx, axis=0, mode="promise_in_bounds")


@functools.partial(
    pl.kernel,
    mesh=_MESH,
    compiler_params=_SC_PARAMS,
    out_type=(
        jax.ShapeDtypeStruct((N,), jnp.float32),
        jax.ShapeDtypeStruct((NW, NBP), jnp.float32),
    ),
    scratch_types=[
        pltpu.VMEM((2 * RCH, D), jnp.float32),
        pltpu.VMEM((2, RCH), jnp.int32),
        pltpu.VMEM((2, RCH), jnp.float32),
        pltpu.VMEM((NBP,), jnp.float32),
        pltpu.VMEM((D,), jnp.float32),
        pltpu.VMEM((L,), jnp.float32),
        pltpu.SemaphoreType.DMA((2,)),
        pltpu.SemaphoreType.DMA((2,)),
        pltpu.SemaphoreType.DMA((2,)),
    ],
)
def _sc_fused(z_hbm, seg_hbm, w_hbm, b_hbm, out_s_hbm, out_m_hbm,
              zb, segb, sb, m_v, w_v, b_v, zsem, gsem, osem):
    wid = lax.axis_index("s") * NC + lax.axis_index("c")
    base = pl.multiple_of(wid * C, 8)

    pltpu.sync_copy(w_hbm.at[0], w_v)
    pltpu.sync_copy(b_hbm, b_v)

    def z_dma(chunk, slot):
        return pltpu.make_async_copy(
            z_hbm.at[pl.ds(base + chunk * RCH, RCH), :],
            zb.at[pl.ds(slot * RCH, RCH), :], zsem.at[slot])

    def seg_dma(chunk, slot):
        return pltpu.make_async_copy(
            seg_hbm.at[pl.ds(base + chunk * RCH, RCH)],
            segb.at[slot], gsem.at[slot])

    def out_dma(chunk, slot):
        return pltpu.make_async_copy(
            sb.at[slot],
            out_s_hbm.at[pl.ds(base + chunk * RCH, RCH)], osem.at[slot])

    z_dma(0, 0).start()
    seg_dma(0, 0).start()
    z_dma(1, 1).start()
    seg_dma(1, 1).start()

    neg = jnp.full((L,), NEG, jnp.float32)

    def init_body(i, carry):
        m_v[pl.ds(pl.multiple_of(i * L, L), L)] = neg
        return carry

    lax.fori_loop(0, NBP // L, init_body, 0, unroll=8)

    wv = [w_v[pl.ds(16 * j, L)] for j in range(D // L)]
    bvec = b_v[...]
    lane = lax.iota(jnp.int32, L)
    last_lane = lane == (L - 1)
    up1 = jnp.minimum(lane + 1, L - 1)

    def chunk_body(chunk, carry):
        slot = lax.rem(chunk, 2)

        for s in (0, 1):
            @pl.when(slot == s)
            def _():
                z_dma(chunk, s).wait()
                seg_dma(chunk, s).wait()

            @pl.when((slot == s) & (chunk >= 2))
            def _():
                out_dma(chunk - 2, s).wait()

        def group_body(gin, carry2):
            rowbase = slot * RCH + gin * L
            v = neg
            for l in range(L):
                row = rowbase + l
                prods = [zb[row, pl.ds(16 * j, L)] * wv[j]
                         for j in range(D // L)]
                while len(prods) > 1:
                    prods = [a + b for a, b in zip(prods[::2], prods[1::2])]
                v = jnp.where(lane == l, jnp.sum(prods[0]), v)
            v = v + bvec
            sb[slot, pl.ds(pl.multiple_of(gin * L, L), L)] = v

            gid = segb[slot, pl.ds(pl.multiple_of(gin * L, L), L)]
            for s in (1, 2, 4, 8):
                idx = jnp.maximum(lane - s, 0)
                vs = _take(v, idx)
                gs = _take(gid, idx)
                v = jnp.where((gs == gid) & (lane >= s),
                              jnp.maximum(v, vs), v)
            g_next = _take(gid, up1)
            is_last = (g_next != gid) | last_lane
            cur = plsc.load_gather(m_v, [gid], mask=is_last)
            plsc.store_scatter(m_v, [gid], jnp.maximum(cur, v), mask=is_last)
            return carry2

        lax.fori_loop(0, GPC, group_body, 0, unroll=2)

        for s in (0, 1):
            @pl.when(slot == s)
            def _():
                out_dma(chunk, s).start()

            @pl.when((slot == s) & (chunk + 2 < NCHK))
            def _():
                z_dma(chunk + 2, s).start()
                seg_dma(chunk + 2, s).start()
        return carry

    lax.fori_loop(0, NCHK, chunk_body, 0)

    out_dma(NCHK - 2, (NCHK - 2) % 2).wait()
    out_dma(NCHK - 1, (NCHK - 1) % 2).wait()
    pltpu.sync_copy(m_v, out_m_hbm.at[wid])


BPW_LAST = NB - (NW - 1) * BPW


@functools.partial(
    pl.kernel,
    mesh=_MESH,
    compiler_params=_SC_PARAMS,
    out_type=jax.ShapeDtypeStruct((NB,), jnp.float32),
    scratch_types=[
        pltpu.VMEM((NW, BPW), jnp.float32),
        pltpu.VMEM((BPW,), jnp.float32),
    ],
)
def _segmax_merge(parts_hbm, out_hbm, blk_v, acc_v):
    wid = lax.axis_index("s") * NC + lax.axis_index("c")
    lo = pl.multiple_of(wid * BPW, 8)
    pltpu.sync_copy(parts_hbm.at[:, pl.ds(lo, BPW)], blk_v)

    def body(j, carry):
        off = pl.multiple_of(j * L, L)
        acc = jnp.full((L,), NEG, jnp.float32)
        for r in range(NW):
            acc = jnp.maximum(acc, blk_v[r, pl.ds(off, L)])
        acc_v[pl.ds(off, L)] = acc
        return carry

    @pl.when(wid < NW - 1)
    def _():
        lax.fori_loop(0, BPW // L, body, 0)
        pltpu.sync_copy(acc_v, out_hbm.at[pl.ds(lo, BPW)])

    @pl.when(wid == NW - 1)
    def _():
        lax.fori_loop(0, BPW_LAST // L, body, 0)
        pltpu.sync_copy(acc_v.at[pl.ds(0, BPW_LAST)],
                        out_hbm.at[pl.ds(lo, BPW_LAST)])


def kernel(z_ins, bag_idx, W, b):
    seg = bag_idx.astype(jnp.int32)
    b16 = jnp.broadcast_to(b, (L,))
    scores, parts = _sc_fused(z_ins, seg, W, b16)
    M = _segmax_merge(parts)[:, None]
    return (M, None, scores)

# --- scband reference (transcript-rebuilt; emitter-appended) ---
"""Pipeline reference for scband-clshead-5712306504036 (READ-ONLY COPY).

The authoritative reference and input builder live on the scoring server;
editing this copy changes nothing except your own understanding.
"""

import jax, jax.numpy as jnp
import numpy as np

N = 320000
D = 128
NUM_BAGS = 10000

def setup_inputs(seed: int = 0) -> dict:
    key = jax.random.key(seed)
    k1, k2, k3 = jax.random.split(key, 3)
    z_ins = jax.random.normal(k1, (N, D), dtype=jnp.float32)
    bag_idx = jnp.sort(jax.random.randint(k2, (N,), 0, NUM_BAGS)).astype(jnp.int64)
    # fc_ins: nn.Linear(128, 1) -> W [1, 128], b [1]
    W = jax.random.normal(k3, (1, D), dtype=jnp.float32) * (1.0 / np.sqrt(D))
    b = jnp.zeros((1,), dtype=jnp.float32)
    return {"z_ins": z_ins, "bag_idx": bag_idx, "W": W, "b": b}

def reference(z_ins, bag_idx, W, b):
    # loc_ins_logits = self.fc_ins(z_ins)  -> [N, 1]
    loc_ins_logits = z_ins @ W.T + b
    # bags = bag_idx.unique(); per-bag max pooling over instance scores
    bags = jnp.unique(bag_idx, size=NUM_BAGS)
    B = int(bags.shape[0])
    seg = jnp.searchsorted(bags, bag_idx)  # map bag ids -> dense segment ids
    # M[i] = max over instances in bag i of loc_ins_logits[:, 0]
    M = jax.ops.segment_max(loc_ins_logits[:, 0], seg, num_segments=B)[:, None]
    # cysts == False -> C = None
    C = None
    return (M, C, loc_ins_logits[:, 0])

if __name__ == "__main__":
    import jax
    _d = setup_inputs()
    print(jax.jit(kernel)(*tuple(_d.values())))

</pallas_src>

<mosaic_0001>
#map = affine_map<(d0, d1) -> (0, 0)>
#map1 = affine_map<(d0, d1) -> (0)>
module attributes {stable_mosaic.version = 14 : i64} {
  func.func @_segmax_merge(%arg0: i32, %arg1: i32, %arg2: memref<32x10240xf32, #tpu.memory_space<hbm>>, %arg3: memref<10000xf32, #tpu.memory_space<hbm>>, %arg4: memref<32x320xf32, #tpu.memory_space<vmem>>, %arg5: memref<320xf32, #tpu.memory_space<vmem>>) attributes {dimension_semantics = [#tpu.dimension_semantics<core_parallel>, #tpu.dimension_semantics<subcore_parallel>], iteration_bounds = array<i64: 2, 16>, scalar_prefetch = 0 : i64, scratch_operands = 2 : i64, tpu.core_type = #tpu.core_type<sc_vector_subcore>, window_params = [{transform_indices = #map}, {transform_indices = #map1}]} {
    %mul3A = arith.constant 2 : i32
    %mul3A_0 = arith.muli %arg1, %mul3A : i32
    %add3A = arith.addi %mul3A_0, %arg0 : i32
    %mul3A_1 = arith.constant 320 : i32
    %mul3A_2 = arith.muli %add3A, %mul3A_1 : i32
    %multiple_of3A = tpu.assume_multiple %mul3A_2, 8 : i32
    "tpu.region"() ({
      %run_scoped3A = tpu.sem_alloc : memref<!tpu.dma_semaphore, #tpu.memory_space<semaphore_mem>>
      %dma_start3A = arith.constant 0 : i32
      %dma_start3A_9 = tpu.memref_slice %arg2[%dma_start3A, %multiple_of3A] : memref<32x10240xf32, #tpu.memory_space<hbm>> -> memref<32x320xf32, #tpu.memory_space<hbm>>
      %dma_start3A_10 = arith.constant 0 : i32
      %dma_start3A_11 = tpu.memref_slice %arg2[%dma_start3A_10, %multiple_of3A] : memref<32x10240xf32, #tpu.memory_space<hbm>> -> memref<32x320xf32, #tpu.memory_space<hbm>>
      tpu.enqueue_dma source(%dma_start3A_11 : memref<32x320xf32, #tpu.memory_space<hbm>>) target(%arg4 : memref<32x320xf32, #tpu.memory_space<vmem>>) target_semaphore(%run_scoped3A : memref<!tpu.dma_semaphore, #tpu.memory_space<semaphore_mem>>)
      %dma_wait3A = arith.constant 0 : i32
      %dma_wait3A_12 = tpu.memref_slice %arg2[%dma_wait3A, %multiple_of3A] : memref<32x10240xf32, #tpu.memory_space<hbm>> -> memref<32x320xf32, #tpu.memory_space<hbm>>
      %dma_wait3A_13 = arith.constant 0 : i32
      %dma_wait3A_14 = tpu.memref_slice %arg2[%dma_wait3A_13, %multiple_of3A] : memref<32x10240xf32, #tpu.memory_space<hbm>> -> memref<32x320xf32, #tpu.memory_space<hbm>>
      tpu.wait_dma2 semaphore(%run_scoped3A : memref<!tpu.dma_semaphore, #tpu.memory_space<semaphore_mem>>) src(%dma_wait3A_14 : memref<32x320xf32, #tpu.memory_space<hbm>>) dst(%arg4 : memref<32x320xf32, #tpu.memory_space<vmem>>)
      tpu.yield
    }) : () -> ()
    %lt3A = arith.constant 31 : i32
    %lt3A_3 = arith.cmpi slt, %add3A, %lt3A : i32
    %convert_element_type3A = arith.extui %lt3A_3 : i1 to i32
    %cond3A = arith.constant 0 : i32
    %cond3A_4 = arith.cmpi ne, %convert_element_type3A, %cond3A : i32
    scf.if %cond3A_4 {
      %scan3A = arith.constant 0 : i32
      %scan3A_9 = arith.constant 0 : i32
      %scan3A_10 = arith.constant 20 : i32
      %scan3A_11 = arith.addi %scan3A_9, %scan3A_10 : i32
      %scan3A_12 = arith.constant 1 : i32
      scf.for %scan3A_14 = %scan3A_9 to %scan3A_11 step %scan3A_12  : i32 {
        %mul3A_15 = arith.constant 16 : i32
        %mul3A_16 = arith.muli %scan3A_14, %mul3A_15 : i32
        %multiple_of3A_17 = tpu.assume_multiple %mul3A_16, 16 : i32
        %broadcast_in_dim3A = arith.constant 0xFF800000 : f32
        %broadcast_in_dim3A_18 = vector.broadcast %broadcast_in_dim3A : f32 to vector<16xf32>
        %get3A = arith.constant 0 : i32
        %get3A_19 = arith.index_cast %get3A : i32 to index
        %get3A_20 = arith.index_cast %multiple_of3A_17 : i32 to index
        %get3A_21 = tpu.vector_load %arg4[%get3A_19, %get3A_20] {strides = array<i32>} : memref<32x320xf32, #tpu.memory_space<vmem>>, vector<16xf32>,
        %max3A = arith.maximumf %broadcast_in_dim3A_18, %get3A_21 : vector<16xf32>
        %get3A_22 = arith.constant 1 : i32
        %get3A_23 = arith.index_cast %get3A_22 : i32 to index
        %get3A_24 = arith.index_cast %multiple_of3A_17 : i32 to index
        %get3A_25 = tpu.vector_load %arg4[%get3A_23, %get3A_24] {strides = array<i32>} : memref<32x320xf32, #tpu.memory_space<vmem>>, vector<16xf32>,
        %max3A_26 = arith.maximumf %max3A, %get3A_25 : vector<16xf32>
        %get3A_27 = arith.constant 2 : i32
        %get3A_28 = arith.index_cast %get3A_27 : i32 to index
        %get3A_29 = arith.index_cast %multiple_of3A_17 : i32 to index
        %get3A_30 = tpu.vector_load %arg4[%get3A_28, %get3A_29] {strides = array<i32>} : memref<32x320xf32, #tpu.memory_space<vmem>>, vector<16xf32>,
        %max3A_31 = arith.maximumf %max3A_26, %get3A_30 : vector<16xf32>
        %get3A_32 = arith.constant 3 : i32
        %get3A_33 = arith.index_cast %get3A_32 : i32 to index
        %get3A_34 = arith.index_cast %multiple_of3A_17 : i32 to index
        %get3A_35 = tpu.vector_load %arg4[%get3A_33, %get3A_34] {strides = array<i32>} : memref<32x320xf32, #tpu.memory_space<vmem>>, vector<16xf32>,
        %max3A_36 = arith.maximumf %max3A_31, %get3A_35 : vector<16xf32>
        %get3A_37 = arith.constant 4 : i32
        %get3A_38 = arith.index_cast %get3A_37 : i32 to index
        %get3A_39 = arith.index_cast %multiple_of3A_17 : i32 to index
        %get3A_40 = tpu.vector_load %arg4[%get3A_38, %get3A_39] {strides = array<i32>} : memref<32x320xf32, #tpu.memory_space<vmem>>, vector<16xf32>,
        %max3A_41 = arith.maximumf %max3A_36, %get3A_40 : vector<16xf32>
        %get3A_42 = arith.constant 5 : i32
        %get3A_43 = arith.index_cast %get3A_42 : i32 to index
        %get3A_44 = arith.index_cast %multiple_of3A_17 : i32 to index
        %get3A_45 = tpu.vector_load %arg4[%get3A_43, %get3A_44] {strides = array<i32>} : memref<32x320xf32, #tpu.memory_space<vmem>>, vector<16xf32>,
        %max3A_46 = arith.maximumf %max3A_41, %get3A_45 : vector<16xf32>
        %get3A_47 = arith.constant 6 : i32
        %get3A_48 = arith.index_cast %get3A_47 : i32 to index
        %get3A_49 = arith.index_cast %multiple_of3A_17 : i32 to index
        %get3A_50 = tpu.vector_load %arg4[%get3A_48, %get3A_49] {strides = array<i32>} : memref<32x320xf32, #tpu.memory_space<vmem>>, vector<16xf32>,
        %max3A_51 = arith.maximumf %max3A_46, %get3A_50 : vector<16xf32>
        %get3A_52 = arith.constant 7 : i32
        %get3A_53 = arith.index_cast %get3A_52 : i32 to index
        %get3A_54 = arith.index_cast %multiple_of3A_17 : i32 to index
        %get3A_55 = tpu.vector_load %arg4[%get3A_53, %get3A_54] {strides = array<i32>} : memref<32x320xf32, #tpu.memory_space<vmem>>, vector<16xf32>,
        %max3A_56 = arith.maximumf %max3A_51, %get3A_55 : vector<16xf32>
        %get3A_57 = arith.constant 8 : i32
        %get3A_58 = arith.index_cast %get3A_57 : i32 to index
        %get3A_59 = arith.index_cast %multiple_of3A_17 : i32 to index
        %get3A_60 = tpu.vector_load %arg4[%get3A_58, %get3A_59] {strides = array<i32>} : memref<32x320xf32, #tpu.memory_space<vmem>>, vector<16xf32>,
        %max3A_61 = arith.maximumf %max3A_56, %get3A_60 : vector<16xf32>
        %get3A_62 = arith.constant 9 : i32
        %get3A_63 = arith.index_cast %get3A_62 : i32 to index
        %get3A_64 = arith.index_cast %multiple_of3A_17 : i32 to index
        %get3A_65 = tpu.vector_load %arg4[%get3A_63, %get3A_64] {strides = array<i32>} : memref<32x320xf32, #tpu.memory_space<vmem>>, vector<16xf32>,
        %max3A_66 = arith.maximumf %max3A_61, %get3A_65 : vector<16xf32>
        %get3A_67 = arith.constant 10 : i32
        %get3A_68 = arith.index_cast %get3A_67 : i32 to index
        %get3A_69 = arith.index_cast %multiple_of3A_17 : i32 to index
        %get3A_70 = tpu.vector_load %arg4[%get3A_68, %get3A_69] {strides = array<i32>} : memref<32x320xf32, #tpu.memory_space<vmem>>, vector<16xf32>,
        %max3A_71 = arith.maximumf %max3A_66, %get3A_70 : vector<16xf32>
        %get3A_72 = arith.constant 11 : i32
        %get3A_73 = arith.index_cast %get3A_72 : i32 to index
        %get3A_74 = arith.index_cast %multiple_of3A_17 : i32 to index
        %get3A_75 = tpu.vector_load %arg4[%get3A_73, %get3A_74] {strides = array<i32>} : memref<32x320xf32, #tpu.memory_space<vmem>>, vector<16xf32>,
        %max3A_76 = arith.maximumf %max3A_71, %get3A_75 : vector<16xf32>
        %get3A_77 = arith.constant 12 : i32
        %get3A_78 = arith.index_cast %get3A_77 : i32 to index
        %get3A_79 = arith.index_cast %multiple_of3A_17 : i32 to index
        %get3A_80 = tpu.vector_load %arg4[%get3A_78, %get3A_79] {strides = array<i32>} : memref<32x320xf32, #tpu.memory_space<vmem>>, vector<16xf32>,
        %max3A_81 = arith.maximumf %max3A_76, %get3A_80 : vector<16xf32>
        %get3A_82 = arith.constant 13 : i32
        %get3A_83 = arith.index_cast %get3A_82 : i32 to index
        %get3A_84 = arith.index_cast %multiple_of3A_17 : i32 to index
        %get3A_85 = tpu.vector_load %arg4[%get3A_83, %get3A_84] {strides = array<i32>} : memref<32x320xf32, #tpu.memory_space<vmem>>, vector<16xf32>,
        %max3A_86 = arith.maximumf %max3A_81, %get3A_85 : vector<16xf32>
        %get3A_87 = arith.constant 14 : i32
        %get3A_88 = arith.index_cast %get3A_87 : i32 to index
        %get3A_89 = arith.index_cast %multiple_of3A_17 : i32 to index
        %get3A_90 = tpu.vector_load %arg4[%get3A_88, %get3A_89] {strides = array<i32>} : memref<32x320xf32, #tpu.memory_space<vmem>>, vector<16xf32>,
        %max3A_91 = arith.maximumf %max3A_86, %get3A_90 : vector<16xf32>
        %get3A_92 = arith.constant 15 : i32
        %get3A_93 = arith.index_cast %get3A_92 : i32 to index
        %get3A_94 = arith.index_cast %multiple_of3A_17 : i32 to index
        %get3A_95 = tpu.vector_load %arg4[%get3A_93, %get3A_94] {strides = array<i32>} : memref<32x320xf32, #tpu.memory_space<vmem>>, vector<16xf32>,
        %max3A_96 = arith.maximumf %max3A_91, %get3A_95 : vector<16xf32>
        %get3A_97 = arith.constant 16 : i32
        %get3A_98 = arith.index_cast %get3A_97 : i32 to index
        %get3A_99 = arith.index_cast %multiple_of3A_17 : i32 to index
        %get3A_100 = tpu.vector_load %arg4[%get3A_98, %get3A_99] {strides = array<i32>} : memref<32x320xf32, #tpu.memory_space<vmem>>, vector<16xf32>,
        %max3A_101 = arith.maximumf %max3A_96, %get3A_100 : vector<16xf32>
        %get3A_102 = arith.constant 17 : i32
        %get3A_103 = arith.index_cast %get3A_102 : i32 to index
        %get3A_104 = arith.index_cast %multiple_of3A_17 : i32 to index
        %get3A_105 = tpu.vector_load %arg4[%get3A_103, %get3A_104] {strides = array<i32>} : memref<32x320xf32, #tpu.memory_space<vmem>>, vector<16xf32>,
        %max3A_106 = arith.maximumf %max3A_101, %get3A_105 : vector<16xf32>
        %get3A_107 = arith.constant 18 : i32
        %get3A_108 = arith.index_cast %get3A_107 : i32 to index
        %get3A_109 = arith.index_cast %multiple_of3A_17 : i32 to index
        %get3A_110 = tpu.vector_load %arg4[%get3A_108, %get3A_109] {strides = array<i32>} : memref<32x320xf32, #tpu.memory_space<vmem>>, vector<16xf32>,
        %max3A_111 = arith.maximumf %max3A_106, %get3A_110 : vector<16xf32>
        %get3A_112 = arith.constant 19 : i32
        %get3A_113 = arith.index_cast %get3A_112 : i32 to index
        %get3A_114 = arith.index_cast %multiple_of3A_17 : i32 to index
        %get3A_115 = tpu.vector_load %arg4[%get3A_113, %get3A_114] {strides = array<i32>} : memref<32x320xf32, #tpu.memory_space<vmem>>, vector<16xf32>,
        %max3A_116 = arith.maximumf %max3A_111, %get3A_115 : vector<16xf32>
        %get3A_117 = arith.constant 20 : i32
        %get3A_118 = arith.index_cast %get3A_117 : i32 to index
        %get3A_119 = arith.index_cast %multiple_of3A_17 : i32 to index
        %get3A_120 = tpu.vector_load %arg4[%get3A_118, %get3A_119] {strides = array<i32>} : memref<32x320xf32, #tpu.memory_space<vmem>>, vector<16xf32>,
        %max3A_121 = arith.maximumf %max3A_116, %get3A_120 : vector<16xf32>
        %get3A_122 = arith.constant 21 : i32
        %get3A_123 = arith.index_cast %get3A_122 : i32 to index
        %get3A_124 = arith.index_cast %multiple_of3A_17 : i32 to index
        %get3A_125 = tpu.vector_load %arg4[%get3A_123, %get3A_124] {strides = array<i32>} : memref<32x320xf32, #tpu.memory_space<vmem>>, vector<16xf32>,
        %max3A_126 = arith.maximumf %max3A_121, %get3A_125 : vector<16xf32>
        %get3A_127 = arith.constant 22 : i32
        %get3A_128 = arith.index_cast %get3A_127 : i32 to index
        %get3A_129 = arith.index_cast %multiple_of3A_17 : i32 to index
        %get3A_130 = tpu.vector_load %arg4[%get3A_128, %get3A_129] {strides = array<i32>} : memref<32x320xf32, #tpu.memory_space<vmem>>, vector<16xf32>,
        %max3A_131 = arith.maximumf %max3A_126, %get3A_130 : vector<16xf32>
        %get3A_132 = arith.constant 23 : i32
        %get3A_133 = arith.index_cast %get3A_132 : i32 to index
        %get3A_134 = arith.index_cast %multiple_of3A_17 : i32 to index
        %get3A_135 = tpu.vector_load %arg4[%get3A_133, %get3A_134] {strides = array<i32>} : memref<32x320xf32, #tpu.memory_space<vmem>>, vector<16xf32>,
        %max3A_136 = arith.maximumf %max3A_131, %get3A_135 : vector<16xf32>
        %get3A_137 = arith.constant 24 : i32
        %get3A_138 = arith.index_cast %get3A_137 : i32 to index
        %get3A_139 = arith.index_cast %multiple_of3A_17 : i32 to index
        %get3A_140 = tpu.vector_load %arg4[%get3A_138, %get3A_139] {strides = array<i32>} : memref<32x320xf32, #tpu.memory_space<vmem>>, vector<16xf32>,
        %max3A_141 = arith.maximumf %max3A_136, %get3A_140 : vector<16xf32>
        %get3A_142 = arith.constant 25 : i32
        %get3A_143 = arith.index_cast %get3A_142 : i32 to index
        %get3A_144 = arith.index_cast %multiple_of3A_17 : i32 to index
        %get3A_145 = tpu.vector_load %arg4[%get3A_143, %get3A_144] {strides = array<i32>} : memref<32x320xf32, #tpu.memory_space<vmem>>, vector<16xf32>,
        %max3A_146 = arith.maximumf %max3A_141, %get3A_145 : vector<16xf32>
        %get3A_147 = arith.constant 26 : i32
        %get3A_148 = arith.index_cast %get3A_147 : i32 to index
        %get3A_149 = arith.index_cast %multiple_of3A_17 : i32 to index
        %get3A_150 = tpu.vector_load %arg4[%get3A_148, %get3A_149] {strides = array<i32>} : memref<32x320xf32, #tpu.memory_space<vmem>>, vector<16xf32>,
        %max3A_151 = arith.maximumf %max3A_146, %get3A_150 : vector<16xf32>
        %get3A_152 = arith.constant 27 : i32
        %get3A_153 = arith.index_cast %get3A_152 : i32 to index
        %get3A_154 = arith.index_cast %multiple_of3A_17 : i32 to index
        %get3A_155 = tpu.vector_load %arg4[%get3A_153, %get3A_154] {strides = array<i32>} : memref<32x320xf32, #tpu.memory_space<vmem>>, vector<16xf32>,
        %max3A_156 = arith.maximumf %max3A_151, %get3A_155 : vector<16xf32>
        %get3A_157 = arith.constant 28 : i32
        %get3A_158 = arith.index_cast %get3A_157 : i32 to index
        %get3A_159 = arith.index_cast %multiple_of3A_17 : i32 to index
        %get3A_160 = tpu.vector_load %arg4[%get3A_158, %get3A_159] {strides = array<i32>} : memref<32x320xf32, #tpu.memory_space<vmem>>, vector<16xf32>,
        %max3A_161 = arith.maximumf %max3A_156, %get3A_160 : vector<16xf32>
        %get3A_162 = arith.constant 29 : i32
        %get3A_163 = arith.index_cast %get3A_162 : i32 to index
        %get3A_164 = arith.index_cast %multiple_of3A_17 : i32 to index
        %get3A_165 = tpu.vector_load %arg4[%get3A_163, %get3A_164] {strides = array<i32>} : memref<32x320xf32, #tpu.memory_space<vmem>>, vector<16xf32>,
        %max3A_166 = arith.maximumf %max3A_161, %get3A_165 : vector<16xf32>
        %get3A_167 = arith.constant 30 : i32
        %get3A_168 = arith.index_cast %get3A_167 : i32 to index
        %get3A_169 = arith.index_cast %multiple_of3A_17 : i32 to index
        %get3A_170 = tpu.vector_load %arg4[%get3A_168, %get3A_169] {strides = array<i32>} : memref<32x320xf32, #tpu.memory_space<vmem>>, vector<16xf32>,
        %max3A_171 = arith.maximumf %max3A_166, %get3A_170 : vector<16xf32>
        %get3A_172 = arith.constant 31 : i32
        %get3A_173 = arith.index_cast %get3A_172 : i32 to index
        %get3A_174 = arith.index_cast %multiple_of3A_17 : i32 to index
        %get3A_175 = tpu.vector_load %arg4[%get3A_173, %get3A_174] {strides = array<i32>} : memref<32x320xf32, #tpu.memory_space<vmem>>, vector<16xf32>,
        %max3A_176 = arith.maximumf %max3A_171, %get3A_175 : vector<16xf32>
        %swap3A = arith.index_cast %multiple_of3A_17 : i32 to index
        %swap3A_177 = tpu.vector_load %arg5[%swap3A] {strides = array<i32>} : memref<320xf32, #tpu.memory_space<vmem>>, vector<16xf32>,
        tpu.vector_store %arg5[%swap3A], %max3A_176 {strides = array<i32>} : memref<320xf32, #tpu.memory_space<vmem>>, vector<16xf32>,
      }
      %scan3A_13 = arith.constant 20 : i32
      "tpu.region"() ({
        %run_scoped3A = tpu.sem_alloc : memref<!tpu.dma_semaphore, #tpu.memory_space<semaphore_mem>>
        %dma_start3A = tpu.memref_slice %arg3[%multiple_of3A] : memref<10000xf32, #tpu.memory_space<hbm>> -> memref<320xf32, #tpu.memory_space<hbm>>
        %dma_start3A_14 = tpu.memref_slice %arg3[%multiple_of3A] : memref<10000xf32, #tpu.memory_space<hbm>> -> memref<320xf32, #tpu.memory_space<hbm>>
        tpu.enqueue_dma source(%arg5 : memref<320xf32, #tpu.memory_space<vmem>>) target(%dma_start3A_14 : memref<320xf32, #tpu.memory_space<hbm>>) target_semaphore(%run_scoped3A : memref<!tpu.dma_semaphore, #tpu.memory_space<semaphore_mem>>)
        %dma_wait3A = tpu.memref_slice %arg3[%multiple_of3A] : memref<10000xf32, #tpu.memory_space<hbm>> -> memref<320xf32, #tpu.memory_space<hbm>>
        %dma_wait3A_15 = tpu.memref_slice %arg3[%multiple_of3A] : memref<10000xf32, #tpu.memory_space<hbm>> -> memref<320xf32, #tpu.memory_space<hbm>>
        tpu.wait_dma2 semaphore(%run_scoped3A : memref<!tpu.dma_semaphore, #tpu.memory_space<semaphore_mem>>) src(%arg5 : memref<320xf32, #tpu.memory_space<vmem>>) dst(%dma_wait3A_15 : memref<320xf32, #tpu.memory_space<hbm>>)
        tpu.yield
      }) : () -> ()
    } else {
    }
    %eq3A = arith.constant 31 : i32
    %eq3A_5 = arith.cmpi eq, %add3A, %eq3A : i32
    %convert_element_type3A_6 = arith.extui %eq3A_5 : i1 to i32
    %cond3A_7 = arith.constant 0 : i32
    %cond3A_8 = arith.cmpi ne, %convert_element_type3A_6, %cond3A_7 : i32
    scf.if %cond3A_8 {
      %scan3A = arith.constant 0 : i32
      %scan3A_9 = arith.constant 0 : i32
      %scan3A_10 = arith.constant 5 : i32
      %scan3A_11 = arith.addi %scan3A_9, %scan3A_10 : i32
      %scan3A_12 = arith.constant 1 : i32
      scf.for %scan3A_14 = %scan3A_9 to %scan3A_11 step %scan3A_12  : i32 {
        %mul3A_15 = arith.constant 16 : i32
        %mul3A_16 = arith.muli %scan3A_14, %mul3A_15 : i32
        %multiple_of3A_17 = tpu.assume_multiple %mul3A_16, 16 : i32
        %broadcast_in_dim3A = arith.constant 0xFF800000 : f32
        %broadcast_in_dim3A_18 = vector.broadcast %broadcast_in_dim3A : f32 to vector<16xf32>
        %get3A = arith.constant 0 : i32
        %get3A_19 = arith.index_cast %get3A : i32 to index
        %get3A_20 = arith.index_cast %multiple_of3A_17 : i32 to index
        %get3A_21 = tpu.vector_load %arg4[%get3A_19, %get3A_20] {strides = array<i32>} : memref<32x320xf32, #tpu.memory_space<vmem>>, vector<16xf32>,
        %max3A = arith.maximumf %broadcast_in_dim3A_18, %get3A_21 : vector<16xf32>
        %get3A_22 = arith.constant 1 : i32
        %get3A_23 = arith.index_cast %get3A_22 : i32 to index
        %get3A_24 = arith.index_cast %multiple_of3A_17 : i32 to index
        %get3A_25 = tpu.vector_load %arg4[%get3A_23, %get3A_24] {strides = array<i32>} : memref<32x320xf32, #tpu.memory_space<vmem>>, vector<16xf32>,
        %max3A_26 = arith.maximumf %max3A, %get3A_25 : vector<16xf32>
        %get3A_27 = arith.constant 2 : i32
        %get3A_28 = arith.index_cast %get3A_27 : i32 to index
        %get3A_29 = arith.index_cast %multiple_of3A_17 : i32 to index
        %get3A_30 = tpu.vector_load %arg4[%get3A_28, %get3A_29] {strides = array<i32>} : memref<32x320xf32, #tpu.memory_space<vmem>>, vector<16xf32>,
        %max3A_31 = arith.maximumf %max3A_26, %get3A_30 : vector<16xf32>
        %get3A_32 = arith.constant 3 : i32
        %get3A_33 = arith.index_cast %get3A_32 : i32 to index
        %get3A_34 = arith.index_cast %multiple_of3A_17 : i32 to index
        %get3A_35 = tpu.vector_load %arg4[%get3A_33, %get3A_34] {strides = array<i32>} : memref<32x320xf32, #tpu.memory_space<vmem>>, vector<16xf32>,
        %max3A_36 = arith.maximumf %max3A_31, %get3A_35 : vector<16xf32>
        %get3A_37 = arith.constant 4 : i32
        %get3A_38 = arith.index_cast %get3A_37 : i32 to index
        %get3A_39 = arith.index_cast %multiple_of3A_17 : i32 to index
        %get3A_40 = tpu.vector_load %arg4[%get3A_38, %get3A_39] {strides = array<i32>} : memref<32x320xf32, #tpu.memory_space<vmem>>, vector<16xf32>,
        %max3A_41 = arith.maximumf %max3A_36, %get3A_40 : vector<16xf32>
        %get3A_42 = arith.constant 5 : i32
        %get3A_43 = arith.index_cast %get3A_42 : i32 to index
        %get3A_44 = arith.index_cast %multiple_of3A_17 : i32 to index
        %get3A_45 = tpu.vector_load %arg4[%get3A_43, %get3A_44] {strides = array<i32>} : memref<32x320xf32, #tpu.memory_space<vmem>>, vector<16xf32>,
        %max3A_46 = arith.maximumf %max3A_41, %get3A_45 : vector<16xf32>
        %get3A_47 = arith.constant 6 : i32
        %get3A_48 = arith.index_cast %get3A_47 : i32 to index
        %get3A_49 = arith.index_cast %multiple_of3A_17 : i32 to index
        %get3A_50 = tpu.vector_load %arg4[%get3A_48, %get3A_49] {strides = array<i32>} : memref<32x320xf32, #tpu.memory_space<vmem>>, vector<16xf32>,
        %max3A_51 = arith.maximumf %max3A_46, %get3A_50 : vector<16xf32>
        %get3A_52 = arith.constant 7 : i32
        %get3A_53 = arith.index_cast %get3A_52 : i32 to index
        %get3A_54 = arith.index_cast %multiple_of3A_17 : i32 to index
        %get3A_55 = tpu.vector_load %arg4[%get3A_53, %get3A_54] {strides = array<i32>} : memref<32x320xf32, #tpu.memory_space<vmem>>, vector<16xf32>,
        %max3A_56 = arith.maximumf %max3A_51, %get3A_55 : vector<16xf32>
        %get3A_57 = arith.constant 8 : i32
        %get3A_58 = arith.index_cast %get3A_57 : i32 to index
        %get3A_59 = arith.index_cast %multiple_of3A_17 : i32 to index
        %get3A_60 = tpu.vector_load %arg4[%get3A_58, %get3A_59] {strides = array<i32>} : memref<32x320xf32, #tpu.memory_space<vmem>>, vector<16xf32>,
        %max3A_61 = arith.maximumf %max3A_56, %get3A_60 : vector<16xf32>
        %get3A_62 = arith.constant 9 : i32
        %get3A_63 = arith.index_cast %get3A_62 : i32 to index
        %get3A_64 = arith.index_cast %multiple_of3A_17 : i32 to index
        %get3A_65 = tpu.vector_load %arg4[%get3A_63, %get3A_64] {strides = array<i32>} : memref<32x320xf32, #tpu.memory_space<vmem>>, vector<16xf32>,
        %max3A_66 = arith.maximumf %max3A_61, %get3A_65 : vector<16xf32>
        %get3A_67 = arith.constant 10 : i32
        %get3A_68 = arith.index_cast %get3A_67 : i32 to index
        %get3A_69 = arith.index_cast %multiple_of3A_17 : i32 to index
        %get3A_70 = tpu.vector_load %arg4[%get3A_68, %get3A_69] {strides = array<i32>} : memref<32x320xf32, #tpu.memory_space<vmem>>, vector<16xf32>,
        %max3A_71 = arith.maximumf %max3A_66, %get3A_70 : vector<16xf32>
        %get3A_72 = arith.constant 11 : i32
        %get3A_73 = arith.index_cast %get3A_72 : i32 to index
        %get3A_74 = arith.index_cast %multiple_of3A_17 : i32 to index
        %get3A_75 = tpu.vector_load %arg4[%get3A_73, %get3A_74] {strides = array<i32>} : memref<32x320xf32, #tpu.memory_space<vmem>>, vector<16xf32>,
        %max3A_76 = arith.maximumf %max3A_71, %get3A_75 : vector<16xf32>
        %get3A_77 = arith.constant 12 : i32
        %get3A_78 = arith.index_cast %get3A_77 : i32 to index
        %get3A_79 = arith.index_cast %multiple_of3A_17 : i32 to index
        %get3A_80 = tpu.vector_load %arg4[%get3A_78, %get3A_79] {strides = array<i32>} : memref<32x320xf32, #tpu.memory_space<vmem>>, vector<16xf32>,
        %max3A_81 = arith.maximumf %max3A_76, %get3A_80 : vector<16xf32>
        %get3A_82 = arith.constant 13 : i32
        %get3A_83 = arith.index_cast %get3A_82 : i32 to index
        %get3A_84 = arith.index_cast %multiple_of3A_17 : i32 to index
        %get3A_85 = tpu.vector_load %arg4[%get3A_83, %get3A_84] {strides = array<i32>} : memref<32x320xf32, #tpu.memory_space<vmem>>, vector<16xf32>,
        %max3A_86 = arith.maximumf %max3A_81, %get3A_85 : vector<16xf32>
        %get3A_87 = arith.constant 14 : i32
        %get3A_88 = arith.index_cast %get3A_87 : i32 to index
        %get3A_89 = arith.index_cast %multiple_of3A_17 : i32 to index
        %get3A_90 = tpu.vector_load %arg4[%get3A_88, %get3A_89] {strides = array<i32>} : memref<32x320xf32, #tpu.memory_space<vmem>>, vector<16xf32>,
        %max3A_91 = arith.maximumf %max3A_86, %get3A_90 : vector<16xf32>
        %get3A_92 = arith.constant 15 : i32
        %get3A_93 = arith.index_cast %get3A_92 : i32 to index
        %get3A_94 = arith.index_cast %multiple_of3A_17 : i32 to index
        %get3A_95 = tpu.vector_load %arg4[%get3A_93, %get3A_94] {strides = array<i32>} : memref<32x320xf32, #tpu.memory_space<vmem>>, vector<16xf32>,
        %max3A_96 = arith.maximumf %max3A_91, %get3A_95 : vector<16xf32>
        %get3A_97 = arith.constant 16 : i32
        %get3A_98 = arith.index_cast %get3A_97 : i32 to index
        %get3A_99 = arith.index_cast %multiple_of3A_17 : i32 to index
        %get3A_100 = tpu.vector_load %arg4[%get3A_98, %get3A_99] {strides = array<i32>} : memref<32x320xf32, #tpu.memory_space<vmem>>, vector<16xf32>,
        %max3A_101 = arith.maximumf %max3A_96, %get3A_100 : vector<16xf32>
        %get3A_102 = arith.constant 17 : i32
        %get3A_103 = arith.index_cast %get3A_102 : i32 to index
        %get3A_104 = arith.index_cast %multiple_of3A_17 : i32 to index
        %get3A_105 = tpu.vector_load %arg4[%get3A_103, %get3A_104] {strides = array<i32>} : memref<32x320xf32, #tpu.memory_space<vmem>>, vector<16xf32>,
        %max3A_106 = arith.maximumf %max3A_101, %get3A_105 : vector<16xf32>
        %get3A_107 = arith.constant 18 : i32
        %get3A_108 = arith.index_cast %get3A_107 : i32 to index
        %get3A_109 = arith.index_cast %multiple_of3A_17 : i32 to index
        %get3A_110 = tpu.vector_load %arg4[%get3A_108, %get3A_109] {strides = array<i32>} : memref<32x320xf32, #tpu.memory_space<vmem>>, vector<16xf32>,
        %max3A_111 = arith.maximumf %max3A_106, %get3A_110 : vector<16xf32>
        %get3A_112 = arith.constant 19 : i32
        %get3A_113 = arith.index_cast %get3A_112 : i32 to index
        %get3A_114 = arith.index_cast %multiple_of3A_17 : i32 to index
        %get3A_115 = tpu.vector_load %arg4[%get3A_113, %get3A_114] {strides = array<i32>} : memref<32x320xf32, #tpu.memory_space<vmem>>, vector<16xf32>,
        %max3A_116 = arith.maximumf %max3A_111, %get3A_115 : vector<16xf32>
        %get3A_117 = arith.constant 20 : i32
        %get3A_118 = arith.index_cast %get3A_117 : i32 to index
        %get3A_119 = arith.index_cast %multiple_of3A_17 : i32 to index
        %get3A_120 = tpu.vector_load %arg4[%get3A_118, %get3A_119] {strides = array<i32>} : memref<32x320xf32, #tpu.memory_space<vmem>>, vector<16xf32>,
        %max3A_121 = arith.maximumf %max3A_116, %get3A_120 : vector<16xf32>
        %get3A_122 = arith.constant 21 : i32
        %get3A_123 = arith.index_cast %get3A_122 : i32 to index
        %get3A_124 = arith.index_cast %multiple_of3A_17 : i32 to index
        %get3A_125 = tpu.vector_load %arg4[%get3A_123, %get3A_124] {strides = array<i32>} : memref<32x320xf32, #tpu.memory_space<vmem>>, vector<16xf32>,
        %max3A_126 = arith.maximumf %max3A_121, %get3A_125 : vector<16xf32>
        %get3A_127 = arith.constant 22 : i32
        %get3A_128 = arith.index_cast %get3A_127 : i32 to index
        %get3A_129 = arith.index_cast %multiple_of3A_17 : i32 to index
        %get3A_130 = tpu.vector_load %arg4[%get3A_128, %get3A_129] {strides = array<i32>} : memref<32x320xf32, #tpu.memory_space<vmem>>, vector<16xf32>,
        %max3A_131 = arith.maximumf %max3A_126, %get3A_130 : vector<16xf32>
        %get3A_132 = arith.constant 23 : i32
        %get3A_133 = arith.index_cast %get3A_132 : i32 to index
        %get3A_134 = arith.index_cast %multiple_of3A_17 : i32 to index
        %get3A_135 = tpu.vector_load %arg4[%get3A_133, %get3A_134] {strides = array<i32>} : memref<32x320xf32, #tpu.memory_space<vmem>>, vector<16xf32>,
        %max3A_136 = arith.maximumf %max3A_131, %get3A_135 : vector<16xf32>
        %get3A_137 = arith.constant 24 : i32
        %get3A_138 = arith.index_cast %get3A_137 : i32 to index
        %get3A_139 = arith.index_cast %multiple_of3A_17 : i32 to index
        %get3A_140 = tpu.vector_load %arg4[%get3A_138, %get3A_139] {strides = array<i32>} : memref<32x320xf32, #tpu.memory_space<vmem>>, vector<16xf32>,
        %max3A_141 = arith.maximumf %max3A_136, %get3A_140 : vector<16xf32>
        %get3A_142 = arith.constant 25 : i32
        %get3A_143 = arith.index_cast %get3A_142 : i32 to index
        %get3A_144 = arith.index_cast %multiple_of3A_17 : i32 to index
        %get3A_145 = tpu.vector_load %arg4[%get3A_143, %get3A_144] {strides = array<i32>} : memref<32x320xf32, #tpu.memory_space<vmem>>, vector<16xf32>,
        %max3A_146 = arith.maximumf %max3A_141, %get3A_145 : vector<16xf32>
        %get3A_147 = arith.constant 26 : i32
        %get3A_148 = arith.index_cast %get3A_147 : i32 to index
        %get3A_149 = arith.index_cast %multiple_of3A_17 : i32 to index
        %get3A_150 = tpu.vector_load %arg4[%get3A_148, %get3A_149] {strides = array<i32>} : memref<32x320xf32, #tpu.memory_space<vmem>>, vector<16xf32>,
        %max3A_151 = arith.maximumf %max3A_146, %get3A_150 : vector<16xf32>
        %get3A_152 = arith.constant 27 : i32
        %get3A_153 = arith.index_cast %get3A_152 : i32 to index
        %get3A_154 = arith.index_cast %multiple_of3A_17 : i32 to index
        %get3A_155 = tpu.vector_load %arg4[%get3A_153, %get3A_154] {strides = array<i32>} : memref<32x320xf32, #tpu.memory_space<vmem>>, vector<16xf32>,
        %max3A_156 = arith.maximumf %max3A_151, %get3A_155 : vector<16xf32>
        %get3A_157 = arith.constant 28 : i32
        %get3A_158 = arith.index_cast %get3A_157 : i32 to index
        %get3A_159 = arith.index_cast %multiple_of3A_17 : i32 to index
        %get3A_160 = tpu.vector_load %arg4[%get3A_158, %get3A_159] {strides = array<i32>} : memref<32x320xf32, #tpu.memory_space<vmem>>, vector<16xf32>,
        %max3A_161 = arith.maximumf %max3A_156, %get3A_160 : vector<16xf32>
        %get3A_162 = arith.constant 29 : i32
        %get3A_163 = arith.index_cast %get3A_162 : i32 to index
        %get3A_164 = arith.index_cast %multiple_of3A_17 : i32 to index
        %get3A_165 = tpu.vector_load %arg4[%get3A_163, %get3A_164] {strides = array<i32>} : memref<32x320xf32, #tpu.memory_space<vmem>>, vector<16xf32>,
        %max3A_166 = arith.maximumf %max3A_161, %get3A_165 : vector<16xf32>
        %get3A_167 = arith.constant 30 : i32
        %get3A_168 = arith.index_cast %get3A_167 : i32 to index
        %get3A_169 = arith.index_cast %multiple_of3A_17 : i32 to index
        %get3A_170 = tpu.vector_load %arg4[%get3A_168, %get3A_169] {strides = array<i32>} : memref<32x320xf32, #tpu.memory_space<vmem>>, vector<16xf32>,
        %max3A_171 = arith.maximumf %max3A_166, %get3A_170 : vector<16xf32>
        %get3A_172 = arith.constant 31 : i32
        %get3A_173 = arith.index_cast %get3A_172 : i32 to index
        %get3A_174 = arith.index_cast %multiple_of3A_17 : i32 to index
        %get3A_175 = tpu.vector_load %arg4[%get3A_173, %get3A_174] {strides = array<i32>} : memref<32x320xf32, #tpu.memory_space<vmem>>, vector<16xf32>,
        %max3A_176 = arith.maximumf %max3A_171, %get3A_175 : vector<16xf32>
        %swap3A = arith.index_cast %multiple_of3A_17 : i32 to index
        %swap3A_177 = tpu.vector_load %arg5[%swap3A] {strides = array<i32>} : memref<320xf32, #tpu.memory_space<vmem>>, vector<16xf32>,
        tpu.vector_store %arg5[%swap3A], %max3A_176 {strides = array<i32>} : memref<320xf32, #tpu.memory_space<vmem>>, vector<16xf32>,
      }
      %scan3A_13 = arith.constant 5 : i32
      "tpu.region"() ({
        %run_scoped3A = tpu.sem_alloc : memref<!tpu.dma_semaphore, #tpu.memory_space<semaphore_mem>>
        %dma_start3A = arith.constant 0 : i32
        %dma_start3A_14 = tpu.memref_slice %arg5[%dma_start3A] : memref<320xf32, #tpu.memory_space<vmem>> -> memref<80xf32, #tpu.memory_space<vmem>>
        %dma_start3A_15 = tpu.memref_slice %arg3[%multiple_of3A] : memref<10000xf32, #tpu.memory_space<hbm>> -> memref<80xf32, #tpu.memory_space<hbm>>
        %dma_start3A_16 = tpu.memref_slice %arg3[%multiple_of3A] : memref<10000xf32, #tpu.memory_space<hbm>> -> memref<80xf32, #tpu.memory_space<hbm>>
        %dma_start3A_17 = arith.constant 0 : i32
        %dma_start3A_18 = tpu.memref_slice %arg5[%dma_start3A_17] : memref<320xf32, #tpu.memory_space<vmem>> -> memref<80xf32, #tpu.memory_space<vmem>>
        tpu.enqueue_dma source(%dma_start3A_18 : memref<80xf32, #tpu.memory_space<vmem>>) target(%dma_start3A_16 : memref<80xf32, #tpu.memory_space<hbm>>) target_semaphore(%run_scoped3A : memref<!tpu.dma_semaphore, #tpu.memory_space<semaphore_mem>>)
        %dma_wait3A = arith.constant 0 : i32
        %dma_wait3A_19 = tpu.memref_slice %arg5[%dma_wait3A] : memref<320xf32, #tpu.memory_space<vmem>> -> memref<80xf32, #tpu.memory_space<vmem>>
        %dma_wait3A_20 = tpu.memref_slice %arg3[%multiple_of3A] : memref<10000xf32, #tpu.memory_space<hbm>> -> memref<80xf32, #tpu.memory_space<hbm>>
        %dma_wait3A_21 = tpu.memref_slice %arg3[%multiple_of3A] : memref<10000xf32, #tpu.memory_space<hbm>> -> memref<80xf32, #tpu.memory_space<hbm>>
        %dma_wait3A_22 = arith.constant 0 : i32
        %dma_wait3A_23 = tpu.memref_slice %arg5[%dma_wait3A_22] : memref<320xf32, #tpu.memory_space<vmem>> -> memref<80xf32, #tpu.memory_space<vmem>>
        tpu.wait_dma2 semaphore(%run_scoped3A : memref<!tpu.dma_semaphore, #tpu.memory_space<semaphore_mem>>) src(%dma_wait3A_23 : memref<80xf32, #tpu.memory_space<vmem>>) dst(%dma_wait3A_21 : memref<80xf32, #tpu.memory_space<hbm>>)
        tpu.yield
      }) : () -> ()
    } else {
    }
    return
  }
}

#map = affine_map<(d0, d1) -> (0, 0)>
#map1 = affine_map<(d0, d1) -> (0)>
module attributes {stable_mosaic.version = 14 : i64} {
  func.func @_sc_fused(%arg0: i32, %arg1: i32, %arg2: memref<320000x128xf32, #tpu.memory_space<hbm>>, %arg3: memref<320000xi32, #tpu.memory_space<hbm>>, %arg4: memref<1x128xf32, #tpu.memory_space<hbm>>, %arg5: memref<16xf32, #tpu.memory_space<hbm>>, %arg6: memref<320000xf32, #tpu.memory_space<hbm>>, %arg7: memref<32x10240xf32, #tpu.memory_space<hbm>>, %arg8: memref<800x128xf32, #tpu.memory_space<vmem>>, %arg9: memref<2x400xi32, #tpu.memory_space<vmem>>, %arg10: memref<2x400xf32, #tpu.memory_space<vmem>>, %arg11: memref<10240xf32, #tpu.memory_space<vmem>>, %arg12: memref<128xf32, #tpu.memory_space<vmem>>, %arg13: memref<16xf32, #tpu.memory_space<vmem>>, %arg14: memref<2x!tpu.dma_semaphore, #tpu.memory_space<semaphore_mem>>, %arg15: memref<2x!tpu.dma_semaphore, #tpu.memory_space<semaphore_mem>>, %arg16: memref<2x!tpu.dma_semaphore, #tpu.memory_space<semaphore_mem>>) attributes {dimension_semantics = [#tpu.dimension_semantics<core_parallel>, #tpu.dimension_semantics<subcore_parallel>], iteration_bounds = array<i64: 2, 16>, scalar_prefetch = 0 : i64, scratch_operands = 9 : i64, tpu.core_type = #tpu.core_type<sc_vector_subcore>, window_params = [{transform_indices = #map}, {transform_indices = #map1}, {transform_indices = #map}, {transform_indices = #map1}, {transform_indices = #map1}, {transform_indices = #map}]} {
    %mul3A = arith.constant 2 : i32
    %mul3A_0 = arith.muli %arg1, %mul3A : i32
    %add3A = arith.addi %mul3A_0, %arg0 : i32
    %mul3A_1 = arith.constant 10000 : i32
    %mul3A_2 = arith.muli %add3A, %mul3A_1 : i32
    %multiple_of3A = tpu.assume_multiple %mul3A_2, 8 : i32
    %run_scoped3A = arith.constant 0 : i32
    "tpu.region"() ({
      %run_scoped3A_123 = tpu.sem_alloc : memref<!tpu.dma_semaphore, #tpu.memory_space<semaphore_mem>>
      %dma_start3A_124 = arith.constant 0 : i32
      %dma_start3A_125 = tpu.memref_slice %arg4[%run_scoped3A, %dma_start3A_124] : memref<1x128xf32, #tpu.memory_space<hbm>> -> memref<1x128xf32, #tpu.memory_space<hbm>>
      %dma_start3A_126 = tpu.memref_squeeze %dma_start3A_125 : memref<1x128xf32, #tpu.memory_space<hbm>> -> memref<128xf32, #tpu.memory_space<hbm>>
      %dma_start3A_127 = arith.constant 0 : i32
      %dma_start3A_128 = tpu.memref_slice %arg4[%run_scoped3A, %dma_start3A_127] : memref<1x128xf32, #tpu.memory_space<hbm>> -> memref<1x128xf32, #tpu.memory_space<hbm>>
      %dma_start3A_129 = tpu.memref_squeeze %dma_start3A_128 : memref<1x128xf32, #tpu.memory_space<hbm>> -> memref<128xf32, #tpu.memory_space<hbm>>
      tpu.enqueue_dma source(%dma_start3A_129 : memref<128xf32, #tpu.memory_space<hbm>>) target(%arg12 : memref<128xf32, #tpu.memory_space<vmem>>) target_semaphore(%run_scoped3A_123 : memref<!tpu.dma_semaphore, #tpu.memory_space<semaphore_mem>>)
      %dma_wait3A_130 = arith.constant 0 : i32
      %dma_wait3A_131 = tpu.memref_slice %arg4[%run_scoped3A, %dma_wait3A_130] : memref<1x128xf32, #tpu.memory_space<hbm>> -> memref<1x128xf32, #tpu.memory_space<hbm>>
      %dma_wait3A_132 = tpu.memref_squeeze %dma_wait3A_131 : memref<1x128xf32, #tpu.memory_space<hbm>> -> memref<128xf32, #tpu.memory_space<hbm>>
      %dma_wait3A_133 = arith.constant 0 : i32
      %dma_wait3A_134 = tpu.memref_slice %arg4[%run_scoped3A, %dma_wait3A_133] : memref<1x128xf32, #tpu.memory_space<hbm>> -> memref<1x128xf32, #tpu.memory_space<hbm>>
      %dma_wait3A_135 = tpu.memref_squeeze %dma_wait3A_134 : memref<1x128xf32, #tpu.memory_space<hbm>> -> memref<128xf32, #tpu.memory_space<hbm>>
      tpu.wait_dma2 semaphore(%run_scoped3A_123 : memref<!tpu.dma_semaphore, #tpu.memory_space<semaphore_mem>>) src(%dma_wait3A_135 : memref<128xf32, #tpu.memory_space<hbm>>) dst(%arg12 : memref<128xf32, #tpu.memory_space<vmem>>)
      tpu.yield
    }) : () -> ()
    "tpu.region"() ({
      %run_scoped3A_123 = tpu.sem_alloc : memref<!tpu.dma_semaphore, #tpu.memory_space<semaphore_mem>>
      tpu.enqueue_dma source(%arg5 : memref<16xf32, #tpu.memory_space<hbm>>) target(%arg13 : memref<16xf32, #tpu.memory_space<vmem>>) target_semaphore(%run_scoped3A_123 : memref<!tpu.dma_semaphore, #tpu.memory_space<semaphore_mem>>)
      tpu.wait_dma2 semaphore(%run_scoped3A_123 : memref<!tpu.dma_semaphore, #tpu.memory_space<semaphore_mem>>) src(%arg5 : memref<16xf32, #tpu.memory_space<hbm>>) dst(%arg13 : memref<16xf32, #tpu.memory_space<vmem>>)
      tpu.yield
    }) : () -> ()
    %add3A_3 = arith.constant 0 : i32
    %add3A_4 = arith.addi %multiple_of3A, %add3A_3 : i32
    %dma_start3A = arith.constant 0 : i32
    %dma_start3A_5 = arith.constant 0 : i32
    %dma_start3A_6 = arith.constant 0 : i32
    %dma_start3A_7 = tpu.memref_slice %arg8[%dma_start3A_5, %dma_start3A_6] : memref<800x128xf32, #tpu.memory_space<vmem>> -> memref<400x128xf32, #tpu.memory_space<vmem>>
    %dma_start3A_8 = arith.constant 0 : i32
    %dma_start3A_9 = tpu.memref_slice %arg2[%add3A_4, %dma_start3A_8] : memref<320000x128xf32, #tpu.memory_space<hbm>> -> memref<400x128xf32, #tpu.memory_space<hbm>>
    %dma_start3A_10 = tpu.memref_slice %arg14[%dma_start3A] : memref<2x!tpu.dma_semaphore, #tpu.memory_space<semaphore_mem>> -> memref<1x!tpu.dma_semaphore, #tpu.memory_space<semaphore_mem>>
    %dma_start3A_11 = tpu.memref_squeeze %dma_start3A_10 : memref<1x!tpu.dma_semaphore, #tpu.memory_space<semaphore_mem>> -> memref<!tpu.dma_semaphore, #tpu.memory_space<semaphore_mem>>
    %dma_start3A_12 = arith.constant 0 : i32
    %dma_start3A_13 = arith.constant 0 : i32
    %dma_start3A_14 = tpu.memref_slice %arg8[%dma_start3A_12, %dma_start3A_13] : memref<800x128xf32, #tpu.memory_space<vmem>> -> memref<400x128xf32, #tpu.memory_space<vmem>>
    %dma_start3A_15 = arith.constant 0 : i32
    %dma_start3A_16 = tpu.memref_slice %arg2[%add3A_4, %dma_start3A_15] : memref<320000x128xf32, #tpu.memory_space<hbm>> -> memref<400x128xf32, #tpu.memory_space<hbm>>
    tpu.enqueue_dma source(%dma_start3A_16 : memref<400x128xf32, #tpu.memory_space<hbm>>) target(%dma_start3A_14 : memref<400x128xf32, #tpu.memory_space<vmem>>) target_semaphore(%dma_start3A_11 : memref<!tpu.dma_semaphore, #tpu.memory_space<semaphore_mem>>)
    %add3A_17 = arith.constant 0 : i32
    %add3A_18 = arith.addi %multiple_of3A, %add3A_17 : i32
    %dma_start3A_19 = arith.constant 0 : i32
    %dma_start3A_20 = arith.constant 0 : i32
    %dma_start3A_21 = arith.constant 0 : i32
    %dma_start3A_22 = tpu.memref_slice %arg9[%dma_start3A_19, %dma_start3A_21] : memref<2x400xi32, #tpu.memory_space<vmem>> -> memref<1x400xi32, #tpu.memory_space<vmem>>
    %dma_start3A_23 = tpu.memref_squeeze %dma_start3A_22 : memref<1x400xi32, #tpu.memory_space<vmem>> -> memref<400xi32, #tpu.memory_space<vmem>>
    %dma_start3A_24 = tpu.memref_slice %arg3[%add3A_18] : memref<320000xi32, #tpu.memory_space<hbm>> -> memref<400xi32, #tpu.memory_space<hbm>>
    %dma_start3A_25 = tpu.memref_slice %arg15[%dma_start3A_20] : memref<2x!tpu.dma_semaphore, #tpu.memory_space<semaphore_mem>> -> memref<1x!tpu.dma_semaphore, #tpu.memory_space<semaphore_mem>>
    %dma_start3A_26 = tpu.memref_squeeze %dma_start3A_25 : memref<1x!tpu.dma_semaphore, #tpu.memory_space<semaphore_mem>> -> memref<!tpu.dma_semaphore, #tpu.memory_space<semaphore_mem>>
    %dma_start3A_27 = arith.constant 0 : i32
    %dma_start3A_28 = tpu.memref_slice %arg9[%dma_start3A_19, %dma_start3A_27] : memref<2x400xi32, #tpu.memory_space<vmem>> -> memref<1x400xi32, #tpu.memory_space<vmem>>
    %dma_start3A_29 = tpu.memref_squeeze %dma_start3A_28 : memref<1x400xi32, #tpu.memory_space<vmem>> -> memref<400xi32, #tpu.memory_space<vmem>>
    %dma_start3A_30 = tpu.memref_slice %arg3[%add3A_18] : memref<320000xi32, #tpu.memory_space<hbm>> -> memref<400xi32, #tpu.memory_space<hbm>>
    tpu.enqueue_dma source(%dma_start3A_30 : memref<400xi32, #tpu.memory_space<hbm>>) target(%dma_start3A_29 : memref<400xi32, #tpu.memory_space<vmem>>) target_semaphore(%dma_start3A_26 : memref<!tpu.dma_semaphore, #tpu.memory_space<semaphore_mem>>)
    %add3A_31 = arith.constant 400 : i32
    %add3A_32 = arith.addi %multiple_of3A, %add3A_31 : i32
    %dma_start3A_33 = arith.constant 1 : i32
    %dma_start3A_34 = arith.constant 400 : i32
    %dma_start3A_35 = arith.constant 0 : i32
    %dma_start3A_36 = tpu.memref_slice %arg8[%dma_start3A_34, %dma_start3A_35] : memref<800x128xf32, #tpu.memory_space<vmem>> -> memref<400x128xf32, #tpu.memory_space<vmem>>
    %dma_start3A_37 = arith.constant 0 : i32
    %dma_start3A_38 = tpu.memref_slice %arg2[%add3A_32, %dma_start3A_37] : memref<320000x128xf32, #tpu.memory_space<hbm>> -> memref<400x128xf32, #tpu.memory_space<hbm>>
    %dma_start3A_39 = tpu.memref_slice %arg14[%dma_start3A_33] : memref<2x!tpu.dma_semaphore, #tpu.memory_space<semaphore_mem>> -> memref<1x!tpu.dma_semaphore, #tpu.memory_space<semaphore_mem>>
    %dma_start3A_40 = tpu.memref_squeeze %dma_start3A_39 : memref<1x!tpu.dma_semaphore, #tpu.memory_space<semaphore_mem>> -> memref<!tpu.dma_semaphore, #tpu.memory_space<semaphore_mem>>
    %dma_start3A_41 = arith.constant 400 : i32
    %dma_start3A_42 = arith.constant 0 : i32
    %dma_start3A_43 = tpu.memref_slice %arg8[%dma_start3A_41, %dma_start3A_42] : memref<800x128xf32, #tpu.memory_space<vmem>> -> memref<400x128xf32, #tpu.memory_space<vmem>>
    %dma_start3A_44 = arith.constant 0 : i32
    %dma_start3A_45 = tpu.memref_slice %arg2[%add3A_32, %dma_start3A_44] : memref<320000x128xf32, #tpu.memory_space<hbm>> -> memref<400x128xf32, #tpu.memory_space<hbm>>
    tpu.enqueue_dma source(%dma_start3A_45 : memref<400x128xf32, #tpu.memory_space<hbm>>) target(%dma_start3A_43 : memref<400x128xf32, #tpu.memory_space<vmem>>) target_semaphore(%dma_start3A_40 : memref<!tpu.dma_semaphore, #tpu.memory_space<semaphore_mem>>)
    %add3A_46 = arith.constant 400 : i32
    %add3A_47 = arith.addi %multiple_of3A, %add3A_46 : i32
    %dma_start3A_48 = arith.constant 1 : i32
    %dma_start3A_49 = arith.constant 1 : i32
    %dma_start3A_50 = arith.constant 0 : i32
    %dma_start3A_51 = tpu.memref_slice %arg9[%dma_start3A_48, %dma_start3A_50] : memref<2x400xi32, #tpu.memory_space<vmem>> -> memref<1x400xi32, #tpu.memory_space<vmem>>
    %dma_start3A_52 = tpu.memref_squeeze %dma_start3A_51 : memref<1x400xi32, #tpu.memory_space<vmem>> -> memref<400xi32, #tpu.memory_space<vmem>>
    %dma_start3A_53 = tpu.memref_slice %arg3[%add3A_47] : memref<320000xi32, #tpu.memory_space<hbm>> -> memref<400xi32, #tpu.memory_space<hbm>>
    %dma_start3A_54 = tpu.memref_slice %arg15[%dma_start3A_49] : memref<2x!tpu.dma_semaphore, #tpu.memory_space<semaphore_mem>> -> memref<1x!tpu.dma_semaphore, #tpu.memory_space<semaphore_mem>>
    %dma_start3A_55 = tpu.memref_squeeze %dma_start3A_54 : memref<1x!tpu.dma_semaphore, #tpu.memory_space<semaphore_mem>> -> memref<!tpu.dma_semaphore, #tpu.memory_space<semaphore_mem>>
    %dma_start3A_56 = arith.constant 0 : i32
    %dma_start3A_57 = tpu.memref_slice %arg9[%dma_start3A_48, %dma_start3A_56] : memref<2x400xi32, #tpu.memory_space<vmem>> -> memref<1x400xi32, #tpu.memory_space<vmem>>
    %dma_start3A_58 = tpu.memref_squeeze %dma_start3A_57 : memref<1x400xi32, #tpu.memory_space<vmem>> -> memref<400xi32, #tpu.memory_space<vmem>>
    %dma_start3A_59 = tpu.memref_slice %arg3[%add3A_47] : memref<320000xi32, #tpu.memory_space<hbm>> -> memref<400xi32, #tpu.memory_space<hbm>>
    tpu.enqueue_dma source(%dma_start3A_59 : memref<400xi32, #tpu.memory_space<hbm>>) target(%dma_start3A_58 : memref<400xi32, #tpu.memory_space<vmem>>) target_semaphore(%dma_start3A_55 : memref<!tpu.dma_semaphore, #tpu.memory_space<semaphore_mem>>)
    %broadcast_in_dim3A = arith.constant 0xFF800000 : f32
    %broadcast_in_dim3A_60 = vector.broadcast %broadcast_in_dim3A : f32 to vector<16xf32>
    %scan3A = arith.constant 0 : i32
    %scan3A_61 = arith.constant 0 : i32
    %scan3A_62 = arith.constant 640 : i32
    %scan3A_63 = arith.addi %scan3A_61, %scan3A_62 : i32
    %scan3A_64 = arith.constant 8 : i32
    scf.for %scan3A_123 = %scan3A_61 to %scan3A_63 step %scan3A_64  : i32 {
      %mul3A_124 = arith.constant 16 : i32
      %mul3A_125 = arith.muli %scan3A_123, %mul3A_124 : i32
      %multiple_of3A_126 = tpu.assume_multiple %mul3A_125, 16 : i32
      %swap3A = arith.index_cast %multiple_of3A_126 : i32 to index
      %swap3A_127 = tpu.vector_load %arg11[%swap3A] {strides = array<i32>} : memref<10240xf32, #tpu.memory_space<vmem>>, vector<16xf32>,
      tpu.vector_store %arg11[%swap3A], %broadcast_in_dim3A_60 {strides = array<i32>} : memref<10240xf32, #tpu.memory_space<vmem>>, vector<16xf32>,
      %scan3A_128 = arith.constant 1 : i32
      %scan3A_129 = arith.addi %scan3A_123, %scan3A_128 : i32
      %mul3A_130 = arith.constant 16 : i32
      %mul3A_131 = arith.muli %scan3A_129, %mul3A_130 : i32
      %multiple_of3A_132 = tpu.assume_multiple %mul3A_131, 16 : i32
      %swap3A_133 = arith.index_cast %multiple_of3A_132 : i32 to index
      %swap3A_134 = tpu.vector_load %arg11[%swap3A_133] {strides = array<i32>} : memref<10240xf32, #tpu.memory_space<vmem>>, vector<16xf32>,
      tpu.vector_store %arg11[%swap3A_133], %broadcast_in_dim3A_60 {strides = array<i32>} : memref<10240xf32, #tpu.memory_space<vmem>>, vector<16xf32>,
      %scan3A_135 = arith.constant 2 : i32
      %scan3A_136 = arith.addi %scan3A_123, %scan3A_135 : i32
      %mul3A_137 = arith.constant 16 : i32
      %mul3A_138 = arith.muli %scan3A_136, %mul3A_137 : i32
      %multiple_of3A_139 = tpu.assume_multiple %mul3A_138, 16 : i32
      %swap3A_140 = arith.index_cast %multiple_of3A_139 : i32 to index
      %swap3A_141 = tpu.vector_load %arg11[%swap3A_140] {strides = array<i32>} : memref<10240xf32, #tpu.memory_space<vmem>>, vector<16xf32>,
      tpu.vector_store %arg11[%swap3A_140], %broadcast_in_dim3A_60 {strides = array<i32>} : memref<10240xf32, #tpu.memory_space<vmem>>, vector<16xf32>,
      %scan3A_142 = arith.constant 3 : i32
      %scan3A_143 = arith.addi %scan3A_123, %scan3A_142 : i32
      %mul3A_144 = arith.constant 16 : i32
      %mul3A_145 = arith.muli %scan3A_143, %mul3A_144 : i32
      %multiple_of3A_146 = tpu.assume_multiple %mul3A_145, 16 : i32
      %swap3A_147 = arith.index_cast %multiple_of3A_146 : i32 to index
      %swap3A_148 = tpu.vector_load %arg11[%swap3A_147] {strides = array<i32>} : memref<10240xf32, #tpu.memory_space<vmem>>, vector<16xf32>,
      tpu.vector_store %arg11[%swap3A_147], %broadcast_in_dim3A_60 {strides = array<i32>} : memref<10240xf32, #tpu.memory_space<vmem>>, vector<16xf32>,
      %scan3A_149 = arith.constant 4 : i32
      %scan3A_150 = arith.addi %scan3A_123, %scan3A_149 : i32
      %mul3A_151 = arith.constant 16 : i32
      %mul3A_152 = arith.muli %scan3A_150, %mul3A_151 : i32
      %multiple_of3A_153 = tpu.assume_multiple %mul3A_152, 16 : i32
      %swap3A_154 = arith.index_cast %multiple_of3A_153 : i32 to index
      %swap3A_155 = tpu.vector_load %arg11[%swap3A_154] {strides = array<i32>} : memref<10240xf32, #tpu.memory_space<vmem>>, vector<16xf32>,
      tpu.vector_store %arg11[%swap3A_154], %broadcast_in_dim3A_60 {strides = array<i32>} : memref<10240xf32, #tpu.memory_space<vmem>>, vector<16xf32>,
      %scan3A_156 = arith.constant 5 : i32
      %scan3A_157 = arith.addi %scan3A_123, %scan3A_156 : i32
      %mul3A_158 = arith.constant 16 : i32
      %mul3A_159 = arith.muli %scan3A_157, %mul3A_158 : i32
      %multiple_of3A_160 = tpu.assume_multiple %mul3A_159, 16 : i32
      %swap3A_161 = arith.index_cast %multiple_of3A_160 : i32 to index
      %swap3A_162 = tpu.vector_load %arg11[%swap3A_161] {strides = array<i32>} : memref<10240xf32, #tpu.memory_space<vmem>>, vector<16xf32>,
      tpu.vector_store %arg11[%swap3A_161], %broadcast_in_dim3A_60 {strides = array<i32>} : memref<10240xf32, #tpu.memory_space<vmem>>, vector<16xf32>,
      %scan3A_163 = arith.constant 6 : i32
      %scan3A_164 = arith.addi %scan3A_123, %scan3A_163 : i32
      %mul3A_165 = arith.constant 16 : i32
      %mul3A_166 = arith.muli %scan3A_164, %mul3A_165 : i32
      %multiple_of3A_167 = tpu.assume_multiple %mul3A_166, 16 : i32
      %swap3A_168 = arith.index_cast %multiple_of3A_167 : i32 to index
      %swap3A_169 = tpu.vector_load %arg11[%swap3A_168] {strides = array<i32>} : memref<10240xf32, #tpu.memory_space<vmem>>, vector<16xf32>,
      tpu.vector_store %arg11[%swap3A_168], %broadcast_in_dim3A_60 {strides = array<i32>} : memref<10240xf32, #tpu.memory_space<vmem>>, vector<16xf32>,
      %scan3A_170 = arith.constant 7 : i32
      %scan3A_171 = arith.addi %scan3A_123, %scan3A_170 : i32
      %mul3A_172 = arith.constant 16 : i32
      %mul3A_173 = arith.muli %scan3A_171, %mul3A_172 : i32
      %multiple_of3A_174 = tpu.assume_multiple %mul3A_173, 16 : i32
      %swap3A_175 = arith.index_cast %multiple_of3A_174 : i32 to index
      %swap3A_176 = tpu.vector_load %arg11[%swap3A_175] {strides = array<i32>} : memref<10240xf32, #tpu.memory_space<vmem>>, vector<16xf32>,
      tpu.vector_store %arg11[%swap3A_175], %broadcast_in_dim3A_60 {strides = array<i32>} : memref<10240xf32, #tpu.memory_space<vmem>>, vector<16xf32>,
    }
    %scan3A_65 = arith.constant 640 : i32
    %get3A = arith.constant 0 : index
    %get3A_66 = tpu.vector_load %arg12[%get3A] {strides = array<i32>} : memref<128xf32, #tpu.memory_space<vmem>>, vector<16xf32>,
    %get3A_67 = arith.constant 16 : index
    %get3A_68 = tpu.vector_load %arg12[%get3A_67] {strides = array<i32>} : memref<128xf32, #tpu.memory_space<vmem>>, vector<16xf32>,
    %get3A_69 = arith.constant 32 : index
    %get3A_70 = tpu.vector_load %arg12[%get3A_69] {strides = array<i32>} : memref<128xf32, #tpu.memory_space<vmem>>, vector<16xf32>,
    %get3A_71 = arith.constant 48 : index
    %get3A_72 = tpu.vector_load %arg12[%get3A_71] {strides = array<i32>} : memref<128xf32, #tpu.memory_space<vmem>>, vector<16xf32>,
    %get3A_73 = arith.constant 64 : index
    %get3A_74 = tpu.vector_load %arg12[%get3A_73] {strides = array<i32>} : memref<128xf32, #tpu.memory_space<vmem>>, vector<16xf32>,
    %get3A_75 = arith.constant 80 : index
    %get3A_76 = tpu.vector_load %arg12[%get3A_75] {strides = array<i32>} : memref<128xf32, #tpu.memory_space<vmem>>, vector<16xf32>,
    %get3A_77 = arith.constant 96 : index
    %get3A_78 = tpu.vector_load %arg12[%get3A_77] {strides = array<i32>} : memref<128xf32, #tpu.memory_space<vmem>>, vector<16xf32>,
    %get3A_79 = arith.constant 112 : index
    %get3A_80 = tpu.vector_load %arg12[%get3A_79] {strides = array<i32>} : memref<128xf32, #tpu.memory_space<vmem>>, vector<16xf32>,
    %get3A_81 = arith.constant 0 : index
    %get3A_82 = tpu.vector_load %arg13[%get3A_81] {strides = array<i32>} : memref<16xf32, #tpu.memory_space<vmem>>, vector<16xf32>,
    %iota3A = tpu.iota {dimensions = array<i32: 0>} : vector<16xi32>
    %eq3A = arith.constant 15 : i32
    %eq3A_83 = vector.broadcast %eq3A : i32 to vector<16xi32>
    %eq3A_84 = arith.cmpi eq, %iota3A, %eq3A_83 : vector<16xi32>
    %add3A_85 = arith.constant 1 : i32
    %add3A_86 = vector.broadcast %add3A_85 : i32 to vector<16xi32>
    %add3A_87 = arith.addi %iota3A, %add3A_86 : vector<16xi32>
    %min3A = arith.constant 15 : i32
    %min3A_88 = vector.broadcast %min3A : i32 to vector<16xi32>
    %min3A_89 = arith.minsi %add3A_87, %min3A_88 : vector<16xi32>
    %scan3A_90 = arith.constant 0 : i32
    %scan3A_91 = arith.constant 0 : i32
    %scan3A_92 = arith.constant 25 : i32
    %scan3A_93 = arith.addi %scan3A_91, %scan3A_92 : i32
    %scan3A_94 = arith.constant 1 : i32
    scf.for %scan3A_123 = %scan3A_91 to %scan3A_93 step %scan3A_94  : i32 {
      %rem3A = arith.constant 2 : i32
      %rem3A_124 = arith.remsi %scan3A_123, %rem3A : i32
      %eq3A_125 = arith.constant 0 : i32
      %eq3A_126 = arith.cmpi eq, %rem3A_124, %eq3A_125 : i32
      %convert_element_type3A = arith.extui %eq3A_126 : i1 to i32
      %cond3A = arith.constant 0 : i32
      %cond3A_127 = arith.cmpi ne, %convert_element_type3A, %cond3A : i32
      scf.if %cond3A_127 {
        %mul3A_1076 = arith.constant 400 : i32
        %mul3A_1077 = arith.muli %scan3A_123, %mul3A_1076 : i32
        %add3A_1078 = arith.addi %multiple_of3A, %mul3A_1077 : i32
        %dma_wait3A_1079 = arith.constant 0 : i32
        %dma_wait3A_1080 = arith.constant 0 : i32
        %dma_wait3A_1081 = arith.constant 0 : i32
        %dma_wait3A_1082 = tpu.memref_slice %arg8[%dma_wait3A_1080, %dma_wait3A_1081] : memref<800x128xf32, #tpu.memory_space<vmem>> -> memref<400x128xf32, #tpu.memory_space<vmem>>
        %dma_wait3A_1083 = arith.constant 0 : i32
        %dma_wait3A_1084 = tpu.memref_slice %arg2[%add3A_1078, %dma_wait3A_1083] : memref<320000x128xf32, #tpu.memory_space<hbm>> -> memref<400x128xf32, #tpu.memory_space<hbm>>
        %dma_wait3A_1085 = tpu.memref_slice %arg14[%dma_wait3A_1079] : memref<2x!tpu.dma_semaphore, #tpu.memory_space<semaphore_mem>> -> memref<1x!tpu.dma_semaphore, #tpu.memory_space<semaphore_mem>>
        %dma_wait3A_1086 = tpu.memref_squeeze %dma_wait3A_1085 : memref<1x!tpu.dma_semaphore, #tpu.memory_space<semaphore_mem>> -> memref<!tpu.dma_semaphore, #tpu.memory_space<semaphore_mem>>
        %dma_wait3A_1087 = arith.constant 0 : i32
        %dma_wait3A_1088 = arith.constant 0 : i32
        %dma_wait3A_1089 = tpu.memref_slice %arg8[%dma_wait3A_1087, %dma_wait3A_1088] : memref<800x128xf32, #tpu.memory_space<vmem>> -> memref<400x128xf32, #tpu.memory_space<vmem>>
        %dma_wait3A_1090 = arith.constant 0 : i32
        %dma_wait3A_1091 = tpu.memref_slice %arg2[%add3A_1078, %dma_wait3A_1090] : memref<320000x128xf32, #tpu.memory_space<hbm>> -> memref<400x128xf32, #tpu.memory_space<hbm>>
        tpu.wait_dma2 semaphore(%dma_wait3A_1086 : memref<!tpu.dma_semaphore, #tpu.memory_space<semaphore_mem>>) src(%dma_wait3A_1091 : memref<400x128xf32, #tpu.memory_space<hbm>>) dst(%dma_wait3A_1089 : memref<400x128xf32, #tpu.memory_space<vmem>>)
        %mul3A_1092 = arith.constant 400 : i32
        %mul3A_1093 = arith.muli %scan3A_123, %mul3A_1092 : i32
        %add3A_1094 = arith.addi %multiple_of3A, %mul3A_1093 : i32
        %dma_wait3A_1095 = arith.constant 0 : i32
        %dma_wait3A_1096 = arith.constant 0 : i32
        %dma_wait3A_1097 = arith.constant 0 : i32
        %dma_wait3A_1098 = tpu.memref_slice %arg9[%dma_wait3A_1095, %dma_wait3A_1097] : memref<2x400xi32, #tpu.memory_space<vmem>> -> memref<1x400xi32, #tpu.memory_space<vmem>>
        %dma_wait3A_1099 = tpu.memref_squeeze %dma_wait3A_1098 : memref<1x400xi32, #tpu.memory_space<vmem>> -> memref<400xi32, #tpu.memory_space<vmem>>
        %dma_wait3A_1100 = tpu.memref_slice %arg3[%add3A_1094] : memref<320000xi32, #tpu.memory_space<hbm>> -> memref<400xi32, #tpu.memory_space<hbm>>
        %dma_wait3A_1101 = tpu.memref_slice %arg15[%dma_wait3A_1096] : memref<2x!tpu.dma_semaphore, #tpu.memory_space<semaphore_mem>> -> memref<1x!tpu.dma_semaphore, #tpu.memory_space<semaphore_mem>>
        %dma_wait3A_1102 = tpu.memref_squeeze %dma_wait3A_1101 : memref<1x!tpu.dma_semaphore, #tpu.memory_space<semaphore_mem>> -> memref<!tpu.dma_semaphore, #tpu.memory_space<semaphore_mem>>
        %dma_wait3A_1103 = arith.constant 0 : i32
        %dma_wait3A_1104 = tpu.memref_slice %arg9[%dma_wait3A_1095, %dma_wait3A_1103] : memref<2x400xi32, #tpu.memory_space<vmem>> -> memref<1x400xi32, #tpu.memory_space<vmem>>
        %dma_wait3A_1105 = tpu.memref_squeeze %dma_wait3A_1104 : memref<1x400xi32, #tpu.memory_space<vmem>> -> memref<400xi32, #tpu.memory_space<vmem>>
        %dma_wait3A_1106 = tpu.memref_slice %arg3[%add3A_1094] : memref<320000xi32, #tpu.memory_space<hbm>> -> memref<400xi32, #tpu.memory_space<hbm>>
        tpu.wait_dma2 semaphore(%dma_wait3A_1102 : memref<!tpu.dma_semaphore, #tpu.memory_space<semaphore_mem>>) src(%dma_wait3A_1106 : memref<400xi32, #tpu.memory_space<hbm>>) dst(%dma_wait3A_1105 : memref<400xi32, #tpu.memory_space<vmem>>)
      } else {
      }
      %eq3A_128 = arith.constant 0 : i32
      %eq3A_129 = arith.cmpi eq, %rem3A_124, %eq3A_128 : i32
      %ge3A = arith.constant 2 : i32
      %ge3A_130 = arith.cmpi sge, %scan3A_123, %ge3A : i32
      %and3A = arith.andi %eq3A_129, %ge3A_130 : i1
      %convert_element_type3A_131 = arith.extui %and3A : i1 to i32
      %cond3A_132 = arith.constant 0 : i32
      %cond3A_133 = arith.cmpi ne, %convert_element_type3A_131, %cond3A_132 : i32
      scf.if %cond3A_133 {
        %sub3A_1076 = arith.constant 2 : i32
        %sub3A_1077 = arith.subi %scan3A_123, %sub3A_1076 : i32
        %mul3A_1078 = arith.constant 400 : i32
        %mul3A_1079 = arith.muli %sub3A_1077, %mul3A_1078 : i32
        %add3A_1080 = arith.addi %multiple_of3A, %mul3A_1079 : i32
        %dma_wait3A_1081 = arith.constant 0 : i32
        %dma_wait3A_1082 = arith.constant 0 : i32
        %dma_wait3A_1083 = arith.constant 0 : i32
        %dma_wait3A_1084 = tpu.memref_slice %arg10[%dma_wait3A_1081, %dma_wait3A_1083] : memref<2x400xf32, #tpu.memory_space<vmem>> -> memref<1x400xf32, #tpu.memory_space<vmem>>
        %dma_wait3A_1085 = tpu.memref_squeeze %dma_wait3A_1084 : memref<1x400xf32, #tpu.memory_space<vmem>> -> memref<400xf32, #tpu.memory_space<vmem>>
        %dma_wait3A_1086 = tpu.memref_slice %arg6[%add3A_1080] : memref<320000xf32, #tpu.memory_space<hbm>> -> memref<400xf32, #tpu.memory_space<hbm>>
        %dma_wait3A_1087 = tpu.memref_slice %arg16[%dma_wait3A_1082] : memref<2x!tpu.dma_semaphore, #tpu.memory_space<semaphore_mem>> -> memref<1x!tpu.dma_semaphore, #tpu.memory_space<semaphore_mem>>
        %dma_wait3A_1088 = tpu.memref_squeeze %dma_wait3A_1087 : memref<1x!tpu.dma_semaphore, #tpu.memory_space<semaphore_mem>> -> memref<!tpu.dma_semaphore, #tpu.memory_space<semaphore_mem>>
        %dma_wait3A_1089 = tpu.memref_slice %arg6[%add3A_1080] : memref<320000xf32, #tpu.memory_space<hbm>> -> memref<400xf32, #tpu.memory_space<hbm>>
        %dma_wait3A_1090 = arith.constant 0 : i32
        %dma_wait3A_1091 = tpu.memref_slice %arg10[%dma_wait3A_1081, %dma_wait3A_1090] : memref<2x400xf32, #tpu.memory_space<vmem>> -> memref<1x400xf32, #tpu.memory_space<vmem>>
        %dma_wait3A_1092 = tpu.memref_squeeze %dma_wait3A_1091 : memref<1x400xf32, #tpu.memory_space<vmem>> -> memref<400xf32, #tpu.memory_space<vmem>>
        tpu.wait_dma2 semaphore(%dma_wait3A_1088 : memref<!tpu.dma_semaphore, #tpu.memory_space<semaphore_mem>>) src(%dma_wait3A_1092 : memref<400xf32, #tpu.memory_space<vmem>>) dst(%dma_wait3A_1089 : memref<400xf32, #tpu.memory_space<hbm>>)
      } else {
      }
      %eq3A_134 = arith.constant 1 : i32
      %eq3A_135 = arith.cmpi eq, %rem3A_124, %eq3A_134 : i32
      %convert_element_type3A_136 = arith.extui %eq3A_135 : i1 to i32
      %cond3A_137 = arith.constant 0 : i32
      %cond3A_138 = arith.cmpi ne, %convert_element_type3A_136, %cond3A_137 : i32
      scf.if %cond3A_138 {
        %mul3A_1076 = arith.constant 400 : i32
        %mul3A_1077 = arith.muli %scan3A_123, %mul3A_1076 : i32
        %add3A_1078 = arith.addi %multiple_of3A, %mul3A_1077 : i32
        %dma_wait3A_1079 = arith.constant 1 : i32
        %dma_wait3A_1080 = arith.constant 400 : i32
        %dma_wait3A_1081 = arith.constant 0 : i32
        %dma_wait3A_1082 = tpu.memref_slice %arg8[%dma_wait3A_1080, %dma_wait3A_1081] : memref<800x128xf32, #tpu.memory_space<vmem>> -> memref<400x128xf32, #tpu.memory_space<vmem>>
        %dma_wait3A_1083 = arith.constant 0 : i32
        %dma_wait3A_1084 = tpu.memref_slice %arg2[%add3A_1078, %dma_wait3A_1083] : memref<320000x128xf32, #tpu.memory_space<hbm>> -> memref<400x128xf32, #tpu.memory_space<hbm>>
        %dma_wait3A_1085 = tpu.memref_slice %arg14[%dma_wait3A_1079] : memref<2x!tpu.dma_semaphore, #tpu.memory_space<semaphore_mem>> -> memref<1x!tpu.dma_semaphore, #tpu.memory_space<semaphore_mem>>
        %dma_wait3A_1086 = tpu.memref_squeeze %dma_wait3A_1085 : memref<1x!tpu.dma_semaphore, #tpu.memory_space<semaphore_mem>> -> memref<!tpu.dma_semaphore, #tpu.memory_space<semaphore_mem>>
        %dma_wait3A_1087 = arith.constant 400 : i32
        %dma_wait3A_1088 = arith.constant 0 : i32
        %dma_wait3A_1089 = tpu.memref_slice %arg8[%dma_wait3A_1087, %dma_wait3A_1088] : memref<800x128xf32, #tpu.memory_space<vmem>> -> memref<400x128xf32, #tpu.memory_space<vmem>>
        %dma_wait3A_1090 = arith.constant 0 : i32
        %dma_wait3A_1091 = tpu.memref_slice %arg2[%add3A_1078, %dma_wait3A_1090] : memref<320000x128xf32, #tpu.memory_space<hbm>> -> memref<400x128xf32, #tpu.memory_space<hbm>>
        tpu.wait_dma2 semaphore(%dma_wait3A_1086 : memref<!tpu.dma_semaphore, #tpu.memory_space<semaphore_mem>>) src(%dma_wait3A_1091 : memref<400x128xf32, #tpu.memory_space<hbm>>) dst(%dma_wait3A_1089 : memref<400x128xf32, #tpu.memory_space<vmem>>)
        %mul3A_1092 = arith.constant 400 : i32
        %mul3A_1093 = arith.muli %scan3A_123, %mul3A_1092 : i32
        %add3A_1094 = arith.addi %multiple_of3A, %mul3A_1093 : i32
        %dma_wait3A_1095 = arith.constant 1 : i32
        %dma_wait3A_1096 = arith.constant 1 : i32
        %dma_wait3A_1097 = arith.constant 0 : i32
        %dma_wait3A_1098 = tpu.memref_slice %arg9[%dma_wait3A_1095, %dma_wait3A_1097] : memref<2x400xi32, #tpu.memory_space<vmem>> -> memref<1x400xi32, #tpu.memory_space<vmem>>
        %dma_wait3A_1099 = tpu.memref_squeeze %dma_wait3A_1098 : memref<1x400xi32, #tpu.memory_space<vmem>> -> memref<400xi32, #tpu.memory_space<vmem>>
        %dma_wait3A_1100 = tpu.memref_slice %arg3[%add3A_1094] : memref<320000xi32, #tpu.memory_space<hbm>> -> memref<400xi32, #tpu.memory_space<hbm>>
        %dma_wait3A_1101 = tpu.memref_slice %arg15[%dma_wait3A_1096] : memref<2x!tpu.dma_semaphore, #tpu.memory_space<semaphore_mem>> -> memref<1x!tpu.dma_semaphore, #tpu.memory_space<semaphore_mem>>
        %dma_wait3A_1102 = tpu.memref_squeeze %dma_wait3A_1101 : memref<1x!tpu.dma_semaphore, #tpu.memory_space<semaphore_mem>> -> memref<!tpu.dma_semaphore, #tpu.memory_space<semaphore_mem>>
        %dma_wait3A_1103 = arith.constant 0 : i32
        %dma_wait3A_1104 = tpu.memref_slice %arg9[%dma_wait3A_1095, %dma_wait3A_1103] : memref<2x400xi32, #tpu.memory_space<vmem>> -> memref<1x400xi32, #tpu.memory_space<vmem>>
        %dma_wait3A_1105 = tpu.memref_squeeze %dma_wait3A_1104 : memref<1x400xi32, #tpu.memory_space<vmem>> -> memref<400xi32, #tpu.memory_space<vmem>>
        %dma_wait3A_1106 = tpu.memref_slice %arg3[%add3A_1094] : memref<320000xi32, #tpu.memory_space<hbm>> -> memref<400xi32, #tpu.memory_space<hbm>>
        tpu.wait_dma2 semaphore(%dma_wait3A_1102 : memref<!tpu.dma_semaphore, #tpu.memory_space<semaphore_mem>>) src(%dma_wait3A_1106 : memref<400xi32, #tpu.memory_space<hbm>>) dst(%dma_wait3A_1105 : memref<400xi32, #tpu.memory_space<vmem>>)
      } else {
      }
      %eq3A_139 = arith.constant 1 : i32
      %eq3A_140 = arith.cmpi eq, %rem3A_124, %eq3A_139 : i32
      %ge3A_141 = arith.constant 2 : i32
      %ge3A_142 = arith.cmpi sge, %scan3A_123, %ge3A_141 : i32
      %and3A_143 = arith.andi %eq3A_140, %ge3A_142 : i1
      %convert_element_type3A_144 = arith.extui %and3A_143 : i1 to i32
      %cond3A_145 = arith.constant 0 : i32
      %cond3A_146 = arith.cmpi ne, %convert_element_type3A_144, %cond3A_145 : i32
      scf.if %cond3A_146 {
        %sub3A_1076 = arith.constant 2 : i32
        %sub3A_1077 = arith.subi %scan3A_123, %sub3A_1076 : i32
        %mul3A_1078 = arith.constant 400 : i32
        %mul3A_1079 = arith.muli %sub3A_1077, %mul3A_1078 : i32
        %add3A_1080 = arith.addi %multiple_of3A, %mul3A_1079 : i32
        %dma_wait3A_1081 = arith.constant 1 : i32
        %dma_wait3A_1082 = arith.constant 1 : i32
        %dma_wait3A_1083 = arith.constant 0 : i32
        %dma_wait3A_1084 = tpu.memref_slice %arg10[%dma_wait3A_1081, %dma_wait3A_1083] : memref<2x400xf32, #tpu.memory_space<vmem>> -> memref<1x400xf32, #tpu.memory_space<vmem>>
        %dma_wait3A_1085 = tpu.memref_squeeze %dma_wait3A_1084 : memref<1x400xf32, #tpu.memory_space<vmem>> -> memref<400xf32, #tpu.memory_space<vmem>>
        %dma_wait3A_1086 = tpu.memref_slice %arg6[%add3A_1080] : memref<320000xf32, #tpu.memory_space<hbm>> -> memref<400xf32, #tpu.memory_space<hbm>>
        %dma_wait3A_1087 = tpu.memref_slice %arg16[%dma_wait3A_1082] : memref<2x!tpu.dma_semaphore, #tpu.memory_space<semaphore_mem>> -> memref<1x!tpu.dma_semaphore, #tpu.memory_space<semaphore_mem>>
        %dma_wait3A_1088 = tpu.memref_squeeze %dma_wait3A_1087 : memref<1x!tpu.dma_semaphore, #tpu.memory_space<semaphore_mem>> -> memref<!tpu.dma_semaphore, #tpu.memory_space<semaphore_mem>>
        %dma_wait3A_1089 = tpu.memref_slice %arg6[%add3A_1080] : memref<320000xf32, #tpu.memory_space<hbm>> -> memref<400xf32, #tpu.memory_space<hbm>>
        %dma_wait3A_1090 = arith.constant 0 : i32
        %dma_wait3A_1091 = tpu.memref_slice %arg10[%dma_wait3A_1081, %dma_wait3A_1090] : memref<2x400xf32, #tpu.memory_space<vmem>> -> memref<1x400xf32, #tpu.memory_space<vmem>>
        %dma_wait3A_1092 = tpu.memref_squeeze %dma_wait3A_1091 : memref<1x400xf32, #tpu.memory_space<vmem>> -> memref<400xf32, #tpu.memory_space<vmem>>
        tpu.wait_dma2 semaphore(%dma_wait3A_1088 : memref<!tpu.dma_semaphore, #tpu.memory_space<semaphore_mem>>) src(%dma_wait3A_1092 : memref<400xf32, #tpu.memory_space<vmem>>) dst(%dma_wait3A_1089 : memref<400xf32, #tpu.memory_space<hbm>>)
      } else {
      }
      %scan3A_147 = arith.constant 0 : i32
      %scan3A_148 = arith.constant 0 : i32
      %scan3A_149 = arith.constant 24 : i32
      %scan3A_150 = arith.addi %scan3A_148, %scan3A_149 : i32
      %scan3A_151 = arith.constant 2 : i32
      scf.for %scan3A_1076 = %scan3A_148 to %scan3A_150 step %scan3A_151  : i32 {
        %mul3A_1077 = arith.constant 400 : i32
        %mul3A_1078 = arith.muli %rem3A_124, %mul3A_1077 : i32
        %mul3A_1079 = arith.constant 16 : i32
        %mul3A_1080 = arith.muli %scan3A_1076, %mul3A_1079 : i32
        %add3A_1081 = arith.addi %mul3A_1078, %mul3A_1080 : i32
        %add3A_1082 = arith.constant 0 : i32
        %add3A_1083 = arith.addi %add3A_1081, %add3A_1082 : i32
        %get3A_1084 = arith.index_cast %add3A_1083 : i32 to index
        %get3A_1085 = arith.constant 0 : index
        %get3A_1086 = tpu.vector_load %arg8[%get3A_1084, %get3A_1085] {strides = array<i32>} : memref<800x128xf32, #tpu.memory_space<vmem>>, vector<16xf32>,
        %mul3A_1087 = arith.mulf %get3A_1086, %get3A_66 : vector<16xf32>
        %get3A_1088 = arith.index_cast %add3A_1083 : i32 to index
        %get3A_1089 = arith.constant 16 : index
        %get3A_1090 = tpu.vector_load %arg8[%get3A_1088, %get3A_1089] {strides = array<i32>} : memref<800x128xf32, #tpu.memory_space<vmem>>, vector<16xf32>,
        %mul3A_1091 = arith.mulf %get3A_1090, %get3A_68 : vector<16xf32>
        %get3A_1092 = arith.index_cast %add3A_1083 : i32 to index
        %get3A_1093 = arith.constant 32 : index
        %get3A_1094 = tpu.vector_load %arg8[%get3A_1092, %get3A_1093] {strides = array<i32>} : memref<800x128xf32, #tpu.memory_space<vmem>>, vector<16xf32>,
        %mul3A_1095 = arith.mulf %get3A_1094, %get3A_70 : vector<16xf32>
        %get3A_1096 = arith.index_cast %add3A_1083 : i32 to index
        %get3A_1097 = arith.constant 48 : index
        %get3A_1098 = tpu.vector_load %arg8[%get3A_1096, %get3A_1097] {strides = array<i32>} : memref<800x128xf32, #tpu.memory_space<vmem>>, vector<16xf32>,
        %mul3A_1099 = arith.mulf %get3A_1098, %get3A_72 : vector<16xf32>
        %get3A_1100 = arith.index_cast %add3A_1083 : i32 to index
        %get3A_1101 = arith.constant 64 : index
        %get3A_1102 = tpu.vector_load %arg8[%get3A_1100, %get3A_1101] {strides = array<i32>} : memref<800x128xf32, #tpu.memory_space<vmem>>, vector<16xf32>,
        %mul3A_1103 = arith.mulf %get3A_1102, %get3A_74 : vector<16xf32>
        %get3A_1104 = arith.index_cast %add3A_1083 : i32 to index
        %get3A_1105 = arith.constant 80 : index
        %get3A_1106 = tpu.vector_load %arg8[%get3A_1104, %get3A_1105] {strides = array<i32>} : memref<800x128xf32, #tpu.memory_space<vmem>>, vector<16xf32>,
        %mul3A_1107 = arith.mulf %get3A_1106, %get3A_76 : vector<16xf32>
        %get3A_1108 = arith.index_cast %add3A_1083 : i32 to index
        %get3A_1109 = arith.constant 96 : index
        %get3A_1110 = tpu.vector_load %arg8[%get3A_1108, %get3A_1109] {strides = array<i32>} : memref<800x128xf32, #tpu.memory_space<vmem>>, vector<16xf32>,
        %mul3A_1111 = arith.mulf %get3A_1110, %get3A_78 : vector<16xf32>
        %get3A_1112 = arith.index_cast %add3A_1083 : i32 to index
        %get3A_1113 = arith.constant 112 : index
        %get3A_1114 = tpu.vector_load %arg8[%get3A_1112, %get3A_1113] {strides = array<i32>} : memref<800x128xf32, #tpu.memory_space<vmem>>, vector<16xf32>,
        %mul3A_1115 = arith.mulf %get3A_1114, %get3A_80 : vector<16xf32>
        %add3A_1116 = arith.addf %mul3A_1087, %mul3A_1091 : vector<16xf32>
        %add3A_1117 = arith.addf %mul3A_1095, %mul3A_1099 : vector<16xf32>
        %add3A_1118 = arith.addf %mul3A_1103, %mul3A_1107 : vector<16xf32>
        %add3A_1119 = arith.addf %mul3A_1111, %mul3A_1115 : vector<16xf32>
        %add3A_1120 = arith.addf %add3A_1116, %add3A_1117 : vector<16xf32>
        %add3A_1121 = arith.addf %add3A_1118, %add3A_1119 : vector<16xf32>
        %add3A_1122 = arith.addf %add3A_1120, %add3A_1121 : vector<16xf32>
        %eq3A_1123 = arith.constant 0 : i32
        %eq3A_1124 = vector.broadcast %eq3A_1123 : i32 to vector<16xi32>
        %eq3A_1125 = arith.cmpi eq, %iota3A, %eq3A_1124 : vector<16xi32>
        %reduce_sum3A_1126 = arith.constant true
        %reduce_sum3A_1127 = vector.broadcast %reduce_sum3A_1126 : i1 to vector<16xi1>
        %reduce_sum3A_1128 = tpu.scan <sum>, %add3A_1122 masked %reduce_sum3A_1127 : vector<16xf32>, vector<16xi1> -> vector<16xf32>
        %reduce_sum3A_1129 = vector.extract %reduce_sum3A_1128[15] : f32 from vector<16xf32>
        %broadcast_in_dim3A_1130 = vector.broadcast %reduce_sum3A_1129 : f32 to vector<16xf32>
        %select_n3A_1131 = arith.select %eq3A_1125, %broadcast_in_dim3A_1130, %broadcast_in_dim3A_60 : vector<16xi1>, vector<16xf32>
        %add3A_1132 = arith.constant 1 : i32
        %add3A_1133 = arith.addi %add3A_1081, %add3A_1132 : i32
        %get3A_1134 = arith.index_cast %add3A_1133 : i32 to index
        %get3A_1135 = arith.constant 0 : index
        %get3A_1136 = tpu.vector_load %arg8[%get3A_1134, %get3A_1135] {strides = array<i32>} : memref<800x128xf32, #tpu.memory_space<vmem>>, vector<16xf32>,
        %mul3A_1137 = arith.mulf %get3A_1136, %get3A_66 : vector<16xf32>
        %get3A_1138 = arith.index_cast %add3A_1133 : i32 to index
        %get3A_1139 = arith.constant 16 : index
        %get3A_1140 = tpu.vector_load %arg8[%get3A_1138, %get3A_1139] {strides = array<i32>} : memref<800x128xf32, #tpu.memory_space<vmem>>, vector<16xf32>,
        %mul3A_1141 = arith.mulf %get3A_1140, %get3A_68 : vector<16xf32>
        %get3A_1142 = arith.index_cast %add3A_1133 : i32 to index
        %get3A_1143 = arith.constant 32 : index
        %get3A_1144 = tpu.vector_load %arg8[%get3A_1142, %get3A_1143] {strides = array<i32>} : memref<800x128xf32, #tpu.memory_space<vmem>>, vector<16xf32>,
        %mul3A_1145 = arith.mulf %get3A_1144, %get3A_70 : vector<16xf32>
        %get3A_1146 = arith.index_cast %add3A_1133 : i32 to index
        %get3A_1147 = arith.constant 48 : index
        %get3A_1148 = tpu.vector_load %arg8[%get3A_1146, %get3A_1147] {strides = array<i32>} : memref<800x128xf32, #tpu.memory_space<vmem>>, vector<16xf32>,
        %mul3A_1149 = arith.mulf %get3A_1148, %get3A_72 : vector<16xf32>
        %get3A_1150 = arith.index_cast %add3A_1133 : i32 to index
        %get3A_1151 = arith.constant 64 : index
        %get3A_1152 = tpu.vector_load %arg8[%get3A_1150, %get3A_1151] {strides = array<i32>} : memref<800x128xf32, #tpu.memory_space<vmem>>, vector<16xf32>,
        %mul3A_1153 = arith.mulf %get3A_1152, %get3A_74 : vector<16xf32>
        %get3A_1154 = arith.index_cast %add3A_1133 : i32 to index
        %get3A_1155 = arith.constant 80 : index
        %get3A_1156 = tpu.vector_load %arg8[%get3A_1154, %get3A_1155] {strides = array<i32>} : memref<800x128xf32, #tpu.memory_space<vmem>>, vector<16xf32>,
        %mul3A_1157 = arith.mulf %get3A_1156, %get3A_76 : vector<16xf32>
        %get3A_1158 = arith.index_cast %add3A_1133 : i32 to index
        %get3A_1159 = arith.constant 96 : index
        %get3A_1160 = tpu.vector_load %arg8[%get3A_1158, %get3A_1159] {strides = array<i32>} : memref<800x128xf32, #tpu.memory_space<vmem>>, vector<16xf32>,
        %mul3A_1161 = arith.mulf %get3A_1160, %get3A_78 : vector<16xf32>
        %get3A_1162 = arith.index_cast %add3A_1133 : i32 to index
        %get3A_1163 = arith.constant 112 : index
        %get3A_1164 = tpu.vector_load %arg8[%get3A_1162, %get3A_1163] {strides = array<i32>} : memref<800x128xf32, #tpu.memory_space<vmem>>, vector<16xf32>,
        %mul3A_1165 = arith.mulf %get3A_1164, %get3A_80 : vector<16xf32>
        %add3A_1166 = arith.addf %mul3A_1137, %mul3A_1141 : vector<16xf32>
        %add3A_1167 = arith.addf %mul3A_1145, %mul3A_1149 : vector<16xf32>
        %add3A_1168 = arith.addf %mul3A_1153, %mul3A_1157 : vector<16xf32>
        %add3A_1169 = arith.addf %mul3A_1161, %mul3A_1165 : vector<16xf32>
        %add3A_1170 = arith.addf %add3A_1166, %add3A_1167 : vector<16xf32>
        %add3A_1171 = arith.addf %add3A_1168, %add3A_1169 : vector<16xf32>
        %add3A_1172 = arith.addf %add3A_1170, %add3A_1171 : vector<16xf32>
        %eq3A_1173 = arith.constant 1 : i32
        %eq3A_1174 = vector.broadcast %eq3A_1173 : i32 to vector<16xi32>
        %eq3A_1175 = arith.cmpi eq, %iota3A, %eq3A_1174 : vector<16xi32>
        %reduce_sum3A_1176 = arith.constant true
        %reduce_sum3A_1177 = vector.broadcast %reduce_sum3A_1176 : i1 to vector<16xi1>
        %reduce_sum3A_1178 = tpu.scan <sum>, %add3A_1172 masked %reduce_sum3A_1177 : vector<16xf32>, vector<16xi1> -> vector<16xf32>
        %reduce_sum3A_1179 = vector.extract %reduce_sum3A_1178[15] : f32 from vector<16xf32>
        %broadcast_in_dim3A_1180 = vector.broadcast %reduce_sum3A_1179 : f32 to vector<16xf32>
        %select_n3A_1181 = arith.select %eq3A_1175, %broadcast_in_dim3A_1180, %select_n3A_1131 : vector<16xi1>, vector<16xf32>
        %add3A_1182 = arith.constant 2 : i32
        %add3A_1183 = arith.addi %add3A_1081, %add3A_1182 : i32
        %get3A_1184 = arith.index_cast %add3A_1183 : i32 to index
        %get3A_1185 = arith.constant 0 : index
        %get3A_1186 = tpu.vector_load %arg8[%get3A_1184, %get3A_1185] {strides = array<i32>} : memref<800x128xf32, #tpu.memory_space<vmem>>, vector<16xf32>,
        %mul3A_1187 = arith.mulf %get3A_1186, %get3A_66 : vector<16xf32>
        %get3A_1188 = arith.index_cast %add3A_1183 : i32 to index
        %get3A_1189 = arith.constant 16 : index
        %get3A_1190 = tpu.vector_load %arg8[%get3A_1188, %get3A_1189] {strides = array<i32>} : memref<800x128xf32, #tpu.memory_space<vmem>>, vector<16xf32>,
        %mul3A_1191 = arith.mulf %get3A_1190, %get3A_68 : vector<16xf32>
        %get3A_1192 = arith.index_cast %add3A_1183 : i32 to index
        %get3A_1193 = arith.constant 32 : index
        %get3A_1194 = tpu.vector_load %arg8[%get3A_1192, %get3A_1193] {strides = array<i32>} : memref<800x128xf32, #tpu.memory_space<vmem>>, vector<16xf32>,
        %mul3A_1195 = arith.mulf %get3A_1194, %get3A_70 : vector<16xf32>
        %get3A_1196 = arith.index_cast %add3A_1183 : i32 to index
        %get3A_1197 = arith.constant 48 : index
        %get3A_1198 = tpu.vector_load %arg8[%get3A_1196, %get3A_1197] {strides = array<i32>} : memref<800x128xf32, #tpu.memory_space<vmem>>, vector<16xf32>,
        %mul3A_1199 = arith.mulf %get3A_1198, %get3A_72 : vector<16xf32>
        %get3A_1200 = arith.index_cast %add3A_1183 : i32 to index
        %get3A_1201 = arith.constant 64 : index
        %get3A_1202 = tpu.vector_load %arg8[%get3A_1200, %get3A_1201] {strides = array<i32>} : memref<800x128xf32, #tpu.memory_space<vmem>>, vector<16xf32>,
        %mul3A_1203 = arith.mulf %get3A_1202, %get3A_74 : vector<16xf32>
        %get3A_1204 = arith.index_cast %add3A_1183 : i32 to index
        %get3A_1205 = arith.constant 80 : index
        %get3A_1206 = tpu.vector_load %arg8[%get3A_1204, %get3A_1205] {strides = array<i32>} : memref<800x128xf32, #tpu.memory_space<vmem>>, vector<16xf32>,
        %mul3A_1207 = arith.mulf %get3A_1206, %get3A_76 : vector<16xf32>
        %get3A_1208 = arith.index_cast %add3A_1183 : i32 to index
        %get3A_1209 = arith.constant 96 : index
        %get3A_1210 = tpu.vector_load %arg8[%get3A_1208, %get3A_1209] {strides = array<i32>} : memref<800x128xf32, #tpu.memory_space<vmem>>, vector<16xf32>,
        %mul3A_1211 = arith.mulf %get3A_1210, %get3A_78 : vector<16xf32>
        %get3A_1212 = arith.index_cast %add3A_1183 : i32 to index
        %get3A_1213 = arith.constant 112 : index
        %get3A_1214 = tpu.vector_load %arg8[%get3A_1212, %get3A_1213] {strides = array<i32>} : memref<800x128xf32, #tpu.memory_space<vmem>>, vector<16xf32>,
        %mul3A_1215 = arith.mulf %get3A_1214, %get3A_80 : vector<16xf32>
        %add3A_1216 = arith.addf %mul3A_1187, %mul3A_1191 : vector<16xf32>
        %add3A_1217 = arith.addf %mul3A_1195, %mul3A_1199 : vector<16xf32>
        %add3A_1218 = arith.addf %mul3A_1203, %mul3A_1207 : vector<16xf32>
        %add3A_1219 = arith.addf %mul3A_1211, %mul3A_1215 : vector<16xf32>
        %add3A_1220 = arith.addf %add3A_1216, %add3A_1217 : vector<16xf32>
        %add3A_1221 = arith.addf %add3A_1218, %add3A_1219 : vector<16xf32>
        %add3A_1222 = arith.addf %add3A_1220, %add3A_1221 : vector<16xf32>
        %eq3A_1223 = arith.constant 2 : i32
        %eq3A_1224 = vector.broadcast %eq3A_1223 : i32 to vector<16xi32>
        %eq3A_1225 = arith.cmpi eq, %iota3A, %eq3A_1224 : vector<16xi32>
        %reduce_sum3A_1226 = arith.constant true
        %reduce_sum3A_1227 = vector.broadcast %reduce_sum3A_1226 : i1 to vector<16xi1>
        %reduce_sum3A_1228 = tpu.scan <sum>, %add3A_1222 masked %reduce_sum3A_1227 : vector<16xf32>, vector<16xi1> -> vector<16xf32>
        %reduce_sum3A_1229 = vector.extract %reduce_sum3A_1228[15] : f32 from vector<16xf32>
        %broadcast_in_dim3A_1230 = vector.broadcast %reduce_sum3A_1229 : f32 to vector<16xf32>
        %select_n3A_1231 = arith.select %eq3A_1225, %broadcast_in_dim3A_1230, %select_n3A_1181 : vector<16xi1>, vector<16xf32>
        %add3A_1232 = arith.constant 3 : i32
        %add3A_1233 = arith.addi %add3A_1081, %add3A_1232 : i32
        %get3A_1234 = arith.index_cast %add3A_1233 : i32 to index
        %get3A_1235 = arith.constant 0 : index
        %get3A_1236 = tpu.vector_load %arg8[%get3A_1234, %get3A_1235] {strides = array<i32>} : memref<800x128xf32, #tpu.memory_space<vmem>>, vector<16xf32>,
        %mul3A_1237 = arith.mulf %get3A_1236, %get3A_66 : vector<16xf32>
        %get3A_1238 = arith.index_cast %add3A_1233 : i32 to index
        %get3A_1239 = arith.constant 16 : index
        %get3A_1240 = tpu.vector_load %arg8[%get3A_1238, %get3A_1239] {strides = array<i32>} : memref<800x128xf32, #tpu.memory_space<vmem>>, vector<16xf32>,
        %mul3A_1241 = arith.mulf %get3A_1240, %get3A_68 : vector<16xf32>
        %get3A_1242 = arith.index_cast %add3A_1233 : i32 to index
        %get3A_1243 = arith.constant 32 : index
        %get3A_1244 = tpu.vector_load %arg8[%get3A_1242, %get3A_1243] {strides = array<i32>} : memref<800x128xf32, #tpu.memory_space<vmem>>, vector<16xf32>,
        %mul3A_1245 = arith.mulf %get3A_1244, %get3A_70 : vector<16xf32>
        %get3A_1246 = arith.index_cast %add3A_1233 : i32 to index
        %get3A_1247 = arith.constant 48 : index
        %get3A_1248 = tpu.vector_load %arg8[%get3A_1246, %get3A_1247] {strides = array<i32>} : memref<800x128xf32, #tpu.memory_space<vmem>>, vector<16xf32>,
        %mul3A_1249 = arith.mulf %get3A_1248, %get3A_72 : vector<16xf32>
        %get3A_1250 = arith.index_cast %add3A_1233 : i32 to index
        %get3A_1251 = arith.constant 64 : index
        %get3A_1252 = tpu.vector_load %arg8[%get3A_1250, %get3A_1251] {strides = array<i32>} : memref<800x128xf32, #tpu.memory_space<vmem>>, vector<16xf32>,
        %mul3A_1253 = arith.mulf %get3A_1252, %get3A_74 : vector<16xf32>
        %get3A_1254 = arith.index_cast %add3A_1233 : i32 to index
        %get3A_1255 = arith.constant 80 : index
        %get3A_1256 = tpu.vector_load %arg8[%get3A_1254, %get3A_1255] {strides = array<i32>} : memref<800x128xf32, #tpu.memory_space<vmem>>, vector<16xf32>,
        %mul3A_1257 = arith.mulf %get3A_1256, %get3A_76 : vector<16xf32>
        %get3A_1258 = arith.index_cast %add3A_1233 : i32 to index
        %get3A_1259 = arith.constant 96 : index
        %get3A_1260 = tpu.vector_load %arg8[%get3A_1258, %get3A_1259] {strides = array<i32>} : memref<800x128xf32, #tpu.memory_space<vmem>>, vector<16xf32>,
        %mul3A_1261 = arith.mulf %get3A_1260, %get3A_78 : vector<16xf32>
        %get3A_1262 = arith.index_cast %add3A_1233 : i32 to index
        %get3A_1263 = arith.constant 112 : index
        %get3A_1264 = tpu.vector_load %arg8[%get3A_1262, %get3A_1263] {strides = array<i32>} : memref<800x128xf32, #tpu.memory_space<vmem>>, vector<16xf32>,
        %mul3A_1265 = arith.mulf %get3A_1264, %get3A_80 : vector<16xf32>
        %add3A_1266 = arith.addf %mul3A_1237, %mul3A_1241 : vector<16xf32>
        %add3A_1267 = arith.addf %mul3A_1245, %mul3A_1249 : vector<16xf32>
        %add3A_1268 = arith.addf %mul3A_1253, %mul3A_1257 : vector<16xf32>
        %add3A_1269 = arith.addf %mul3A_1261, %mul3A_1265 : vector<16xf32>
        %add3A_1270 = arith.addf %add3A_1266, %add3A_1267 : vector<16xf32>
        %add3A_1271 = arith.addf %add3A_1268, %add3A_1269 : vector<16xf32>
        %add3A_1272 = arith.addf %add3A_1270, %add3A_1271 : vector<16xf32>
        %eq3A_1273 = arith.constant 3 : i32
        %eq3A_1274 = vector.broadcast %eq3A_1273 : i32 to vector<16xi32>
        %eq3A_1275 = arith.cmpi eq, %iota3A, %eq3A_1274 : vector<16xi32>
        %reduce_sum3A_1276 = arith.constant true
        %reduce_sum3A_1277 = vector.broadcast %reduce_sum3A_1276 : i1 to vector<16xi1>
        %reduce_sum3A_1278 = tpu.scan <sum>, %add3A_1272 masked %reduce_sum3A_1277 : vector<16xf32>, vector<16xi1> -> vector<16xf32>
        %reduce_sum3A_1279 = vector.extract %reduce_sum3A_1278[15] : f32 from vector<16xf32>
        %broadcast_in_dim3A_1280 = vector.broadcast %reduce_sum3A_1279 : f32 to vector<16xf32>
        %select_n3A_1281 = arith.select %eq3A_1275, %broadcast_in_dim3A_1280, %select_n3A_1231 : vector<16xi1>, vector<16xf32>
        %add3A_1282 = arith.constant 4 : i32
        %add3A_1283 = arith.addi %add3A_1081, %add3A_1282 : i32
        %get3A_1284 = arith.index_cast %add3A_1283 : i32 to index
        %get3A_1285 = arith.constant 0 : index
        %get3A_1286 = tpu.vector_load %arg8[%get3A_1284, %get3A_1285] {strides = array<i32>} : memref<800x128xf32, #tpu.memory_space<vmem>>, vector<16xf32>,
        %mul3A_1287 = arith.mulf %get3A_1286, %get3A_66 : vector<16xf32>
        %get3A_1288 = arith.index_cast %add3A_1283 : i32 to index
        %get3A_1289 = arith.constant 16 : index
        %get3A_1290 = tpu.vector_load %arg8[%get3A_1288, %get3A_1289] {strides = array<i32>} : memref<800x128xf32, #tpu.memory_space<vmem>>, vector<16xf32>,
        %mul3A_1291 = arith.mulf %get3A_1290, %get3A_68 : vector<16xf32>
        %get3A_1292 = arith.index_cast %add3A_1283 : i32 to index
        %get3A_1293 = arith.constant 32 : index
        %get3A_1294 = tpu.vector_load %arg8[%get3A_1292, %get3A_1293] {strides = array<i32>} : memref<800x128xf32, #tpu.memory_space<vmem>>, vector<16xf32>,
        %mul3A_1295 = arith.mulf %get3A_1294, %get3A_70 : vector<16xf32>
        %get3A_1296 = arith.index_cast %add3A_1283 : i32 to index
        %get3A_1297 = arith.constant 48 : index
        %get3A_1298 = tpu.vector_load %arg8[%get3A_1296, %get3A_1297] {strides = array<i32>} : memref<800x128xf32, #tpu.memory_space<vmem>>, vector<16xf32>,
        %mul3A_1299 = arith.mulf %get3A_1298, %get3A_72 : vector<16xf32>
        %get3A_1300 = arith.index_cast %add3A_1283 : i32 to index
        %get3A_1301 = arith.constant 64 : index
        %get3A_1302 = tpu.vector_load %arg8[%get3A_1300, %get3A_1301] {strides = array<i32>} : memref<800x128xf32, #tpu.memory_space<vmem>>, vector<16xf32>,
        %mul3A_1303 = arith.mulf %get3A_1302, %get3A_74 : vector<16xf32>
        %get3A_1304 = arith.index_cast %add3A_1283 : i32 to index
        %get3A_1305 = arith.constant 80 : index
        %get3A_1306 = tpu.vector_load %arg8[%get3A_1304, %get3A_1305] {strides = array<i32>} : memref<800x128xf32, #tpu.memory_space<vmem>>, vector<16xf32>,
        %mul3A_1307 = arith.mulf %get3A_1306, %get3A_76 : vector<16xf32>
        %get3A_1308 = arith.index_cast %add3A_1283 : i32 to index
        %get3A_1309 = arith.constant 96 : index
        %get3A_1310 = tpu.vector_load %arg8[%get3A_1308, %get3A_1309] {strides = array<i32>} : memref<800x128xf32, #tpu.memory_space<vmem>>, vector<16xf32>,
        %mul3A_1311 = arith.mulf %get3A_1310, %get3A_78 : vector<16xf32>
        %get3A_1312 = arith.index_cast %add3A_1283 : i32 to index
        %get3A_1313 = arith.constant 112 : index
        %get3A_1314 = tpu.vector_load %arg8[%get3A_1312, %get3A_1313] {strides = array<i32>} : memref<800x128xf32, #tpu.memory_space<vmem>>, vector<16xf32>,
        %mul3A_1315 = arith.mulf %get3A_1314, %get3A_80 : vector<16xf32>
        %add3A_1316 = arith.addf %mul3A_1287, %mul3A_1291 : vector<16xf32>
        %add3A_1317 = arith.addf %mul3A_1295, %mul3A_1299 : vector<16xf32>
        %add3A_1318 = arith.addf %mul3A_1303, %mul3A_1307 : vector<16xf32>
        %add3A_1319 = arith.addf %mul3A_1311, %mul3A_1315 : vector<16xf32>
        %add3A_1320 = arith.addf %add3A_1316, %add3A_1317 : vector<16xf32>
        %add3A_1321 = arith.addf %add3A_1318, %add3A_1319 : vector<16xf32>
        %add3A_1322 = arith.addf %add3A_1320, %add3A_1321 : vector<16xf32>
        %eq3A_1323 = arith.constant 4 : i32
        %eq3A_1324 = vector.broadcast %eq3A_1323 : i32 to vector<16xi32>
        %eq3A_1325 = arith.cmpi eq, %iota3A, %eq3A_1324 : vector<16xi32>
        %reduce_sum3A_1326 = arith.constant true
        %reduce_sum3A_1327 = vector.broadcast %reduce_sum3A_1326 : i1 to vector<16xi1>
        %reduce_sum3A_1328 = tpu.scan <sum>, %add3A_1322 masked %reduce_sum3A_1327 : vector<16xf32>, vector<16xi1> -> vector<16xf32>
        %reduce_sum3A_1329 = vector.extract %reduce_sum3A_1328[15] : f32 from vector<16xf32>
        %broadcast_in_dim3A_1330 = vector.broadcast %reduce_sum3A_1329 : f32 to vector<16xf32>
        %select_n3A_1331 = arith.select %eq3A_1325, %broadcast_in_dim3A_1330, %select_n3A_1281 : vector<16xi1>, vector<16xf32>
        %add3A_1332 = arith.constant 5 : i32
        %add3A_1333 = arith.addi %add3A_1081, %add3A_1332 : i32
        %get3A_1334 = arith.index_cast %add3A_1333 : i32 to index
        %get3A_1335 = arith.constant 0 : index
        %get3A_1336 = tpu.vector_load %arg8[%get3A_1334, %get3A_1335] {strides = array<i32>} : memref<800x128xf32, #tpu.memory_space<vmem>>, vector<16xf32>,
        %mul3A_1337 = arith.mulf %get3A_1336, %get3A_66 : vector<16xf32>
        %get3A_1338 = arith.index_cast %add3A_1333 : i32 to index
        %get3A_1339 = arith.constant 16 : index
        %get3A_1340 = tpu.vector_load %arg8[%get3A_1338, %get3A_1339] {strides = array<i32>} : memref<800x128xf32, #tpu.memory_space<vmem>>, vector<16xf32>,
        %mul3A_1341 = arith.mulf %get3A_1340, %get3A_68 : vector<16xf32>
        %get3A_1342 = arith.index_cast %add3A_1333 : i32 to index
        %get3A_1343 = arith.constant 32 : index
        %get3A_1344 = tpu.vector_load %arg8[%get3A_1342, %get3A_1343] {strides = array<i32>} : memref<800x128xf32, #tpu.memory_space<vmem>>, vector<16xf32>,
        %mul3A_1345 = arith.mulf %get3A_1344, %get3A_70 : vector<16xf32>
        %get3A_1346 = arith.index_cast %add3A_1333 : i32 to index
        %get3A_1347 = arith.constant 48 : index
        %get3A_1348 = tpu.vector_load %arg8[%get3A_1346, %get3A_1347] {strides = array<i32>} : memref<800x128xf32, #tpu.memory_space<vmem>>, vector<16xf32>,
        %mul3A_1349 = arith.mulf %get3A_1348, %get3A_72 : vector<16xf32>
        %get3A_1350 = arith.index_cast %add3A_1333 : i32 to index
        %get3A_1351 = arith.constant 64 : index
        %get3A_1352 = tpu.vector_load %arg8[%get3A_1350, %get3A_1351] {strides = array<i32>} : memref<800x128xf32, #tpu.memory_space<vmem>>, vector<16xf32>,
        %mul3A_1353 = arith.mulf %get3A_1352, %get3A_74 : vector<16xf32>
        %get3A_1354 = arith.index_cast %add3A_1333 : i32 to index
        %get3A_1355 = arith.constant 80 : index
        %get3A_1356 = tpu.vector_load %arg8[%get3A_1354, %get3A_1355] {strides = array<i32>} : memref<800x128xf32, #tpu.memory_space<vmem>>, vector<16xf32>,
        %mul3A_1357 = arith.mulf %get3A_1356, %get3A_76 : vector<16xf32>
        %get3A_1358 = arith.index_cast %add3A_1333 : i32 to index
        %get3A_1359 = arith.constant 96 : index
        %get3A_1360 = tpu.vector_load %arg8[%get3A_1358, %get3A_1359] {strides = array<i32>} : memref<800x128xf32, #tpu.memory_space<vmem>>, vector<16xf32>,
        %mul3A_1361 = arith.mulf %get3A_1360, %get3A_78 : vector<16xf32>
        %get3A_1362 = arith.index_cast %add3A_1333 : i32 to index
        %get3A_1363 = arith.constant 112 : index
        %get3A_1364 = tpu.vector_load %arg8[%get3A_1362, %get3A_1363] {strides = array<i32>} : memref<800x128xf32, #tpu.memory_space<vmem>>, vector<16xf32>,
        %mul3A_1365 = arith.mulf %get3A_1364, %get3A_80 : vector<16xf32>
        %add3A_1366 = arith.addf %mul3A_1337, %mul3A_1341 : vector<16xf32>
        %add3A_1367 = arith.addf %mul3A_1345, %mul3A_1349 : vector<16xf32>
        %add3A_1368 = arith.addf %mul3A_1353, %mul3A_1357 : vector<16xf32>
        %add3A_1369 = arith.addf %mul3A_1361, %mul3A_1365 : vector<16xf32>
        %add3A_1370 = arith.addf %add3A_1366, %add3A_1367 : vector<16xf32>
        %add3A_1371 = arith.addf %add3A_1368, %add3A_1369 : vector<16xf32>
        %add3A_1372 = arith.addf %add3A_1370, %add3A_1371 : vector<16xf32>
        %eq3A_1373 = arith.constant 5 : i32
        %eq3A_1374 = vector.broadcast %eq3A_1373 : i32 to vector<16xi32>
        %eq3A_1375 = arith.cmpi eq, %iota3A, %eq3A_1374 : vector<16xi32>
        %reduce_sum3A_1376 = arith.constant true
        %reduce_sum3A_1377 = vector.broadcast %reduce_sum3A_1376 : i1 to vector<16xi1>
        %reduce_sum3A_1378 = tpu.scan <sum>, %add3A_1372 masked %reduce_sum3A_1377 : vector<16xf32>, vector<16xi1> -> vector<16xf32>
        %reduce_sum3A_1379 = vector.extract %reduce_sum3A_1378[15] : f32 from vector<16xf32>
        %broadcast_in_dim3A_1380 = vector.broadcast %reduce_sum3A_1379 : f32 to vector<16xf32>
        %select_n3A_1381 = arith.select %eq3A_1375, %broadcast_in_dim3A_1380, %select_n3A_1331 : vector<16xi1>, vector<16xf32>
        %add3A_1382 = arith.constant 6 : i32
        %add3A_1383 = arith.addi %add3A_1081, %add3A_1382 : i32
        %get3A_1384 = arith.index_cast %add3A_1383 : i32 to index
        %get3A_1385 = arith.constant 0 : index
        %get3A_1386 = tpu.vector_load %arg8[%get3A_1384, %get3A_1385] {strides = array<i32>} : memref<800x128xf32, #tpu.memory_space<vmem>>, vector<16xf32>,
        %mul3A_1387 = arith.mulf %get3A_1386, %get3A_66 : vector<16xf32>
        %get3A_1388 = arith.index_cast %add3A_1383 : i32 to index
        %get3A_1389 = arith.constant 16 : index
        %get3A_1390 = tpu.vector_load %arg8[%get3A_1388, %get3A_1389] {strides = array<i32>} : memref<800x128xf32, #tpu.memory_space<vmem>>, vector<16xf32>,
        %mul3A_1391 = arith.mulf %get3A_1390, %get3A_68 : vector<16xf32>
        %get3A_1392 = arith.index_cast %add3A_1383 : i32 to index
        %get3A_1393 = arith.constant 32 : index
        %get3A_1394 = tpu.vector_load %arg8[%get3A_1392, %get3A_1393] {strides = array<i32>} : memref<800x128xf32, #tpu.memory_space<vmem>>, vector<16xf32>,
        %mul3A_1395 = arith.mulf %get3A_1394, %get3A_70 : vector<16xf32>
        %get3A_1396 = arith.index_cast %add3A_1383 : i32 to index
        %get3A_1397 = arith.constant 48 : index
        %get3A_1398 = tpu.vector_load %arg8[%get3A_1396, %get3A_1397] {strides = array<i32>} : memref<800x128xf32, #tpu.memory_space<vmem>>, vector<16xf32>,
        %mul3A_1399 = arith.mulf %get3A_1398, %get3A_72 : vector<16xf32>
        %get3A_1400 = arith.index_cast %add3A_1383 : i32 to index
        %get3A_1401 = arith.constant 64 : index
        %get3A_1402 = tpu.vector_load %arg8[%get3A_1400, %get3A_1401] {strides = array<i32>} : memref<800x128xf32, #tpu.memory_space<vmem>>, vector<16xf32>,
        %mul3A_1403 = arith.mulf %get3A_1402, %get3A_74 : vector<16xf32>
        %get3A_1404 = arith.index_cast %add3A_1383 : i32 to index
        %get3A_1405 = arith.constant 80 : index
        %get3A_1406 = tpu.vector_load %arg8[%get3A_1404, %get3A_1405] {strides = array<i32>} : memref<800x128xf32, #tpu.memory_space<vmem>>, vector<16xf32>,
        %mul3A_1407 = arith.mulf %get3A_1406, %get3A_76 : vector<16xf32>
        %get3A_1408 = arith.index_cast %add3A_1383 : i32 to index
        %get3A_1409 = arith.constant 96 : index
        %get3A_1410 = tpu.vector_load %arg8[%get3A_1408, %get3A_1409] {strides = array<i32>} : memref<800x128xf32, #tpu.memory_space<vmem>>, vector<16xf32>,
        %mul3A_1411 = arith.mulf %get3A_1410, %get3A_78 : vector<16xf32>
        %get3A_1412 = arith.index_cast %add3A_1383 : i32 to index
        %get3A_1413 = arith.constant 112 : index
        %get3A_1414 = tpu.vector_load %arg8[%get3A_1412, %get3A_1413] {strides = array<i32>} : memref<800x128xf32, #tpu.memory_space<vmem>>, vector<16xf32>,
        %mul3A_1415 = arith.mulf %get3A_1414, %get3A_80 : vector<16xf32>
        %add3A_1416 = arith.addf %mul3A_1387, %mul3A_1391 : vector<16xf32>
        %add3A_1417 = arith.addf %mul3A_1395, %mul3A_1399 : vector<16xf32>
        %add3A_1418 = arith.addf %mul3A_1403, %mul3A_1407 : vector<16xf32>
        %add3A_1419 = arith.addf %mul3A_1411, %mul3A_1415 : vector<16xf32>
        %add3A_1420 = arith.addf %add3A_1416, %add3A_1417 : vector<16xf32>
        %add3A_1421 = arith.addf %add3A_1418, %add3A_1419 : vector<16xf32>
        %add3A_1422 = arith.addf %add3A_1420, %add3A_1421 : vector<16xf32>
        %eq3A_1423 = arith.constant 6 : i32
        %eq3A_1424 = vector.broadcast %eq3A_1423 : i32 to vector<16xi32>
        %eq3A_1425 = arith.cmpi eq, %iota3A, %eq3A_1424 : vector<16xi32>
        %reduce_sum3A_1426 = arith.constant true
        %reduce_sum3A_1427 = vector.broadcast %reduce_sum3A_1426 : i1 to vector<16xi1>
        %reduce_sum3A_1428 = tpu.scan <sum>, %add3A_1422 masked %reduce_sum3A_1427 : vector<16xf32>, vector<16xi1> -> vector<16xf32>
        %reduce_sum3A_1429 = vector.extract %reduce_sum3A_1428[15] : f32 from vector<16xf32>
        %broadcast_in_dim3A_1430 = vector.broadcast %reduce_sum3A_1429 : f32 to vector<16xf32>
        %select_n3A_1431 = arith.select %eq3A_1425, %broadcast_in_dim3A_1430, %select_n3A_1381 : vector<16xi1>, vector<16xf32>
        %add3A_1432 = arith.constant 7 : i32
        %add3A_1433 = arith.addi %add3A_1081, %add3A_1432 : i32
        %get3A_1434 = arith.index_cast %add3A_1433 : i32 to index
        %get3A_1435 = arith.constant 0 : index
        %get3A_1436 = tpu.vector_load %arg8[%get3A_1434, %get3A_1435] {strides = array<i32>} : memref<800x128xf32, #tpu.memory_space<vmem>>, vector<16xf32>,
        %mul3A_1437 = arith.mulf %get3A_1436, %get3A_66 : vector<16xf32>
        %get3A_1438 = arith.index_cast %add3A_1433 : i32 to index
        %get3A_1439 = arith.constant 16 : index
        %get3A_1440 = tpu.vector_load %arg8[%get3A_1438, %get3A_1439] {strides = array<i32>} : memref<800x128xf32, #tpu.memory_space<vmem>>, vector<16xf32>,
        %mul3A_1441 = arith.mulf %get3A_1440, %get3A_68 : vector<16xf32>
        %get3A_1442 = arith.index_cast %add3A_1433 : i32 to index
        %get3A_1443 = arith.constant 32 : index
        %get3A_1444 = tpu.vector_load %arg8[%get3A_1442, %get3A_1443] {strides = array<i32>} : memref<800x128xf32, #tpu.memory_space<vmem>>, vector<16xf32>,
        %mul3A_1445 = arith.mulf %get3A_1444, %get3A_70 : vector<16xf32>
        %get3A_1446 = arith.index_cast %add3A_1433 : i32 to index
        %get3A_1447 = arith.constant 48 : index
        %get3A_1448 = tpu.vector_load %arg8[%get3A_1446, %get3A_1447] {strides = array<i32>} : memref<800x128xf32, #tpu.memory_space<vmem>>, vector<16xf32>,
        %mul3A_1449 = arith.mulf %get3A_1448, %get3A_72 : vector<16xf32>
        %get3A_1450 = arith.index_cast %add3A_1433 : i32 to index
        %get3A_1451 = arith.constant 64 : index
        %get3A_1452 = tpu.vector_load %arg8[%get3A_1450, %get3A_1451] {strides = array<i32>} : memref<800x128xf32, #tpu.memory_space<vmem>>, vector<16xf32>,
        %mul3A_1453 = arith.mulf %get3A_1452, %get3A_74 : vector<16xf32>
        %get3A_1454 = arith.index_cast %add3A_1433 : i32 to index
        %get3A_1455 = arith.constant 80 : index
        %get3A_1456 = tpu.vector_load %arg8[%get3A_1454, %get3A_1455] {strides = array<i32>} : memref<800x128xf32, #tpu.memory_space<vmem>>, vector<16xf32>,
        %mul3A_1457 = arith.mulf %get3A_1456, %get3A_76 : vector<16xf32>
        %get3A_1458 = arith.index_cast %add3A_1433 : i32 to index
        %get3A_1459 = arith.constant 96 : index
        %get3A_1460 = tpu.vector_load %arg8[%get3A_1458, %get3A_1459] {strides = array<i32>} : memref<800x128xf32, #tpu.memory_space<vmem>>, vector<16xf32>,
        %mul3A_1461 = arith.mulf %get3A_1460, %get3A_78 : vector<16xf32>
        %get3A_1462 = arith.index_cast %add3A_1433 : i32 to index
        %get3A_1463 = arith.constant 112 : index
        %get3A_1464 = tpu.vector_load %arg8[%get3A_1462, %get3A_1463] {strides = array<i32>} : memref<800x128xf32, #tpu.memory_space<vmem>>, vector<16xf32>,
        %mul3A_1465 = arith.mulf %get3A_1464, %get3A_80 : vector<16xf32>
        %add3A_1466 = arith.addf %mul3A_1437, %mul3A_1441 : vector<16xf32>
        %add3A_1467 = arith.addf %mul3A_1445, %mul3A_1449 : vector<16xf32>
        %add3A_1468 = arith.addf %mul3A_1453, %mul3A_1457 : vector<16xf32>
        %add3A_1469 = arith.addf %mul3A_1461, %mul3A_1465 : vector<16xf32>
        %add3A_1470 = arith.addf %add3A_1466, %add3A_1467 : vector<16xf32>
        %add3A_1471 = arith.addf %add3A_1468, %add3A_1469 : vector<16xf32>
        %add3A_1472 = arith.addf %add3A_1470, %add3A_1471 : vector<16xf32>
        %eq3A_1473 = arith.constant 7 : i32
        %eq3A_1474 = vector.broadcast %eq3A_1473 : i32 to vector<16xi32>
        %eq3A_1475 = arith.cmpi eq, %iota3A, %eq3A_1474 : vector<16xi32>
        %reduce_sum3A_1476 = arith.constant true
        %reduce_sum3A_1477 = vector.broadcast %reduce_sum3A_1476 : i1 to vector<16xi1>
        %reduce_sum3A_1478 = tpu.scan <sum>, %add3A_1472 masked %reduce_sum3A_1477 : vector<16xf32>, vector<16xi1> -> vector<16xf32>
        %reduce_sum3A_1479 = vector.extract %reduce_sum3A_1478[15] : f32 from vector<16xf32>
        %broadcast_in_dim3A_1480 = vector.broadcast %reduce_sum3A_1479 : f32 to vector<16xf32>
        %select_n3A_1481 = arith.select %eq3A_1475, %broadcast_in_dim3A_1480, %select_n3A_1431 : vector<16xi1>, vector<16xf32>
        %add3A_1482 = arith.constant 8 : i32
        %add3A_1483 = arith.addi %add3A_1081, %add3A_1482 : i32
        %get3A_1484 = arith.index_cast %add3A_1483 : i32 to index
        %get3A_1485 = arith.constant 0 : index
        %get3A_1486 = tpu.vector_load %arg8[%get3A_1484, %get3A_1485] {strides = array<i32>} : memref<800x128xf32, #tpu.memory_space<vmem>>, vector<16xf32>,
        %mul3A_1487 = arith.mulf %get3A_1486, %get3A_66 : vector<16xf32>
        %get3A_1488 = arith.index_cast %add3A_1483 : i32 to index
        %get3A_1489 = arith.constant 16 : index
        %get3A_1490 = tpu.vector_load %arg8[%get3A_1488, %get3A_1489] {strides = array<i32>} : memref<800x128xf32, #tpu.memory_space<vmem>>, vector<16xf32>,
        %mul3A_1491 = arith.mulf %get3A_1490, %get3A_68 : vector<16xf32>
        %get3A_1492 = arith.index_cast %add3A_1483 : i32 to index
        %get3A_1493 = arith.constant 32 : index
        %get3A_1494 = tpu.vector_load %arg8[%get3A_1492, %get3A_1493] {strides = array<i32>} : memref<800x128xf32, #tpu.memory_space<vmem>>, vector<16xf32>,
        %mul3A_1495 = arith.mulf %get3A_1494, %get3A_70 : vector<16xf32>
        %get3A_1496 = arith.index_cast %add3A_1483 : i32 to index
        %get3A_1497 = arith.constant 48 : index
        %get3A_1498 = tpu.vector_load %arg8[%get3A_1496, %get3A_1497] {strides = array<i32>} : memref<800x128xf32, #tpu.memory_space<vmem>>, vector<16xf32>,
        %mul3A_1499 = arith.mulf %get3A_1498, %get3A_72 : vector<16xf32>
        %get3A_1500 = arith.index_cast %add3A_1483 : i32 to index
        %get3A_1501 = arith.constant 64 : index
        %get3A_1502 = tpu.vector_load %arg8[%get3A_1500, %get3A_1501] {strides = array<i32>} : memref<800x128xf32, #tpu.memory_space<vmem>>, vector<16xf32>,
        %mul3A_1503 = arith.mulf %get3A_1502, %get3A_74 : vector<16xf32>
        %get3A_1504 = arith.index_cast %add3A_1483 : i32 to index
        %get3A_1505 = arith.constant 80 : index
        %get3A_1506 = tpu.vector_load %arg8[%get3A_1504, %get3A_1505] {strides = array<i32>} : memref<800x128xf32, #tpu.memory_space<vmem>>, vector<16xf32>,
        %mul3A_1507 = arith.mulf %get3A_1506, %get3A_76 : vector<16xf32>
        %get3A_1508 = arith.index_cast %add3A_1483 : i32 to index
        %get3A_1509 = arith.constant 96 : index
        %get3A_1510 = tpu.vector_load %arg8[%get3A_1508, %get3A_1509] {strides = array<i32>} : memref<800x128xf32, #tpu.memory_space<vmem>>, vector<16xf32>,
        %mul3A_1511 = arith.mulf %get3A_1510, %get3A_78 : vector<16xf32>
        %get3A_1512 = arith.index_cast %add3A_1483 : i32 to index
        %get3A_1513 = arith.constant 112 : index
        %get3A_1514 = tpu.vector_load %arg8[%get3A_1512, %get3A_1513] {strides = array<i32>} : memref<800x128xf32, #tpu.memory_space<vmem>>, vector<16xf32>,
        %mul3A_1515 = arith.mulf %get3A_1514, %get3A_80 : vector<16xf32>
        %add3A_1516 = arith.addf %mul3A_1487, %mul3A_1491 : vector<16xf32>
        %add3A_1517 = arith.addf %mul3A_1495, %mul3A_1499 : vector<16xf32>
        %add3A_1518 = arith.addf %mul3A_1503, %mul3A_1507 : vector<16xf32>
        %add3A_1519 = arith.addf %mul3A_1511, %mul3A_1515 : vector<16xf32>
        %add3A_1520 = arith.addf %add3A_1516, %add3A_1517 : vector<16xf32>
        %add3A_1521 = arith.addf %add3A_1518, %add3A_1519 : vector<16xf32>
        %add3A_1522 = arith.addf %add3A_1520, %add3A_1521 : vector<16xf32>
        %eq3A_1523 = arith.constant 8 : i32
        %eq3A_1524 = vector.broadcast %eq3A_1523 : i32 to vector<16xi32>
        %eq3A_1525 = arith.cmpi eq, %iota3A, %eq3A_1524 : vector<16xi32>
        %reduce_sum3A_1526 = arith.constant true
        %reduce_sum3A_1527 = vector.broadcast %reduce_sum3A_1526 : i1 to vector<16xi1>
        %reduce_sum3A_1528 = tpu.scan <sum>, %add3A_1522 masked %reduce_sum3A_1527 : vector<16xf32>, vector<16xi1> -> vector<16xf32>
        %reduce_sum3A_1529 = vector.extract %reduce_sum3A_1528[15] : f32 from vector<16xf32>
        %broadcast_in_dim3A_1530 = vector.broadcast %reduce_sum3A_1529 : f32 to vector<16xf32>
        %select_n3A_1531 = arith.select %eq3A_1525, %broadcast_in_dim3A_1530, %select_n3A_1481 : vector<16xi1>, vector<16xf32>
        %add3A_1532 = arith.constant 9 : i32
        %add3A_1533 = arith.addi %add3A_1081, %add3A_1532 : i32
        %get3A_1534 = arith.index_cast %add3A_1533 : i32 to index
        %get3A_1535 = arith.constant 0 : index
        %get3A_1536 = tpu.vector_load %arg8[%get3A_1534, %get3A_1535] {strides = array<i32>} : memref<800x128xf32, #tpu.memory_space<vmem>>, vector<16xf32>,
        %mul3A_1537 = arith.mulf %get3A_1536, %get3A_66 : vector<16xf32>
        %get3A_1538 = arith.index_cast %add3A_1533 : i32 to index
        %get3A_1539 = arith.constant 16 : index
        %get3A_1540 = tpu.vector_load %arg8[%get3A_1538, %get3A_1539] {strides = array<i32>} : memref<800x128xf32, #tpu.memory_space<vmem>>, vector<16xf32>,
        %mul3A_1541 = arith.mulf %get3A_1540, %get3A_68 : vector<16xf32>
        %get3A_1542 = arith.index_cast %add3A_1533 : i32 to index
        %get3A_1543 = arith.constant 32 : index
        %get3A_1544 = tpu.vector_load %arg8[%get3A_1542, %get3A_1543] {strides = array<i32>} : memref<800x128xf32, #tpu.memory_space<vmem>>, vector<16xf32>,
        %mul3A_1545 = arith.mulf %get3A_1544, %get3A_70 : vector<16xf32>
        %get3A_1546 = arith.index_cast %add3A_1533 : i32 to index
        %get3A_1547 = arith.constant 48 : index
        %get3A_1548 = tpu.vector_load %arg8[%get3A_1546, %get3A_1547] {strides = array<i32>} : memref<800x128xf32, #tpu.memory_space<vmem>>, vector<16xf32>,
        %mul3A_1549 = arith.mulf %get3A_1548, %get3A_72 : vector<16xf32>
        %get3A_1550 = arith.index_cast %add3A_1533 : i32 to index
        %get3A_1551 = arith.constant 64 : index
        %get3A_1552 = tpu.vector_load %arg8[%get3A_1550, %get3A_1551] {strides = array<i32>} : memref<800x128xf32, #tpu.memory_space<vmem>>, vector<16xf32>,
        %mul3A_1553 = arith.mulf %get3A_1552, %get3A_74 : vector<16xf32>
        %get3A_1554 = arith.index_cast %add3A_1533 : i32 to index
        %get3A_1555 = arith.constant 80 : index
        %get3A_1556 = tpu.vector_load %arg8[%get3A_1554, %get3A_1555] {strides = array<i32>} : memref<800x128xf32, #tpu.memory_space<vmem>>, vector<16xf32>,
        %mul3A_1557 = arith.mulf %get3A_1556, %get3A_76 : vector<16xf32>
        %get3A_1558 = arith.index_cast %add3A_1533 : i32 to index
        %get3A_1559 = arith.constant 96 : index
        %get3A_1560 = tpu.vector_load %arg8[%get3A_1558, %get3A_1559] {strides = array<i32>} : memref<800x128xf32, #tpu.memory_space<vmem>>, vector<16xf32>,
        %mul3A_1561 = arith.mulf %get3A_1560, %get3A_78 : vector<16xf32>
        %get3A_1562 = arith.index_cast %add3A_1533 : i32 to index
        %get3A_1563 = arith.constant 112 : index
        %get3A_1564 = tpu.vector_load %arg8[%get3A_1562, %get3A_1563] {strides = array<i32>} : memref<800x128xf32, #tpu.memory_space<vmem>>, vector<16xf32>,
        %mul3A_1565 = arith.mulf %get3A_1564, %get3A_80 : vector<16xf32>
        %add3A_1566 = arith.addf %mul3A_1537, %mul3A_1541 : vector<16xf32>
        %add3A_1567 = arith.addf %mul3A_1545, %mul3A_1549 : vector<16xf32>
        %add3A_1568 = arith.addf %mul3A_1553, %mul3A_1557 : vector<16xf32>
        %add3A_1569 = arith.addf %mul3A_1561, %mul3A_1565 : vector<16xf32>
        %add3A_1570 = arith.addf %add3A_1566, %add3A_1567 : vector<16xf32>
        %add3A_1571 = arith.addf %add3A_1568, %add3A_1569 : vector<16xf32>
        %add3A_1572 = arith.addf %add3A_1570, %add3A_1571 : vector<16xf32>
        %eq3A_1573 = arith.constant 9 : i32
        %eq3A_1574 = vector.broadcast %eq3A_1573 : i32 to vector<16xi32>
        %eq3A_1575 = arith.cmpi eq, %iota3A, %eq3A_1574 : vector<16xi32>
        %reduce_sum3A_1576 = arith.constant true
        %reduce_sum3A_1577 = vector.broadcast %reduce_sum3A_1576 : i1 to vector<16xi1>
        %reduce_sum3A_1578 = tpu.scan <sum>, %add3A_1572 masked %reduce_sum3A_1577 : vector<16xf32>, vector<16xi1> -> vector<16xf32>
        %reduce_sum3A_1579 = vector.extract %reduce_sum3A_1578[15] : f32 from vector<16xf32>
        %broadcast_in_dim3A_1580 = vector.broadcast %reduce_sum3A_1579 : f32 to vector<16xf32>
        %select_n3A_1581 = arith.select %eq3A_1575, %broadcast_in_dim3A_1580, %select_n3A_1531 : vector<16xi1>, vector<16xf32>
        %add3A_1582 = arith.constant 10 : i32
        %add3A_1583 = arith.addi %add3A_1081, %add3A_1582 : i32
        %get3A_1584 = arith.index_cast %add3A_1583 : i32 to index
        %get3A_1585 = arith.constant 0 : index
        %get3A_1586 = tpu.vector_load %arg8[%get3A_1584, %get3A_1585] {strides = array<i32>} : memref<800x128xf32, #tpu.memory_space<vmem>>, vector<16xf32>,
        %mul3A_1587 = arith.mulf %get3A_1586, %get3A_66 : vector<16xf32>
        %get3A_1588 = arith.index_cast %add3A_1583 : i32 to index
        %get3A_1589 = arith.constant 16 : index
        %get3A_1590 = tpu.vector_load %arg8[%get3A_1588, %get3A_1589] {strides = array<i32>} : memref<800x128xf32, #tpu.memory_space<vmem>>, vector<16xf32>,
        %mul3A_1591 = arith.mulf %get3A_1590, %get3A_68 : vector<16xf32>
        %get3A_1592 = arith.index_cast %add3A_1583 : i32 to index
        %get3A_1593 = arith.constant 32 : index
        %get3A_1594 = tpu.vector_load %arg8[%get3A_1592, %get3A_1593] {strides = array<i32>} : memref<800x128xf32, #tpu.memory_space<vmem>>, vector<16xf32>,
        %mul3A_1595 = arith.mulf %get3A_1594, %get3A_70 : vector<16xf32>
        %get3A_1596 = arith.index_cast %add3A_1583 : i32 to index
        %get3A_1597 = arith.constant 48 : index
        %get3A_1598 = tpu.vector_load %arg8[%get3A_1596, %get3A_1597] {strides = array<i32>} : memref<800x128xf32, #tpu.memory_space<vmem>>, vector<16xf32>,
        %mul3A_1599 = arith.mulf %get3A_1598, %get3A_72 : vector<16xf32>
        %get3A_1600 = arith.index_cast %add3A_1583 : i32 to index
        %get3A_1601 = arith.constant 64 : index
        %get3A_1602 = tpu.vector_load %arg8[%get3A_1600, %get3A_1601] {strides = array<i32>} : memref<800x128xf32, #tpu.memory_space<vmem>>, vector<16xf32>,
        %mul3A_1603 = arith.mulf %get3A_1602, %get3A_74 : vector<16xf32>
        %get3A_1604 = arith.index_cast %add3A_1583 : i32 to index
        %get3A_1605 = arith.constant 80 : index
        %get3A_1606 = tpu.vector_load %arg8[%get3A_1604, %get3A_1605] {strides = array<i32>} : memref<800x128xf32, #tpu.memory_space<vmem>>, vector<16xf32>,
        %mul3A_1607 = arith.mulf %get3A_1606, %get3A_76 : vector<16xf32>
        %get3A_1608 = arith.index_cast %add3A_1583 : i32 to index
        %get3A_1609 = arith.constant 96 : index
        %get3A_1610 = tpu.vector_load %arg8[%get3A_1608, %get3A_1609] {strides = array<i32>} : memref<800x128xf32, #tpu.memory_space<vmem>>, vector<16xf32>,
        %mul3A_1611 = arith.mulf %get3A_1610, %get3A_78 : vector<16xf32>
        %get3A_1612 = arith.index_cast %add3A_1583 : i32 to index
        %get3A_1613 = arith.constant 112 : index
        %get3A_1614 = tpu.vector_load %arg8[%get3A_1612, %get3A_1613] {strides = array<i32>} : memref<800x128xf32, #tpu.memory_space<vmem>>, vector<16xf32>,
        %mul3A_1615 = arith.mulf %get3A_1614, %get3A_80 : vector<16xf32>
        %add3A_1616 = arith.addf %mul3A_1587, %mul3A_1591 : vector<16xf32>
        %add3A_1617 = arith.addf %mul3A_1595, %mul3A_1599 : vector<16xf32>
        %add3A_1618 = arith.addf %mul3A_1603, %mul3A_1607 : vector<16xf32>
        %add3A_1619 = arith.addf %mul3A_1611, %mul3A_1615 : vector<16xf32>
        %add3A_1620 = arith.addf %add3A_1616, %add3A_1617 : vector<16xf32>
        %add3A_1621 = arith.addf %add3A_1618, %add3A_1619 : vector<16xf32>
        %add3A_1622 = arith.addf %add3A_1620, %add3A_1621 : vector<16xf32>
        %eq3A_1623 = arith.constant 10 : i32
        %eq3A_1624 = vector.broadcast %eq3A_1623 : i32 to vector<16xi32>
        %eq3A_1625 = arith.cmpi eq, %iota3A, %eq3A_1624 : vector<16xi32>
        %reduce_sum3A_1626 = arith.constant true
        %reduce_sum3A_1627 = vector.broadcast %reduce_sum3A_1626 : i1 to vector<16xi1>
        %reduce_sum3A_1628 = tpu.scan <sum>, %add3A_1622 masked %reduce_sum3A_1627 : vector<16xf32>, vector<16xi1> -> vector<16xf32>
        %reduce_sum3A_1629 = vector.extract %reduce_sum3A_1628[15] : f32 from vector<16xf32>
        %broadcast_in_dim3A_1630 = vector.broadcast %reduce_sum3A_1629 : f32 to vector<16xf32>
        %select_n3A_1631 = arith.select %eq3A_1625, %broadcast_in_dim3A_1630, %select_n3A_1581 : vector<16xi1>, vector<16xf32>
        %add3A_1632 = arith.constant 11 : i32
        %add3A_1633 = arith.addi %add3A_1081, %add3A_1632 : i32
        %get3A_1634 = arith.index_cast %add3A_1633 : i32 to index
        %get3A_1635 = arith.constant 0 : index
        %get3A_1636 = tpu.vector_load %arg8[%get3A_1634, %get3A_1635] {strides = array<i32>} : memref<800x128xf32, #tpu.memory_space<vmem>>, vector<16xf32>,
        %mul3A_1637 = arith.mulf %get3A_1636, %get3A_66 : vector<16xf32>
        %get3A_1638 = arith.index_cast %add3A_1633 : i32 to index
        %get3A_1639 = arith.constant 16 : index
        %get3A_1640 = tpu.vector_load %arg8[%get3A_1638, %get3A_1639] {strides = array<i32>} : memref<800x128xf32, #tpu.memory_space<vmem>>, vector<16xf32>,
        %mul3A_1641 = arith.mulf %get3A_1640, %get3A_68 : vector<16xf32>
        %get3A_1642 = arith.index_cast %add3A_1633 : i32 to index
        %get3A_1643 = arith.constant 32 : index
        %get3A_1644 = tpu.vector_load %arg8[%get3A_1642, %get3A_1643] {strides = array<i32>} : memref<800x128xf32, #tpu.memory_space<vmem>>, vector<16xf32>,
        %mul3A_1645 = arith.mulf %get3A_1644, %get3A_70 : vector<16xf32>
        %get3A_1646 = arith.index_cast %add3A_1633 : i32 to index
        %get3A_1647 = arith.constant 48 : index
        %get3A_1648 = tpu.vector_load %arg8[%get3A_1646, %get3A_1647] {strides = array<i32>} : memref<800x128xf32, #tpu.memory_space<vmem>>, vector<16xf32>,
        %mul3A_1649 = arith.mulf %get3A_1648, %get3A_72 : vector<16xf32>
        %get3A_1650 = arith.index_cast %add3A_1633 : i32 to index
        %get3A_1651 = arith.constant 64 : index
        %get3A_1652 = tpu.vector_load %arg8[%get3A_1650, %get3A_1651] {strides = array<i32>} : memref<800x128xf32, #tpu.memory_space<vmem>>, vector<16xf32>,
        %mul3A_1653 = arith.mulf %get3A_1652, %get3A_74 : vector<16xf32>
        %get3A_1654 = arith.index_cast %add3A_1633 : i32 to index
        %get3A_1655 = arith.constant 80 : index
        %get3A_1656 = tpu.vector_load %arg8[%get3A_1654, %get3A_1655] {strides = array<i32>} : memref<800x128xf32, #tpu.memory_space<vmem>>, vector<16xf32>,
        %mul3A_1657 = arith.mulf %get3A_1656, %get3A_76 : vector<16xf32>
        %get3A_1658 = arith.index_cast %add3A_1633 : i32 to index
        %get3A_1659 = arith.constant 96 : index
        %get3A_1660 = tpu.vector_load %arg8[%get3A_1658, %get3A_1659] {strides = array<i32>} : memref<800x128xf32, #tpu.memory_space<vmem>>, vector<16xf32>,
        %mul3A_1661 = arith.mulf %get3A_1660, %get3A_78 : vector<16xf32>
        %get3A_1662 = arith.index_cast %add3A_1633 : i32 to index
        %get3A_1663 = arith.constant 112 : index
        %get3A_1664 = tpu.vector_load %arg8[%get3A_1662, %get3A_1663] {strides = array<i32>} : memref<800x128xf32, #tpu.memory_space<vmem>>, vector<16xf32>,
        %mul3A_1665 = arith.mulf %get3A_1664, %get3A_80 : vector<16xf32>
        %add3A_1666 = arith.addf %mul3A_1637, %mul3A_1641 : vector<16xf32>
        %add3A_1667 = arith.addf %mul3A_1645, %mul3A_1649 : vector<16xf32>
        %add3A_1668 = arith.addf %mul3A_1653, %mul3A_1657 : vector<16xf32>
        %add3A_1669 = arith.addf %mul3A_1661, %mul3A_1665 : vector<16xf32>
        %add3A_1670 = arith.addf %add3A_1666, %add3A_1667 : vector<16xf32>
        %add3A_1671 = arith.addf %add3A_1668, %add3A_1669 : vector<16xf32>
        %add3A_1672 = arith.addf %add3A_1670, %add3A_1671 : vector<16xf32>
        %eq3A_1673 = arith.constant 11 : i32
        %eq3A_1674 = vector.broadcast %eq3A_1673 : i32 to vector<16xi32>
        %eq3A_1675 = arith.cmpi eq, %iota3A, %eq3A_1674 : vector<16xi32>
        %reduce_sum3A_1676 = arith.constant true
        %reduce_sum3A_1677 = vector.broadcast %reduce_sum3A_1676 : i1 to vector<16xi1>
        %reduce_sum3A_1678 = tpu.scan <sum>, %add3A_1672 masked %reduce_sum3A_1677 : vector<16xf32>, vector<16xi1> -> vector<16xf32>
        %reduce_sum3A_1679 = vector.extract %reduce_sum3A_1678[15] : f32 from vector<16xf32>
        %broadcast_in_dim3A_1680 = vector.broadcast %reduce_sum3A_1679 : f32 to vector<16xf32>
        %select_n3A_1681 = arith.select %eq3A_1675, %broadcast_in_dim3A_1680, %select_n3A_1631 : vector<16xi1>, vector<16xf32>
        %add3A_1682 = arith.constant 12 : i32
        %add3A_1683 = arith.addi %add3A_1081, %add3A_1682 : i32
        %get3A_1684 = arith.index_cast %add3A_1683 : i32 to index
        %get3A_1685 = arith.constant 0 : index
        %get3A_1686 = tpu.vector_load %arg8[%get3A_1684, %get3A_1685] {strides = array<i32>} : memref<800x128xf32, #tpu.memory_space<vmem>>, vector<16xf32>,
        %mul3A_1687 = arith.mulf %get3A_1686, %get3A_66 : vector<16xf32>
        %get3A_1688 = arith.index_cast %add3A_1683 : i32 to index
        %get3A_1689 = arith.constant 16 : index
        %get3A_1690 = tpu.vector_load %arg8[%get3A_1688, %get3A_1689] {strides = array<i32>} : memref<800x128xf32, #tpu.memory_space<vmem>>, vector<16xf32>,
        %mul3A_1691 = arith.mulf %get3A_1690, %get3A_68 : vector<16xf32>
        %get3A_1692 = arith.index_cast %add3A_1683 : i32 to index
        %get3A_1693 = arith.constant 32 : index
        %get3A_1694 = tpu.vector_load %arg8[%get3A_1692, %get3A_1693] {strides = array<i32>} : memref<800x128xf32, #tpu.memory_space<vmem>>, vector<16xf32>,
        %mul3A_1695 = arith.mulf %get3A_1694, %get3A_70 : vector<16xf32>
        %get3A_1696 = arith.index_cast %add3A_1683 : i32 to index
        %get3A_1697 = arith.constant 48 : index
        %get3A_1698 = tpu.vector_load %arg8[%get3A_1696, %get3A_1697] {strides = array<i32>} : memref<800x128xf32, #tpu.memory_space<vmem>>, vector<16xf32>,
        %mul3A_1699 = arith.mulf %get3A_1698, %get3A_72 : vector<16xf32>
        %get3A_1700 = arith.index_cast %add3A_1683 : i32 to index
        %get3A_1701 = arith.constant 64 : index
        %get3A_1702 = tpu.vector_load %arg8[%get3A_1700, %get3A_1701] {strides = array<i32>} : memref<800x128xf32, #tpu.memory_space<vmem>>, vector<16xf32>,
        %mul3A_1703 = arith.mulf %get3A_1702, %get3A_74 : vector<16xf32>
        %get3A_1704 = arith.index_cast %add3A_1683 : i32 to index
        %get3A_1705 = arith.constant 80 : index
        %get3A_1706 = tpu.vector_load %arg8[%get3A_1704, %get3A_1705] {strides = array<i32>} : memref<800x128xf32, #tpu.memory_space<vmem>>, vector<16xf32>,
        %mul3A_1707 = arith.mulf %get3A_1706, %get3A_76 : vector<16xf32>
        %get3A_1708 = arith.index_cast %add3A_1683 : i32 to index
        %get3A_1709 = arith.constant 96 : index
        %get3A_1710 = tpu.vector_load %arg8[%get3A_1708, %get3A_1709] {strides = array<i32>} : memref<800x128xf32, #tpu.memory_space<vmem>>, vector<16xf32>,
        %mul3A_1711 = arith.mulf %get3A_1710, %get3A_78 : vector<16xf32>
        %get3A_1712 = arith.index_cast %add3A_1683 : i32 to index
        %get3A_1713 = arith.constant 112 : index
        %get3A_1714 = tpu.vector_load %arg8[%get3A_1712, %get3A_1713] {strides = array<i32>} : memref<800x128xf32, #tpu.memory_space<vmem>>, vector<16xf32>,
        %mul3A_1715 = arith.mulf %get3A_1714, %get3A_80 : vector<16xf32>
        %add3A_1716 = arith.addf %mul3A_1687, %mul3A_1691 : vector<16xf32>
        %add3A_1717 = arith.addf %mul3A_1695, %mul3A_1699 : vector<16xf32>
        %add3A_1718 = arith.addf %mul3A_1703, %mul3A_1707 : vector<16xf32>
        %add3A_1719 = arith.addf %mul3A_1711, %mul3A_1715 : vector<16xf32>
        %add3A_1720 = arith.addf %add3A_1716, %add3A_1717 : vector<16xf32>
        %add3A_1721 = arith.addf %add3A_1718, %add3A_1719 : vector<16xf32>
        %add3A_1722 = arith.addf %add3A_1720, %add3A_1721 : vector<16xf32>
        %eq3A_1723 = arith.constant 12 : i32
        %eq3A_1724 = vector.broadcast %eq3A_1723 : i32 to vector<16xi32>
        %eq3A_1725 = arith.cmpi eq, %iota3A, %eq3A_1724 : vector<16xi32>
        %reduce_sum3A_1726 = arith.constant true
        %reduce_sum3A_1727 = vector.broadcast %reduce_sum3A_1726 : i1 to vector<16xi1>
        %reduce_sum3A_1728 = tpu.scan <sum>, %add3A_1722 masked %reduce_sum3A_1727 : vector<16xf32>, vector<16xi1> -> vector<16xf32>
        %reduce_sum3A_1729 = vector.extract %reduce_sum3A_1728[15] : f32 from vector<16xf32>
        %broadcast_in_dim3A_1730 = vector.broadcast %reduce_sum3A_1729 : f32 to vector<16xf32>
        %select_n3A_1731 = arith.select %eq3A_1725, %broadcast_in_dim3A_1730, %select_n3A_1681 : vector<16xi1>, vector<16xf32>
        %add3A_1732 = arith.constant 13 : i32
        %add3A_1733 = arith.addi %add3A_1081, %add3A_1732 : i32
        %get3A_1734 = arith.index_cast %add3A_1733 : i32 to index
        %get3A_1735 = arith.constant 0 : index
        %get3A_1736 = tpu.vector_load %arg8[%get3A_1734, %get3A_1735] {strides = array<i32>} : memref<800x128xf32, #tpu.memory_space<vmem>>, vector<16xf32>,
        %mul3A_1737 = arith.mulf %get3A_1736, %get3A_66 : vector<16xf32>
        %get3A_1738 = arith.index_cast %add3A_1733 : i32 to index
        %get3A_1739 = arith.constant 16 : index
        %get3A_1740 = tpu.vector_load %arg8[%get3A_1738, %get3A_1739] {strides = array<i32>} : memref<800x128xf32, #tpu.memory_space<vmem>>, vector<16xf32>,
        %mul3A_1741 = arith.mulf %get3A_1740, %get3A_68 : vector<16xf32>
        %get3A_1742 = arith.index_cast %add3A_1733 : i32 to index
        %get3A_1743 = arith.constant 32 : index
        %get3A_1744 = tpu.vector_load %arg8[%get3A_1742, %get3A_1743] {strides = array<i32>} : memref<800x128xf32, #tpu.memory_space<vmem>>, vector<16xf32>,
        %mul3A_1745 = arith.mulf %get3A_1744, %get3A_70 : vector<16xf32>
        %get3A_1746 = arith.index_cast %add3A_1733 : i32 to index
        %get3A_1747 = arith.constant 48 : index
        %get3A_1748 = tpu.vector_load %arg8[%get3A_1746, %get3A_1747] {strides = array<i32>} : memref<800x128xf32, #tpu.memory_space<vmem>>, vector<16xf32>,
        %mul3A_1749 = arith.mulf %get3A_1748, %get3A_72 : vector<16xf32>
        %get3A_1750 = arith.index_cast %add3A_1733 : i32 to index
        %get3A_1751 = arith.constant 64 : index
        %get3A_1752 = tpu.vector_load %arg8[%get3A_1750, %get3A_1751] {strides = array<i32>} : memref<800x128xf32, #tpu.memory_space<vmem>>, vector<16xf32>,
        %mul3A_1753 = arith.mulf %get3A_1752, %get3A_74 : vector<16xf32>
        %get3A_1754 = arith.index_cast %add3A_1733 : i32 to index
        %get3A_1755 = arith.constant 80 : index
        %get3A_1756 = tpu.vector_load %arg8[%get3A_1754, %get3A_1755] {strides = array<i32>} : memref<800x128xf32, #tpu.memory_space<vmem>>, vector<16xf32>,
        %mul3A_1757 = arith.mulf %get3A_1756, %get3A_76 : vector<16xf32>
        %get3A_1758 = arith.index_cast %add3A_1733 : i32 to index
        %get3A_1759 = arith.constant 96 : index
        %get3A_1760 = tpu.vector_load %arg8[%get3A_1758, %get3A_1759] {strides = array<i32>} : memref<800x128xf32, #tpu.memory_space<vmem>>, vector<16xf32>,
        %mul3A_1761 = arith.mulf %get3A_1760, %get3A_78 : vector<16xf32>
        %get3A_1762 = arith.index_cast %add3A_1733 : i32 to index
        %get3A_1763 = arith.constant 112 : index
        %get3A_1764 = tpu.vector_load %arg8[%get3A_1762, %get3A_1763] {strides = array<i32>} : memref<800x128xf32, #tpu.memory_space<vmem>>, vector<16xf32>,
        %mul3A_1765 = arith.mulf %get3A_1764, %get3A_80 : vector<16xf32>
        %add3A_1766 = arith.addf %mul3A_1737, %mul3A_1741 : vector<16xf32>
        %add3A_1767 = arith.addf %mul3A_1745, %mul3A_1749 : vector<16xf32>
        %add3A_1768 = arith.addf %mul3A_1753, %mul3A_1757 : vector<16xf32>
        %add3A_1769 = arith.addf %mul3A_1761, %mul3A_1765 : vector<16xf32>
        %add3A_1770 = arith.addf %add3A_1766, %add3A_1767 : vector<16xf32>
        %add3A_1771 = arith.addf %add3A_1768, %add3A_1769 : vector<16xf32>
        %add3A_1772 = arith.addf %add3A_1770, %add3A_1771 : vector<16xf32>
        %eq3A_1773 = arith.constant 13 : i32
        %eq3A_1774 = vector.broadcast %eq3A_1773 : i32 to vector<16xi32>
        %eq3A_1775 = arith.cmpi eq, %iota3A, %eq3A_1774 : vector<16xi32>
        %reduce_sum3A_1776 = arith.constant true
        %reduce_sum3A_1777 = vector.broadcast %reduce_sum3A_1776 : i1 to vector<16xi1>
        %reduce_sum3A_1778 = tpu.scan <sum>, %add3A_1772 masked %reduce_sum3A_1777 : vector<16xf32>, vector<16xi1> -> vector<16xf32>
        %reduce_sum3A_1779 = vector.extract %reduce_sum3A_1778[15] : f32 from vector<16xf32>
        %broadcast_in_dim3A_1780 = vector.broadcast %reduce_sum3A_1779 : f32 to vector<16xf32>
        %select_n3A_1781 = arith.select %eq3A_1775, %broadcast_in_dim3A_1780, %select_n3A_1731 : vector<16xi1>, vector<16xf32>
        %add3A_1782 = arith.constant 14 : i32
        %add3A_1783 = arith.addi %add3A_1081, %add3A_1782 : i32
        %get3A_1784 = arith.index_cast %add3A_1783 : i32 to index
        %get3A_1785 = arith.constant 0 : index
        %get3A_1786 = tpu.vector_load %arg8[%get3A_1784, %get3A_1785] {strides = array<i32>} : memref<800x128xf32, #tpu.memory_space<vmem>>, vector<16xf32>,
        %mul3A_1787 = arith.mulf %get3A_1786, %get3A_66 : vector<16xf32>
        %get3A_1788 = arith.index_cast %add3A_1783 : i32 to index
        %get3A_1789 = arith.constant 16 : index
        %get3A_1790 = tpu.vector_load %arg8[%get3A_1788, %get3A_1789] {strides = array<i32>} : memref<800x128xf32, #tpu.memory_space<vmem>>, vector<16xf32>,
        %mul3A_1791 = arith.mulf %get3A_1790, %get3A_68 : vector<16xf32>
        %get3A_1792 = arith.index_cast %add3A_1783 : i32 to index
        %get3A_1793 = arith.constant 32 : index
        %get3A_1794 = tpu.vector_load %arg8[%get3A_1792, %get3A_1793] {strides = array<i32>} : memref<800x128xf32, #tpu.memory_space<vmem>>, vector<16xf32>,
        %mul3A_1795 = arith.mulf %get3A_1794, %get3A_70 : vector<16xf32>
        %get3A_1796 = arith.index_cast %add3A_1783 : i32 to index
        %get3A_1797 = arith.constant 48 : index
        %get3A_1798 = tpu.vector_load %arg8[%get3A_1796, %get3A_1797] {strides = array<i32>} : memref<800x128xf32, #tpu.memory_space<vmem>>, vector<16xf32>,
        %mul3A_1799 = arith.mulf %get3A_1798, %get3A_72 : vector<16xf32>
        %get3A_1800 = arith.index_cast %add3A_1783 : i32 to index
        %get3A_1801 = arith.constant 64 : index
        %get3A_1802 = tpu.vector_load %arg8[%get3A_1800, %get3A_1801] {strides = array<i32>} : memref<800x128xf32, #tpu.memory_space<vmem>>, vector<16xf32>,
        %mul3A_1803 = arith.mulf %get3A_1802, %get3A_74 : vector<16xf32>
        %get3A_1804 = arith.index_cast %add3A_1783 : i32 to index
        %get3A_1805 = arith.constant 80 : index
        %get3A_1806 = tpu.vector_load %arg8[%get3A_1804, %get3A_1805] {strides = array<i32>} : memref<800x128xf32, #tpu.memory_space<vmem>>, vector<16xf32>,
        %mul3A_1807 = arith.mulf %get3A_1806, %get3A_76 : vector<16xf32>
        %get3A_1808 = arith.index_cast %add3A_1783 : i32 to index
        %get3A_1809 = arith.constant 96 : index
        %get3A_1810 = tpu.vector_load %arg8[%get3A_1808, %get3A_1809] {strides = array<i32>} : memref<800x128xf32, #tpu.memory_space<vmem>>, vector<16xf32>,
        %mul3A_1811 = arith.mulf %get3A_1810, %get3A_78 : vector<16xf32>
        %get3A_1812 = arith.index_cast %add3A_1783 : i32 to index
        %get3A_1813 = arith.constant 112 : index
        %get3A_1814 = tpu.vector_load %arg8[%get3A_1812, %get3A_1813] {strides = array<i32>} : memref<800x128xf32, #tpu.memory_space<vmem>>, vector<16xf32>,
        %mul3A_1815 = arith.mulf %get3A_1814, %get3A_80 : vector<16xf32>
        %add3A_1816 = arith.addf %mul3A_1787, %mul3A_1791 : vector<16xf32>
        %add3A_1817 = arith.addf %mul3A_1795, %mul3A_1799 : vector<16xf32>
        %add3A_1818 = arith.addf %mul3A_1803, %mul3A_1807 : vector<16xf32>
        %add3A_1819 = arith.addf %mul3A_1811, %mul3A_1815 : vector<16xf32>
        %add3A_1820 = arith.addf %add3A_1816, %add3A_1817 : vector<16xf32>
        %add3A_1821 = arith.addf %add3A_1818, %add3A_1819 : vector<16xf32>
        %add3A_1822 = arith.addf %add3A_1820, %add3A_1821 : vector<16xf32>
        %eq3A_1823 = arith.constant 14 : i32
        %eq3A_1824 = vector.broadcast %eq3A_1823 : i32 to vector<16xi32>
        %eq3A_1825 = arith.cmpi eq, %iota3A, %eq3A_1824 : vector<16xi32>
        %reduce_sum3A_1826 = arith.constant true
        %reduce_sum3A_1827 = vector.broadcast %reduce_sum3A_1826 : i1 to vector<16xi1>
        %reduce_sum3A_1828 = tpu.scan <sum>, %add3A_1822 masked %reduce_sum3A_1827 : vector<16xf32>, vector<16xi1> -> vector<16xf32>
        %reduce_sum3A_1829 = vector.extract %reduce_sum3A_1828[15] : f32 from vector<16xf32>
        %broadcast_in_dim3A_1830 = vector.broadcast %reduce_sum3A_1829 : f32 to vector<16xf32>
        %select_n3A_1831 = arith.select %eq3A_1825, %broadcast_in_dim3A_1830, %select_n3A_1781 : vector<16xi1>, vector<16xf32>
        %add3A_1832 = arith.constant 15 : i32
        %add3A_1833 = arith.addi %add3A_1081, %add3A_1832 : i32
        %get3A_1834 = arith.index_cast %add3A_1833 : i32 to index
        %get3A_1835 = arith.constant 0 : index
        %get3A_1836 = tpu.vector_load %arg8[%get3A_1834, %get3A_1835] {strides = array<i32>} : memref<800x128xf32, #tpu.memory_space<vmem>>, vector<16xf32>,
        %mul3A_1837 = arith.mulf %get3A_1836, %get3A_66 : vector<16xf32>
        %get3A_1838 = arith.index_cast %add3A_1833 : i32 to index
        %get3A_1839 = arith.constant 16 : index
        %get3A_1840 = tpu.vector_load %arg8[%get3A_1838, %get3A_1839] {strides = array<i32>} : memref<800x128xf32, #tpu.memory_space<vmem>>, vector<16xf32>,
        %mul3A_1841 = arith.mulf %get3A_1840, %get3A_68 : vector<16xf32>
        %get3A_1842 = arith.index_cast %add3A_1833 : i32 to index
        %get3A_1843 = arith.constant 32 : index
        %get3A_1844 = tpu.vector_load %arg8[%get3A_1842, %get3A_1843] {strides = array<i32>} : memref<800x128xf32, #tpu.memory_space<vmem>>, vector<16xf32>,
        %mul3A_1845 = arith.mulf %get3A_1844, %get3A_70 : vector<16xf32>
        %get3A_1846 = arith.index_cast %add3A_1833 : i32 to index
        %get3A_1847 = arith.constant 48 : index
        %get3A_1848 = tpu.vector_load %arg8[%get3A_1846, %get3A_1847] {strides = array<i32>} : memref<800x128xf32, #tpu.memory_space<vmem>>, vector<16xf32>,
        %mul3A_1849 = arith.mulf %get3A_1848, %get3A_72 : vector<16xf32>
        %get3A_1850 = arith.index_cast %add3A_1833 : i32 to index
        %get3A_1851 = arith.constant 64 : index
        %get3A_1852 = tpu.vector_load %arg8[%get3A_1850, %get3A_1851] {strides = array<i32>} : memref<800x128xf32, #tpu.memory_space<vmem>>, vector<16xf32>,
        %mul3A_1853 = arith.mulf %get3A_1852, %get3A_74 : vector<16xf32>
        %get3A_1854 = arith.index_cast %add3A_1833 : i32 to index
        %get3A_1855 = arith.constant 80 : index
        %get3A_1856 = tpu.vector_load %arg8[%get3A_1854, %get3A_1855] {strides = array<i32>} : memref<800x128xf32, #tpu.memory_space<vmem>>, vector<16xf32>,
        %mul3A_1857 = arith.mulf %get3A_1856, %get3A_76 : vector<16xf32>
        %get3A_1858 = arith.index_cast %add3A_1833 : i32 to index
        %get3A_1859 = arith.constant 96 : index
        %get3A_1860 = tpu.vector_load %arg8[%get3A_1858, %get3A_1859] {strides = array<i32>} : memref<800x128xf32, #tpu.memory_space<vmem>>, vector<16xf32>,
        %mul3A_1861 = arith.mulf %get3A_1860, %get3A_78 : vector<16xf32>
        %get3A_1862 = arith.index_cast %add3A_1833 : i32 to index
        %get3A_1863 = arith.constant 112 : index
        %get3A_1864 = tpu.vector_load %arg8[%get3A_1862, %get3A_1863] {strides = array<i32>} : memref<800x128xf32, #tpu.memory_space<vmem>>, vector<16xf32>,
        %mul3A_1865 = arith.mulf %get3A_1864, %get3A_80 : vector<16xf32>
        %add3A_1866 = arith.addf %mul3A_1837, %mul3A_1841 : vector<16xf32>
        %add3A_1867 = arith.addf %mul3A_1845, %mul3A_1849 : vector<16xf32>
        %add3A_1868 = arith.addf %mul3A_1853, %mul3A_1857 : vector<16xf32>
        %add3A_1869 = arith.addf %mul3A_1861, %mul3A_1865 : vector<16xf32>
        %add3A_1870 = arith.addf %add3A_1866, %add3A_1867 : vector<16xf32>
        %add3A_1871 = arith.addf %add3A_1868, %add3A_1869 : vector<16xf32>
        %add3A_1872 = arith.addf %add3A_1870, %add3A_1871 : vector<16xf32>
        %eq3A_1873 = arith.constant 15 : i32
        %eq3A_1874 = vector.broadcast %eq3A_1873 : i32 to vector<16xi32>
        %eq3A_1875 = arith.cmpi eq, %iota3A, %eq3A_1874 : vector<16xi32>
        %reduce_sum3A_1876 = arith.constant true
        %reduce_sum3A_1877 = vector.broadcast %reduce_sum3A_1876 : i1 to vector<16xi1>
        %reduce_sum3A_1878 = tpu.scan <sum>, %add3A_1872 masked %reduce_sum3A_1877 : vector<16xf32>, vector<16xi1> -> vector<16xf32>
        %reduce_sum3A_1879 = vector.extract %reduce_sum3A_1878[15] : f32 from vector<16xf32>
        %broadcast_in_dim3A_1880 = vector.broadcast %reduce_sum3A_1879 : f32 to vector<16xf32>
        %select_n3A_1881 = arith.select %eq3A_1875, %broadcast_in_dim3A_1880, %select_n3A_1831 : vector<16xi1>, vector<16xf32>
        %add3A_1882 = arith.addf %select_n3A_1881, %get3A_82 : vector<16xf32>
        %mul3A_1883 = arith.constant 16 : i32
        %mul3A_1884 = arith.muli %scan3A_1076, %mul3A_1883 : i32
        %multiple_of3A_1885 = tpu.assume_multiple %mul3A_1884, 16 : i32
        %swap3A_1886 = arith.index_cast %rem3A_124 : i32 to index
        %swap3A_1887 = arith.index_cast %multiple_of3A_1885 : i32 to index
        %swap3A_1888 = tpu.vector_load %arg10[%swap3A_1886, %swap3A_1887] {strides = array<i32>} : memref<2x400xf32, #tpu.memory_space<vmem>>, vector<16xf32>,
        tpu.vector_store %arg10[%swap3A_1886, %swap3A_1887], %add3A_1882 {strides = array<i32>} : memref<2x400xf32, #tpu.memory_space<vmem>>, vector<16xf32>,
        %mul3A_1889 = arith.constant 16 : i32
        %mul3A_1890 = arith.muli %scan3A_1076, %mul3A_1889 : i32
        %multiple_of3A_1891 = tpu.assume_multiple %mul3A_1890, 16 : i32
        %get3A_1892 = arith.index_cast %rem3A_124 : i32 to index
        %get3A_1893 = arith.index_cast %multiple_of3A_1891 : i32 to index
        %get3A_1894 = tpu.vector_load %arg9[%get3A_1892, %get3A_1893] {strides = array<i32>} : memref<2x400xi32, #tpu.memory_space<vmem>>, vector<16xi32>,
        %sub3A_1895 = arith.constant 1 : i32
        %sub3A_1896 = vector.broadcast %sub3A_1895 : i32 to vector<16xi32>
        %sub3A_1897 = arith.subi %iota3A, %sub3A_1896 : vector<16xi32>
        %max3A_1898 = arith.constant 0 : i32
        %max3A_1899 = vector.broadcast %max3A_1898 : i32 to vector<16xi32>
        %max3A_1900 = arith.maxsi %sub3A_1897, %max3A_1899 : vector<16xi32>
        %reshape3A_1901 = vector.shape_cast %max3A_1900 : vector<16xi32> to vector<16x1xi32>
        %gather3A_1902 = vector.shape_cast %reshape3A_1901 : vector<16x1xi32> to vector<16xi32>
        %gather3A_1903 = tpu.dynamic_gather %add3A_1882[%gather3A_1902] in [0] : vector<16xf32>, vector<16xi32> -> vector<16xf32>
        %reshape3A_1904 = vector.shape_cast %max3A_1900 : vector<16xi32> to vector<16x1xi32>
        %gather3A_1905 = vector.shape_cast %reshape3A_1904 : vector<16x1xi32> to vector<16xi32>
        %gather3A_1906 = tpu.dynamic_gather %get3A_1894[%gather3A_1905] in [0] : vector<16xi32>, vector<16xi32> -> vector<16xi32>
        %eq3A_1907 = arith.cmpi eq, %gather3A_1906, %get3A_1894 : vector<16xi32>
        %ge3A_1908 = arith.constant 1 : i32
        %ge3A_1909 = vector.broadcast %ge3A_1908 : i32 to vector<16xi32>
        %ge3A_1910 = arith.cmpi sge, %iota3A, %ge3A_1909 : vector<16xi32>
        %and3A_1911 = arith.andi %eq3A_1907, %ge3A_1910 : vector<16xi1>
        %max3A_1912 = arith.maximumf %add3A_1882, %gather3A_1903 : vector<16xf32>
        %select_n3A_1913 = arith.select %and3A_1911, %max3A_1912, %add3A_1882 : vector<16xi1>, vector<16xf32>
        %sub3A_1914 = arith.constant 2 : i32
        %sub3A_1915 = vector.broadcast %sub3A_1914 : i32 to vector<16xi32>
        %sub3A_1916 = arith.subi %iota3A, %sub3A_1915 : vector<16xi32>
        %max3A_1917 = arith.constant 0 : i32
        %max3A_1918 = vector.broadcast %max3A_1917 : i32 to vector<16xi32>
        %max3A_1919 = arith.maxsi %sub3A_1916, %max3A_1918 : vector<16xi32>
        %reshape3A_1920 = vector.shape_cast %max3A_1919 : vector<16xi32> to vector<16x1xi32>
        %gather3A_1921 = vector.shape_cast %reshape3A_1920 : vector<16x1xi32> to vector<16xi32>
        %gather3A_1922 = tpu.dynamic_gather %select_n3A_1913[%gather3A_1921] in [0] : vector<16xf32>, vector<16xi32> -> vector<16xf32>
        %reshape3A_1923 = vector.shape_cast %max3A_1919 : vector<16xi32> to vector<16x1xi32>
        %gather3A_1924 = vector.shape_cast %reshape3A_1923 : vector<16x1xi32> to vector<16xi32>
        %gather3A_1925 = tpu.dynamic_gather %get3A_1894[%gather3A_1924] in [0] : vector<16xi32>, vector<16xi32> -> vector<16xi32>
        %eq3A_1926 = arith.cmpi eq, %gather3A_1925, %get3A_1894 : vector<16xi32>
        %ge3A_1927 = arith.constant 2 : i32
        %ge3A_1928 = vector.broadcast %ge3A_1927 : i32 to vector<16xi32>
        %ge3A_1929 = arith.cmpi sge, %iota3A, %ge3A_1928 : vector<16xi32>
        %and3A_1930 = arith.andi %eq3A_1926, %ge3A_1929 : vector<16xi1>
        %max3A_1931 = arith.maximumf %select_n3A_1913, %gather3A_1922 : vector<16xf32>
        %select_n3A_1932 = arith.select %and3A_1930, %max3A_1931, %select_n3A_1913 : vector<16xi1>, vector<16xf32>
        %sub3A_1933 = arith.constant 4 : i32
        %sub3A_1934 = vector.broadcast %sub3A_1933 : i32 to vector<16xi32>
        %sub3A_1935 = arith.subi %iota3A, %sub3A_1934 : vector<16xi32>
        %max3A_1936 = arith.constant 0 : i32
        %max3A_1937 = vector.broadcast %max3A_1936 : i32 to vector<16xi32>
        %max3A_1938 = arith.maxsi %sub3A_1935, %max3A_1937 : vector<16xi32>
        %reshape3A_1939 = vector.shape_cast %max3A_1938 : vector<16xi32> to vector<16x1xi32>
        %gather3A_1940 = vector.shape_cast %reshape3A_1939 : vector<16x1xi32> to vector<16xi32>
        %gather3A_1941 = tpu.dynamic_gather %select_n3A_1932[%gather3A_1940] in [0] : vector<16xf32>, vector<16xi32> -> vector<16xf32>
        %reshape3A_1942 = vector.shape_cast %max3A_1938 : vector<16xi32> to vector<16x1xi32>
        %gather3A_1943 = vector.shape_cast %reshape3A_1942 : vector<16x1xi32> to vector<16xi32>
        %gather3A_1944 = tpu.dynamic_gather %get3A_1894[%gather3A_1943] in [0] : vector<16xi32>, vector<16xi32> -> vector<16xi32>
        %eq3A_1945 = arith.cmpi eq, %gather3A_1944, %get3A_1894 : vector<16xi32>
        %ge3A_1946 = arith.constant 4 : i32
        %ge3A_1947 = vector.broadcast %ge3A_1946 : i32 to vector<16xi32>
        %ge3A_1948 = arith.cmpi sge, %iota3A, %ge3A_1947 : vector<16xi32>
        %and3A_1949 = arith.andi %eq3A_1945, %ge3A_1948 : vector<16xi1>
        %max3A_1950 = arith.maximumf %select_n3A_1932, %gather3A_1941 : vector<16xf32>
        %select_n3A_1951 = arith.select %and3A_1949, %max3A_1950, %select_n3A_1932 : vector<16xi1>, vector<16xf32>
        %sub3A_1952 = arith.constant 8 : i32
        %sub3A_1953 = vector.broadcast %sub3A_1952 : i32 to vector<16xi32>
        %sub3A_1954 = arith.subi %iota3A, %sub3A_1953 : vector<16xi32>
        %max3A_1955 = arith.constant 0 : i32
        %max3A_1956 = vector.broadcast %max3A_1955 : i32 to vector<16xi32>
        %max3A_1957 = arith.maxsi %sub3A_1954, %max3A_1956 : vector<16xi32>
        %reshape3A_1958 = vector.shape_cast %max3A_1957 : vector<16xi32> to vector<16x1xi32>
        %gather3A_1959 = vector.shape_cast %reshape3A_1958 : vector<16x1xi32> to vector<16xi32>
        %gather3A_1960 = tpu.dynamic_gather %select_n3A_1951[%gather3A_1959] in [0] : vector<16xf32>, vector<16xi32> -> vector<16xf32>
        %reshape3A_1961 = vector.shape_cast %max3A_1957 : vector<16xi32> to vector<16x1xi32>
        %gather3A_1962 = vector.shape_cast %reshape3A_1961 : vector<16x1xi32> to vector<16xi32>
        %gather3A_1963 = tpu.dynamic_gather %get3A_1894[%gather3A_1962] in [0] : vector<16xi32>, vector<16xi32> -> vector<16xi32>
        %eq3A_1964 = arith.cmpi eq, %gather3A_1963, %get3A_1894 : vector<16xi32>
        %ge3A_1965 = arith.constant 8 : i32
        %ge3A_1966 = vector.broadcast %ge3A_1965 : i32 to vector<16xi32>
        %ge3A_1967 = arith.cmpi sge, %iota3A, %ge3A_1966 : vector<16xi32>
        %and3A_1968 = arith.andi %eq3A_1964, %ge3A_1967 : vector<16xi1>
        %max3A_1969 = arith.maximumf %select_n3A_1951, %gather3A_1960 : vector<16xf32>
        %select_n3A_1970 = arith.select %and3A_1968, %max3A_1969, %select_n3A_1951 : vector<16xi1>, vector<16xf32>
        %reshape3A_1971 = vector.shape_cast %min3A_89 : vector<16xi32> to vector<16x1xi32>
        %gather3A_1972 = vector.shape_cast %reshape3A_1971 : vector<16x1xi32> to vector<16xi32>
        %gather3A_1973 = tpu.dynamic_gather %get3A_1894[%gather3A_1972] in [0] : vector<16xi32>, vector<16xi32> -> vector<16xi32>
        %ne3A_1974 = arith.cmpi ne, %gather3A_1973, %get3A_1894 : vector<16xi32>
        %or3A_1975 = arith.ori %ne3A_1974, %eq3A_84 : vector<16xi1>
        %gather3A_1976 = tpu.vector_load_idx %arg11[%get3A_1894] masked %or3A_1975 : memref<10240xf32, #tpu.memory_space<vmem>>[vector<16xi32>], vector<16xf32>, vector<16xi1>
        %max3A_1977 = arith.maximumf %gather3A_1976, %select_n3A_1970 : vector<16xf32>
        tpu.vector_store_idx %arg11[%get3A_1894], %max3A_1977 masked %or3A_1975 : memref<10240xf32, #tpu.memory_space<vmem>>[vector<16xi32>], vector<16xf32>, vector<16xi1>
        %scan3A_1978 = arith.constant 1 : i32
        %scan3A_1979 = arith.addi %scan3A_1076, %scan3A_1978 : i32
        %mul3A_1980 = arith.constant 400 : i32
        %mul3A_1981 = arith.muli %rem3A_124, %mul3A_1980 : i32
        %mul3A_1982 = arith.constant 16 : i32
        %mul3A_1983 = arith.muli %scan3A_1979, %mul3A_1982 : i32
        %add3A_1984 = arith.addi %mul3A_1981, %mul3A_1983 : i32
        %add3A_1985 = arith.constant 0 : i32
        %add3A_1986 = arith.addi %add3A_1984, %add3A_1985 : i32
        %get3A_1987 = arith.index_cast %add3A_1986 : i32 to index
        %get3A_1988 = arith.constant 0 : index
        %get3A_1989 = tpu.vector_load %arg8[%get3A_1987, %get3A_1988] {strides = array<i32>} : memref<800x128xf32, #tpu.memory_space<vmem>>, vector<16xf32>,
        %mul3A_1990 = arith.mulf %get3A_1989, %get3A_66 : vector<16xf32>
        %get3A_1991 = arith.index_cast %add3A_1986 : i32 to index
        %get3A_1992 = arith.constant 16 : index
        %get3A_1993 = tpu.vector_load %arg8[%get3A_1991, %get3A_1992] {strides = array<i32>} : memref<800x128xf32, #tpu.memory_space<vmem>>, vector<16xf32>,
        %mul3A_1994 = arith.mulf %get3A_1993, %get3A_68 : vector<16xf32>
        %get3A_1995 = arith.index_cast %add3A_1986 : i32 to index
        %get3A_1996 = arith.constant 32 : index
        %get3A_1997 = tpu.vector_load %arg8[%get3A_1995, %get3A_1996] {strides = array<i32>} : memref<800x128xf32, #tpu.memory_space<vmem>>, vector<16xf32>,
        %mul3A_1998 = arith.mulf %get3A_1997, %get3A_70 : vector<16xf32>
        %get3A_1999 = arith.index_cast %add3A_1986 : i32 to index
        %get3A_2000 = arith.constant 48 : index
        %get3A_2001 = tpu.vector_load %arg8[%get3A_1999, %get3A_2000] {strides = array<i32>} : memref<800x128xf32, #tpu.memory_space<vmem>>, vector<16xf32>,
        %mul3A_2002 = arith.mulf %get3A_2001, %get3A_72 : vector<16xf32>
        %get3A_2003 = arith.index_cast %add3A_1986 : i32 to index
        %get3A_2004 = arith.constant 64 : index
        %get3A_2005 = tpu.vector_load %arg8[%get3A_2003, %get3A_2004] {strides = array<i32>} : memref<800x128xf32, #tpu.memory_space<vmem>>, vector<16xf32>,
        %mul3A_2006 = arith.mulf %get3A_2005, %get3A_74 : vector<16xf32>
        %get3A_2007 = arith.index_cast %add3A_1986 : i32 to index
        %get3A_2008 = arith.constant 80 : index
        %get3A_2009 = tpu.vector_load %arg8[%get3A_2007, %get3A_2008] {strides = array<i32>} : memref<800x128xf32, #tpu.memory_space<vmem>>, vector<16xf32>,
        %mul3A_2010 = arith.mulf %get3A_2009, %get3A_76 : vector<16xf32>
        %get3A_2011 = arith.index_cast %add3A_1986 : i32 to index
        %get3A_2012 = arith.constant 96 : index
        %get3A_2013 = tpu.vector_load %arg8[%get3A_2011, %get3A_2012] {strides = array<i32>} : memref<800x128xf32, #tpu.memory_space<vmem>>, vector<16xf32>,
        %mul3A_2014 = arith.mulf %get3A_2013, %get3A_78 : vector<16xf32>
        %get3A_2015 = arith.index_cast %add3A_1986 : i32 to index
        %get3A_2016 = arith.constant 112 : index
        %get3A_2017 = tpu.vector_load %arg8[%get3A_2015, %get3A_2016] {strides = array<i32>} : memref<800x128xf32, #tpu.memory_space<vmem>>, vector<16xf32>,
        %mul3A_2018 = arith.mulf %get3A_2017, %get3A_80 : vector<16xf32>
        %add3A_2019 = arith.addf %mul3A_1990, %mul3A_1994 : vector<16xf32>
        %add3A_2020 = arith.addf %mul3A_1998, %mul3A_2002 : vector<16xf32>
        %add3A_2021 = arith.addf %mul3A_2006, %mul3A_2010 : vector<16xf32>
        %add3A_2022 = arith.addf %mul3A_2014, %mul3A_2018 : vector<16xf32>
        %add3A_2023 = arith.addf %add3A_2019, %add3A_2020 : vector<16xf32>
        %add3A_2024 = arith.addf %add3A_2021, %add3A_2022 : vector<16xf32>
        %add3A_2025 = arith.addf %add3A_2023, %add3A_2024 : vector<16xf32>
        %eq3A_2026 = arith.constant 0 : i32
        %eq3A_2027 = vector.broadcast %eq3A_2026 : i32 to vector<16xi32>
        %eq3A_2028 = arith.cmpi eq, %iota3A, %eq3A_2027 : vector<16xi32>
        %reduce_sum3A_2029 = arith.constant true
        %reduce_sum3A_2030 = vector.broadcast %reduce_sum3A_2029 : i1 to vector<16xi1>
        %reduce_sum3A_2031 = tpu.scan <sum>, %add3A_2025 masked %reduce_sum3A_2030 : vector<16xf32>, vector<16xi1> -> vector<16xf32>
        %reduce_sum3A_2032 = vector.extract %reduce_sum3A_2031[15] : f32 from vector<16xf32>
        %broadcast_in_dim3A_2033 = vector.broadcast %reduce_sum3A_2032 : f32 to vector<16xf32>
        %select_n3A_2034 = arith.select %eq3A_2028, %broadcast_in_dim3A_2033, %broadcast_in_dim3A_60 : vector<16xi1>, vector<16xf32>
        %add3A_2035 = arith.constant 1 : i32
        %add3A_2036 = arith.addi %add3A_1984, %add3A_2035 : i32
        %get3A_2037 = arith.index_cast %add3A_2036 : i32 to index
        %get3A_2038 = arith.constant 0 : index
        %get3A_2039 = tpu.vector_load %arg8[%get3A_2037, %get3A_2038] {strides = array<i32>} : memref<800x128xf32, #tpu.memory_space<vmem>>, vector<16xf32>,
        %mul3A_2040 = arith.mulf %get3A_2039, %get3A_66 : vector<16xf32>
        %get3A_2041 = arith.index_cast %add3A_2036 : i32 to index
        %get3A_2042 = arith.constant 16 : index
        %get3A_2043 = tpu.vector_load %arg8[%get3A_2041, %get3A_2042] {strides = array<i32>} : memref<800x128xf32, #tpu.memory_space<vmem>>, vector<16xf32>,
        %mul3A_2044 = arith.mulf %get3A_2043, %get3A_68 : vector<16xf32>
        %get3A_2045 = arith.index_cast %add3A_2036 : i32 to index
        %get3A_2046 = arith.constant 32 : index
        %get3A_2047 = tpu.vector_load %arg8[%get3A_2045, %get3A_2046] {strides = array<i32>} : memref<800x128xf32, #tpu.memory_space<vmem>>, vector<16xf32>,
        %mul3A_2048 = arith.mulf %get3A_2047, %get3A_70 : vector<16xf32>
        %get3A_2049 = arith.index_cast %add3A_2036 : i32 to index
        %get3A_2050 = arith.constant 48 : index
        %get3A_2051 = tpu.vector_load %arg8[%get3A_2049, %get3A_2050] {strides = array<i32>} : memref<800x128xf32, #tpu.memory_space<vmem>>, vector<16xf32>,
        %mul3A_2052 = arith.mulf %get3A_2051, %get3A_72 : vector<16xf32>
        %get3A_2053 = arith.index_cast %add3A_2036 : i32 to index
        %get3A_2054 = arith.constant 64 : index
        %get3A_2055 = tpu.vector_load %arg8[%get3A_2053, %get3A_2054] {strides = array<i32>} : memref<800x128xf32, #tpu.memory_space<vmem>>, vector<16xf32>,
        %mul3A_2056 = arith.mulf %get3A_2055, %get3A_74 : vector<16xf32>
        %get3A_2057 = arith.index_cast %add3A_2036 : i32 to index
        %get3A_2058 = arith.constant 80 : index
        %get3A_2059 = tpu.vector_load %arg8[%get3A_2057, %get3A_2058] {strides = array<i32>} : memref<800x128xf32, #tpu.memory_space<vmem>>, vector<16xf32>,
        %mul3A_2060 = arith.mulf %get3A_2059, %get3A_76 : vector<16xf32>
        %get3A_2061 = arith.index_cast %add3A_2036 : i32 to index
        %get3A_2062 = arith.constant 96 : index
        %get3A_2063 = tpu.vector_load %arg8[%get3A_2061, %get3A_2062] {strides = array<i32>} : memref<800x128xf32, #tpu.memory_space<vmem>>, vector<16xf32>,
        %mul3A_2064 = arith.mulf %get3A_2063, %get3A_78 : vector<16xf32>
        %get3A_2065 = arith.index_cast %add3A_2036 : i32 to index
        %get3A_2066 = arith.constant 112 : index
        %get3A_2067 = tpu.vector_load %arg8[%get3A_2065, %get3A_2066] {strides = array<i32>} : memref<800x128xf32, #tpu.memory_space<vmem>>, vector<16xf32>,
        %mul3A_2068 = arith.mulf %get3A_2067, %get3A_80 : vector<16xf32>
        %add3A_2069 = arith.addf %mul3A_2040, %mul3A_2044 : vector<16xf32>
        %add3A_2070 = arith.addf %mul3A_2048, %mul3A_2052 : vector<16xf32>
        %add3A_2071 = arith.addf %mul3A_2056, %mul3A_2060 : vector<16xf32>
        %add3A_2072 = arith.addf %mul3A_2064, %mul3A_2068 : vector<16xf32>
        %add3A_2073 = arith.addf %add3A_2069, %add3A_2070 : vector<16xf32>
        %add3A_2074 = arith.addf %add3A_2071, %add3A_2072 : vector<16xf32>
        %add3A_2075 = arith.addf %add3A_2073, %add3A_2074 : vector<16xf32>
        %eq3A_2076 = arith.constant 1 : i32
        %eq3A_2077 = vector.broadcast %eq3A_2076 : i32 to vector<16xi32>
        %eq3A_2078 = arith.cmpi eq, %iota3A, %eq3A_2077 : vector<16xi32>
        %reduce_sum3A_2079 = arith.constant true
        %reduce_sum3A_2080 = vector.broadcast %reduce_sum3A_2079 : i1 to vector<16xi1>
        %reduce_sum3A_2081 = tpu.scan <sum>, %add3A_2075 masked %reduce_sum3A_2080 : vector<16xf32>, vector<16xi1> -> vector<16xf32>
        %reduce_sum3A_2082 = vector.extract %reduce_sum3A_2081[15] : f32 from vector<16xf32>
        %broadcast_in_dim3A_2083 = vector.broadcast %reduce_sum3A_2082 : f32 to vector<16xf32>
        %select_n3A_2084 = arith.select %eq3A_2078, %broadcast_in_dim3A_2083, %select_n3A_2034 : vector<16xi1>, vector<16xf32>
        %add3A_2085 = arith.constant 2 : i32
        %add3A_2086 = arith.addi %add3A_1984, %add3A_2085 : i32
        %get3A_2087 = arith.index_cast %add3A_2086 : i32 to index
        %get3A_2088 = arith.constant 0 : index
        %get3A_2089 = tpu.vector_load %arg8[%get3A_2087, %get3A_2088] {strides = array<i32>} : memref<800x128xf32, #tpu.memory_space<vmem>>, vector<16xf32>,
        %mul3A_2090 = arith.mulf %get3A_2089, %get3A_66 : vector<16xf32>
        %get3A_2091 = arith.index_cast %add3A_2086 : i32 to index
        %get3A_2092 = arith.constant 16 : index
        %get3A_2093 = tpu.vector_load %arg8[%get3A_2091, %get3A_2092] {strides = array<i32>} : memref<800x128xf32, #tpu.memory_space<vmem>>, vector<16xf32>,
        %mul3A_2094 = arith.mulf %get3A_2093, %get3A_68 : vector<16xf32>
        %get3A_2095 = arith.index_cast %add3A_2086 : i32 to index
        %get3A_2096 = arith.constant 32 : index
        %get3A_2097 = tpu.vector_load %arg8[%get3A_2095, %get3A_2096] {strides = array<i32>} : memref<800x128xf32, #tpu.memory_space<vmem>>, vector<16xf32>,
        %mul3A_2098 = arith.mulf %get3A_2097, %get3A_70 : vector<16xf32>
        %get3A_2099 = arith.index_cast %add3A_2086 : i32 to index
        %get3A_2100 = arith.constant 48 : index
        %get3A_2101 = tpu.vector_load %arg8[%get3A_2099, %get3A_2100] {strides = array<i32>} : memref<800x128xf32, #tpu.memory_space<vmem>>, vector<16xf32>,
        %mul3A_2102 = arith.mulf %get3A_2101, %get3A_72 : vector<16xf32>
        %get3A_2103 = arith.index_cast %add3A_2086 : i32 to index
        %get3A_2104 = arith.constant 64 : index
        %get3A_2105 = tpu.vector_load %arg8[%get3A_2103, %get3A_2104] {strides = array<i32>} : memref<800x128xf32, #tpu.memory_space<vmem>>, vector<16xf32>,
        %mul3A_2106 = arith.mulf %get3A_2105, %get3A_74 : vector<16xf32>
        %get3A_2107 = arith.index_cast %add3A_2086 : i32 to index
        %get3A_2108 = arith.constant 80 : index
        %get3A_2109 = tpu.vector_load %arg8[%get3A_2107, %get3A_2108] {strides = array<i32>} : memref<800x128xf32, #tpu.memory_space<vmem>>, vector<16xf32>,
        %mul3A_2110 = arith.mulf %get3A_2109, %get3A_76 : vector<16xf32>
        %get3A_2111 = arith.index_cast %add3A_2086 : i32 to index
        %get3A_2112 = arith.constant 96 : index
        %get3A_2113 = tpu.vector_load %arg8[%get3A_2111, %get3A_2112] {strides = array<i32>} : memref<800x128xf32, #tpu.memory_space<vmem>>, vector<16xf32>,
        %mul3A_2114 = arith.mulf %get3A_2113, %get3A_78 : vector<16xf32>
        %get3A_2115 = arith.index_cast %add3A_2086 : i32 to index
        %get3A_2116 = arith.constant 112 : index
        %get3A_2117 = tpu.vector_load %arg8[%get3A_2115, %get3A_2116] {strides = array<i32>} : memref<800x128xf32, #tpu.memory_space<vmem>>, vector<16xf32>,
        %mul3A_2118 = arith.mulf %get3A_2117, %get3A_80 : vector<16xf32>
        %add3A_2119 = arith.addf %mul3A_2090, %mul3A_2094 : vector<16xf32>
        %add3A_2120 = arith.addf %mul3A_2098, %mul3A_2102 : vector<16xf32>
        %add3A_2121 = arith.addf %mul3A_2106, %mul3A_2110 : vector<16xf32>
        %add3A_2122 = arith.addf %mul3A_2114, %mul3A_2118 : vector<16xf32>
        %add3A_2123 = arith.addf %add3A_2119, %add3A_2120 : vector<16xf32>
        %add3A_2124 = arith.addf %add3A_2121, %add3A_2122 : vector<16xf32>
        %add3A_2125 = arith.addf %add3A_2123, %add3A_2124 : vector<16xf32>
        %eq3A_2126 = arith.constant 2 : i32
        %eq3A_2127 = vector.broadcast %eq3A_2126 : i32 to vector<16xi32>
        %eq3A_2128 = arith.cmpi eq, %iota3A, %eq3A_2127 : vector<16xi32>
        %reduce_sum3A_2129 = arith.constant true
        %reduce_sum3A_2130 = vector.broadcast %reduce_sum3A_2129 : i1 to vector<16xi1>
        %reduce_sum3A_2131 = tpu.scan <sum>, %add3A_2125 masked %reduce_sum3A_2130 : vector<16xf32>, vector<16xi1> -> vector<16xf32>
        %reduce_sum3A_2132 = vector.extract %reduce_sum3A_2131[15] : f32 from vector<16xf32>
        %broadcast_in_dim3A_2133 = vector.broadcast %reduce_sum3A_2132 : f32 to vector<16xf32>
        %select_n3A_2134 = arith.select %eq3A_2128, %broadcast_in_dim3A_2133, %select_n3A_2084 : vector<16xi1>, vector<16xf32>
        %add3A_2135 = arith.constant 3 : i32
        %add3A_2136 = arith.addi %add3A_1984, %add3A_2135 : i32
        %get3A_2137 = arith.index_cast %add3A_2136 : i32 to index
        %get3A_2138 = arith.constant 0 : index
        %get3A_2139 = tpu.vector_load %arg8[%get3A_2137, %get3A_2138] {strides = array<i32>} : memref<800x128xf32, #tpu.memory_space<vmem>>, vector<16xf32>,
        %mul3A_2140 = arith.mulf %get3A_2139, %get3A_66 : vector<16xf32>
        %get3A_2141 = arith.index_cast %add3A_2136 : i32 to index
        %get3A_2142 = arith.constant 16 : index
        %get3A_2143 = tpu.vector_load %arg8[%get3A_2141, %get3A_2142] {strides = array<i32>} : memref<800x128xf32, #tpu.memory_space<vmem>>, vector<16xf32>,
        %mul3A_2144 = arith.mulf %get3A_2143, %get3A_68 : vector<16xf32>
        %get3A_2145 = arith.index_cast %add3A_2136 : i32 to index
        %get3A_2146 = arith.constant 32 : index
        %get3A_2147 = tpu.vector_load %arg8[%get3A_2145, %get3A_2146] {strides = array<i32>} : memref<800x128xf32, #tpu.memory_space<vmem>>, vector<16xf32>,
        %mul3A_2148 = arith.mulf %get3A_2147, %get3A_70 : vector<16xf32>
        %get3A_2149 = arith.index_cast %add3A_2136 : i32 to index
        %get3A_2150 = arith.constant 48 : index
        %get3A_2151 = tpu.vector_load %arg8[%get3A_2149, %get3A_2150] {strides = array<i32>} : memref<800x128xf32, #tpu.memory_space<vmem>>, vector<16xf32>,
        %mul3A_2152 = arith.mulf %get3A_2151, %get3A_72 : vector<16xf32>
        %get3A_2153 = arith.index_cast %add3A_2136 : i32 to index
        %get3A_2154 = arith.constant 64 : index
        %get3A_2155 = tpu.vector_load %arg8[%get3A_2153, %get3A_2154] {strides = array<i32>} : memref<800x128xf32, #tpu.memory_space<vmem>>, vector<16xf32>,
        %mul3A_2156 = arith.mulf %get3A_2155, %get3A_74 : vector<16xf32>
        %get3A_2157 = arith.index_cast %add3A_2136 : i32 to index
        %get3A_2158 = arith.constant 80 : index
        %get3A_2159 = tpu.vector_load %arg8[%get3A_2157, %get3A_2158] {strides = array<i32>} : memref<800x128xf32, #tpu.memory_space<vmem>>, vector<16xf32>,
        %mul3A_2160 = arith.mulf %get3A_2159, %get3A_76 : vector<16xf32>
        %get3A_2161 = arith.index_cast %add3A_2136 : i32 to index
        %get3A_2162 = arith.constant 96 : index
        %get3A_2163 = tpu.vector_load %arg8[%get3A_2161, %get3A_2162] {strides = array<i32>} : memref<800x128xf32, #tpu.memory_space<vmem>>, vector<16xf32>,
        %mul3A_2164 = arith.mulf %get3A_2163, %get3A_78 : vector<16xf32>
        %get3A_2165 = arith.index_cast %add3A_2136 : i32 to index
        %get3A_2166 = arith.constant 112 : index
        %get3A_2167 = tpu.vector_load %arg8[%get3A_2165, %get3A_2166] {strides = array<i32>} : memref<800x128xf32, #tpu.memory_space<vmem>>, vector<16xf32>,
        %mul3A_2168 = arith.mulf %get3A_2167, %get3A_80 : vector<16xf32>
        %add3A_2169 = arith.addf %mul3A_2140, %mul3A_2144 : vector<16xf32>
        %add3A_2170 = arith.addf %mul3A_2148, %mul3A_2152 : vector<16xf32>
        %add3A_2171 = arith.addf %mul3A_2156, %mul3A_2160 : vector<16xf32>
        %add3A_2172 = arith.addf %mul3A_2164, %mul3A_2168 : vector<16xf32>
        %add3A_2173 = arith.addf %add3A_2169, %add3A_2170 : vector<16xf32>
        %add3A_2174 = arith.addf %add3A_2171, %add3A_2172 : vector<16xf32>
        %add3A_2175 = arith.addf %add3A_2173, %add3A_2174 : vector<16xf32>
        %eq3A_2176 = arith.constant 3 : i32
        %eq3A_2177 = vector.broadcast %eq3A_2176 : i32 to vector<16xi32>
        %eq3A_2178 = arith.cmpi eq, %iota3A, %eq3A_2177 : vector<16xi32>
        %reduce_sum3A_2179 = arith.constant true
        %reduce_sum3A_2180 = vector.broadcast %reduce_sum3A_2179 : i1 to vector<16xi1>
        %reduce_sum3A_2181 = tpu.scan <sum>, %add3A_2175 masked %reduce_sum3A_2180 : vector<16xf32>, vector<16xi1> -> vector<16xf32>
        %reduce_sum3A_2182 = vector.extract %reduce_sum3A_2181[15] : f32 from vector<16xf32>
        %broadcast_in_dim3A_2183 = vector.broadcast %reduce_sum3A_2182 : f32 to vector<16xf32>
        %select_n3A_2184 = arith.select %eq3A_2178, %broadcast_in_dim3A_2183, %select_n3A_2134 : vector<16xi1>, vector<16xf32>
        %add3A_2185 = arith.constant 4 : i32
        %add3A_2186 = arith.addi %add3A_1984, %add3A_2185 : i32
        %get3A_2187 = arith.index_cast %add3A_2186 : i32 to index
        %get3A_2188 = arith.constant 0 : index
        %get3A_2189 = tpu.vector_load %arg8[%get3A_2187, %get3A_2188] {strides = array<i32>} : memref<800x128xf32, #tpu.memory_space<vmem>>, vector<16xf32>,
        %mul3A_2190 = arith.mulf %get3A_2189, %get3A_66 : vector<16xf32>
        %get3A_2191 = arith.index_cast %add3A_2186 : i32 to index
        %get3A_2192 = arith.constant 16 : index
        %get3A_2193 = tpu.vector_load %arg8[%get3A_2191, %get3A_2192] {strides = array<i32>} : memref<800x128xf32, #tpu.memory_space<vmem>>, vector<16xf32>,
        %mul3A_2194 = arith.mulf %get3A_2193, %get3A_68 : vector<16xf32>
        %get3A_2195 = arith.index_cast %add3A_2186 : i32 to index
        %get3A_2196 = arith.constant 32 : index
        %get3A_2197 = tpu.vector_load %arg8[%get3A_2195, %get3A_2196] {strides = array<i32>} : memref<800x128xf32, #tpu.memory_space<vmem>>, vector<16xf32>,
        %mul3A_2198 = arith.mulf %get3A_2197, %get3A_70 : vector<16xf32>
        %get3A_2199 = arith.index_cast %add3A_2186 : i32 to index
        %get3A_2200 = arith.constant 48 : index
        %get3A_2201 = tpu.vector_load %arg8[%get3A_2199, %get3A_2200] {strides = array<i32>} : memref<800x128xf32, #tpu.memory_space<vmem>>, vector<16xf32>,
        %mul3A_2202 = arith.mulf %get3A_2201, %get3A_72 : vector<16xf32>
        %get3A_2203 = arith.index_cast %add3A_2186 : i32 to index
        %get3A_2204 = arith.constant 64 : index
        %get3A_2205 = tpu.vector_load %arg8[%get3A_2203, %get3A_2204] {strides = array<i32>} : memref<800x128xf32, #tpu.memory_space<vmem>>, vector<16xf32>,
        %mul3A_2206 = arith.mulf %get3A_2205, %get3A_74 : vector<16xf32>
        %get3A_2207 = arith.index_cast %add3A_2186 : i32 to index
        %get3A_2208 = arith.constant 80 : index
        %get3A_2209 = tpu.vector_load %arg8[%get3A_2207, %get3A_2208] {strides = array<i32>} : memref<800x128xf32, #tpu.memory_space<vmem>>, vector<16xf32>,
        %mul3A_2210 = arith.mulf %get3A_2209, %get3A_76 : vector<16xf32>
        %get3A_2211 = arith.index_cast %add3A_2186 : i32 to index
        %get3A_2212 = arith.constant 96 : index
        %get3A_2213 = tpu.vector_load %arg8[%get3A_2211, %get3A_2212] {strides = array<i32>} : memref<800x128xf32, #tpu.memory_space<vmem>>, vector<16xf32>,
        %mul3A_2214 = arith.mulf %get3A_2213, %get3A_78 : vector<16xf32>
        %get3A_2215 = arith.index_cast %add3A_2186 : i32 to index
        %get3A_2216 = arith.constant 112 : index
        %get3A_2217 = tpu.vector_load %arg8[%get3A_2215, %get3A_2216] {strides = array<i32>} : memref<800x128xf32, #tpu.memory_space<vmem>>, vector<16xf32>,
        %mul3A_2218 = arith.mulf %get3A_2217, %get3A_80 : vector<16xf32>
        %add3A_2219 = arith.addf %mul3A_2190, %mul3A_2194 : vector<16xf32>
        %add3A_2220 = arith.addf %mul3A_2198, %mul3A_2202 : vector<16xf32>
        %add3A_2221 = arith.addf %mul3A_2206, %mul3A_2210 : vector<16xf32>
        %add3A_2222 = arith.addf %mul3A_2214, %mul3A_2218 : vector<16xf32>
        %add3A_2223 = arith.addf %add3A_2219, %add3A_2220 : vector<16xf32>
        %add3A_2224 = arith.addf %add3A_2221, %add3A_2222 : vector<16xf32>
        %add3A_2225 = arith.addf %add3A_2223, %add3A_2224 : vector<16xf32>
        %eq3A_2226 = arith.constant 4 : i32
        %eq3A_2227 = vector.broadcast %eq3A_2226 : i32 to vector<16xi32>
        %eq3A_2228 = arith.cmpi eq, %iota3A, %eq3A_2227 : vector<16xi32>
        %reduce_sum3A_2229 = arith.constant true
        %reduce_sum3A_2230 = vector.broadcast %reduce_sum3A_2229 : i1 to vector<16xi1>
        %reduce_sum3A_2231 = tpu.scan <sum>, %add3A_2225 masked %reduce_sum3A_2230 : vector<16xf32>, vector<16xi1> -> vector<16xf32>
        %reduce_sum3A_2232 = vector.extract %reduce_sum3A_2231[15] : f32 from vector<16xf32>
        %broadcast_in_dim3A_2233 = vector.broadcast %reduce_sum3A_2232 : f32 to vector<16xf32>
        %select_n3A_2234 = arith.select %eq3A_2228, %broadcast_in_dim3A_2233, %select_n3A_2184 : vector<16xi1>, vector<16xf32>
        %add3A_2235 = arith.constant 5 : i32
        %add3A_2236 = arith.addi %add3A_1984, %add3A_2235 : i32
        %get3A_2237 = arith.index_cast %add3A_2236 : i32 to index
        %get3A_2238 = arith.constant 0 : index
        %get3A_2239 = tpu.vector_load %arg8[%get3A_2237, %get3A_2238] {strides = array<i32>} : memref<800x128xf32, #tpu.memory_space<vmem>>, vector<16xf32>,
        %mul3A_2240 = arith.mulf %get3A_2239, %get3A_66 : vector<16xf32>
        %get3A_2241 = arith.index_cast %add3A_2236 : i32 to index
        %get3A_2242 = arith.constant 16 : index
        %get3A_2243 = tpu.vector_load %arg8[%get3A_2241, %get3A_2242] {strides = array<i32>} : memref<800x128xf32, #tpu.memory_space<vmem>>, vector<16xf32>,
        %mul3A_2244 = arith.mulf %get3A_2243, %get3A_68 : vector<16xf32>
        %get3A_2245 = arith.index_cast %add3A_2236 : i32 to index
        %get3A_2246 = arith.constant 32 : index
        %get3A_2247 = tpu.vector_load %arg8[%get3A_2245, %get3A_2246] {strides = array<i32>} : memref<800x128xf32, #tpu.memory_space<vmem>>, vector<16xf32>,
        %mul3A_2248 = arith.mulf %get3A_2247, %get3A_70 : vector<16xf32>
        %get3A_2249 = arith.index_cast %add3A_2236 : i32 to index
        %get3A_2250 = arith.constant 48 : index
        %get3A_2251 = tpu.vector_load %arg8[%get3A_2249, %get3A_2250] {strides = array<i32>} : memref<800x128xf32, #tpu.memory_space<vmem>>, vector<16xf32>,
        %mul3A_2252 = arith.mulf %get3A_2251, %get3A_72 : vector<16xf32>
        %get3A_2253 = arith.index_cast %add3A_2236 : i32 to index
        %get3A_2254 = arith.constant 64 : index
        %get3A_2255 = tpu.vector_load %arg8[%get3A_2253, %get3A_2254] {strides = array<i32>} : memref<800x128xf32, #tpu.memory_space<vmem>>, vector<16xf32>,
        %mul3A_2256 = arith.mulf %get3A_2255, %get3A_74 : vector<16xf32>
        %get3A_2257 = arith.index_cast %add3A_2236 : i32 to index
        %get3A_2258 = arith.constant 80 : index
        %get3A_2259 = tpu.vector_load %arg8[%get3A_2257, %get3A_2258] {strides = array<i32>} : memref<800x128xf32, #tpu.memory_space<vmem>>, vector<16xf32>,
        %mul3A_2260 = arith.mulf %get3A_2259, %get3A_76 : vector<16xf32>
        %get3A_2261 = arith.index_cast %add3A_2236 : i32 to index
        %get3A_2262 = arith.constant 96 : index
        %get3A_2263 = tpu.vector_load %arg8[%get3A_2261, %get3A_2262] {strides = array<i32>} : memref<800x128xf32, #tpu.memory_space<vmem>>, vector<16xf32>,
        %mul3A_2264 = arith.mulf %get3A_2263, %get3A_78 : vector<16xf32>
        %get3A_2265 = arith.index_cast %add3A_2236 : i32 to index
        %get3A_2266 = arith.constant 112 : index
        %get3A_2267 = tpu.vector_load %arg8[%get3A_2265, %get3A_2266] {strides = array<i32>} : memref<800x128xf32, #tpu.memory_space<vmem>>, vector<16xf32>,
        %mul3A_2268 = arith.mulf %get3A_2267, %get3A_80 : vector<16xf32>
        %add3A_2269 = arith.addf %mul3A_2240, %mul3A_2244 : vector<16xf32>
        %add3A_2270 = arith.addf %mul3A_2248, %mul3A_2252 : vector<16xf32>
        %add3A_2271 = arith.addf %mul3A_2256, %mul3A_2260 : vector<16xf32>
        %add3A_2272 = arith.addf %mul3A_2264, %mul3A_2268 : vector<16xf32>
        %add3A_2273 = arith.addf %add3A_2269, %add3A_2270 : vector<16xf32>
        %add3A_2274 = arith.addf %add3A_2271, %add3A_2272 : vector<16xf32>
        %add3A_2275 = arith.addf %add3A_2273, %add3A_2274 : vector<16xf32>
        %eq3A_2276 = arith.constant 5 : i32
        %eq3A_2277 = vector.broadcast %eq3A_2276 : i32 to vector<16xi32>
        %eq3A_2278 = arith.cmpi eq, %iota3A, %eq3A_2277 : vector<16xi32>
        %reduce_sum3A_2279 = arith.constant true
        %reduce_sum3A_2280 = vector.broadcast %reduce_sum3A_2279 : i1 to vector<16xi1>
        %reduce_sum3A_2281 = tpu.scan <sum>, %add3A_2275 masked %reduce_sum3A_2280 : vector<16xf32>, vector<16xi1> -> vector<16xf32>
        %reduce_sum3A_2282 = vector.extract %reduce_sum3A_2281[15] : f32 from vector<16xf32>
        %broadcast_in_dim3A_2283 = vector.broadcast %reduce_sum3A_2282 : f32 to vector<16xf32>
        %select_n3A_2284 = arith.select %eq3A_2278, %broadcast_in_dim3A_2283, %select_n3A_2234 : vector<16xi1>, vector<16xf32>
        %add3A_2285 = arith.constant 6 : i32
        %add3A_2286 = arith.addi %add3A_1984, %add3A_2285 : i32
        %get3A_2287 = arith.index_cast %add3A_2286 : i32 to index
        %get3A_2288 = arith.constant 0 : index
        %get3A_2289 = tpu.vector_load %arg8[%get3A_2287, %get3A_2288] {strides = array<i32>} : memref<800x128xf32, #tpu.memory_space<vmem>>, vector<16xf32>,
        %mul3A_2290 = arith.mulf %get3A_2289, %get3A_66 : vector<16xf32>
        %get3A_2291 = arith.index_cast %add3A_2286 : i32 to index
        %get3A_2292 = arith.constant 16 : index
        %get3A_2293 = tpu.vector_load %arg8[%get3A_2291, %get3A_2292] {strides = array<i32>} : memref<800x128xf32, #tpu.memory_space<vmem>>, vector<16xf32>,
        %mul3A_2294 = arith.mulf %get3A_2293, %get3A_68 : vector<16xf32>
        %get3A_2295 = arith.index_cast %add3A_2286 : i32 to index
        %get3A_2296 = arith.constant 32 : index
        %get3A_2297 = tpu.vector_load %arg8[%get3A_2295, %get3A_2296] {strides = array<i32>} : memref<800x128xf32, #tpu.memory_space<vmem>>, vector<16xf32>,
        %mul3A_2298 = arith.mulf %get3A_2297, %get3A_70 : vector<16xf32>
        %get3A_2299 = arith.index_cast %add3A_2286 : i32 to index
        %get3A_2300 = arith.constant 48 : index
        %get3A_2301 = tpu.vector_load %arg8[%get3A_2299, %get3A_2300] {strides = array<i32>} : memref<800x128xf32, #tpu.memory_space<vmem>>, vector<16xf32>,
        %mul3A_2302 = arith.mulf %get3A_2301, %get3A_72 : vector<16xf32>
        %get3A_2303 = arith.index_cast %add3A_2286 : i32 to index
        %get3A_2304 = arith.constant 64 : index
        %get3A_2305 = tpu.vector_load %arg8[%get3A_2303, %get3A_2304] {strides = array<i32>} : memref<800x128xf32, #tpu.memory_space<vmem>>, vector<16xf32>,
        %mul3A_2306 = arith.mulf %get3A_2305, %get3A_74 : vector<16xf32>
        %get3A_2307 = arith.index_cast %add3A_2286 : i32 to index
        %get3A_2308 = arith.constant 80 : index
        %get3A_2309 = tpu.vector_load %arg8[%get3A_2307, %get3A_2308] {strides = array<i32>} : memref<800x128xf32, #tpu.memory_space<vmem>>, vector<16xf32>,
        %mul3A_2310 = arith.mulf %get3A_2309, %get3A_76 : vector<16xf32>
        %get3A_2311 = arith.index_cast %add3A_2286 : i32 to index
        %get3A_2312 = arith.constant 96 : index
        %get3A_2313 = tpu.vector_load %arg8[%get3A_2311, %get3A_2312] {strides = array<i32>} : memref<800x128xf32, #tpu.memory_space<vmem>>, vector<16xf32>,
        %mul3A_2314 = arith.mulf %get3A_2313, %get3A_78 : vector<16xf32>
        %get3A_2315 = arith.index_cast %add3A_2286 : i32 to index
        %get3A_2316 = arith.constant 112 : index
        %get3A_2317 = tpu.vector_load %arg8[%get3A_2315, %get3A_2316] {strides = array<i32>} : memref<800x128xf32, #tpu.memory_space<vmem>>, vector<16xf32>,
        %mul3A_2318 = arith.mulf %get3A_2317, %get3A_80 : vector<16xf32>
        %add3A_2319 = arith.addf %mul3A_2290, %mul3A_2294 : vector<16xf32>
        %add3A_2320 = arith.addf %mul3A_2298, %mul3A_2302 : vector<16xf32>
        %add3A_2321 = arith.addf %mul3A_2306, %mul3A_2310 : vector<16xf32>
        %add3A_2322 = arith.addf %mul3A_2314, %mul3A_2318 : vector<16xf32>
        %add3A_2323 = arith.addf %add3A_2319, %add3A_2320 : vector<16xf32>
        %add3A_2324 = arith.addf %add3A_2321, %add3A_2322 : vector<16xf32>
        %add3A_2325 = arith.addf %add3A_2323, %add3A_2324 : vector<16xf32>
        %eq3A_2326 = arith.constant 6 : i32
        %eq3A_2327 = vector.broadcast %eq3A_2326 : i32 to vector<16xi32>
        %eq3A_2328 = arith.cmpi eq, %iota3A, %eq3A_2327 : vector<16xi32>
        %reduce_sum3A_2329 = arith.constant true
        %reduce_sum3A_2330 = vector.broadcast %reduce_sum3A_2329 : i1 to vector<16xi1>
        %reduce_sum3A_2331 = tpu.scan <sum>, %add3A_2325 masked %reduce_sum3A_2330 : vector<16xf32>, vector<16xi1> -> vector<16xf32>
        %reduce_sum3A_2332 = vector.extract %reduce_sum3A_2331[15] : f32 from vector<16xf32>
        %broadcast_in_dim3A_2333 = vector.broadcast %reduce_sum3A_2332 : f32 to vector<16xf32>
        %select_n3A_2334 = arith.select %eq3A_2328, %broadcast_in_dim3A_2333, %select_n3A_2284 : vector<16xi1>, vector<16xf32>
        %add3A_2335 = arith.constant 7 : i32
        %add3A_2336 = arith.addi %add3A_1984, %add3A_2335 : i32
        %get3A_2337 = arith.index_cast %add3A_2336 : i32 to index
        %get3A_2338 = arith.constant 0 : index
        %get3A_2339 = tpu.vector_load %arg8[%get3A_2337, %get3A_2338] {strides = array<i32>} : memref<800x128xf32, #tpu.memory_space<vmem>>, vector<16xf32>,
        %mul3A_2340 = arith.mulf %get3A_2339, %get3A_66 : vector<16xf32>
        %get3A_2341 = arith.index_cast %add3A_2336 : i32 to index
        %get3A_2342 = arith.constant 16 : index
        %get3A_2343 = tpu.vector_load %arg8[%get3A_2341, %get3A_2342] {strides = array<i32>} : memref<800x128xf32, #tpu.memory_space<vmem>>, vector<16xf32>,
        %mul3A_2344 = arith.mulf %get3A_2343, %get3A_68 : vector<16xf32>
        %get3A_2345 = arith.index_cast %add3A_2336 : i32 to index
        %get3A_2346 = arith.constant 32 : index
        %get3A_2347 = tpu.vector_load %arg8[%get3A_2345, %get3A_2346] {strides = array<i32>} : memref<800x128xf32, #tpu.memory_space<vmem>>, vector<16xf32>,
        %mul3A_2348 = arith.mulf %get3A_2347, %get3A_70 : vector<16xf32>
        %get3A_2349 = arith.index_cast %add3A_2336 : i32 to index
        %get3A_2350 = arith.constant 48 : index
        %get3A_2351 = tpu.vector_load %arg8[%get3A_2349, %get3A_2350] {strides = array<i32>} : memref<800x128xf32, #tpu.memory_space<vmem>>, vector<16xf32>,
        %mul3A_2352 = arith.mulf %get3A_2351, %get3A_72 : vector<16xf32>
        %get3A_2353 = arith.index_cast %add3A_2336 : i32 to index
        %get3A_2354 = arith.constant 64 : index
        %get3A_2355 = tpu.vector_load %arg8[%get3A_2353, %get3A_2354] {strides = array<i32>} : memref<800x128xf32, #tpu.memory_space<vmem>>, vector<16xf32>,
        %mul3A_2356 = arith.mulf %get3A_2355, %get3A_74 : vector<16xf32>
        %get3A_2357 = arith.index_cast %add3A_2336 : i32 to index
        %get3A_2358 = arith.constant 80 : index
        %get3A_2359 = tpu.vector_load %arg8[%get3A_2357, %get3A_2358] {strides = array<i32>} : memref<800x128xf32, #tpu.memory_space<vmem>>, vector<16xf32>,
        %mul3A_2360 = arith.mulf %get3A_2359, %get3A_76 : vector<16xf32>
        %get3A_2361 = arith.index_cast %add3A_2336 : i32 to index
        %get3A_2362 = arith.constant 96 : index
        %get3A_2363 = tpu.vector_load %arg8[%get3A_2361, %get3A_2362] {strides = array<i32>} : memref<800x128xf32, #tpu.memory_space<vmem>>, vector<16xf32>,
        %mul3A_2364 = arith.mulf %get3A_2363, %get3A_78 : vector<16xf32>
        %get3A_2365 = arith.index_cast %add3A_2336 : i32 to index
        %get3A_2366 = arith.constant 112 : index
        %get3A_2367 = tpu.vector_load %arg8[%get3A_2365, %get3A_2366] {strides = array<i32>} : memref<800x128xf32, #tpu.memory_space<vmem>>, vector<16xf32>,
        %mul3A_2368 = arith.mulf %get3A_2367, %get3A_80 : vector<16xf32>
        %add3A_2369 = arith.addf %mul3A_2340, %mul3A_2344 : vector<16xf32>
        %add3A_2370 = arith.addf %mul3A_2348, %mul3A_2352 : vector<16xf32>
        %add3A_2371 = arith.addf %mul3A_2356, %mul3A_2360 : vector<16xf32>
        %add3A_2372 = arith.addf %mul3A_2364, %mul3A_2368 : vector<16xf32>
        %add3A_2373 = arith.addf %add3A_2369, %add3A_2370 : vector<16xf32>
        %add3A_2374 = arith.addf %add3A_2371, %add3A_2372 : vector<16xf32>
        %add3A_2375 = arith.addf %add3A_2373, %add3A_2374 : vector<16xf32>
        %eq3A_2376 = arith.constant 7 : i32
        %eq3A_2377 = vector.broadcast %eq3A_2376 : i32 to vector<16xi32>
        %eq3A_2378 = arith.cmpi eq, %iota3A, %eq3A_2377 : vector<16xi32>
        %reduce_sum3A_2379 = arith.constant true
        %reduce_sum3A_2380 = vector.broadcast %reduce_sum3A_2379 : i1 to vector<16xi1>
        %reduce_sum3A_2381 = tpu.scan <sum>, %add3A_2375 masked %reduce_sum3A_2380 : vector<16xf32>, vector<16xi1> -> vector<16xf32>
        %reduce_sum3A_2382 = vector.extract %reduce_sum3A_2381[15] : f32 from vector<16xf32>
        %broadcast_in_dim3A_2383 = vector.broadcast %reduce_sum3A_2382 : f32 to vector<16xf32>
        %select_n3A_2384 = arith.select %eq3A_2378, %broadcast_in_dim3A_2383, %select_n3A_2334 : vector<16xi1>, vector<16xf32>
        %add3A_2385 = arith.constant 8 : i32
        %add3A_2386 = arith.addi %add3A_1984, %add3A_2385 : i32
        %get3A_2387 = arith.index_cast %add3A_2386 : i32 to index
        %get3A_2388 = arith.constant 0 : index
        %get3A_2389 = tpu.vector_load %arg8[%get3A_2387, %get3A_2388] {strides = array<i32>} : memref<800x128xf32, #tpu.memory_space<vmem>>, vector<16xf32>,
        %mul3A_2390 = arith.mulf %get3A_2389, %get3A_66 : vector<16xf32>
        %get3A_2391 = arith.index_cast %add3A_2386 : i32 to index
        %get3A_2392 = arith.constant 16 : index
        %get3A_2393 = tpu.vector_load %arg8[%get3A_2391, %get3A_2392] {strides = array<i32>} : memref<800x128xf32, #tpu.memory_space<vmem>>, vector<16xf32>,
        %mul3A_2394 = arith.mulf %get3A_2393, %get3A_68 : vector<16xf32>
        %get3A_2395 = arith.index_cast %add3A_2386 : i32 to index
        %get3A_2396 = arith.constant 32 : index
        %get3A_2397 = tpu.vector_load %arg8[%get3A_2395, %get3A_2396] {strides = array<i32>} : memref<800x128xf32, #tpu.memory_space<vmem>>, vector<16xf32>,
        %mul3A_2398 = arith.mulf %get3A_2397, %get3A_70 : vector<16xf32>
        %get3A_2399 = arith.index_cast %add3A_2386 : i32 to index
        %get3A_2400 = arith.constant 48 : index
        %get3A_2401 = tpu.vector_load %arg8[%get3A_2399, %get3A_2400] {strides = array<i32>} : memref<800x128xf32, #tpu.memory_space<vmem>>, vector<16xf32>,
        %mul3A_2402 = arith.mulf %get3A_2401, %get3A_72 : vector<16xf32>
        %get3A_2403 = arith.index_cast %add3A_2386 : i32 to index
        %get3A_2404 = arith.constant 64 : index
        %get3A_2405 = tpu.vector_load %arg8[%get3A_2403, %get3A_2404] {strides = array<i32>} : memref<800x128xf32, #tpu.memory_space<vmem>>, vector<16xf32>,
        %mul3A_2406 = arith.mulf %get3A_2405, %get3A_74 : vector<16xf32>
        %get3A_2407 = arith.index_cast %add3A_2386 : i32 to index
        %get3A_2408 = arith.constant 80 : index
        %get3A_2409 = tpu.vector_load %arg8[%get3A_2407, %get3A_2408] {strides = array<i32>} : memref<800x128xf32, #tpu.memory_space<vmem>>, vector<16xf32>,
        %mul3A_2410 = arith.mulf %get3A_2409, %get3A_76 : vector<16xf32>
        %get3A_2411 = arith.index_cast %add3A_2386 : i32 to index
        %get3A_2412 = arith.constant 96 : index
        %get3A_2413 = tpu.vector_load %arg8[%get3A_2411, %get3A_2412] {strides = array<i32>} : memref<800x128xf32, #tpu.memory_space<vmem>>, vector<16xf32>,
        %mul3A_2414 = arith.mulf %get3A_2413, %get3A_78 : vector<16xf32>
        %get3A_2415 = arith.index_cast %add3A_2386 : i32 to index
        %get3A_2416 = arith.constant 112 : index
        %get3A_2417 = tpu.vector_load %arg8[%get3A_2415, %get3A_2416] {strides = array<i32>} : memref<800x128xf32, #tpu.memory_space<vmem>>, vector<16xf32>,
        %mul3A_2418 = arith.mulf %get3A_2417, %get3A_80 : vector<16xf32>
        %add3A_2419 = arith.addf %mul3A_2390, %mul3A_2394 : vector<16xf32>
        %add3A_2420 = arith.addf %mul3A_2398, %mul3A_2402 : vector<16xf32>
        %add3A_2421 = arith.addf %mul3A_2406, %mul3A_2410 : vector<16xf32>
        %add3A_2422 = arith.addf %mul3A_2414, %mul3A_2418 : vector<16xf32>
        %add3A_2423 = arith.addf %add3A_2419, %add3A_2420 : vector<16xf32>
        %add3A_2424 = arith.addf %add3A_2421, %add3A_2422 : vector<16xf32>
        %add3A_2425 = arith.addf %add3A_2423, %add3A_2424 : vector<16xf32>
        %eq3A_2426 = arith.constant 8 : i32
        %eq3A_2427 = vector.broadcast %eq3A_2426 : i32 to vector<16xi32>
        %eq3A_2428 = arith.cmpi eq, %iota3A, %eq3A_2427 : vector<16xi32>
        %reduce_sum3A_2429 = arith.constant true
        %reduce_sum3A_2430 = vector.broadcast %reduce_sum3A_2429 : i1 to vector<16xi1>
        %reduce_sum3A_2431 = tpu.scan <sum>, %add3A_2425 masked %reduce_sum3A_2430 : vector<16xf32>, vector<16xi1> -> vector<16xf32>
        %reduce_sum3A_2432 = vector.extract %reduce_sum3A_2431[15] : f32 from vector<16xf32>
        %broadcast_in_dim3A_2433 = vector.broadcast %reduce_sum3A_2432 : f32 to vector<16xf32>
        %select_n3A_2434 = arith.select %eq3A_2428, %broadcast_in_dim3A_2433, %select_n3A_2384 : vector<16xi1>, vector<16xf32>
        %add3A_2435 = arith.constant 9 : i32
        %add3A_2436 = arith.addi %add3A_1984, %add3A_2435 : i32
        %get3A_2437 = arith.index_cast %add3A_2436 : i32 to index
        %get3A_2438 = arith.constant 0 : index
        %get3A_2439 = tpu.vector_load %arg8[%get3A_2437, %get3A_2438] {strides = array<i32>} : memref<800x128xf32, #tpu.memory_space<vmem>>, vector<16xf32>,
        %mul3A_2440 = arith.mulf %get3A_2439, %get3A_66 : vector<16xf32>
        %get3A_2441 = arith.index_cast %add3A_2436 : i32 to index
        %get3A_2442 = arith.constant 16 : index
        %get3A_2443 = tpu.vector_load %arg8[%get3A_2441, %get3A_2442] {strides = array<i32>} : memref<800x128xf32, #tpu.memory_space<vmem>>, vector<16xf32>,
        %mul3A_2444 = arith.mulf %get3A_2443, %get3A_68 : vector<16xf32>
        %get3A_2445 = arith.index_cast %add3A_2436 : i32 to index
        %get3A_2446 = arith.constant 32 : index
        %get3A_2447 = tpu.vector_load %arg8[%get3A_2445, %get3A_2446] {strides = array<i32>} : memref<800x128xf32, #tpu.memory_space<vmem>>, vector<16xf32>,
        %mul3A_2448 = arith.mulf %get3A_2447, %get3A_70 : vector<16xf32>
        %get3A_2449 = arith.index_cast %add3A_2436 : i32 to index
        %get3A_2450 = arith.constant 48 : index
        %get3A_2451 = tpu.vector_load %arg8[%get3A_2449, %get3A_2450] {strides = array<i32>} : memref<800x128xf32, #tpu.memory_space<vmem>>, vector<16xf32>,
        %mul3A_2452 = arith.mulf %get3A_2451, %get3A_72 : vector<16xf32>
        %get3A_2453 = arith.index_cast %add3A_2436 : i32 to index
        %get3A_2454 = arith.constant 64 : index
        %get3A_2455 = tpu.vector_load %arg8[%get3A_2453, %get3A_2454] {strides = array<i32>} : memref<800x128xf32, #tpu.memory_space<vmem>>, vector<16xf32>,
        %mul3A_2456 = arith.mulf %get3A_2455, %get3A_74 : vector<16xf32>
        %get3A_2457 = arith.index_cast %add3A_2436 : i32 to index
        %get3A_2458 = arith.constant 80 : index
        %get3A_2459 = tpu.vector_load %arg8[%get3A_2457, %get3A_2458] {strides = array<i32>} : memref<800x128xf32, #tpu.memory_space<vmem>>, vector<16xf32>,
        %mul3A_2460 = arith.mulf %get3A_2459, %get3A_76 : vector<16xf32>
        %get3A_2461 = arith.index_cast %add3A_2436 : i32 to index
        %get3A_2462 = arith.constant 96 : index
        %get3A_2463 = tpu.vector_load %arg8[%get3A_2461, %get3A_2462] {strides = array<i32>} : memref<800x128xf32, #tpu.memory_space<vmem>>, vector<16xf32>,
        %mul3A_2464 = arith.mulf %get3A_2463, %get3A_78 : vector<16xf32>
        %get3A_2465 = arith.index_cast %add3A_2436 : i32 to index
        %get3A_2466 = arith.constant 112 : index
        %get3A_2467 = tpu.vector_load %arg8[%get3A_2465, %get3A_2466] {strides = array<i32>} : memref<800x128xf32, #tpu.memory_space<vmem>>, vector<16xf32>,
        %mul3A_2468 = arith.mulf %get3A_2467, %get3A_80 : vector<16xf32>
        %add3A_2469 = arith.addf %mul3A_2440, %mul3A_2444 : vector<16xf32>
        %add3A_2470 = arith.addf %mul3A_2448, %mul3A_2452 : vector<16xf32>
        %add3A_2471 = arith.addf %mul3A_2456, %mul3A_2460 : vector<16xf32>
        %add3A_2472 = arith.addf %mul3A_2464, %mul3A_2468 : vector<16xf32>
        %add3A_2473 = arith.addf %add3A_2469, %add3A_2470 : vector<16xf32>
        %add3A_2474 = arith.addf %add3A_2471, %add3A_2472 : vector<16xf32>
        %add3A_2475 = arith.addf %add3A_2473, %add3A_2474 : vector<16xf32>
        %eq3A_2476 = arith.constant 9 : i32
        %eq3A_2477 = vector.broadcast %eq3A_2476 : i32 to vector<16xi32>
        %eq3A_2478 = arith.cmpi eq, %iota3A, %eq3A_2477 : vector<16xi32>
        %reduce_sum3A_2479 = arith.constant true
        %reduce_sum3A_2480 = vector.broadcast %reduce_sum3A_2479 : i1 to vector<16xi1>
        %reduce_sum3A_2481 = tpu.scan <sum>, %add3A_2475 masked %reduce_sum3A_2480 : vector<16xf32>, vector<16xi1> -> vector<16xf32>
        %reduce_sum3A_2482 = vector.extract %reduce_sum3A_2481[15] : f32 from vector<16xf32>
        %broadcast_in_dim3A_2483 = vector.broadcast %reduce_sum3A_2482 : f32 to vector<16xf32>
        %select_n3A_2484 = arith.select %eq3A_2478, %broadcast_in_dim3A_2483, %select_n3A_2434 : vector<16xi1>, vector<16xf32>
        %add3A_2485 = arith.constant 10 : i32
        %add3A_2486 = arith.addi %add3A_1984, %add3A_2485 : i32
        %get3A_2487 = arith.index_cast %add3A_2486 : i32 to index
        %get3A_2488 = arith.constant 0 : index
        %get3A_2489 = tpu.vector_load %arg8[%get3A_2487, %get3A_2488] {strides = array<i32>} : memref<800x128xf32, #tpu.memory_space<vmem>>, vector<16xf32>,
        %mul3A_2490 = arith.mulf %get3A_2489, %get3A_66 : vector<16xf32>
        %get3A_2491 = arith.index_cast %add3A_2486 : i32 to index
        %get3A_2492 = arith.constant 16 : index
        %get3A_2493 = tpu.vector_load %arg8[%get3A_2491, %get3A_2492] {strides = array<i32>} : memref<800x128xf32, #tpu.memory_space<vmem>>, vector<16xf32>,
        %mul3A_2494 = arith.mulf %get3A_2493, %get3A_68 : vector<16xf32>
        %get3A_2495 = arith.index_cast %add3A_2486 : i32 to index
        %get3A_2496 = arith.constant 32 : index
        %get3A_2497 = tpu.vector_load %arg8[%get3A_2495, %get3A_2496] {strides = array<i32>} : memref<800x128xf32, #tpu.memory_space<vmem>>, vector<16xf32>,
        %mul3A_2498 = arith.mulf %get3A_2497, %get3A_70 : vector<16xf32>
        %get3A_2499 = arith.index_cast %add3A_2486 : i32 to index
        %get3A_2500 = arith.constant 48 : index
        %get3A_2501 = tpu.vector_load %arg8[%get3A_2499, %get3A_2500] {strides = array<i32>} : memref<800x128xf32, #tpu.memory_space<vmem>>, vector<16xf32>,
        %mul3A_2502 = arith.mulf %get3A_2501, %get3A_72 : vector<16xf32>
        %get3A_2503 = arith.index_cast %add3A_2486 : i32 to index
        %get3A_2504 = arith.constant 64 : index
        %get3A_2505 = tpu.vector_load %arg8[%get3A_2503, %get3A_2504] {strides = array<i32>} : memref<800x128xf32, #tpu.memory_space<vmem>>, vector<16xf32>,
        %mul3A_2506 = arith.mulf %get3A_2505, %get3A_74 : vector<16xf32>
        %get3A_2507 = arith.index_cast %add3A_2486 : i32 to index
        %get3A_2508 = arith.constant 80 : index
        %get3A_2509 = tpu.vector_load %arg8[%get3A_2507, %get3A_2508] {strides = array<i32>} : memref<800x128xf32, #tpu.memory_space<vmem>>, vector<16xf32>,
        %mul3A_2510 = arith.mulf %get3A_2509, %get3A_76 : vector<16xf32>
        %get3A_2511 = arith.index_cast %add3A_2486 : i32 to index
        %get3A_2512 = arith.constant 96 : index
        %get3A_2513 = tpu.vector_load %arg8[%get3A_2511, %get3A_2512] {strides = array<i32>} : memref<800x128xf32, #tpu.memory_space<vmem>>, vector<16xf32>,
        %mul3A_2514 = arith.mulf %get3A_2513, %get3A_78 : vector<16xf32>
        %get3A_2515 = arith.index_cast %add3A_2486 : i32 to index
        %get3A_2516 = arith.constant 112 : index
        %get3A_2517 = tpu.vector_load %arg8[%get3A_2515, %get3A_2516] {strides = array<i32>} : memref<800x128xf32, #tpu.memory_space<vmem>>, vector<16xf32>,
        %mul3A_2518 = arith.mulf %get3A_2517, %get3A_80 : vector<16xf32>
        %add3A_2519 = arith.addf %mul3A_2490, %mul3A_2494 : vector<16xf32>
        %add3A_2520 = arith.addf %mul3A_2498, %mul3A_2502 : vector<16xf32>
        %add3A_2521 = arith.addf %mul3A_2506, %mul3A_2510 : vector<16xf32>
        %add3A_2522 = arith.addf %mul3A_2514, %mul3A_2518 : vector<16xf32>
        %add3A_2523 = arith.addf %add3A_2519, %add3A_2520 : vector<16xf32>
        %add3A_2524 = arith.addf %add3A_2521, %add3A_2522 : vector<16xf32>
        %add3A_2525 = arith.addf %add3A_2523, %add3A_2524 : vector<16xf32>
        %eq3A_2526 = arith.constant 10 : i32
        %eq3A_2527 = vector.broadcast %eq3A_2526 : i32 to vector<16xi32>
        %eq3A_2528 = arith.cmpi eq, %iota3A, %eq3A_2527 : vector<16xi32>
        %reduce_sum3A_2529 = arith.constant true
        %reduce_sum3A_2530 = vector.broadcast %reduce_sum3A_2529 : i1 to vector<16xi1>
        %reduce_sum3A_2531 = tpu.scan <sum>, %add3A_2525 masked %reduce_sum3A_2530 : vector<16xf32>, vector<16xi1> -> vector<16xf32>
        %reduce_sum3A_2532 = vector.extract %reduce_sum3A_2531[15] : f32 from vector<16xf32>
        %broadcast_in_dim3A_2533 = vector.broadcast %reduce_sum3A_2532 : f32 to vector<16xf32>
        %select_n3A_2534 = arith.select %eq3A_2528, %broadcast_in_dim3A_2533, %select_n3A_2484 : vector<16xi1>, vector<16xf32>
        %add3A_2535 = arith.constant 11 : i32
        %add3A_2536 = arith.addi %add3A_1984, %add3A_2535 : i32
        %get3A_2537 = arith.index_cast %add3A_2536 : i32 to index
        %get3A_2538 = arith.constant 0 : index
        %get3A_2539 = tpu.vector_load %arg8[%get3A_2537, %get3A_2538] {strides = array<i32>} : memref<800x128xf32, #tpu.memory_space<vmem>>, vector<16xf32>,
        %mul3A_2540 = arith.mulf %get3A_2539, %get3A_66 : vector<16xf32>
        %get3A_2541 = arith.index_cast %add3A_2536 : i32 to index
        %get3A_2542 = arith.constant 16 : index
        %get3A_2543 = tpu.vector_load %arg8[%get3A_2541, %get3A_2542] {strides = array<i32>} : memref<800x128xf32, #tpu.memory_space<vmem>>, vector<16xf32>,
        %mul3A_2544 = arith.mulf %get3A_2543, %get3A_68 : vector<16xf32>
        %get3A_2545 = arith.index_cast %add3A_2536 : i32 to index
        %get3A_2546 = arith.constant 32 : index
        %get3A_2547 = tpu.vector_load %arg8[%get3A_2545, %get3A_2546] {strides = array<i32>} : memref<800x128xf32, #tpu.memory_space<vmem>>, vector<16xf32>,
        %mul3A_2548 = arith.mulf %get3A_2547, %get3A_70 : vector<16xf32>
        %get3A_2549 = arith.index_cast %add3A_2536 : i32 to index
        %get3A_2550 = arith.constant 48 : index
        %get3A_2551 = tpu.vector_load %arg8[%get3A_2549, %get3A_2550] {strides = array<i32>} : memref<800x128xf32, #tpu.memory_space<vmem>>, vector<16xf32>,
        %mul3A_2552 = arith.mulf %get3A_2551, %get3A_72 : vector<16xf32>
        %get3A_2553 = arith.index_cast %add3A_2536 : i32 to index
        %get3A_2554 = arith.constant 64 : index
        %get3A_2555 = tpu.vector_load %arg8[%get3A_2553, %get3A_2554] {strides = array<i32>} : memref<800x128xf32, #tpu.memory_space<vmem>>, vector<16xf32>,
        %mul3A_2556 = arith.mulf %get3A_2555, %get3A_74 : vector<16xf32>
        %get3A_2557 = arith.index_cast %add3A_2536 : i32 to index
        %get3A_2558 = arith.constant 80 : index
        %get3A_2559 = tpu.vector_load %arg8[%get3A_2557, %get3A_2558] {strides = array<i32>} : memref<800x128xf32, #tpu.memory_space<vmem>>, vector<16xf32>,
        %mul3A_2560 = arith.mulf %get3A_2559, %get3A_76 : vector<16xf32>
        %get3A_2561 = arith.index_cast %add3A_2536 : i32 to index
        %get3A_2562 = arith.constant 96 : index
        %get3A_2563 = tpu.vector_load %arg8[%get3A_2561, %get3A_2562] {strides = array<i32>} : memref<800x128xf32, #tpu.memory_space<vmem>>, vector<16xf32>,
        %mul3A_2564 = arith.mulf %get3A_2563, %get3A_78 : vector<16xf32>
        %get3A_2565 = arith.index_cast %add3A_2536 : i32 to index
        %get3A_2566 = arith.constant 112 : index
        %get3A_2567 = tpu.vector_load %arg8[%get3A_2565, %get3A_2566] {strides = array<i32>} : memref<800x128xf32, #tpu.memory_space<vmem>>, vector<16xf32>,
        %mul3A_2568 = arith.mulf %get3A_2567, %get3A_80 : vector<16xf32>
        %add3A_2569 = arith.addf %mul3A_2540, %mul3A_2544 : vector<16xf32>
        %add3A_2570 = arith.addf %mul3A_2548, %mul3A_2552 : vector<16xf32>
        %add3A_2571 = arith.addf %mul3A_2556, %mul3A_2560 : vector<16xf32>
        %add3A_2572 = arith.addf %mul3A_2564, %mul3A_2568 : vector<16xf32>
        %add3A_2573 = arith.addf %add3A_2569, %add3A_2570 : vector<16xf32>
        %add3A_2574 = arith.addf %add3A_2571, %add3A_2572 : vector<16xf32>
        %add3A_2575 = arith.addf %add3A_2573, %add3A_2574 : vector<16xf32>
        %eq3A_2576 = arith.constant 11 : i32
        %eq3A_2577 = vector.broadcast %eq3A_2576 : i32 to vector<16xi32>
        %eq3A_2578 = arith.cmpi eq, %iota3A, %eq3A_2577 : vector<16xi32>
        %reduce_sum3A_2579 = arith.constant true
        %reduce_sum3A_2580 = vector.broadcast %reduce_sum3A_2579 : i1 to vector<16xi1>
        %reduce_sum3A_2581 = tpu.scan <sum>, %add3A_2575 masked %reduce_sum3A_2580 : vector<16xf32>, vector<16xi1> -> vector<16xf32>
        %reduce_sum3A_2582 = vector.extract %reduce_sum3A_2581[15] : f32 from vector<16xf32>
        %broadcast_in_dim3A_2583 = vector.broadcast %reduce_sum3A_2582 : f32 to vector<16xf32>
        %select_n3A_2584 = arith.select %eq3A_2578, %broadcast_in_dim3A_2583, %select_n3A_2534 : vector<16xi1>, vector<16xf32>
        %add3A_2585 = arith.constant 12 : i32
        %add3A_2586 = arith.addi %add3A_1984, %add3A_2585 : i32
        %get3A_2587 = arith.index_cast %add3A_2586 : i32 to index
        %get3A_2588 = arith.constant 0 : index
        %get3A_2589 = tpu.vector_load %arg8[%get3A_2587, %get3A_2588] {strides = array<i32>} : memref<800x128xf32, #tpu.memory_space<vmem>>, vector<16xf32>,
        %mul3A_2590 = arith.mulf %get3A_2589, %get3A_66 : vector<16xf32>
        %get3A_2591 = arith.index_cast %add3A_2586 : i32 to index
        %get3A_2592 = arith.constant 16 : index
        %get3A_2593 = tpu.vector_load %arg8[%get3A_2591, %get3A_2592] {strides = array<i32>} : memref<800x128xf32, #tpu.memory_space<vmem>>, vector<16xf32>,
        %mul3A_2594 = arith.mulf %get3A_2593, %get3A_68 : vector<16xf32>
        %get3A_2595 = arith.index_cast %add3A_2586 : i32 to index
        %get3A_2596 = arith.constant 32 : index
        %get3A_2597 = tpu.vector_load %arg8[%get3A_2595, %get3A_2596] {strides = array<i32>} : memref<800x128xf32, #tpu.memory_space<vmem>>, vector<16xf32>,
        %mul3A_2598 = arith.mulf %get3A_2597, %get3A_70 : vector<16xf32>
        %get3A_2599 = arith.index_cast %add3A_2586 : i32 to index
        %get3A_2600 = arith.constant 48 : index
        %get3A_2601 = tpu.vector_load %arg8[%get3A_2599, %get3A_2600] {strides = array<i32>} : memref<800x128xf32, #tpu.memory_space<vmem>>, vector<16xf32>,
        %mul3A_2602 = arith.mulf %get3A_2601, %get3A_72 : vector<16xf32>
        %get3A_2603 = arith.index_cast %add3A_2586 : i32 to index
        %get3A_2604 = arith.constant 64 : index
        %get3A_2605 = tpu.vector_load %arg8[%get3A_2603, %get3A_2604] {strides = array<i32>} : memref<800x128xf32, #tpu.memory_space<vmem>>, vector<16xf32>,
        %mul3A_2606 = arith.mulf %get3A_2605, %get3A_74 : vector<16xf32>
        %get3A_2607 = arith.index_cast %add3A_2586 : i32 to index
        %get3A_2608 = arith.constant 80 : index
        %get3A_2609 = tpu.vector_load %arg8[%get3A_2607, %get3A_2608] {strides = array<i32>} : memref<800x128xf32, #tpu.memory_space<vmem>>, vector<16xf32>,
        %mul3A_2610 = arith.mulf %get3A_2609, %get3A_76 : vector<16xf32>
        %get3A_2611 = arith.index_cast %add3A_2586 : i32 to index
        %get3A_2612 = arith.constant 96 : index
        %get3A_2613 = tpu.vector_load %arg8[%get3A_2611, %get3A_2612] {strides = array<i32>} : memref<800x128xf32, #tpu.memory_space<vmem>>, vector<16xf32>,
        %mul3A_2614 = arith.mulf %get3A_2613, %get3A_78 : vector<16xf32>
        %get3A_2615 = arith.index_cast %add3A_2586 : i32 to index
        %get3A_2616 = arith.constant 112 : index
        %get3A_2617 = tpu.vector_load %arg8[%get3A_2615, %get3A_2616] {strides = array<i32>} : memref<800x128xf32, #tpu.memory_space<vmem>>, vector<16xf32>,
        %mul3A_2618 = arith.mulf %get3A_2617, %get3A_80 : vector<16xf32>
        %add3A_2619 = arith.addf %mul3A_2590, %mul3A_2594 : vector<16xf32>
        %add3A_2620 = arith.addf %mul3A_2598, %mul3A_2602 : vector<16xf32>
        %add3A_2621 = arith.addf %mul3A_2606, %mul3A_2610 : vector<16xf32>
        %add3A_2622 = arith.addf %mul3A_2614, %mul3A_2618 : vector<16xf32>
        %add3A_2623 = arith.addf %add3A_2619, %add3A_2620 : vector<16xf32>
        %add3A_2624 = arith.addf %add3A_2621, %add3A_2622 : vector<16xf32>
        %add3A_2625 = arith.addf %add3A_2623, %add3A_2624 : vector<16xf32>
        %eq3A_2626 = arith.constant 12 : i32
        %eq3A_2627 = vector.broadcast %eq3A_2626 : i32 to vector<16xi32>
        %eq3A_2628 = arith.cmpi eq, %iota3A, %eq3A_2627 : vector<16xi32>
        %reduce_sum3A_2629 = arith.constant true
        %reduce_sum3A_2630 = vector.broadcast %reduce_sum3A_2629 : i1 to vector<16xi1>
        %reduce_sum3A_2631 = tpu.scan <sum>, %add3A_2625 masked %reduce_sum3A_2630 : vector<16xf32>, vector<16xi1> -> vector<16xf32>
        %reduce_sum3A_2632 = vector.extract %reduce_sum3A_2631[15] : f32 from vector<16xf32>
        %broadcast_in_dim3A_2633 = vector.broadcast %reduce_sum3A_2632 : f32 to vector<16xf32>
        %select_n3A_2634 = arith.select %eq3A_2628, %broadcast_in_dim3A_2633, %select_n3A_2584 : vector<16xi1>, vector<16xf32>
        %add3A_2635 = arith.constant 13 : i32
        %add3A_2636 = arith.addi %add3A_1984, %add3A_2635 : i32
        %get3A_2637 = arith.index_cast %add3A_2636 : i32 to index
        %get3A_2638 = arith.constant 0 : index
        %get3A_2639 = tpu.vector_load %arg8[%get3A_2637, %get3A_2638] {strides = array<i32>} : memref<800x128xf32, #tpu.memory_space<vmem>>, vector<16xf32>,
        %mul3A_2640 = arith.mulf %get3A_2639, %get3A_66 : vector<16xf32>
        %get3A_2641 = arith.index_cast %add3A_2636 : i32 to index
        %get3A_2642 = arith.constant 16 : index
        %get3A_2643 = tpu.vector_load %arg8[%get3A_2641, %get3A_2642] {strides = array<i32>} : memref<800x128xf32, #tpu.memory_space<vmem>>, vector<16xf32>,
        %mul3A_2644 = arith.mulf %get3A_2643, %get3A_68 : vector<16xf32>
        %get3A_2645 = arith.index_cast %add3A_2636 : i32 to index
        %get3A_2646 = arith.constant 32 : index
        %get3A_2647 = tpu.vector_load %arg8[%get3A_2645, %get3A_2646] {strides = array<i32>} : memref<800x128xf32, #tpu.memory_space<vmem>>, vector<16xf32>,
        %mul3A_2648 = arith.mulf %get3A_2647, %get3A_70 : vector<16xf32>
        %get3A_2649 = arith.index_cast %add3A_2636 : i32 to index
        %get3A_2650 = arith.constant 48 : index
        %get3A_2651 = tpu.vector_load %arg8[%get3A_2649, %get3A_2650] {strides = array<i32>} : memref<800x128xf32, #tpu.memory_space<vmem>>, vector<16xf32>,
        %mul3A_2652 = arith.mulf %get3A_2651, %get3A_72 : vector<16xf32>
        %get3A_2653 = arith.index_cast %add3A_2636 : i32 to index
        %get3A_2654 = arith.constant 64 : index
        %get3A_2655 = tpu.vector_load %arg8[%get3A_2653, %get3A_2654] {strides = array<i32>} : memref<800x128xf32, #tpu.memory_space<vmem>>, vector<16xf32>,
        %mul3A_2656 = arith.mulf %get3A_2655, %get3A_74 : vector<16xf32>
        %get3A_2657 = arith.index_cast %add3A_2636 : i32 to index
        %get3A_2658 = arith.constant 80 : index
        %get3A_2659 = tpu.vector_load %arg8[%get3A_2657, %get3A_2658] {strides = array<i32>} : memref<800x128xf32, #tpu.memory_space<vmem>>, vector<16xf32>,
        %mul3A_2660 = arith.mulf %get3A_2659, %get3A_76 : vector<16xf32>
        %get3A_2661 = arith.index_cast %add3A_2636 : i32 to index
        %get3A_2662 = arith.constant 96 : index
        %get3A_2663 = tpu.vector_load %arg8[%get3A_2661, %get3A_2662] {strides = array<i32>} : memref<800x128xf32, #tpu.memory_space<vmem>>, vector<16xf32>,
        %mul3A_2664 = arith.mulf %get3A_2663, %get3A_78 : vector<16xf32>
        %get3A_2665 = arith.index_cast %add3A_2636 : i32 to index
        %get3A_2666 = arith.constant 112 : index
        %get3A_2667 = tpu.vector_load %arg8[%get3A_2665, %get3A_2666] {strides = array<i32>} : memref<800x128xf32, #tpu.memory_space<vmem>>, vector<16xf32>,
        %mul3A_2668 = arith.mulf %get3A_2667, %get3A_80 : vector<16xf32>
        %add3A_2669 = arith.addf %mul3A_2640, %mul3A_2644 : vector<16xf32>
        %add3A_2670 = arith.addf %mul3A_2648, %mul3A_2652 : vector<16xf32>
        %add3A_2671 = arith.addf %mul3A_2656, %mul3A_2660 : vector<16xf32>
        %add3A_2672 = arith.addf %mul3A_2664, %mul3A_2668 : vector<16xf32>
        %add3A_2673 = arith.addf %add3A_2669, %add3A_2670 : vector<16xf32>
        %add3A_2674 = arith.addf %add3A_2671, %add3A_2672 : vector<16xf32>
        %add3A_2675 = arith.addf %add3A_2673, %add3A_2674 : vector<16xf32>
        %eq3A_2676 = arith.constant 13 : i32
        %eq3A_2677 = vector.broadcast %eq3A_2676 : i32 to vector<16xi32>
        %eq3A_2678 = arith.cmpi eq, %iota3A, %eq3A_2677 : vector<16xi32>
        %reduce_sum3A_2679 = arith.constant true
        %reduce_sum3A_2680 = vector.broadcast %reduce_sum3A_2679 : i1 to vector<16xi1>
        %reduce_sum3A_2681 = tpu.scan <sum>, %add3A_2675 masked %reduce_sum3A_2680 : vector<16xf32>, vector<16xi1> -> vector<16xf32>
        %reduce_sum3A_2682 = vector.extract %reduce_sum3A_2681[15] : f32 from vector<16xf32>
        %broadcast_in_dim3A_2683 = vector.broadcast %reduce_sum3A_2682 : f32 to vector<16xf32>
        %select_n3A_2684 = arith.select %eq3A_2678, %broadcast_in_dim3A_2683, %select_n3A_2634 : vector<16xi1>, vector<16xf32>
        %add3A_2685 = arith.constant 14 : i32
        %add3A_2686 = arith.addi %add3A_1984, %add3A_2685 : i32
        %get3A_2687 = arith.index_cast %add3A_2686 : i32 to index
        %get3A_2688 = arith.constant 0 : index
        %get3A_2689 = tpu.vector_load %arg8[%get3A_2687, %get3A_2688] {strides = array<i32>} : memref<800x128xf32, #tpu.memory_space<vmem>>, vector<16xf32>,
        %mul3A_2690 = arith.mulf %get3A_2689, %get3A_66 : vector<16xf32>
        %get3A_2691 = arith.index_cast %add3A_2686 : i32 to index
        %get3A_2692 = arith.constant 16 : index
        %get3A_2693 = tpu.vector_load %arg8[%get3A_2691, %get3A_2692] {strides = array<i32>} : memref<800x128xf32, #tpu.memory_space<vmem>>, vector<16xf32>,
        %mul3A_2694 = arith.mulf %get3A_2693, %get3A_68 : vector<16xf32>
        %get3A_2695 = arith.index_cast %add3A_2686 : i32 to index
        %get3A_2696 = arith.constant 32 : index
        %get3A_2697 = tpu.vector_load %arg8[%get3A_2695, %get3A_2696] {strides = array<i32>} : memref<800x128xf32, #tpu.memory_space<vmem>>, vector<16xf32>,
        %mul3A_2698 = arith.mulf %get3A_2697, %get3A_70 : vector<16xf32>
        %get3A_2699 = arith.index_cast %add3A_2686 : i32 to index
        %get3A_2700 = arith.constant 48 : index
        %get3A_2701 = tpu.vector_load %arg8[%get3A_2699, %get3A_2700] {strides = array<i32>} : memref<800x128xf32, #tpu.memory_space<vmem>>, vector<16xf32>,
        %mul3A_2702 = arith.mulf %get3A_2701, %get3A_72 : vector<16xf32>
        %get3A_2703 = arith.index_cast %add3A_2686 : i32 to index
        %get3A_2704 = arith.constant 64 : index
        %get3A_2705 = tpu.vector_load %arg8[%get3A_2703, %get3A_2704] {strides = array<i32>} : memref<800x128xf32, #tpu.memory_space<vmem>>, vector<16xf32>,
        %mul3A_2706 = arith.mulf %get3A_2705, %get3A_74 : vector<16xf32>
        %get3A_2707 = arith.index_cast %add3A_2686 : i32 to index
        %get3A_2708 = arith.constant 80 : index
        %get3A_2709 = tpu.vector_load %arg8[%get3A_2707, %get3A_2708] {strides = array<i32>} : memref<800x128xf32, #tpu.memory_space<vmem>>, vector<16xf32>,
        %mul3A_2710 = arith.mulf %get3A_2709, %get3A_76 : vector<16xf32>
        %get3A_2711 = arith.index_cast %add3A_2686 : i32 to index
        %get3A_2712 = arith.constant 96 : index
        %get3A_2713 = tpu.vector_load %arg8[%get3A_2711, %get3A_2712] {strides = array<i32>} : memref<800x128xf32, #tpu.memory_space<vmem>>, vector<16xf32>,
        %mul3A_2714 = arith.mulf %get3A_2713, %get3A_78 : vector<16xf32>
        %get3A_2715 = arith.index_cast %add3A_2686 : i32 to index
        %get3A_2716 = arith.constant 112 : index
        %get3A_2717 = tpu.vector_load %arg8[%get3A_2715, %get3A_2716] {strides = array<i32>} : memref<800x128xf32, #tpu.memory_space<vmem>>, vector<16xf32>,
        %mul3A_2718 = arith.mulf %get3A_2717, %get3A_80 : vector<16xf32>
        %add3A_2719 = arith.addf %mul3A_2690, %mul3A_2694 : vector<16xf32>
        %add3A_2720 = arith.addf %mul3A_2698, %mul3A_2702 : vector<16xf32>
        %add3A_2721 = arith.addf %mul3A_2706, %mul3A_2710 : vector<16xf32>
        %add3A_2722 = arith.addf %mul3A_2714, %mul3A_2718 : vector<16xf32>
        %add3A_2723 = arith.addf %add3A_2719, %add3A_2720 : vector<16xf32>
        %add3A_2724 = arith.addf %add3A_2721, %add3A_2722 : vector<16xf32>
        %add3A_2725 = arith.addf %add3A_2723, %add3A_2724 : vector<16xf32>
        %eq3A_2726 = arith.constant 14 : i32
        %eq3A_2727 = vector.broadcast %eq3A_2726 : i32 to vector<16xi32>
        %eq3A_2728 = arith.cmpi eq, %iota3A, %eq3A_2727 : vector<16xi32>
        %reduce_sum3A_2729 = arith.constant true
        %reduce_sum3A_2730 = vector.broadcast %reduce_sum3A_2729 : i1 to vector<16xi1>
        %reduce_sum3A_2731 = tpu.scan <sum>, %add3A_2725 masked %reduce_sum3A_2730 : vector<16xf32>, vector<16xi1> -> vector<16xf32>
        %reduce_sum3A_2732 = vector.extract %reduce_sum3A_2731[15] : f32 from vector<16xf32>
        %broadcast_in_dim3A_2733 = vector.broadcast %reduce_sum3A_2732 : f32 to vector<16xf32>
        %select_n3A_2734 = arith.select %eq3A_2728, %broadcast_in_dim3A_2733, %select_n3A_2684 : vector<16xi1>, vector<16xf32>
        %add3A_2735 = arith.constant 15 : i32
        %add3A_2736 = arith.addi %add3A_1984, %add3A_2735 : i32
        %get3A_2737 = arith.index_cast %add3A_2736 : i32 to index
        %get3A_2738 = arith.constant 0 : index
        %get3A_2739 = tpu.vector_load %arg8[%get3A_2737, %get3A_2738] {strides = array<i32>} : memref<800x128xf32, #tpu.memory_space<vmem>>, vector<16xf32>,
        %mul3A_2740 = arith.mulf %get3A_2739, %get3A_66 : vector<16xf32>
        %get3A_2741 = arith.index_cast %add3A_2736 : i32 to index
        %get3A_2742 = arith.constant 16 : index
        %get3A_2743 = tpu.vector_load %arg8[%get3A_2741, %get3A_2742] {strides = array<i32>} : memref<800x128xf32, #tpu.memory_space<vmem>>, vector<16xf32>,
        %mul3A_2744 = arith.mulf %get3A_2743, %get3A_68 : vector<16xf32>
        %get3A_2745 = arith.index_cast %add3A_2736 : i32 to index
        %get3A_2746 = arith.constant 32 : index
        %get3A_2747 = tpu.vector_load %arg8[%get3A_2745, %get3A_2746] {strides = array<i32>} : memref<800x128xf32, #tpu.memory_space<vmem>>, vector<16xf32>,
        %mul3A_2748 = arith.mulf %get3A_2747, %get3A_70 : vector<16xf32>
        %get3A_2749 = arith.index_cast %add3A_2736 : i32 to index
        %get3A_2750 = arith.constant 48 : index
        %get3A_2751 = tpu.vector_load %arg8[%get3A_2749, %get3A_2750] {strides = array<i32>} : memref<800x128xf32, #tpu.memory_space<vmem>>, vector<16xf32>,
        %mul3A_2752 = arith.mulf %get3A_2751, %get3A_72 : vector<16xf32>
        %get3A_2753 = arith.index_cast %add3A_2736 : i32 to index
        %get3A_2754 = arith.constant 64 : index
        %get3A_2755 = tpu.vector_load %arg8[%get3A_2753, %get3A_2754] {strides = array<i32>} : memref<800x128xf32, #tpu.memory_space<vmem>>, vector<16xf32>,
        %mul3A_2756 = arith.mulf %get3A_2755, %get3A_74 : vector<16xf32>
        %get3A_2757 = arith.index_cast %add3A_2736 : i32 to index
        %get3A_2758 = arith.constant 80 : index
        %get3A_2759 = tpu.vector_load %arg8[%get3A_2757, %get3A_2758] {strides = array<i32>} : memref<800x128xf32, #tpu.memory_space<vmem>>, vector<16xf32>,
        %mul3A_2760 = arith.mulf %get3A_2759, %get3A_76 : vector<16xf32>
        %get3A_2761 = arith.index_cast %add3A_2736 : i32 to index
        %get3A_2762 = arith.constant 96 : index
        %get3A_2763 = tpu.vector_load %arg8[%get3A_2761, %get3A_2762] {strides = array<i32>} : memref<800x128xf32, #tpu.memory_space<vmem>>, vector<16xf32>,
        %mul3A_2764 = arith.mulf %get3A_2763, %get3A_78 : vector<16xf32>
        %get3A_2765 = arith.index_cast %add3A_2736 : i32 to index
        %get3A_2766 = arith.constant 112 : index
        %get3A_2767 = tpu.vector_load %arg8[%get3A_2765, %get3A_2766] {strides = array<i32>} : memref<800x128xf32, #tpu.memory_space<vmem>>, vector<16xf32>,
        %mul3A_2768 = arith.mulf %get3A_2767, %get3A_80 : vector<16xf32>
        %add3A_2769 = arith.addf %mul3A_2740, %mul3A_2744 : vector<16xf32>
        %add3A_2770 = arith.addf %mul3A_2748, %mul3A_2752 : vector<16xf32>
        %add3A_2771 = arith.addf %mul3A_2756, %mul3A_2760 : vector<16xf32>
        %add3A_2772 = arith.addf %mul3A_2764, %mul3A_2768 : vector<16xf32>
        %add3A_2773 = arith.addf %add3A_2769, %add3A_2770 : vector<16xf32>
        %add3A_2774 = arith.addf %add3A_2771, %add3A_2772 : vector<16xf32>
        %add3A_2775 = arith.addf %add3A_2773, %add3A_2774 : vector<16xf32>
        %eq3A_2776 = arith.constant 15 : i32
        %eq3A_2777 = vector.broadcast %eq3A_2776 : i32 to vector<16xi32>
        %eq3A_2778 = arith.cmpi eq, %iota3A, %eq3A_2777 : vector<16xi32>
        %reduce_sum3A_2779 = arith.constant true
        %reduce_sum3A_2780 = vector.broadcast %reduce_sum3A_2779 : i1 to vector<16xi1>
        %reduce_sum3A_2781 = tpu.scan <sum>, %add3A_2775 masked %reduce_sum3A_2780 : vector<16xf32>, vector<16xi1> -> vector<16xf32>
        %reduce_sum3A_2782 = vector.extract %reduce_sum3A_2781[15] : f32 from vector<16xf32>
        %broadcast_in_dim3A_2783 = vector.broadcast %reduce_sum3A_2782 : f32 to vector<16xf32>
        %select_n3A_2784 = arith.select %eq3A_2778, %broadcast_in_dim3A_2783, %select_n3A_2734 : vector<16xi1>, vector<16xf32>
        %add3A_2785 = arith.addf %select_n3A_2784, %get3A_82 : vector<16xf32>
        %mul3A_2786 = arith.constant 16 : i32
        %mul3A_2787 = arith.muli %scan3A_1979, %mul3A_2786 : i32
        %multiple_of3A_2788 = tpu.assume_multiple %mul3A_2787, 16 : i32
        %swap3A_2789 = arith.index_cast %rem3A_124 : i32 to index
        %swap3A_2790 = arith.index_cast %multiple_of3A_2788 : i32 to index
        %swap3A_2791 = tpu.vector_load %arg10[%swap3A_2789, %swap3A_2790] {strides = array<i32>} : memref<2x400xf32, #tpu.memory_space<vmem>>, vector<16xf32>,
        tpu.vector_store %arg10[%swap3A_2789, %swap3A_2790], %add3A_2785 {strides = array<i32>} : memref<2x400xf32, #tpu.memory_space<vmem>>, vector<16xf32>,
        %mul3A_2792 = arith.constant 16 : i32
        %mul3A_2793 = arith.muli %scan3A_1979, %mul3A_2792 : i32
        %multiple_of3A_2794 = tpu.assume_multiple %mul3A_2793, 16 : i32
        %get3A_2795 = arith.index_cast %rem3A_124 : i32 to index
        %get3A_2796 = arith.index_cast %multiple_of3A_2794 : i32 to index
        %get3A_2797 = tpu.vector_load %arg9[%get3A_2795, %get3A_2796] {strides = array<i32>} : memref<2x400xi32, #tpu.memory_space<vmem>>, vector<16xi32>,
        %sub3A_2798 = arith.constant 1 : i32
        %sub3A_2799 = vector.broadcast %sub3A_2798 : i32 to vector<16xi32>
        %sub3A_2800 = arith.subi %iota3A, %sub3A_2799 : vector<16xi32>
        %max3A_2801 = arith.constant 0 : i32
        %max3A_2802 = vector.broadcast %max3A_2801 : i32 to vector<16xi32>
        %max3A_2803 = arith.maxsi %sub3A_2800, %max3A_2802 : vector<16xi32>
        %reshape3A_2804 = vector.shape_cast %max3A_2803 : vector<16xi32> to vector<16x1xi32>
        %gather3A_2805 = vector.shape_cast %reshape3A_2804 : vector<16x1xi32> to vector<16xi32>
        %gather3A_2806 = tpu.dynamic_gather %add3A_2785[%gather3A_2805] in [0] : vector<16xf32>, vector<16xi32> -> vector<16xf32>
        %reshape3A_2807 = vector.shape_cast %max3A_2803 : vector<16xi32> to vector<16x1xi32>
        %gather3A_2808 = vector.shape_cast %reshape3A_2807 : vector<16x1xi32> to vector<16xi32>
        %gather3A_2809 = tpu.dynamic_gather %get3A_2797[%gather3A_2808] in [0] : vector<16xi32>, vector<16xi32> -> vector<16xi32>
        %eq3A_2810 = arith.cmpi eq, %gather3A_2809, %get3A_2797 : vector<16xi32>
        %ge3A_2811 = arith.constant 1 : i32
        %ge3A_2812 = vector.broadcast %ge3A_2811 : i32 to vector<16xi32>
        %ge3A_2813 = arith.cmpi sge, %iota3A, %ge3A_2812 : vector<16xi32>
        %and3A_2814 = arith.andi %eq3A_2810, %ge3A_2813 : vector<16xi1>
        %max3A_2815 = arith.maximumf %add3A_2785, %gather3A_2806 : vector<16xf32>
        %select_n3A_2816 = arith.select %and3A_2814, %max3A_2815, %add3A_2785 : vector<16xi1>, vector<16xf32>
        %sub3A_2817 = arith.constant 2 : i32
        %sub3A_2818 = vector.broadcast %sub3A_2817 : i32 to vector<16xi32>
        %sub3A_2819 = arith.subi %iota3A, %sub3A_2818 : vector<16xi32>
        %max3A_2820 = arith.constant 0 : i32
        %max3A_2821 = vector.broadcast %max3A_2820 : i32 to vector<16xi32>
        %max3A_2822 = arith.maxsi %sub3A_2819, %max3A_2821 : vector<16xi32>
        %reshape3A_2823 = vector.shape_cast %max3A_2822 : vector<16xi32> to vector<16x1xi32>
        %gather3A_2824 = vector.shape_cast %reshape3A_2823 : vector<16x1xi32> to vector<16xi32>
        %gather3A_2825 = tpu.dynamic_gather %select_n3A_2816[%gather3A_2824] in [0] : vector<16xf32>, vector<16xi32> -> vector<16xf32>
        %reshape3A_2826 = vector.shape_cast %max3A_2822 : vector<16xi32> to vector<16x1xi32>
        %gather3A_2827 = vector.shape_cast %reshape3A_2826 : vector<16x1xi32> to vector<16xi32>
        %gather3A_2828 = tpu.dynamic_gather %get3A_2797[%gather3A_2827] in [0] : vector<16xi32>, vector<16xi32> -> vector<16xi32>
        %eq3A_2829 = arith.cmpi eq, %gather3A_2828, %get3A_2797 : vector<16xi32>
        %ge3A_2830 = arith.constant 2 : i32
        %ge3A_2831 = vector.broadcast %ge3A_2830 : i32 to vector<16xi32>
        %ge3A_2832 = arith.cmpi sge, %iota3A, %ge3A_2831 : vector<16xi32>
        %and3A_2833 = arith.andi %eq3A_2829, %ge3A_2832 : vector<16xi1>
        %max3A_2834 = arith.maximumf %select_n3A_2816, %gather3A_2825 : vector<16xf32>
        %select_n3A_2835 = arith.select %and3A_2833, %max3A_2834, %select_n3A_2816 : vector<16xi1>, vector<16xf32>
        %sub3A_2836 = arith.constant 4 : i32
        %sub3A_2837 = vector.broadcast %sub3A_2836 : i32 to vector<16xi32>
        %sub3A_2838 = arith.subi %iota3A, %sub3A_2837 : vector<16xi32>
        %max3A_2839 = arith.constant 0 : i32
        %max3A_2840 = vector.broadcast %max3A_2839 : i32 to vector<16xi32>
        %max3A_2841 = arith.maxsi %sub3A_2838, %max3A_2840 : vector<16xi32>
        %reshape3A_2842 = vector.shape_cast %max3A_2841 : vector<16xi32> to vector<16x1xi32>
        %gather3A_2843 = vector.shape_cast %reshape3A_2842 : vector<16x1xi32> to vector<16xi32>
        %gather3A_2844 = tpu.dynamic_gather %select_n3A_2835[%gather3A_2843] in [0] : vector<16xf32>, vector<16xi32> -> vector<16xf32>
        %reshape3A_2845 = vector.shape_cast %max3A_2841 : vector<16xi32> to vector<16x1xi32>
        %gather3A_2846 = vector.shape_cast %reshape3A_2845 : vector<16x1xi32> to vector<16xi32>
        %gather3A_2847 = tpu.dynamic_gather %get3A_2797[%gather3A_2846] in [0] : vector<16xi32>, vector<16xi32> -> vector<16xi32>
        %eq3A_2848 = arith.cmpi eq, %gather3A_2847, %get3A_2797 : vector<16xi32>
        %ge3A_2849 = arith.constant 4 : i32
        %ge3A_2850 = vector.broadcast %ge3A_2849 : i32 to vector<16xi32>
        %ge3A_2851 = arith.cmpi sge, %iota3A, %ge3A_2850 : vector<16xi32>
        %and3A_2852 = arith.andi %eq3A_2848, %ge3A_2851 : vector<16xi1>
        %max3A_2853 = arith.maximumf %select_n3A_2835, %gather3A_2844 : vector<16xf32>
        %select_n3A_2854 = arith.select %and3A_2852, %max3A_2853, %select_n3A_2835 : vector<16xi1>, vector<16xf32>
        %sub3A_2855 = arith.constant 8 : i32
        %sub3A_2856 = vector.broadcast %sub3A_2855 : i32 to vector<16xi32>
        %sub3A_2857 = arith.subi %iota3A, %sub3A_2856 : vector<16xi32>
        %max3A_2858 = arith.constant 0 : i32
        %max3A_2859 = vector.broadcast %max3A_2858 : i32 to vector<16xi32>
        %max3A_2860 = arith.maxsi %sub3A_2857, %max3A_2859 : vector<16xi32>
        %reshape3A_2861 = vector.shape_cast %max3A_2860 : vector<16xi32> to vector<16x1xi32>
        %gather3A_2862 = vector.shape_cast %reshape3A_2861 : vector<16x1xi32> to vector<16xi32>
        %gather3A_2863 = tpu.dynamic_gather %select_n3A_2854[%gather3A_2862] in [0] : vector<16xf32>, vector<16xi32> -> vector<16xf32>
        %reshape3A_2864 = vector.shape_cast %max3A_2860 : vector<16xi32> to vector<16x1xi32>
        %gather3A_2865 = vector.shape_cast %reshape3A_2864 : vector<16x1xi32> to vector<16xi32>
        %gather3A_2866 = tpu.dynamic_gather %get3A_2797[%gather3A_2865] in [0] : vector<16xi32>, vector<16xi32> -> vector<16xi32>
        %eq3A_2867 = arith.cmpi eq, %gather3A_2866, %get3A_2797 : vector<16xi32>
        %ge3A_2868 = arith.constant 8 : i32
        %ge3A_2869 = vector.broadcast %ge3A_2868 : i32 to vector<16xi32>
        %ge3A_2870 = arith.cmpi sge, %iota3A, %ge3A_2869 : vector<16xi32>
        %and3A_2871 = arith.andi %eq3A_2867, %ge3A_2870 : vector<16xi1>
        %max3A_2872 = arith.maximumf %select_n3A_2854, %gather3A_2863 : vector<16xf32>
        %select_n3A_2873 = arith.select %and3A_2871, %max3A_2872, %select_n3A_2854 : vector<16xi1>, vector<16xf32>
        %reshape3A_2874 = vector.shape_cast %min3A_89 : vector<16xi32> to vector<16x1xi32>
        %gather3A_2875 = vector.shape_cast %reshape3A_2874 : vector<16x1xi32> to vector<16xi32>
        %gather3A_2876 = tpu.dynamic_gather %get3A_2797[%gather3A_2875] in [0] : vector<16xi32>, vector<16xi32> -> vector<16xi32>
        %ne3A_2877 = arith.cmpi ne, %gather3A_2876, %get3A_2797 : vector<16xi32>
        %or3A_2878 = arith.ori %ne3A_2877, %eq3A_84 : vector<16xi1>
        %gather3A_2879 = tpu.vector_load_idx %arg11[%get3A_2797] masked %or3A_2878 : memref<10240xf32, #tpu.memory_space<vmem>>[vector<16xi32>], vector<16xf32>, vector<16xi1>
        %max3A_2880 = arith.maximumf %gather3A_2879, %select_n3A_2873 : vector<16xf32>
        tpu.vector_store_idx %arg11[%get3A_2797], %max3A_2880 masked %or3A_2878 : memref<10240xf32, #tpu.memory_space<vmem>>[vector<16xi32>], vector<16xf32>, vector<16xi1>
      }
      %scan3A_152 = arith.constant 24 : i32
      %scan3A_153 = arith.addi %scan3A_148, %scan3A_152 : i32
      %mul3A_154 = arith.constant 400 : i32
      %mul3A_155 = arith.muli %rem3A_124, %mul3A_154 : i32
      %mul3A_156 = arith.constant 16 : i32
      %mul3A_157 = arith.muli %scan3A_153, %mul3A_156 : i32
      %add3A_158 = arith.addi %mul3A_155, %mul3A_157 : i32
      %add3A_159 = arith.constant 0 : i32
      %add3A_160 = arith.addi %add3A_158, %add3A_159 : i32
      %get3A_161 = arith.index_cast %add3A_160 : i32 to index
      %get3A_162 = arith.constant 0 : index
      %get3A_163 = tpu.vector_load %arg8[%get3A_161, %get3A_162] {strides = array<i32>} : memref<800x128xf32, #tpu.memory_space<vmem>>, vector<16xf32>,
      %mul3A_164 = arith.mulf %get3A_163, %get3A_66 : vector<16xf32>
      %get3A_165 = arith.index_cast %add3A_160 : i32 to index
      %get3A_166 = arith.constant 16 : index
      %get3A_167 = tpu.vector_load %arg8[%get3A_165, %get3A_166] {strides = array<i32>} : memref<800x128xf32, #tpu.memory_space<vmem>>, vector<16xf32>,
      %mul3A_168 = arith.mulf %get3A_167, %get3A_68 : vector<16xf32>
      %get3A_169 = arith.index_cast %add3A_160 : i32 to index
      %get3A_170 = arith.constant 32 : index
      %get3A_171 = tpu.vector_load %arg8[%get3A_169, %get3A_170] {strides = array<i32>} : memref<800x128xf32, #tpu.memory_space<vmem>>, vector<16xf32>,
      %mul3A_172 = arith.mulf %get3A_171, %get3A_70 : vector<16xf32>
      %get3A_173 = arith.index_cast %add3A_160 : i32 to index
      %get3A_174 = arith.constant 48 : index
      %get3A_175 = tpu.vector_load %arg8[%get3A_173, %get3A_174] {strides = array<i32>} : memref<800x128xf32, #tpu.memory_space<vmem>>, vector<16xf32>,
      %mul3A_176 = arith.mulf %get3A_175, %get3A_72 : vector<16xf32>
      %get3A_177 = arith.index_cast %add3A_160 : i32 to index
      %get3A_178 = arith.constant 64 : index
      %get3A_179 = tpu.vector_load %arg8[%get3A_177, %get3A_178] {strides = array<i32>} : memref<800x128xf32, #tpu.memory_space<vmem>>, vector<16xf32>,
      %mul3A_180 = arith.mulf %get3A_179, %get3A_74 : vector<16xf32>
      %get3A_181 = arith.index_cast %add3A_160 : i32 to index
      %get3A_182 = arith.constant 80 : index
      %get3A_183 = tpu.vector_load %arg8[%get3A_181, %get3A_182] {strides = array<i32>} : memref<800x128xf32, #tpu.memory_space<vmem>>, vector<16xf32>,
      %mul3A_184 = arith.mulf %get3A_183, %get3A_76 : vector<16xf32>
      %get3A_185 = arith.index_cast %add3A_160 : i32 to index
      %get3A_186 = arith.constant 96 : index
      %get3A_187 = tpu.vector_load %arg8[%get3A_185, %get3A_186] {strides = array<i32>} : memref<800x128xf32, #tpu.memory_space<vmem>>, vector<16xf32>,
      %mul3A_188 = arith.mulf %get3A_187, %get3A_78 : vector<16xf32>
      %get3A_189 = arith.index_cast %add3A_160 : i32 to index
      %get3A_190 = arith.constant 112 : index
      %get3A_191 = tpu.vector_load %arg8[%get3A_189, %get3A_190] {strides = array<i32>} : memref<800x128xf32, #tpu.memory_space<vmem>>, vector<16xf32>,
      %mul3A_192 = arith.mulf %get3A_191, %get3A_80 : vector<16xf32>
      %add3A_193 = arith.addf %mul3A_164, %mul3A_168 : vector<16xf32>
      %add3A_194 = arith.addf %mul3A_172, %mul3A_176 : vector<16xf32>
      %add3A_195 = arith.addf %mul3A_180, %mul3A_184 : vector<16xf32>
      %add3A_196 = arith.addf %mul3A_188, %mul3A_192 : vector<16xf32>
      %add3A_197 = arith.addf %add3A_193, %add3A_194 : vector<16xf32>
      %add3A_198 = arith.addf %add3A_195, %add3A_196 : vector<16xf32>
      %add3A_199 = arith.addf %add3A_197, %add3A_198 : vector<16xf32>
      %eq3A_200 = arith.constant 0 : i32
      %eq3A_201 = vector.broadcast %eq3A_200 : i32 to vector<16xi32>
      %eq3A_202 = arith.cmpi eq, %iota3A, %eq3A_201 : vector<16xi32>
      %reduce_sum3A = arith.constant true
      %reduce_sum3A_203 = vector.broadcast %reduce_sum3A : i1 to vector<16xi1>
      %reduce_sum3A_204 = tpu.scan <sum>, %add3A_199 masked %reduce_sum3A_203 : vector<16xf32>, vector<16xi1> -> vector<16xf32>
      %reduce_sum3A_205 = vector.extract %reduce_sum3A_204[15] : f32 from vector<16xf32>
      %broadcast_in_dim3A_206 = vector.broadcast %reduce_sum3A_205 : f32 to vector<16xf32>
      %select_n3A = arith.select %eq3A_202, %broadcast_in_dim3A_206, %broadcast_in_dim3A_60 : vector<16xi1>, vector<16xf32>
      %add3A_207 = arith.constant 1 : i32
      %add3A_208 = arith.addi %add3A_158, %add3A_207 : i32
      %get3A_209 = arith.index_cast %add3A_208 : i32 to index
      %get3A_210 = arith.constant 0 : index
      %get3A_211 = tpu.vector_load %arg8[%get3A_209, %get3A_210] {strides = array<i32>} : memref<800x128xf32, #tpu.memory_space<vmem>>, vector<16xf32>,
      %mul3A_212 = arith.mulf %get3A_211, %get3A_66 : vector<16xf32>
      %get3A_213 = arith.index_cast %add3A_208 : i32 to index
      %get3A_214 = arith.constant 16 : index
      %get3A_215 = tpu.vector_load %arg8[%get3A_213, %get3A_214] {strides = array<i32>} : memref<800x128xf32, #tpu.memory_space<vmem>>, vector<16xf32>,
      %mul3A_216 = arith.mulf %get3A_215, %get3A_68 : vector<16xf32>
      %get3A_217 = arith.index_cast %add3A_208 : i32 to index
      %get3A_218 = arith.constant 32 : index
      %get3A_219 = tpu.vector_load %arg8[%get3A_217, %get3A_218] {strides = array<i32>} : memref<800x128xf32, #tpu.memory_space<vmem>>, vector<16xf32>,
      %mul3A_220 = arith.mulf %get3A_219, %get3A_70 : vector<16xf32>
      %get3A_221 = arith.index_cast %add3A_208 : i32 to index
      %get3A_222 = arith.constant 48 : index
      %get3A_223 = tpu.vector_load %arg8[%get3A_221, %get3A_222] {strides = array<i32>} : memref<800x128xf32, #tpu.memory_space<vmem>>, vector<16xf32>,
      %mul3A_224 = arith.mulf %get3A_223, %get3A_72 : vector<16xf32>
      %get3A_225 = arith.index_cast %add3A_208 : i32 to index
      %get3A_226 = arith.constant 64 : index
      %get3A_227 = tpu.vector_load %arg8[%get3A_225, %get3A_226] {strides = array<i32>} : memref<800x128xf32, #tpu.memory_space<vmem>>, vector<16xf32>,
      %mul3A_228 = arith.mulf %get3A_227, %get3A_74 : vector<16xf32>
      %get3A_229 = arith.index_cast %add3A_208 : i32 to index
      %get3A_230 = arith.constant 80 : index
      %get3A_231 = tpu.vector_load %arg8[%get3A_229, %get3A_230] {strides = array<i32>} : memref<800x128xf32, #tpu.memory_space<vmem>>, vector<16xf32>,
      %mul3A_232 = arith.mulf %get3A_231, %get3A_76 : vector<16xf32>
      %get3A_233 = arith.index_cast %add3A_208 : i32 to index
      %get3A_234 = arith.constant 96 : index
      %get3A_235 = tpu.vector_load %arg8[%get3A_233, %get3A_234] {strides = array<i32>} : memref<800x128xf32, #tpu.memory_space<vmem>>, vector<16xf32>,
      %mul3A_236 = arith.mulf %get3A_235, %get3A_78 : vector<16xf32>
      %get3A_237 = arith.index_cast %add3A_208 : i32 to index
      %get3A_238 = arith.constant 112 : index
      %get3A_239 = tpu.vector_load %arg8[%get3A_237, %get3A_238] {strides = array<i32>} : memref<800x128xf32, #tpu.memory_space<vmem>>, vector<16xf32>,
      %mul3A_240 = arith.mulf %get3A_239, %get3A_80 : vector<16xf32>
      %add3A_241 = arith.addf %mul3A_212, %mul3A_216 : vector<16xf32>
      %add3A_242 = arith.addf %mul3A_220, %mul3A_224 : vector<16xf32>
      %add3A_243 = arith.addf %mul3A_228, %mul3A_232 : vector<16xf32>
      %add3A_244 = arith.addf %mul3A_236, %mul3A_240 : vector<16xf32>
      %add3A_245 = arith.addf %add3A_241, %add3A_242 : vector<16xf32>
      %add3A_246 = arith.addf %add3A_243, %add3A_244 : vector<16xf32>
      %add3A_247 = arith.addf %add3A_245, %add3A_246 : vector<16xf32>
      %eq3A_248 = arith.constant 1 : i32
      %eq3A_249 = vector.broadcast %eq3A_248 : i32 to vector<16xi32>
      %eq3A_250 = arith.cmpi eq, %iota3A, %eq3A_249 : vector<16xi32>
      %reduce_sum3A_251 = arith.constant true
      %reduce_sum3A_252 = vector.broadcast %reduce_sum3A_251 : i1 to vector<16xi1>
      %reduce_sum3A_253 = tpu.scan <sum>, %add3A_247 masked %reduce_sum3A_252 : vector<16xf32>, vector<16xi1> -> vector<16xf32>
      %reduce_sum3A_254 = vector.extract %reduce_sum3A_253[15] : f32 from vector<16xf32>
      %broadcast_in_dim3A_255 = vector.broadcast %reduce_sum3A_254 : f32 to vector<16xf32>
      %select_n3A_256 = arith.select %eq3A_250, %broadcast_in_dim3A_255, %select_n3A : vector<16xi1>, vector<16xf32>
      %add3A_257 = arith.constant 2 : i32
      %add3A_258 = arith.addi %add3A_158, %add3A_257 : i32
      %get3A_259 = arith.index_cast %add3A_258 : i32 to index
      %get3A_260 = arith.constant 0 : index
      %get3A_261 = tpu.vector_load %arg8[%get3A_259, %get3A_260] {strides = array<i32>} : memref<800x128xf32, #tpu.memory_space<vmem>>, vector<16xf32>,
      %mul3A_262 = arith.mulf %get3A_261, %get3A_66 : vector<16xf32>
      %get3A_263 = arith.index_cast %add3A_258 : i32 to index
      %get3A_264 = arith.constant 16 : index
      %get3A_265 = tpu.vector_load %arg8[%get3A_263, %get3A_264] {strides = array<i32>} : memref<800x128xf32, #tpu.memory_space<vmem>>, vector<16xf32>,
      %mul3A_266 = arith.mulf %get3A_265, %get3A_68 : vector<16xf32>
      %get3A_267 = arith.index_cast %add3A_258 : i32 to index
      %get3A_268 = arith.constant 32 : index
      %get3A_269 = tpu.vector_load %arg8[%get3A_267, %get3A_268] {strides = array<i32>} : memref<800x128xf32, #tpu.memory_space<vmem>>, vector<16xf32>,
      %mul3A_270 = arith.mulf %get3A_269, %get3A_70 : vector<16xf32>
      %get3A_271 = arith.index_cast %add3A_258 : i32 to index
      %get3A_272 = arith.constant 48 : index
      %get3A_273 = tpu.vector_load %arg8[%get3A_271, %get3A_272] {strides = array<i32>} : memref<800x128xf32, #tpu.memory_space<vmem>>, vector<16xf32>,
      %mul3A_274 = arith.mulf %get3A_273, %get3A_72 : vector<16xf32>
      %get3A_275 = arith.index_cast %add3A_258 : i32 to index
      %get3A_276 = arith.constant 64 : index
      %get3A_277 = tpu.vector_load %arg8[%get3A_275, %get3A_276] {strides = array<i32>} : memref<800x128xf32, #tpu.memory_space<vmem>>, vector<16xf32>,
      %mul3A_278 = arith.mulf %get3A_277, %get3A_74 : vector<16xf32>
      %get3A_279 = arith.index_cast %add3A_258 : i32 to index
      %get3A_280 = arith.constant 80 : index
      %get3A_281 = tpu.vector_load %arg8[%get3A_279, %get3A_280] {strides = array<i32>} : memref<800x128xf32, #tpu.memory_space<vmem>>, vector<16xf32>,
      %mul3A_282 = arith.mulf %get3A_281, %get3A_76 : vector<16xf32>
      %get3A_283 = arith.index_cast %add3A_258 : i32 to index
      %get3A_284 = arith.constant 96 : index
      %get3A_285 = tpu.vector_load %arg8[%get3A_283, %get3A_284] {strides = array<i32>} : memref<800x128xf32, #tpu.memory_space<vmem>>, vector<16xf32>,
      %mul3A_286 = arith.mulf %get3A_285, %get3A_78 : vector<16xf32>
      %get3A_287 = arith.index_cast %add3A_258 : i32 to index
      %get3A_288 = arith.constant 112 : index
      %get3A_289 = tpu.vector_load %arg8[%get3A_287, %get3A_288] {strides = array<i32>} : memref<800x128xf32, #tpu.memory_space<vmem>>, vector<16xf32>,
      %mul3A_290 = arith.mulf %get3A_289, %get3A_80 : vector<16xf32>
      %add3A_291 = arith.addf %mul3A_262, %mul3A_266 : vector<16xf32>
      %add3A_292 = arith.addf %mul3A_270, %mul3A_274 : vector<16xf32>
      %add3A_293 = arith.addf %mul3A_278, %mul3A_282 : vector<16xf32>
      %add3A_294 = arith.addf %mul3A_286, %mul3A_290 : vector<16xf32>
      %add3A_295 = arith.addf %add3A_291, %add3A_292 : vector<16xf32>
      %add3A_296 = arith.addf %add3A_293, %add3A_294 : vector<16xf32>
      %add3A_297 = arith.addf %add3A_295, %add3A_296 : vector<16xf32>
      %eq3A_298 = arith.constant 2 : i32
      %eq3A_299 = vector.broadcast %eq3A_298 : i32 to vector<16xi32>
      %eq3A_300 = arith.cmpi eq, %iota3A, %eq3A_299 : vector<16xi32>
      %reduce_sum3A_301 = arith.constant true
      %reduce_sum3A_302 = vector.broadcast %reduce_sum3A_301 : i1 to vector<16xi1>
      %reduce_sum3A_303 = tpu.scan <sum>, %add3A_297 masked %reduce_sum3A_302 : vector<16xf32>, vector<16xi1> -> vector<16xf32>
      %reduce_sum3A_304 = vector.extract %reduce_sum3A_303[15] : f32 from vector<16xf32>
      %broadcast_in_dim3A_305 = vector.broadcast %reduce_sum3A_304 : f32 to vector<16xf32>
      %select_n3A_306 = arith.select %eq3A_300, %broadcast_in_dim3A_305, %select_n3A_256 : vector<16xi1>, vector<16xf32>
      %add3A_307 = arith.constant 3 : i32
      %add3A_308 = arith.addi %add3A_158, %add3A_307 : i32
      %get3A_309 = arith.index_cast %add3A_308 : i32 to index
      %get3A_310 = arith.constant 0 : index
      %get3A_311 = tpu.vector_load %arg8[%get3A_309, %get3A_310] {strides = array<i32>} : memref<800x128xf32, #tpu.memory_space<vmem>>, vector<16xf32>,
      %mul3A_312 = arith.mulf %get3A_311, %get3A_66 : vector<16xf32>
      %get3A_313 = arith.index_cast %add3A_308 : i32 to index
      %get3A_314 = arith.constant 16 : index
      %get3A_315 = tpu.vector_load %arg8[%get3A_313, %get3A_314] {strides = array<i32>} : memref<800x128xf32, #tpu.memory_space<vmem>>, vector<16xf32>,
      %mul3A_316 = arith.mulf %get3A_315, %get3A_68 : vector<16xf32>
      %get3A_317 = arith.index_cast %add3A_308 : i32 to index
      %get3A_318 = arith.constant 32 : index
      %get3A_319 = tpu.vector_load %arg8[%get3A_317, %get3A_318] {strides = array<i32>} : memref<800x128xf32, #tpu.memory_space<vmem>>, vector<16xf32>,
      %mul3A_320 = arith.mulf %get3A_319, %get3A_70 : vector<16xf32>
      %get3A_321 = arith.index_cast %add3A_308 : i32 to index
      %get3A_322 = arith.constant 48 : index
      %get3A_323 = tpu.vector_load %arg8[%get3A_321, %get3A_322] {strides = array<i32>} : memref<800x128xf32, #tpu.memory_space<vmem>>, vector<16xf32>,
      %mul3A_324 = arith.mulf %get3A_323, %get3A_72 : vector<16xf32>
      %get3A_325 = arith.index_cast %add3A_308 : i32 to index
      %get3A_326 = arith.constant 64 : index
      %get3A_327 = tpu.vector_load %arg8[%get3A_325, %get3A_326] {strides = array<i32>} : memref<800x128xf32, #tpu.memory_space<vmem>>, vector<16xf32>,
      %mul3A_328 = arith.mulf %get3A_327, %get3A_74 : vector<16xf32>
      %get3A_329 = arith.index_cast %add3A_308 : i32 to index
      %get3A_330 = arith.constant 80 : index
      %get3A_331 = tpu.vector_load %arg8[%get3A_329, %get3A_330] {strides = array<i32>} : memref<800x128xf32, #tpu.memory_space<vmem>>, vector<16xf32>,
      %mul3A_332 = arith.mulf %get3A_331, %get3A_76 : vector<16xf32>
      %get3A_333 = arith.index_cast %add3A_308 : i32 to index
      %get3A_334 = arith.constant 96 : index
      %get3A_335 = tpu.vector_load %arg8[%get3A_333, %get3A_334] {strides = array<i32>} : memref<800x128xf32, #tpu.memory_space<vmem>>, vector<16xf32>,
      %mul3A_336 = arith.mulf %get3A_335, %get3A_78 : vector<16xf32>
      %get3A_337 = arith.index_cast %add3A_308 : i32 to index
      %get3A_338 = arith.constant 112 : index
      %get3A_339 = tpu.vector_load %arg8[%get3A_337, %get3A_338] {strides = array<i32>} : memref<800x128xf32, #tpu.memory_space<vmem>>, vector<16xf32>,
      %mul3A_340 = arith.mulf %get3A_339, %get3A_80 : vector<16xf32>
      %add3A_341 = arith.addf %mul3A_312, %mul3A_316 : vector<16xf32>
      %add3A_342 = arith.addf %mul3A_320, %mul3A_324 : vector<16xf32>
      %add3A_343 = arith.addf %mul3A_328, %mul3A_332 : vector<16xf32>
      %add3A_344 = arith.addf %mul3A_336, %mul3A_340 : vector<16xf32>
      %add3A_345 = arith.addf %add3A_341, %add3A_342 : vector<16xf32>
      %add3A_346 = arith.addf %add3A_343, %add3A_344 : vector<16xf32>
      %add3A_347 = arith.addf %add3A_345, %add3A_346 : vector<16xf32>
      %eq3A_348 = arith.constant 3 : i32
      %eq3A_349 = vector.broadcast %eq3A_348 : i32 to vector<16xi32>
      %eq3A_350 = arith.cmpi eq, %iota3A, %eq3A_349 : vector<16xi32>
      %reduce_sum3A_351 = arith.constant true
      %reduce_sum3A_352 = vector.broadcast %reduce_sum3A_351 : i1 to vector<16xi1>
      %reduce_sum3A_353 = tpu.scan <sum>, %add3A_347 masked %reduce_sum3A_352 : vector<16xf32>, vector<16xi1> -> vector<16xf32>
      %reduce_sum3A_354 = vector.extract %reduce_sum3A_353[15] : f32 from vector<16xf32>
      %broadcast_in_dim3A_355 = vector.broadcast %reduce_sum3A_354 : f32 to vector<16xf32>
      %select_n3A_356 = arith.select %eq3A_350, %broadcast_in_dim3A_355, %select_n3A_306 : vector<16xi1>, vector<16xf32>
      %add3A_357 = arith.constant 4 : i32
      %add3A_358 = arith.addi %add3A_158, %add3A_357 : i32
      %get3A_359 = arith.index_cast %add3A_358 : i32 to index
      %get3A_360 = arith.constant 0 : index
      %get3A_361 = tpu.vector_load %arg8[%get3A_359, %get3A_360] {strides = array<i32>} : memref<800x128xf32, #tpu.memory_space<vmem>>, vector<16xf32>,
      %mul3A_362 = arith.mulf %get3A_361, %get3A_66 : vector<16xf32>
      %get3A_363 = arith.index_cast %add3A_358 : i32 to index
      %get3A_364 = arith.constant 16 : index
      %get3A_365 = tpu.vector_load %arg8[%get3A_363, %get3A_364] {strides = array<i32>} : memref<800x128xf32, #tpu.memory_space<vmem>>, vector<16xf32>,
      %mul3A_366 = arith.mulf %get3A_365, %get3A_68 : vector<16xf32>
      %get3A_367 = arith.index_cast %add3A_358 : i32 to index
      %get3A_368 = arith.constant 32 : index
      %get3A_369 = tpu.vector_load %arg8[%get3A_367, %get3A_368] {strides = array<i32>} : memref<800x128xf32, #tpu.memory_space<vmem>>, vector<16xf32>,
      %mul3A_370 = arith.mulf %get3A_369, %get3A_70 : vector<16xf32>
      %get3A_371 = arith.index_cast %add3A_358 : i32 to index
      %get3A_372 = arith.constant 48 : index
      %get3A_373 = tpu.vector_load %arg8[%get3A_371, %get3A_372] {strides = array<i32>} : memref<800x128xf32, #tpu.memory_space<vmem>>, vector<16xf32>,
      %mul3A_374 = arith.mulf %get3A_373, %get3A_72 : vector<16xf32>
      %get3A_375 = arith.index_cast %add3A_358 : i32 to index
      %get3A_376 = arith.constant 64 : index
      %get3A_377 = tpu.vector_load %arg8[%get3A_375, %get3A_376] {strides = array<i32>} : memref<800x128xf32, #tpu.memory_space<vmem>>, vector<16xf32>,
      %mul3A_378 = arith.mulf %get3A_377, %get3A_74 : vector<16xf32>
      %get3A_379 = arith.index_cast %add3A_358 : i32 to index
      %get3A_380 = arith.constant 80 : index
      %get3A_381 = tpu.vector_load %arg8[%get3A_379, %get3A_380] {strides = array<i32>} : memref<800x128xf32, #tpu.memory_space<vmem>>, vector<16xf32>,
      %mul3A_382 = arith.mulf %get3A_381, %get3A_76 : vector<16xf32>
      %get3A_383 = arith.index_cast %add3A_358 : i32 to index
      %get3A_384 = arith.constant 96 : index
      %get3A_385 = tpu.vector_load %arg8[%get3A_383, %get3A_384] {strides = array<i32>} : memref<800x128xf32, #tpu.memory_space<vmem>>, vector<16xf32>,
      %mul3A_386 = arith.mulf %get3A_385, %get3A_78 : vector<16xf32>
      %get3A_387 = arith.index_cast %add3A_358 : i32 to index
      %get3A_388 = arith.constant 112 : index
      %get3A_389 = tpu.vector_load %arg8[%get3A_387, %get3A_388] {strides = array<i32>} : memref<800x128xf32, #tpu.memory_space<vmem>>, vector<16xf32>,
      %mul3A_390 = arith.mulf %get3A_389, %get3A_80 : vector<16xf32>
      %add3A_391 = arith.addf %mul3A_362, %mul3A_366 : vector<16xf32>
      %add3A_392 = arith.addf %mul3A_370, %mul3A_374 : vector<16xf32>
      %add3A_393 = arith.addf %mul3A_378, %mul3A_382 : vector<16xf32>
      %add3A_394 = arith.addf %mul3A_386, %mul3A_390 : vector<16xf32>
      %add3A_395 = arith.addf %add3A_391, %add3A_392 : vector<16xf32>
      %add3A_396 = arith.addf %add3A_393, %add3A_394 : vector<16xf32>
      %add3A_397 = arith.addf %add3A_395, %add3A_396 : vector<16xf32>
      %eq3A_398 = arith.constant 4 : i32
      %eq3A_399 = vector.broadcast %eq3A_398 : i32 to vector<16xi32>
      %eq3A_400 = arith.cmpi eq, %iota3A, %eq3A_399 : vector<16xi32>
      %reduce_sum3A_401 = arith.constant true
      %reduce_sum3A_402 = vector.broadcast %reduce_sum3A_401 : i1 to vector<16xi1>
      %reduce_sum3A_403 = tpu.scan <sum>, %add3A_397 masked %reduce_sum3A_402 : vector<16xf32>, vector<16xi1> -> vector<16xf32>
      %reduce_sum3A_404 = vector.extract %reduce_sum3A_403[15] : f32 from vector<16xf32>
      %broadcast_in_dim3A_405 = vector.broadcast %reduce_sum3A_404 : f32 to vector<16xf32>
      %select_n3A_406 = arith.select %eq3A_400, %broadcast_in_dim3A_405, %select_n3A_356 : vector<16xi1>, vector<16xf32>
      %add3A_407 = arith.constant 5 : i32
      %add3A_408 = arith.addi %add3A_158, %add3A_407 : i32
      %get3A_409 = arith.index_cast %add3A_408 : i32 to index
      %get3A_410 = arith.constant 0 : index
      %get3A_411 = tpu.vector_load %arg8[%get3A_409, %get3A_410] {strides = array<i32>} : memref<800x128xf32, #tpu.memory_space<vmem>>, vector<16xf32>,
      %mul3A_412 = arith.mulf %get3A_411, %get3A_66 : vector<16xf32>
      %get3A_413 = arith.index_cast %add3A_408 : i32 to index
      %get3A_414 = arith.constant 16 : index
      %get3A_415 = tpu.vector_load %arg8[%get3A_413, %get3A_414] {strides = array<i32>} : memref<800x128xf32, #tpu.memory_space<vmem>>, vector<16xf32>,
      %mul3A_416 = arith.mulf %get3A_415, %get3A_68 : vector<16xf32>
      %get3A_417 = arith.index_cast %add3A_408 : i32 to index
      %get3A_418 = arith.constant 32 : index
      %get3A_419 = tpu.vector_load %arg8[%get3A_417, %get3A_418] {strides = array<i32>} : memref<800x128xf32, #tpu.memory_space<vmem>>, vector<16xf32>,
      %mul3A_420 = arith.mulf %get3A_419, %get3A_70 : vector<16xf32>
      %get3A_421 = arith.index_cast %add3A_408 : i32 to index
      %get3A_422 = arith.constant 48 : index
      %get3A_423 = tpu.vector_load %arg8[%get3A_421, %get3A_422] {strides = array<i32>} : memref<800x128xf32, #tpu.memory_space<vmem>>, vector<16xf32>,
      %mul3A_424 = arith.mulf %get3A_423, %get3A_72 : vector<16xf32>
      %get3A_425 = arith.index_cast %add3A_408 : i32 to index
      %get3A_426 = arith.constant 64 : index
      %get3A_427 = tpu.vector_load %arg8[%get3A_425, %get3A_426] {strides = array<i32>} : memref<800x128xf32, #tpu.memory_space<vmem>>, vector<16xf32>,
      %mul3A_428 = arith.mulf %get3A_427, %get3A_74 : vector<16xf32>
      %get3A_429 = arith.index_cast %add3A_408 : i32 to index
      %get3A_430 = arith.constant 80 : index
      %get3A_431 = tpu.vector_load %arg8[%get3A_429, %get3A_430] {strides = array<i32>} : memref<800x128xf32, #tpu.memory_space<vmem>>, vector<16xf32>,
      %mul3A_432 = arith.mulf %get3A_431, %get3A_76 : vector<16xf32>
      %get3A_433 = arith.index_cast %add3A_408 : i32 to index
      %get3A_434 = arith.constant 96 : index
      %get3A_435 = tpu.vector_load %arg8[%get3A_433, %get3A_434] {strides = array<i32>} : memref<800x128xf32, #tpu.memory_space<vmem>>, vector<16xf32>,
      %mul3A_436 = arith.mulf %get3A_435, %get3A_78 : vector<16xf32>
      %get3A_437 = arith.index_cast %add3A_408 : i32 to index
      %get3A_438 = arith.constant 112 : index
      %get3A_439 = tpu.vector_load %arg8[%get3A_437, %get3A_438] {strides = array<i32>} : memref<800x128xf32, #tpu.memory_space<vmem>>, vector<16xf32>,
      %mul3A_440 = arith.mulf %get3A_439, %get3A_80 : vector<16xf32>
      %add3A_441 = arith.addf %mul3A_412, %mul3A_416 : vector<16xf32>
      %add3A_442 = arith.addf %mul3A_420, %mul3A_424 : vector<16xf32>
      %add3A_443 = arith.addf %mul3A_428, %mul3A_432 : vector<16xf32>
      %add3A_444 = arith.addf %mul3A_436, %mul3A_440 : vector<16xf32>
      %add3A_445 = arith.addf %add3A_441, %add3A_442 : vector<16xf32>
      %add3A_446 = arith.addf %add3A_443, %add3A_444 : vector<16xf32>
      %add3A_447 = arith.addf %add3A_445, %add3A_446 : vector<16xf32>
      %eq3A_448 = arith.constant 5 : i32
      %eq3A_449 = vector.broadcast %eq3A_448 : i32 to vector<16xi32>
      %eq3A_450 = arith.cmpi eq, %iota3A, %eq3A_449 : vector<16xi32>
      %reduce_sum3A_451 = arith.constant true
      %reduce_sum3A_452 = vector.broadcast %reduce_sum3A_451 : i1 to vector<16xi1>
      %reduce_sum3A_453 = tpu.scan <sum>, %add3A_447 masked %reduce_sum3A_452 : vector<16xf32>, vector<16xi1> -> vector<16xf32>
      %reduce_sum3A_454 = vector.extract %reduce_sum3A_453[15] : f32 from vector<16xf32>
      %broadcast_in_dim3A_455 = vector.broadcast %reduce_sum3A_454 : f32 to vector<16xf32>
      %select_n3A_456 = arith.select %eq3A_450, %broadcast_in_dim3A_455, %select_n3A_406 : vector<16xi1>, vector<16xf32>
      %add3A_457 = arith.constant 6 : i32
      %add3A_458 = arith.addi %add3A_158, %add3A_457 : i32
      %get3A_459 = arith.index_cast %add3A_458 : i32 to index
      %get3A_460 = arith.constant 0 : index
      %get3A_461 = tpu.vector_load %arg8[%get3A_459, %get3A_460] {strides = array<i32>} : memref<800x128xf32, #tpu.memory_space<vmem>>, vector<16xf32>,
      %mul3A_462 = arith.mulf %get3A_461, %get3A_66 : vector<16xf32>
      %get3A_463 = arith.index_cast %add3A_458 : i32 to index
      %get3A_464 = arith.constant 16 : index
      %get3A_465 = tpu.vector_load %arg8[%get3A_463, %get3A_464] {strides = array<i32>} : memref<800x128xf32, #tpu.memory_space<vmem>>, vector<16xf32>,
      %mul3A_466 = arith.mulf %get3A_465, %get3A_68 : vector<16xf32>
      %get3A_467 = arith.index_cast %add3A_458 : i32 to index
      %get3A_468 = arith.constant 32 : index
      %get3A_469 = tpu.vector_load %arg8[%get3A_467, %get3A_468] {strides = array<i32>} : memref<800x128xf32, #tpu.memory_space<vmem>>, vector<16xf32>,
      %mul3A_470 = arith.mulf %get3A_469, %get3A_70 : vector<16xf32>
      %get3A_471 = arith.index_cast %add3A_458 : i32 to index
      %get3A_472 = arith.constant 48 : index
      %get3A_473 = tpu.vector_load %arg8[%get3A_471, %get3A_472] {strides = array<i32>} : memref<800x128xf32, #tpu.memory_space<vmem>>, vector<16xf32>,
      %mul3A_474 = arith.mulf %get3A_473, %get3A_72 : vector<16xf32>
      %get3A_475 = arith.index_cast %add3A_458 : i32 to index
      %get3A_476 = arith.constant 64 : index
      %get3A_477 = tpu.vector_load %arg8[%get3A_475, %get3A_476] {strides = array<i32>} : memref<800x128xf32, #tpu.memory_space<vmem>>, vector<16xf32>,
      %mul3A_478 = arith.mulf %get3A_477, %get3A_74 : vector<16xf32>
      %get3A_479 = arith.index_cast %add3A_458 : i32 to index
      %get3A_480 = arith.constant 80 : index
      %get3A_481 = tpu.vector_load %arg8[%get3A_479, %get3A_480] {strides = array<i32>} : memref<800x128xf32, #tpu.memory_space<vmem>>, vector<16xf32>,
      %mul3A_482 = arith.mulf %get3A_481, %get3A_76 : vector<16xf32>
      %get3A_483 = arith.index_cast %add3A_458 : i32 to index
      %get3A_484 = arith.constant 96 : index
      %get3A_485 = tpu.vector_load %arg8[%get3A_483, %get3A_484] {strides = array<i32>} : memref<800x128xf32, #tpu.memory_space<vmem>>, vector<16xf32>,
      %mul3A_486 = arith.mulf %get3A_485, %get3A_78 : vector<16xf32>
      %get3A_487 = arith.index_cast %add3A_458 : i32 to index
      %get3A_488 = arith.constant 112 : index
      %get3A_489 = tpu.vector_load %arg8[%get3A_487, %get3A_488] {strides = array<i32>} : memref<800x128xf32, #tpu.memory_space<vmem>>, vector<16xf32>,
      %mul3A_490 = arith.mulf %get3A_489, %get3A_80 : vector<16xf32>
      %add3A_491 = arith.addf %mul3A_462, %mul3A_466 : vector<16xf32>
      %add3A_492 = arith.addf %mul3A_470, %mul3A_474 : vector<16xf32>
      %add3A_493 = arith.addf %mul3A_478, %mul3A_482 : vector<16xf32>
      %add3A_494 = arith.addf %mul3A_486, %mul3A_490 : vector<16xf32>
      %add3A_495 = arith.addf %add3A_491, %add3A_492 : vector<16xf32>
      %add3A_496 = arith.addf %add3A_493, %add3A_494 : vector<16xf32>
      %add3A_497 = arith.addf %add3A_495, %add3A_496 : vector<16xf32>
      %eq3A_498 = arith.constant 6 : i32
      %eq3A_499 = vector.broadcast %eq3A_498 : i32 to vector<16xi32>
      %eq3A_500 = arith.cmpi eq, %iota3A, %eq3A_499 : vector<16xi32>
      %reduce_sum3A_501 = arith.constant true
      %reduce_sum3A_502 = vector.broadcast %reduce_sum3A_501 : i1 to vector<16xi1>
      %reduce_sum3A_503 = tpu.scan <sum>, %add3A_497 masked %reduce_sum3A_502 : vector<16xf32>, vector<16xi1> -> vector<16xf32>
      %reduce_sum3A_504 = vector.extract %reduce_sum3A_503[15] : f32 from vector<16xf32>
      %broadcast_in_dim3A_505 = vector.broadcast %reduce_sum3A_504 : f32 to vector<16xf32>
      %select_n3A_506 = arith.select %eq3A_500, %broadcast_in_dim3A_505, %select_n3A_456 : vector<16xi1>, vector<16xf32>
      %add3A_507 = arith.constant 7 : i32
      %add3A_508 = arith.addi %add3A_158, %add3A_507 : i32
      %get3A_509 = arith.index_cast %add3A_508 : i32 to index
      %get3A_510 = arith.constant 0 : index
      %get3A_511 = tpu.vector_load %arg8[%get3A_509, %get3A_510] {strides = array<i32>} : memref<800x128xf32, #tpu.memory_space<vmem>>, vector<16xf32>,
      %mul3A_512 = arith.mulf %get3A_511, %get3A_66 : vector<16xf32>
      %get3A_513 = arith.index_cast %add3A_508 : i32 to index
      %get3A_514 = arith.constant 16 : index
      %get3A_515 = tpu.vector_load %arg8[%get3A_513, %get3A_514] {strides = array<i32>} : memref<800x128xf32, #tpu.memory_space<vmem>>, vector<16xf32>,
      %mul3A_516 = arith.mulf %get3A_515, %get3A_68 : vector<16xf32>
      %get3A_517 = arith.index_cast %add3A_508 : i32 to index
      %get3A_518 = arith.constant 32 : index
      %get3A_519 = tpu.vector_load %arg8[%get3A_517, %get3A_518] {strides = array<i32>} : memref<800x128xf32, #tpu.memory_space<vmem>>, vector<16xf32>,
      %mul3A_520 = arith.mulf %get3A_519, %get3A_70 : vector<16xf32>
      %get3A_521 = arith.index_cast %add3A_508 : i32 to index
      %get3A_522 = arith.constant 48 : index
      %get3A_523 = tpu.vector_load %arg8[%get3A_521, %get3A_522] {strides = array<i32>} : memref<800x128xf32, #tpu.memory_space<vmem>>, vector<16xf32>,
      %mul3A_524 = arith.mulf %get3A_523, %get3A_72 : vector<16xf32>
      %get3A_525 = arith.index_cast %add3A_508 : i32 to index
      %get3A_526 = arith.constant 64 : index
      %get3A_527 = tpu.vector_load %arg8[%get3A_525, %get3A_526] {strides = array<i32>} : memref<800x128xf32, #tpu.memory_space<vmem>>, vector<16xf32>,
      %mul3A_528 = arith.mulf %get3A_527, %get3A_74 : vector<16xf32>
      %get3A_529 = arith.index_cast %add3A_508 : i32 to index
      %get3A_530 = arith.constant 80 : index
      %get3A_531 = tpu.vector_load %arg8[%get3A_529, %get3A_530] {strides = array<i32>} : memref<800x128xf32, #tpu.memory_space<vmem>>, vector<16xf32>,
      %mul3A_532 = arith.mulf %get3A_531, %get3A_76 : vector<16xf32>
      %get3A_533 = arith.index_cast %add3A_508 : i32 to index
      %get3A_534 = arith.constant 96 : index
      %get3A_535 = tpu.vector_load %arg8[%get3A_533, %get3A_534] {strides = array<i32>} : memref<800x128xf32, #tpu.memory_space<vmem>>, vector<16xf32>,
      %mul3A_536 = arith.mulf %get3A_535, %get3A_78 : vector<16xf32>
      %get3A_537 = arith.index_cast %add3A_508 : i32 to index
      %get3A_538 = arith.constant 112 : index
      %get3A_539 = tpu.vector_load %arg8[%get3A_537, %get3A_538] {strides = array<i32>} : memref<800x128xf32, #tpu.memory_space<vmem>>, vector<16xf32>,
      %mul3A_540 = arith.mulf %get3A_539, %get3A_80 : vector<16xf32>
      %add3A_541 = arith.addf %mul3A_512, %mul3A_516 : vector<16xf32>
      %add3A_542 = arith.addf %mul3A_520, %mul3A_524 : vector<16xf32>
      %add3A_543 = arith.addf %mul3A_528, %mul3A_532 : vector<16xf32>
      %add3A_544 = arith.addf %mul3A_536, %mul3A_540 : vector<16xf32>
      %add3A_545 = arith.addf %add3A_541, %add3A_542 : vector<16xf32>
      %add3A_546 = arith.addf %add3A_543, %add3A_544 : vector<16xf32>
      %add3A_547 = arith.addf %add3A_545, %add3A_546 : vector<16xf32>
      %eq3A_548 = arith.constant 7 : i32
      %eq3A_549 = vector.broadcast %eq3A_548 : i32 to vector<16xi32>
      %eq3A_550 = arith.cmpi eq, %iota3A, %eq3A_549 : vector<16xi32>
      %reduce_sum3A_551 = arith.constant true
      %reduce_sum3A_552 = vector.broadcast %reduce_sum3A_551 : i1 to vector<16xi1>
      %reduce_sum3A_553 = tpu.scan <sum>, %add3A_547 masked %reduce_sum3A_552 : vector<16xf32>, vector<16xi1> -> vector<16xf32>
      %reduce_sum3A_554 = vector.extract %reduce_sum3A_553[15] : f32 from vector<16xf32>
      %broadcast_in_dim3A_555 = vector.broadcast %reduce_sum3A_554 : f32 to vector<16xf32>
      %select_n3A_556 = arith.select %eq3A_550, %broadcast_in_dim3A_555, %select_n3A_506 : vector<16xi1>, vector<16xf32>
      %add3A_557 = arith.constant 8 : i32
      %add3A_558 = arith.addi %add3A_158, %add3A_557 : i32
      %get3A_559 = arith.index_cast %add3A_558 : i32 to index
      %get3A_560 = arith.constant 0 : index
      %get3A_561 = tpu.vector_load %arg8[%get3A_559, %get3A_560] {strides = array<i32>} : memref<800x128xf32, #tpu.memory_space<vmem>>, vector<16xf32>,
      %mul3A_562 = arith.mulf %get3A_561, %get3A_66 : vector<16xf32>
      %get3A_563 = arith.index_cast %add3A_558 : i32 to index
      %get3A_564 = arith.constant 16 : index
      %get3A_565 = tpu.vector_load %arg8[%get3A_563, %get3A_564] {strides = array<i32>} : memref<800x128xf32, #tpu.memory_space<vmem>>, vector<16xf32>,
      %mul3A_566 = arith.mulf %get3A_565, %get3A_68 : vector<16xf32>
      %get3A_567 = arith.index_cast %add3A_558 : i32 to index
      %get3A_568 = arith.constant 32 : index
      %get3A_569 = tpu.vector_load %arg8[%get3A_567, %get3A_568] {strides = array<i32>} : memref<800x128xf32, #tpu.memory_space<vmem>>, vector<16xf32>,
      %mul3A_570 = arith.mulf %get3A_569, %get3A_70 : vector<16xf32>
      %get3A_571 = arith.index_cast %add3A_558 : i32 to index
      %get3A_572 = arith.constant 48 : index
      %get3A_573 = tpu.vector_load %arg8[%get3A_571, %get3A_572] {strides = array<i32>} : memref<800x128xf32, #tpu.memory_space<vmem>>, vector<16xf32>,
      %mul3A_574 = arith.mulf %get3A_573, %get3A_72 : vector<16xf32>
      %get3A_575 = arith.index_cast %add3A_558 : i32 to index
      %get3A_576 = arith.constant 64 : index
      %get3A_577 = tpu.vector_load %arg8[%get3A_575, %get3A_576] {strides = array<i32>} : memref<800x128xf32, #tpu.memory_space<vmem>>, vector<16xf32>,
      %mul3A_578 = arith.mulf %get3A_577, %get3A_74 : vector<16xf32>
      %get3A_579 = arith.index_cast %add3A_558 : i32 to index
      %get3A_580 = arith.constant 80 : index
      %get3A_581 = tpu.vector_load %arg8[%get3A_579, %get3A_580] {strides = array<i32>} : memref<800x128xf32, #tpu.memory_space<vmem>>, vector<16xf32>,
      %mul3A_582 = arith.mulf %get3A_581, %get3A_76 : vector<16xf32>
      %get3A_583 = arith.index_cast %add3A_558 : i32 to index
      %get3A_584 = arith.constant 96 : index
      %get3A_585 = tpu.vector_load %arg8[%get3A_583, %get3A_584] {strides = array<i32>} : memref<800x128xf32, #tpu.memory_space<vmem>>, vector<16xf32>,
      %mul3A_586 = arith.mulf %get3A_585, %get3A_78 : vector<16xf32>
      %get3A_587 = arith.index_cast %add3A_558 : i32 to index
      %get3A_588 = arith.constant 112 : index
      %get3A_589 = tpu.vector_load %arg8[%get3A_587, %get3A_588] {strides = array<i32>} : memref<800x128xf32, #tpu.memory_space<vmem>>, vector<16xf32>,
      %mul3A_590 = arith.mulf %get3A_589, %get3A_80 : vector<16xf32>
      %add3A_591 = arith.addf %mul3A_562, %mul3A_566 : vector<16xf32>
      %add3A_592 = arith.addf %mul3A_570, %mul3A_574 : vector<16xf32>
      %add3A_593 = arith.addf %mul3A_578, %mul3A_582 : vector<16xf32>
      %add3A_594 = arith.addf %mul3A_586, %mul3A_590 : vector<16xf32>
      %add3A_595 = arith.addf %add3A_591, %add3A_592 : vector<16xf32>
      %add3A_596 = arith.addf %add3A_593, %add3A_594 : vector<16xf32>
      %add3A_597 = arith.addf %add3A_595, %add3A_596 : vector<16xf32>
      %eq3A_598 = arith.constant 8 : i32
      %eq3A_599 = vector.broadcast %eq3A_598 : i32 to vector<16xi32>
      %eq3A_600 = arith.cmpi eq, %iota3A, %eq3A_599 : vector<16xi32>
      %reduce_sum3A_601 = arith.constant true
      %reduce_sum3A_602 = vector.broadcast %reduce_sum3A_601 : i1 to vector<16xi1>
      %reduce_sum3A_603 = tpu.scan <sum>, %add3A_597 masked %reduce_sum3A_602 : vector<16xf32>, vector<16xi1> -> vector<16xf32>
      %reduce_sum3A_604 = vector.extract %reduce_sum3A_603[15] : f32 from vector<16xf32>
      %broadcast_in_dim3A_605 = vector.broadcast %reduce_sum3A_604 : f32 to vector<16xf32>
      %select_n3A_606 = arith.select %eq3A_600, %broadcast_in_dim3A_605, %select_n3A_556 : vector<16xi1>, vector<16xf32>
      %add3A_607 = arith.constant 9 : i32
      %add3A_608 = arith.addi %add3A_158, %add3A_607 : i32
      %get3A_609 = arith.index_cast %add3A_608 : i32 to index
      %get3A_610 = arith.constant 0 : index
      %get3A_611 = tpu.vector_load %arg8[%get3A_609, %get3A_610] {strides = array<i32>} : memref<800x128xf32, #tpu.memory_space<vmem>>, vector<16xf32>,
      %mul3A_612 = arith.mulf %get3A_611, %get3A_66 : vector<16xf32>
      %get3A_613 = arith.index_cast %add3A_608 : i32 to index
      %get3A_614 = arith.constant 16 : index
      %get3A_615 = tpu.vector_load %arg8[%get3A_613, %get3A_614] {strides = array<i32>} : memref<800x128xf32, #tpu.memory_space<vmem>>, vector<16xf32>,
      %mul3A_616 = arith.mulf %get3A_615, %get3A_68 : vector<16xf32>
      %get3A_617 = arith.index_cast %add3A_608 : i32 to index
      %get3A_618 = arith.constant 32 : index
      %get3A_619 = tpu.vector_load %arg8[%get3A_617, %get3A_618] {strides = array<i32>} : memref<800x128xf32, #tpu.memory_space<vmem>>, vector<16xf32>,
      %mul3A_620 = arith.mulf %get3A_619, %get3A_70 : vector<16xf32>
      %get3A_621 = arith.index_cast %add3A_608 : i32 to index
      %get3A_622 = arith.constant 48 : index
      %get3A_623 = tpu.vector_load %arg8[%get3A_621, %get3A_622] {strides = array<i32>} : memref<800x128xf32, #tpu.memory_space<vmem>>, vector<16xf32>,
      %mul3A_624 = arith.mulf %get3A_623, %get3A_72 : vector<16xf32>
      %get3A_625 = arith.index_cast %add3A_608 : i32 to index
      %get3A_626 = arith.constant 64 : index
      %get3A_627 = tpu.vector_load %arg8[%get3A_625, %get3A_626] {strides = array<i32>} : memref<800x128xf32, #tpu.memory_space<vmem>>, vector<16xf32>,
      %mul3A_628 = arith.mulf %get3A_627, %get3A_74 : vector<16xf32>
      %get3A_629 = arith.index_cast %add3A_608 : i32 to index
      %get3A_630 = arith.constant 80 : index
      %get3A_631 = tpu.vector_load %arg8[%get3A_629, %get3A_630] {strides = array<i32>} : memref<800x128xf32, #tpu.memory_space<vmem>>, vector<16xf32>,
      %mul3A_632 = arith.mulf %get3A_631, %get3A_76 : vector<16xf32>
      %get3A_633 = arith.index_cast %add3A_608 : i32 to index
      %get3A_634 = arith.constant 96 : index
      %get3A_635 = tpu.vector_load %arg8[%get3A_633, %get3A_634] {strides = array<i32>} : memref<800x128xf32, #tpu.memory_space<vmem>>, vector<16xf32>,
      %mul3A_636 = arith.mulf %get3A_635, %get3A_78 : vector<16xf32>
      %get3A_637 = arith.index_cast %add3A_608 : i32 to index
      %get3A_638 = arith.constant 112 : index
      %get3A_639 = tpu.vector_load %arg8[%get3A_637, %get3A_638] {strides = array<i32>} : memref<800x128xf32, #tpu.memory_space<vmem>>, vector<16xf32>,
      %mul3A_640 = arith.mulf %get3A_639, %get3A_80 : vector<16xf32>
      %add3A_641 = arith.addf %mul3A_612, %mul3A_616 : vector<16xf32>
      %add3A_642 = arith.addf %mul3A_620, %mul3A_624 : vector<16xf32>
      %add3A_643 = arith.addf %mul3A_628, %mul3A_632 : vector<16xf32>
      %add3A_644 = arith.addf %mul3A_636, %mul3A_640 : vector<16xf32>
      %add3A_645 = arith.addf %add3A_641, %add3A_642 : vector<16xf32>
      %add3A_646 = arith.addf %add3A_643, %add3A_644 : vector<16xf32>
      %add3A_647 = arith.addf %add3A_645, %add3A_646 : vector<16xf32>
      %eq3A_648 = arith.constant 9 : i32
      %eq3A_649 = vector.broadcast %eq3A_648 : i32 to vector<16xi32>
      %eq3A_650 = arith.cmpi eq, %iota3A, %eq3A_649 : vector<16xi32>
      %reduce_sum3A_651 = arith.constant true
      %reduce_sum3A_652 = vector.broadcast %reduce_sum3A_651 : i1 to vector<16xi1>
      %reduce_sum3A_653 = tpu.scan <sum>, %add3A_647 masked %reduce_sum3A_652 : vector<16xf32>, vector<16xi1> -> vector<16xf32>
      %reduce_sum3A_654 = vector.extract %reduce_sum3A_653[15] : f32 from vector<16xf32>
      %broadcast_in_dim3A_655 = vector.broadcast %reduce_sum3A_654 : f32 to vector<16xf32>
      %select_n3A_656 = arith.select %eq3A_650, %broadcast_in_dim3A_655, %select_n3A_606 : vector<16xi1>, vector<16xf32>
      %add3A_657 = arith.constant 10 : i32
      %add3A_658 = arith.addi %add3A_158, %add3A_657 : i32
      %get3A_659 = arith.index_cast %add3A_658 : i32 to index
      %get3A_660 = arith.constant 0 : index
      %get3A_661 = tpu.vector_load %arg8[%get3A_659, %get3A_660] {strides = array<i32>} : memref<800x128xf32, #tpu.memory_space<vmem>>, vector<16xf32>,
      %mul3A_662 = arith.mulf %get3A_661, %get3A_66 : vector<16xf32>
      %get3A_663 = arith.index_cast %add3A_658 : i32 to index
      %get3A_664 = arith.constant 16 : index
      %get3A_665 = tpu.vector_load %arg8[%get3A_663, %get3A_664] {strides = array<i32>} : memref<800x128xf32, #tpu.memory_space<vmem>>, vector<16xf32>,
      %mul3A_666 = arith.mulf %get3A_665, %get3A_68 : vector<16xf32>
      %get3A_667 = arith.index_cast %add3A_658 : i32 to index
      %get3A_668 = arith.constant 32 : index
      %get3A_669 = tpu.vector_load %arg8[%get3A_667, %get3A_668] {strides = array<i32>} : memref<800x128xf32, #tpu.memory_space<vmem>>, vector<16xf32>,
      %mul3A_670 = arith.mulf %get3A_669, %get3A_70 : vector<16xf32>
      %get3A_671 = arith.index_cast %add3A_658 : i32 to index
      %get3A_672 = arith.constant 48 : index
      %get3A_673 = tpu.vector_load %arg8[%get3A_671, %get3A_672] {strides = array<i32>} : memref<800x128xf32, #tpu.memory_space<vmem>>, vector<16xf32>,
      %mul3A_674 = arith.mulf %get3A_673, %get3A_72 : vector<16xf32>
      %get3A_675 = arith.index_cast %add3A_658 : i32 to index
      %get3A_676 = arith.constant 64 : index
      %get3A_677 = tpu.vector_load %arg8[%get3A_675, %get3A_676] {strides = array<i32>} : memref<800x128xf32, #tpu.memory_space<vmem>>, vector<16xf32>,
      %mul3A_678 = arith.mulf %get3A_677, %get3A_74 : vector<16xf32>
      %get3A_679 = arith.index_cast %add3A_658 : i32 to index
      %get3A_680 = arith.constant 80 : index
      %get3A_681 = tpu.vector_load %arg8[%get3A_679, %get3A_680] {strides = array<i32>} : memref<800x128xf32, #tpu.memory_space<vmem>>, vector<16xf32>,
      %mul3A_682 = arith.mulf %get3A_681, %get3A_76 : vector<16xf32>
      %get3A_683 = arith.index_cast %add3A_658 : i32 to index
      %get3A_684 = arith.constant 96 : index
      %get3A_685 = tpu.vector_load %arg8[%get3A_683, %get3A_684] {strides = array<i32>} : memref<800x128xf32, #tpu.memory_space<vmem>>, vector<16xf32>,
      %mul3A_686 = arith.mulf %get3A_685, %get3A_78 : vector<16xf32>
      %get3A_687 = arith.index_cast %add3A_658 : i32 to index
      %get3A_688 = arith.constant 112 : index
      %get3A_689 = tpu.vector_load %arg8[%get3A_687, %get3A_688] {strides = array<i32>} : memref<800x128xf32, #tpu.memory_space<vmem>>, vector<16xf32>,
      %mul3A_690 = arith.mulf %get3A_689, %get3A_80 : vector<16xf32>
      %add3A_691 = arith.addf %mul3A_662, %mul3A_666 : vector<16xf32>
      %add3A_692 = arith.addf %mul3A_670, %mul3A_674 : vector<16xf32>
      %add3A_693 = arith.addf %mul3A_678, %mul3A_682 : vector<16xf32>
      %add3A_694 = arith.addf %mul3A_686, %mul3A_690 : vector<16xf32>
      %add3A_695 = arith.addf %add3A_691, %add3A_692 : vector<16xf32>
      %add3A_696 = arith.addf %add3A_693, %add3A_694 : vector<16xf32>
      %add3A_697 = arith.addf %add3A_695, %add3A_696 : vector<16xf32>
      %eq3A_698 = arith.constant 10 : i32
      %eq3A_699 = vector.broadcast %eq3A_698 : i32 to vector<16xi32>
      %eq3A_700 = arith.cmpi eq, %iota3A, %eq3A_699 : vector<16xi32>
      %reduce_sum3A_701 = arith.constant true
      %reduce_sum3A_702 = vector.broadcast %reduce_sum3A_701 : i1 to vector<16xi1>
      %reduce_sum3A_703 = tpu.scan <sum>, %add3A_697 masked %reduce_sum3A_702 : vector<16xf32>, vector<16xi1> -> vector<16xf32>
      %reduce_sum3A_704 = vector.extract %reduce_sum3A_703[15] : f32 from vector<16xf32>
      %broadcast_in_dim3A_705 = vector.broadcast %reduce_sum3A_704 : f32 to vector<16xf32>
      %select_n3A_706 = arith.select %eq3A_700, %broadcast_in_dim3A_705, %select_n3A_656 : vector<16xi1>, vector<16xf32>
      %add3A_707 = arith.constant 11 : i32
      %add3A_708 = arith.addi %add3A_158, %add3A_707 : i32
      %get3A_709 = arith.index_cast %add3A_708 : i32 to index
      %get3A_710 = arith.constant 0 : index
      %get3A_711 = tpu.vector_load %arg8[%get3A_709, %get3A_710] {strides = array<i32>} : memref<800x128xf32, #tpu.memory_space<vmem>>, vector<16xf32>,
      %mul3A_712 = arith.mulf %get3A_711, %get3A_66 : vector<16xf32>
      %get3A_713 = arith.index_cast %add3A_708 : i32 to index
      %get3A_714 = arith.constant 16 : index
      %get3A_715 = tpu.vector_load %arg8[%get3A_713, %get3A_714] {strides = array<i32>} : memref<800x128xf32, #tpu.memory_space<vmem>>, vector<16xf32>,
      %mul3A_716 = arith.mulf %get3A_715, %get3A_68 : vector<16xf32>
      %get3A_717 = arith.index_cast %add3A_708 : i32 to index
      %get3A_718 = arith.constant 32 : index
      %get3A_719 = tpu.vector_load %arg8[%get3A_717, %get3A_718] {strides = array<i32>} : memref<800x128xf32, #tpu.memory_space<vmem>>, vector<16xf32>,
      %mul3A_720 = arith.mulf %get3A_719, %get3A_70 : vector<16xf32>
      %get3A_721 = arith.index_cast %add3A_708 : i32 to index
      %get3A_722 = arith.constant 48 : index
      %get3A_723 = tpu.vector_load %arg8[%get3A_721, %get3A_722] {strides = array<i32>} : memref<800x128xf32, #tpu.memory_space<vmem>>, vector<16xf32>,
      %mul3A_724 = arith.mulf %get3A_723, %get3A_72 : vector<16xf32>
      %get3A_725 = arith.index_cast %add3A_708 : i32 to index
      %get3A_726 = arith.constant 64 : index
      %get3A_727 = tpu.vector_load %arg8[%get3A_725, %get3A_726] {strides = array<i32>} : memref<800x128xf32, #tpu.memory_space<vmem>>, vector<16xf32>,
      %mul3A_728 = arith.mulf %get3A_727, %get3A_74 : vector<16xf32>
      %get3A_729 = arith.index_cast %add3A_708 : i32 to index
      %get3A_730 = arith.constant 80 : index
      %get3A_731 = tpu.vector_load %arg8[%get3A_729, %get3A_730] {strides = array<i32>} : memref<800x128xf32, #tpu.memory_space<vmem>>, vector<16xf32>,
      %mul3A_732 = arith.mulf %get3A_731, %get3A_76 : vector<16xf32>
      %get3A_733 = arith.index_cast %add3A_708 : i32 to index
      %get3A_734 = arith.constant 96 : index
      %get3A_735 = tpu.vector_load %arg8[%get3A_733, %get3A_734] {strides = array<i32>} : memref<800x128xf32, #tpu.memory_space<vmem>>, vector<16xf32>,
      %mul3A_736 = arith.mulf %get3A_735, %get3A_78 : vector<16xf32>
      %get3A_737 = arith.index_cast %add3A_708 : i32 to index
      %get3A_738 = arith.constant 112 : index
      %get3A_739 = tpu.vector_load %arg8[%get3A_737, %get3A_738] {strides = array<i32>} : memref<800x128xf32, #tpu.memory_space<vmem>>, vector<16xf32>,
      %mul3A_740 = arith.mulf %get3A_739, %get3A_80 : vector<16xf32>
      %add3A_741 = arith.addf %mul3A_712, %mul3A_716 : vector<16xf32>
      %add3A_742 = arith.addf %mul3A_720, %mul3A_724 : vector<16xf32>
      %add3A_743 = arith.addf %mul3A_728, %mul3A_732 : vector<16xf32>
      %add3A_744 = arith.addf %mul3A_736, %mul3A_740 : vector<16xf32>
      %add3A_745 = arith.addf %add3A_741, %add3A_742 : vector<16xf32>
      %add3A_746 = arith.addf %add3A_743, %add3A_744 : vector<16xf32>
      %add3A_747 = arith.addf %add3A_745, %add3A_746 : vector<16xf32>
      %eq3A_748 = arith.constant 11 : i32
      %eq3A_749 = vector.broadcast %eq3A_748 : i32 to vector<16xi32>
      %eq3A_750 = arith.cmpi eq, %iota3A, %eq3A_749 : vector<16xi32>
      %reduce_sum3A_751 = arith.constant true
      %reduce_sum3A_752 = vector.broadcast %reduce_sum3A_751 : i1 to vector<16xi1>
      %reduce_sum3A_753 = tpu.scan <sum>, %add3A_747 masked %reduce_sum3A_752 : vector<16xf32>, vector<16xi1> -> vector<16xf32>
      %reduce_sum3A_754 = vector.extract %reduce_sum3A_753[15] : f32 from vector<16xf32>
      %broadcast_in_dim3A_755 = vector.broadcast %reduce_sum3A_754 : f32 to vector<16xf32>
      %select_n3A_756 = arith.select %eq3A_750, %broadcast_in_dim3A_755, %select_n3A_706 : vector<16xi1>, vector<16xf32>
      %add3A_757 = arith.constant 12 : i32
      %add3A_758 = arith.addi %add3A_158, %add3A_757 : i32
      %get3A_759 = arith.index_cast %add3A_758 : i32 to index
      %get3A_760 = arith.constant 0 : index
      %get3A_761 = tpu.vector_load %arg8[%get3A_759, %get3A_760] {strides = array<i32>} : memref<800x128xf32, #tpu.memory_space<vmem>>, vector<16xf32>,
      %mul3A_762 = arith.mulf %get3A_761, %get3A_66 : vector<16xf32>
      %get3A_763 = arith.index_cast %add3A_758 : i32 to index
      %get3A_764 = arith.constant 16 : index
      %get3A_765 = tpu.vector_load %arg8[%get3A_763, %get3A_764] {strides = array<i32>} : memref<800x128xf32, #tpu.memory_space<vmem>>, vector<16xf32>,
      %mul3A_766 = arith.mulf %get3A_765, %get3A_68 : vector<16xf32>
      %get3A_767 = arith.index_cast %add3A_758 : i32 to index
      %get3A_768 = arith.constant 32 : index
      %get3A_769 = tpu.vector_load %arg8[%get3A_767, %get3A_768] {strides = array<i32>} : memref<800x128xf32, #tpu.memory_space<vmem>>, vector<16xf32>,
      %mul3A_770 = arith.mulf %get3A_769, %get3A_70 : vector<16xf32>
      %get3A_771 = arith.index_cast %add3A_758 : i32 to index
      %get3A_772 = arith.constant 48 : index
      %get3A_773 = tpu.vector_load %arg8[%get3A_771, %get3A_772] {strides = array<i32>} : memref<800x128xf32, #tpu.memory_space<vmem>>, vector<16xf32>,
      %mul3A_774 = arith.mulf %get3A_773, %get3A_72 : vector<16xf32>
      %get3A_775 = arith.index_cast %add3A_758 : i32 to index
      %get3A_776 = arith.constant 64 : index
      %get3A_777 = tpu.vector_load %arg8[%get3A_775, %get3A_776] {strides = array<i32>} : memref<800x128xf32, #tpu.memory_space<vmem>>, vector<16xf32>,
      %mul3A_778 = arith.mulf %get3A_777, %get3A_74 : vector<16xf32>
      %get3A_779 = arith.index_cast %add3A_758 : i32 to index
      %get3A_780 = arith.constant 80 : index
      %get3A_781 = tpu.vector_load %arg8[%get3A_779, %get3A_780] {strides = array<i32>} : memref<800x128xf32, #tpu.memory_space<vmem>>, vector<16xf32>,
      %mul3A_782 = arith.mulf %get3A_781, %get3A_76 : vector<16xf32>
      %get3A_783 = arith.index_cast %add3A_758 : i32 to index
      %get3A_784 = arith.constant 96 : index
      %get3A_785 = tpu.vector_load %arg8[%get3A_783, %get3A_784] {strides = array<i32>} : memref<800x128xf32, #tpu.memory_space<vmem>>, vector<16xf32>,
      %mul3A_786 = arith.mulf %get3A_785, %get3A_78 : vector<16xf32>
      %get3A_787 = arith.index_cast %add3A_758 : i32 to index
      %get3A_788 = arith.constant 112 : index
      %get3A_789 = tpu.vector_load %arg8[%get3A_787, %get3A_788] {strides = array<i32>} : memref<800x128xf32, #tpu.memory_space<vmem>>, vector<16xf32>,
      %mul3A_790 = arith.mulf %get3A_789, %get3A_80 : vector<16xf32>
      %add3A_791 = arith.addf %mul3A_762, %mul3A_766 : vector<16xf32>
      %add3A_792 = arith.addf %mul3A_770, %mul3A_774 : vector<16xf32>
      %add3A_793 = arith.addf %mul3A_778, %mul3A_782 : vector<16xf32>
      %add3A_794 = arith.addf %mul3A_786, %mul3A_790 : vector<16xf32>
      %add3A_795 = arith.addf %add3A_791, %add3A_792 : vector<16xf32>
      %add3A_796 = arith.addf %add3A_793, %add3A_794 : vector<16xf32>
      %add3A_797 = arith.addf %add3A_795, %add3A_796 : vector<16xf32>
      %eq3A_798 = arith.constant 12 : i32
      %eq3A_799 = vector.broadcast %eq3A_798 : i32 to vector<16xi32>
      %eq3A_800 = arith.cmpi eq, %iota3A, %eq3A_799 : vector<16xi32>
      %reduce_sum3A_801 = arith.constant true
      %reduce_sum3A_802 = vector.broadcast %reduce_sum3A_801 : i1 to vector<16xi1>
      %reduce_sum3A_803 = tpu.scan <sum>, %add3A_797 masked %reduce_sum3A_802 : vector<16xf32>, vector<16xi1> -> vector<16xf32>
      %reduce_sum3A_804 = vector.extract %reduce_sum3A_803[15] : f32 from vector<16xf32>
      %broadcast_in_dim3A_805 = vector.broadcast %reduce_sum3A_804 : f32 to vector<16xf32>
      %select_n3A_806 = arith.select %eq3A_800, %broadcast_in_dim3A_805, %select_n3A_756 : vector<16xi1>, vector<16xf32>
      %add3A_807 = arith.constant 13 : i32
      %add3A_808 = arith.addi %add3A_158, %add3A_807 : i32
      %get3A_809 = arith.index_cast %add3A_808 : i32 to index
      %get3A_810 = arith.constant 0 : index
      %get3A_811 = tpu.vector_load %arg8[%get3A_809, %get3A_810] {strides = array<i32>} : memref<800x128xf32, #tpu.memory_space<vmem>>, vector<16xf32>,
      %mul3A_812 = arith.mulf %get3A_811, %get3A_66 : vector<16xf32>
      %get3A_813 = arith.index_cast %add3A_808 : i32 to index
      %get3A_814 = arith.constant 16 : index
      %get3A_815 = tpu.vector_load %arg8[%get3A_813, %get3A_814] {strides = array<i32>} : memref<800x128xf32, #tpu.memory_space<vmem>>, vector<16xf32>,
      %mul3A_816 = arith.mulf %get3A_815, %get3A_68 : vector<16xf32>
      %get3A_817 = arith.index_cast %add3A_808 : i32 to index
      %get3A_818 = arith.constant 32 : index
      %get3A_819 = tpu.vector_load %arg8[%get3A_817, %get3A_818] {strides = array<i32>} : memref<800x128xf32, #tpu.memory_space<vmem>>, vector<16xf32>,
      %mul3A_820 = arith.mulf %get3A_819, %get3A_70 : vector<16xf32>
      %get3A_821 = arith.index_cast %add3A_808 : i32 to index
      %get3A_822 = arith.constant 48 : index
      %get3A_823 = tpu.vector_load %arg8[%get3A_821, %get3A_822] {strides = array<i32>} : memref<800x128xf32, #tpu.memory_space<vmem>>, vector<16xf32>,
      %mul3A_824 = arith.mulf %get3A_823, %get3A_72 : vector<16xf32>
      %get3A_825 = arith.index_cast %add3A_808 : i32 to index
      %get3A_826 = arith.constant 64 : index
      %get3A_827 = tpu.vector_load %arg8[%get3A_825, %get3A_826] {strides = array<i32>} : memref<800x128xf32, #tpu.memory_space<vmem>>, vector<16xf32>,
      %mul3A_828 = arith.mulf %get3A_827, %get3A_74 : vector<16xf32>
      %get3A_829 = arith.index_cast %add3A_808 : i32 to index
      %get3A_830 = arith.constant 80 : index
      %get3A_831 = tpu.vector_load %arg8[%get3A_829, %get3A_830] {strides = array<i32>} : memref<800x128xf32, #tpu.memory_space<vmem>>, vector<16xf32>,
      %mul3A_832 = arith.mulf %get3A_831, %get3A_76 : vector<16xf32>
      %get3A_833 = arith.index_cast %add3A_808 : i32 to index
      %get3A_834 = arith.constant 96 : index
      %get3A_835 = tpu.vector_load %arg8[%get3A_833, %get3A_834] {strides = array<i32>} : memref<800x128xf32, #tpu.memory_space<vmem>>, vector<16xf32>,
      %mul3A_836 = arith.mulf %get3A_835, %get3A_78 : vector<16xf32>
      %get3A_837 = arith.index_cast %add3A_808 : i32 to index
      %get3A_838 = arith.constant 112 : index
      %get3A_839 = tpu.vector_load %arg8[%get3A_837, %get3A_838] {strides = array<i32>} : memref<800x128xf32, #tpu.memory_space<vmem>>, vector<16xf32>,
      %mul3A_840 = arith.mulf %get3A_839, %get3A_80 : vector<16xf32>
      %add3A_841 = arith.addf %mul3A_812, %mul3A_816 : vector<16xf32>
      %add3A_842 = arith.addf %mul3A_820, %mul3A_824 : vector<16xf32>
      %add3A_843 = arith.addf %mul3A_828, %mul3A_832 : vector<16xf32>
      %add3A_844 = arith.addf %mul3A_836, %mul3A_840 : vector<16xf32>
      %add3A_845 = arith.addf %add3A_841, %add3A_842 : vector<16xf32>
      %add3A_846 = arith.addf %add3A_843, %add3A_844 : vector<16xf32>
      %add3A_847 = arith.addf %add3A_845, %add3A_846 : vector<16xf32>
      %eq3A_848 = arith.constant 13 : i32
      %eq3A_849 = vector.broadcast %eq3A_848 : i32 to vector<16xi32>
      %eq3A_850 = arith.cmpi eq, %iota3A, %eq3A_849 : vector<16xi32>
      %reduce_sum3A_851 = arith.constant true
      %reduce_sum3A_852 = vector.broadcast %reduce_sum3A_851 : i1 to vector<16xi1>
      %reduce_sum3A_853 = tpu.scan <sum>, %add3A_847 masked %reduce_sum3A_852 : vector<16xf32>, vector<16xi1> -> vector<16xf32>
      %reduce_sum3A_854 = vector.extract %reduce_sum3A_853[15] : f32 from vector<16xf32>
      %broadcast_in_dim3A_855 = vector.broadcast %reduce_sum3A_854 : f32 to vector<16xf32>
      %select_n3A_856 = arith.select %eq3A_850, %broadcast_in_dim3A_855, %select_n3A_806 : vector<16xi1>, vector<16xf32>
      %add3A_857 = arith.constant 14 : i32
      %add3A_858 = arith.addi %add3A_158, %add3A_857 : i32
      %get3A_859 = arith.index_cast %add3A_858 : i32 to index
      %get3A_860 = arith.constant 0 : index
      %get3A_861 = tpu.vector_load %arg8[%get3A_859, %get3A_860] {strides = array<i32>} : memref<800x128xf32, #tpu.memory_space<vmem>>, vector<16xf32>,
      %mul3A_862 = arith.mulf %get3A_861, %get3A_66 : vector<16xf32>
      %get3A_863 = arith.index_cast %add3A_858 : i32 to index
      %get3A_864 = arith.constant 16 : index
      %get3A_865 = tpu.vector_load %arg8[%get3A_863, %get3A_864] {strides = array<i32>} : memref<800x128xf32, #tpu.memory_space<vmem>>, vector<16xf32>,
      %mul3A_866 = arith.mulf %get3A_865, %get3A_68 : vector<16xf32>
      %get3A_867 = arith.index_cast %add3A_858 : i32 to index
      %get3A_868 = arith.constant 32 : index
      %get3A_869 = tpu.vector_load %arg8[%get3A_867, %get3A_868] {strides = array<i32>} : memref<800x128xf32, #tpu.memory_space<vmem>>, vector<16xf32>,
      %mul3A_870 = arith.mulf %get3A_869, %get3A_70 : vector<16xf32>
      %get3A_871 = arith.index_cast %add3A_858 : i32 to index
      %get3A_872 = arith.constant 48 : index
      %get3A_873 = tpu.vector_load %arg8[%get3A_871, %get3A_872] {strides = array<i32>} : memref<800x128xf32, #tpu.memory_space<vmem>>, vector<16xf32>,
      %mul3A_874 = arith.mulf %get3A_873, %get3A_72 : vector<16xf32>
      %get3A_875 = arith.index_cast %add3A_858 : i32 to index
      %get3A_876 = arith.constant 64 : index
      %get3A_877 = tpu.vector_load %arg8[%get3A_875, %get3A_876] {strides = array<i32>} : memref<800x128xf32, #tpu.memory_space<vmem>>, vector<16xf32>,
      %mul3A_878 = arith.mulf %get3A_877, %get3A_74 : vector<16xf32>
      %get3A_879 = arith.index_cast %add3A_858 : i32 to index
      %get3A_880 = arith.constant 80 : index
      %get3A_881 = tpu.vector_load %arg8[%get3A_879, %get3A_880] {strides = array<i32>} : memref<800x128xf32, #tpu.memory_space<vmem>>, vector<16xf32>,
      %mul3A_882 = arith.mulf %get3A_881, %get3A_76 : vector<16xf32>
      %get3A_883 = arith.index_cast %add3A_858 : i32 to index
      %get3A_884 = arith.constant 96 : index
      %get3A_885 = tpu.vector_load %arg8[%get3A_883, %get3A_884] {strides = array<i32>} : memref<800x128xf32, #tpu.memory_space<vmem>>, vector<16xf32>,
      %mul3A_886 = arith.mulf %get3A_885, %get3A_78 : vector<16xf32>
      %get3A_887 = arith.index_cast %add3A_858 : i32 to index
      %get3A_888 = arith.constant 112 : index
      %get3A_889 = tpu.vector_load %arg8[%get3A_887, %get3A_888] {strides = array<i32>} : memref<800x128xf32, #tpu.memory_space<vmem>>, vector<16xf32>,
      %mul3A_890 = arith.mulf %get3A_889, %get3A_80 : vector<16xf32>
      %add3A_891 = arith.addf %mul3A_862, %mul3A_866 : vector<16xf32>
      %add3A_892 = arith.addf %mul3A_870, %mul3A_874 : vector<16xf32>
      %add3A_893 = arith.addf %mul3A_878, %mul3A_882 : vector<16xf32>
      %add3A_894 = arith.addf %mul3A_886, %mul3A_890 : vector<16xf32>
      %add3A_895 = arith.addf %add3A_891, %add3A_892 : vector<16xf32>
      %add3A_896 = arith.addf %add3A_893, %add3A_894 : vector<16xf32>
      %add3A_897 = arith.addf %add3A_895, %add3A_896 : vector<16xf32>
      %eq3A_898 = arith.constant 14 : i32
      %eq3A_899 = vector.broadcast %eq3A_898 : i32 to vector<16xi32>
      %eq3A_900 = arith.cmpi eq, %iota3A, %eq3A_899 : vector<16xi32>
      %reduce_sum3A_901 = arith.constant true
      %reduce_sum3A_902 = vector.broadcast %reduce_sum3A_901 : i1 to vector<16xi1>
      %reduce_sum3A_903 = tpu.scan <sum>, %add3A_897 masked %reduce_sum3A_902 : vector<16xf32>, vector<16xi1> -> vector<16xf32>
      %reduce_sum3A_904 = vector.extract %reduce_sum3A_903[15] : f32 from vector<16xf32>
      %broadcast_in_dim3A_905 = vector.broadcast %reduce_sum3A_904 : f32 to vector<16xf32>
      %select_n3A_906 = arith.select %eq3A_900, %broadcast_in_dim3A_905, %select_n3A_856 : vector<16xi1>, vector<16xf32>
      %add3A_907 = arith.constant 15 : i32
      %add3A_908 = arith.addi %add3A_158, %add3A_907 : i32
      %get3A_909 = arith.index_cast %add3A_908 : i32 to index
      %get3A_910 = arith.constant 0 : index
      %get3A_911 = tpu.vector_load %arg8[%get3A_909, %get3A_910] {strides = array<i32>} : memref<800x128xf32, #tpu.memory_space<vmem>>, vector<16xf32>,
      %mul3A_912 = arith.mulf %get3A_911, %get3A_66 : vector<16xf32>
      %get3A_913 = arith.index_cast %add3A_908 : i32 to index
      %get3A_914 = arith.constant 16 : index
      %get3A_915 = tpu.vector_load %arg8[%get3A_913, %get3A_914] {strides = array<i32>} : memref<800x128xf32, #tpu.memory_space<vmem>>, vector<16xf32>,
      %mul3A_916 = arith.mulf %get3A_915, %get3A_68 : vector<16xf32>
      %get3A_917 = arith.index_cast %add3A_908 : i32 to index
      %get3A_918 = arith.constant 32 : index
      %get3A_919 = tpu.vector_load %arg8[%get3A_917, %get3A_918] {strides = array<i32>} : memref<800x128xf32, #tpu.memory_space<vmem>>, vector<16xf32>,
      %mul3A_920 = arith.mulf %get3A_919, %get3A_70 : vector<16xf32>
      %get3A_921 = arith.index_cast %add3A_908 : i32 to index
      %get3A_922 = arith.constant 48 : index
      %get3A_923 = tpu.vector_load %arg8[%get3A_921, %get3A_922] {strides = array<i32>} : memref<800x128xf32, #tpu.memory_space<vmem>>, vector<16xf32>,
      %mul3A_924 = arith.mulf %get3A_923, %get3A_72 : vector<16xf32>
      %get3A_925 = arith.index_cast %add3A_908 : i32 to index
      %get3A_926 = arith.constant 64 : index
      %get3A_927 = tpu.vector_load %arg8[%get3A_925, %get3A_926] {strides = array<i32>} : memref<800x128xf32, #tpu.memory_space<vmem>>, vector<16xf32>,
      %mul3A_928 = arith.mulf %get3A_927, %get3A_74 : vector<16xf32>
      %get3A_929 = arith.index_cast %add3A_908 : i32 to index
      %get3A_930 = arith.constant 80 : index
      %get3A_931 = tpu.vector_load %arg8[%get3A_929, %get3A_930] {strides = array<i32>} : memref<800x128xf32, #tpu.memory_space<vmem>>, vector<16xf32>,
      %mul3A_932 = arith.mulf %get3A_931, %get3A_76 : vector<16xf32>
      %get3A_933 = arith.index_cast %add3A_908 : i32 to index
      %get3A_934 = arith.constant 96 : index
      %get3A_935 = tpu.vector_load %arg8[%get3A_933, %get3A_934] {strides = array<i32>} : memref<800x128xf32, #tpu.memory_space<vmem>>, vector<16xf32>,
      %mul3A_936 = arith.mulf %get3A_935, %get3A_78 : vector<16xf32>
      %get3A_937 = arith.index_cast %add3A_908 : i32 to index
      %get3A_938 = arith.constant 112 : index
      %get3A_939 = tpu.vector_load %arg8[%get3A_937, %get3A_938] {strides = array<i32>} : memref<800x128xf32, #tpu.memory_space<vmem>>, vector<16xf32>,
      %mul3A_940 = arith.mulf %get3A_939, %get3A_80 : vector<16xf32>
      %add3A_941 = arith.addf %mul3A_912, %mul3A_916 : vector<16xf32>
      %add3A_942 = arith.addf %mul3A_920, %mul3A_924 : vector<16xf32>
      %add3A_943 = arith.addf %mul3A_928, %mul3A_932 : vector<16xf32>
      %add3A_944 = arith.addf %mul3A_936, %mul3A_940 : vector<16xf32>
      %add3A_945 = arith.addf %add3A_941, %add3A_942 : vector<16xf32>
      %add3A_946 = arith.addf %add3A_943, %add3A_944 : vector<16xf32>
      %add3A_947 = arith.addf %add3A_945, %add3A_946 : vector<16xf32>
      %eq3A_948 = arith.constant 15 : i32
      %eq3A_949 = vector.broadcast %eq3A_948 : i32 to vector<16xi32>
      %eq3A_950 = arith.cmpi eq, %iota3A, %eq3A_949 : vector<16xi32>
      %reduce_sum3A_951 = arith.constant true
      %reduce_sum3A_952 = vector.broadcast %reduce_sum3A_951 : i1 to vector<16xi1>
      %reduce_sum3A_953 = tpu.scan <sum>, %add3A_947 masked %reduce_sum3A_952 : vector<16xf32>, vector<16xi1> -> vector<16xf32>
      %reduce_sum3A_954 = vector.extract %reduce_sum3A_953[15] : f32 from vector<16xf32>
      %broadcast_in_dim3A_955 = vector.broadcast %reduce_sum3A_954 : f32 to vector<16xf32>
      %select_n3A_956 = arith.select %eq3A_950, %broadcast_in_dim3A_955, %select_n3A_906 : vector<16xi1>, vector<16xf32>
      %add3A_957 = arith.addf %select_n3A_956, %get3A_82 : vector<16xf32>
      %mul3A_958 = arith.constant 16 : i32
      %mul3A_959 = arith.muli %scan3A_153, %mul3A_958 : i32
      %multiple_of3A_960 = tpu.assume_multiple %mul3A_959, 16 : i32
      %swap3A = arith.index_cast %rem3A_124 : i32 to index
      %swap3A_961 = arith.index_cast %multiple_of3A_960 : i32 to index
      %swap3A_962 = tpu.vector_load %arg10[%swap3A, %swap3A_961] {strides = array<i32>} : memref<2x400xf32, #tpu.memory_space<vmem>>, vector<16xf32>,
      tpu.vector_store %arg10[%swap3A, %swap3A_961], %add3A_957 {strides = array<i32>} : memref<2x400xf32, #tpu.memory_space<vmem>>, vector<16xf32>,
      %mul3A_963 = arith.constant 16 : i32
      %mul3A_964 = arith.muli %scan3A_153, %mul3A_963 : i32
      %multiple_of3A_965 = tpu.assume_multiple %mul3A_964, 16 : i32
      %get3A_966 = arith.index_cast %rem3A_124 : i32 to index
      %get3A_967 = arith.index_cast %multiple_of3A_965 : i32 to index
      %get3A_968 = tpu.vector_load %arg9[%get3A_966, %get3A_967] {strides = array<i32>} : memref<2x400xi32, #tpu.memory_space<vmem>>, vector<16xi32>,
      %sub3A = arith.constant 1 : i32
      %sub3A_969 = vector.broadcast %sub3A : i32 to vector<16xi32>
      %sub3A_970 = arith.subi %iota3A, %sub3A_969 : vector<16xi32>
      %max3A = arith.constant 0 : i32
      %max3A_971 = vector.broadcast %max3A : i32 to vector<16xi32>
      %max3A_972 = arith.maxsi %sub3A_970, %max3A_971 : vector<16xi32>
      %reshape3A = vector.shape_cast %max3A_972 : vector<16xi32> to vector<16x1xi32>
      %gather3A = vector.shape_cast %reshape3A : vector<16x1xi32> to vector<16xi32>
      %gather3A_973 = tpu.dynamic_gather %add3A_957[%gather3A] in [0] : vector<16xf32>, vector<16xi32> -> vector<16xf32>
      %reshape3A_974 = vector.shape_cast %max3A_972 : vector<16xi32> to vector<16x1xi32>
      %gather3A_975 = vector.shape_cast %reshape3A_974 : vector<16x1xi32> to vector<16xi32>
      %gather3A_976 = tpu.dynamic_gather %get3A_968[%gather3A_975] in [0] : vector<16xi32>, vector<16xi32> -> vector<16xi32>
      %eq3A_977 = arith.cmpi eq, %gather3A_976, %get3A_968 : vector<16xi32>
      %ge3A_978 = arith.constant 1 : i32
      %ge3A_979 = vector.broadcast %ge3A_978 : i32 to vector<16xi32>
      %ge3A_980 = arith.cmpi sge, %iota3A, %ge3A_979 : vector<16xi32>
      %and3A_981 = arith.andi %eq3A_977, %ge3A_980 : vector<16xi1>
      %max3A_982 = arith.maximumf %add3A_957, %gather3A_973 : vector<16xf32>
      %select_n3A_983 = arith.select %and3A_981, %max3A_982, %add3A_957 : vector<16xi1>, vector<16xf32>
      %sub3A_984 = arith.constant 2 : i32
      %sub3A_985 = vector.broadcast %sub3A_984 : i32 to vector<16xi32>
      %sub3A_986 = arith.subi %iota3A, %sub3A_985 : vector<16xi32>
      %max3A_987 = arith.constant 0 : i32
      %max3A_988 = vector.broadcast %max3A_987 : i32 to vector<16xi32>
      %max3A_989 = arith.maxsi %sub3A_986, %max3A_988 : vector<16xi32>
      %reshape3A_990 = vector.shape_cast %max3A_989 : vector<16xi32> to vector<16x1xi32>
      %gather3A_991 = vector.shape_cast %reshape3A_990 : vector<16x1xi32> to vector<16xi32>
      %gather3A_992 = tpu.dynamic_gather %select_n3A_983[%gather3A_991] in [0] : vector<16xf32>, vector<16xi32> -> vector<16xf32>
      %reshape3A_993 = vector.shape_cast %max3A_989 : vector<16xi32> to vector<16x1xi32>
      %gather3A_994 = vector.shape_cast %reshape3A_993 : vector<16x1xi32> to vector<16xi32>
      %gather3A_995 = tpu.dynamic_gather %get3A_968[%gather3A_994] in [0] : vector<16xi32>, vector<16xi32> -> vector<16xi32>
      %eq3A_996 = arith.cmpi eq, %gather3A_995, %get3A_968 : vector<16xi32>
      %ge3A_997 = arith.constant 2 : i32
      %ge3A_998 = vector.broadcast %ge3A_997 : i32 to vector<16xi32>
      %ge3A_999 = arith.cmpi sge, %iota3A, %ge3A_998 : vector<16xi32>
      %and3A_1000 = arith.andi %eq3A_996, %ge3A_999 : vector<16xi1>
      %max3A_1001 = arith.maximumf %select_n3A_983, %gather3A_992 : vector<16xf32>
      %select_n3A_1002 = arith.select %and3A_1000, %max3A_1001, %select_n3A_983 : vector<16xi1>, vector<16xf32>
      %sub3A_1003 = arith.constant 4 : i32
      %sub3A_1004 = vector.broadcast %sub3A_1003 : i32 to vector<16xi32>
      %sub3A_1005 = arith.subi %iota3A, %sub3A_1004 : vector<16xi32>
      %max3A_1006 = arith.constant 0 : i32
      %max3A_1007 = vector.broadcast %max3A_1006 : i32 to vector<16xi32>
      %max3A_1008 = arith.maxsi %sub3A_1005, %max3A_1007 : vector<16xi32>
      %reshape3A_1009 = vector.shape_cast %max3A_1008 : vector<16xi32> to vector<16x1xi32>
      %gather3A_1010 = vector.shape_cast %reshape3A_1009 : vector<16x1xi32> to vector<16xi32>
      %gather3A_1011 = tpu.dynamic_gather %select_n3A_1002[%gather3A_1010] in [0] : vector<16xf32>, vector<16xi32> -> vector<16xf32>
      %reshape3A_1012 = vector.shape_cast %max3A_1008 : vector<16xi32> to vector<16x1xi32>
      %gather3A_1013 = vector.shape_cast %reshape3A_1012 : vector<16x1xi32> to vector<16xi32>
      %gather3A_1014 = tpu.dynamic_gather %get3A_968[%gather3A_1013] in [0] : vector<16xi32>, vector<16xi32> -> vector<16xi32>
      %eq3A_1015 = arith.cmpi eq, %gather3A_1014, %get3A_968 : vector<16xi32>
      %ge3A_1016 = arith.constant 4 : i32
      %ge3A_1017 = vector.broadcast %ge3A_1016 : i32 to vector<16xi32>
      %ge3A_1018 = arith.cmpi sge, %iota3A, %ge3A_1017 : vector<16xi32>
      %and3A_1019 = arith.andi %eq3A_1015, %ge3A_1018 : vector<16xi1>
      %max3A_1020 = arith.maximumf %select_n3A_1002, %gather3A_1011 : vector<16xf32>
      %select_n3A_1021 = arith.select %and3A_1019, %max3A_1020, %select_n3A_1002 : vector<16xi1>, vector<16xf32>
      %sub3A_1022 = arith.constant 8 : i32
      %sub3A_1023 = vector.broadcast %sub3A_1022 : i32 to vector<16xi32>
      %sub3A_1024 = arith.subi %iota3A, %sub3A_1023 : vector<16xi32>
      %max3A_1025 = arith.constant 0 : i32
      %max3A_1026 = vector.broadcast %max3A_1025 : i32 to vector<16xi32>
      %max3A_1027 = arith.maxsi %sub3A_1024, %max3A_1026 : vector<16xi32>
      %reshape3A_1028 = vector.shape_cast %max3A_1027 : vector<16xi32> to vector<16x1xi32>
      %gather3A_1029 = vector.shape_cast %reshape3A_1028 : vector<16x1xi32> to vector<16xi32>
      %gather3A_1030 = tpu.dynamic_gather %select_n3A_1021[%gather3A_1029] in [0] : vector<16xf32>, vector<16xi32> -> vector<16xf32>
      %reshape3A_1031 = vector.shape_cast %max3A_1027 : vector<16xi32> to vector<16x1xi32>
      %gather3A_1032 = vector.shape_cast %reshape3A_1031 : vector<16x1xi32> to vector<16xi32>
      %gather3A_1033 = tpu.dynamic_gather %get3A_968[%gather3A_1032] in [0] : vector<16xi32>, vector<16xi32> -> vector<16xi32>
      %eq3A_1034 = arith.cmpi eq, %gather3A_1033, %get3A_968 : vector<16xi32>
      %ge3A_1035 = arith.constant 8 : i32
      %ge3A_1036 = vector.broadcast %ge3A_1035 : i32 to vector<16xi32>
      %ge3A_1037 = arith.cmpi sge, %iota3A, %ge3A_1036 : vector<16xi32>
      %and3A_1038 = arith.andi %eq3A_1034, %ge3A_1037 : vector<16xi1>
      %max3A_1039 = arith.maximumf %select_n3A_1021, %gather3A_1030 : vector<16xf32>
      %select_n3A_1040 = arith.select %and3A_1038, %max3A_1039, %select_n3A_1021 : vector<16xi1>, vector<16xf32>
      %reshape3A_1041 = vector.shape_cast %min3A_89 : vector<16xi32> to vector<16x1xi32>
      %gather3A_1042 = vector.shape_cast %reshape3A_1041 : vector<16x1xi32> to vector<16xi32>
      %gather3A_1043 = tpu.dynamic_gather %get3A_968[%gather3A_1042] in [0] : vector<16xi32>, vector<16xi32> -> vector<16xi32>
      %ne3A = arith.cmpi ne, %gather3A_1043, %get3A_968 : vector<16xi32>
      %or3A = arith.ori %ne3A, %eq3A_84 : vector<16xi1>
      %gather3A_1044 = tpu.vector_load_idx %arg11[%get3A_968] masked %or3A : memref<10240xf32, #tpu.memory_space<vmem>>[vector<16xi32>], vector<16xf32>, vector<16xi1>
      %max3A_1045 = arith.maximumf %gather3A_1044, %select_n3A_1040 : vector<16xf32>
      tpu.vector_store_idx %arg11[%get3A_968], %max3A_1045 masked %or3A : memref<10240xf32, #tpu.memory_space<vmem>>[vector<16xi32>], vector<16xf32>, vector<16xi1>
      %scan3A_1046 = arith.constant 25 : i32
      %eq3A_1047 = arith.constant 0 : i32
      %eq3A_1048 = arith.cmpi eq, %rem3A_124, %eq3A_1047 : i32
      %convert_element_type3A_1049 = arith.extui %eq3A_1048 : i1 to i32
      %cond3A_1050 = arith.constant 0 : i32
      %cond3A_1051 = arith.cmpi ne, %convert_element_type3A_1049, %cond3A_1050 : i32
      scf.if %cond3A_1051 {
        %mul3A_1076 = arith.constant 400 : i32
        %mul3A_1077 = arith.muli %scan3A_123, %mul3A_1076 : i32
        %add3A_1078 = arith.addi %multiple_of3A, %mul3A_1077 : i32
        %dma_start3A_1079 = arith.constant 0 : i32
        %dma_start3A_1080 = arith.constant 0 : i32
        %dma_start3A_1081 = arith.constant 0 : i32
        %dma_start3A_1082 = tpu.memref_slice %arg10[%dma_start3A_1079, %dma_start3A_1081] : memref<2x400xf32, #tpu.memory_space<vmem>> -> memref<1x400xf32, #tpu.memory_space<vmem>>
        %dma_start3A_1083 = tpu.memref_squeeze %dma_start3A_1082 : memref<1x400xf32, #tpu.memory_space<vmem>> -> memref<400xf32, #tpu.memory_space<vmem>>
        %dma_start3A_1084 = tpu.memref_slice %arg6[%add3A_1078] : memref<320000xf32, #tpu.memory_space<hbm>> -> memref<400xf32, #tpu.memory_space<hbm>>
        %dma_start3A_1085 = tpu.memref_slice %arg16[%dma_start3A_1080] : memref<2x!tpu.dma_semaphore, #tpu.memory_space<semaphore_mem>> -> memref<1x!tpu.dma_semaphore, #tpu.memory_space<semaphore_mem>>
        %dma_start3A_1086 = tpu.memref_squeeze %dma_start3A_1085 : memref<1x!tpu.dma_semaphore, #tpu.memory_space<semaphore_mem>> -> memref<!tpu.dma_semaphore, #tpu.memory_space<semaphore_mem>>
        %dma_start3A_1087 = tpu.memref_slice %arg6[%add3A_1078] : memref<320000xf32, #tpu.memory_space<hbm>> -> memref<400xf32, #tpu.memory_space<hbm>>
        %dma_start3A_1088 = arith.constant 0 : i32
        %dma_start3A_1089 = tpu.memref_slice %arg10[%dma_start3A_1079, %dma_start3A_1088] : memref<2x400xf32, #tpu.memory_space<vmem>> -> memref<1x400xf32, #tpu.memory_space<vmem>>
        %dma_start3A_1090 = tpu.memref_squeeze %dma_start3A_1089 : memref<1x400xf32, #tpu.memory_space<vmem>> -> memref<400xf32, #tpu.memory_space<vmem>>
        tpu.enqueue_dma source(%dma_start3A_1090 : memref<400xf32, #tpu.memory_space<vmem>>) target(%dma_start3A_1087 : memref<400xf32, #tpu.memory_space<hbm>>) target_semaphore(%dma_start3A_1086 : memref<!tpu.dma_semaphore, #tpu.memory_space<semaphore_mem>>)
      } else {
      }
      %eq3A_1052 = arith.constant 0 : i32
      %eq3A_1053 = arith.cmpi eq, %rem3A_124, %eq3A_1052 : i32
      %add3A_1054 = arith.constant 2 : i32
      %add3A_1055 = arith.addi %scan3A_123, %add3A_1054 : i32
      %lt3A = arith.constant 25 : i32
      %lt3A_1056 = arith.cmpi slt, %add3A_1055, %lt3A : i32
      %and3A_1057 = arith.andi %eq3A_1053, %lt3A_1056 : i1
      %convert_element_type3A_1058 = arith.extui %and3A_1057 : i1 to i32
      %cond3A_1059 = arith.constant 0 : i32
      %cond3A_1060 = arith.cmpi ne, %convert_element_type3A_1058, %cond3A_1059 : i32
      scf.if %cond3A_1060 {
        %add3A_1076 = arith.constant 2 : i32
        %add3A_1077 = arith.addi %scan3A_123, %add3A_1076 : i32
        %mul3A_1078 = arith.constant 400 : i32
        %mul3A_1079 = arith.muli %add3A_1077, %mul3A_1078 : i32
        %add3A_1080 = arith.addi %multiple_of3A, %mul3A_1079 : i32
        %dma_start3A_1081 = arith.constant 0 : i32
        %dma_start3A_1082 = arith.constant 0 : i32
        %dma_start3A_1083 = arith.constant 0 : i32
        %dma_start3A_1084 = tpu.memref_slice %arg8[%dma_start3A_1082, %dma_start3A_1083] : memref<800x128xf32, #tpu.memory_space<vmem>> -> memref<400x128xf32, #tpu.memory_space<vmem>>
        %dma_start3A_1085 = arith.constant 0 : i32
        %dma_start3A_1086 = tpu.memref_slice %arg2[%add3A_1080, %dma_start3A_1085] : memref<320000x128xf32, #tpu.memory_space<hbm>> -> memref<400x128xf32, #tpu.memory_space<hbm>>
        %dma_start3A_1087 = tpu.memref_slice %arg14[%dma_start3A_1081] : memref<2x!tpu.dma_semaphore, #tpu.memory_space<semaphore_mem>> -> memref<1x!tpu.dma_semaphore, #tpu.memory_space<semaphore_mem>>
        %dma_start3A_1088 = tpu.memref_squeeze %dma_start3A_1087 : memref<1x!tpu.dma_semaphore, #tpu.memory_space<semaphore_mem>> -> memref<!tpu.dma_semaphore, #tpu.memory_space<semaphore_mem>>
        %dma_start3A_1089 = arith.constant 0 : i32
        %dma_start3A_1090 = arith.constant 0 : i32
        %dma_start3A_1091 = tpu.memref_slice %arg8[%dma_start3A_1089, %dma_start3A_1090] : memref<800x128xf32, #tpu.memory_space<vmem>> -> memref<400x128xf32, #tpu.memory_space<vmem>>
        %dma_start3A_1092 = arith.constant 0 : i32
        %dma_start3A_1093 = tpu.memref_slice %arg2[%add3A_1080, %dma_start3A_1092] : memref<320000x128xf32, #tpu.memory_space<hbm>> -> memref<400x128xf32, #tpu.memory_space<hbm>>
        tpu.enqueue_dma source(%dma_start3A_1093 : memref<400x128xf32, #tpu.memory_space<hbm>>) target(%dma_start3A_1091 : memref<400x128xf32, #tpu.memory_space<vmem>>) target_semaphore(%dma_start3A_1088 : memref<!tpu.dma_semaphore, #tpu.memory_space<semaphore_mem>>)
        %add3A_1094 = arith.constant 2 : i32
        %add3A_1095 = arith.addi %scan3A_123, %add3A_1094 : i32
        %mul3A_1096 = arith.constant 400 : i32
        %mul3A_1097 = arith.muli %add3A_1095, %mul3A_1096 : i32
        %add3A_1098 = arith.addi %multiple_of3A, %mul3A_1097 : i32
        %dma_start3A_1099 = arith.constant 0 : i32
        %dma_start3A_1100 = arith.constant 0 : i32
        %dma_start3A_1101 = arith.constant 0 : i32
        %dma_start3A_1102 = tpu.memref_slice %arg9[%dma_start3A_1099, %dma_start3A_1101] : memref<2x400xi32, #tpu.memory_space<vmem>> -> memref<1x400xi32, #tpu.memory_space<vmem>>
        %dma_start3A_1103 = tpu.memref_squeeze %dma_start3A_1102 : memref<1x400xi32, #tpu.memory_space<vmem>> -> memref<400xi32, #tpu.memory_space<vmem>>
        %dma_start3A_1104 = tpu.memref_slice %arg3[%add3A_1098] : memref<320000xi32, #tpu.memory_space<hbm>> -> memref<400xi32, #tpu.memory_space<hbm>>
        %dma_start3A_1105 = tpu.memref_slice %arg15[%dma_start3A_1100] : memref<2x!tpu.dma_semaphore, #tpu.memory_space<semaphore_mem>> -> memref<1x!tpu.dma_semaphore, #tpu.memory_space<semaphore_mem>>
        %dma_start3A_1106 = tpu.memref_squeeze %dma_start3A_1105 : memref<1x!tpu.dma_semaphore, #tpu.memory_space<semaphore_mem>> -> memref<!tpu.dma_semaphore, #tpu.memory_space<semaphore_mem>>
        %dma_start3A_1107 = arith.constant 0 : i32
        %dma_start3A_1108 = tpu.memref_slice %arg9[%dma_start3A_1099, %dma_start3A_1107] : memref<2x400xi32, #tpu.memory_space<vmem>> -> memref<1x400xi32, #tpu.memory_space<vmem>>
        %dma_start3A_1109 = tpu.memref_squeeze %dma_start3A_1108 : memref<1x400xi32, #tpu.memory_space<vmem>> -> memref<400xi32, #tpu.memory_space<vmem>>
        %dma_start3A_1110 = tpu.memref_slice %arg3[%add3A_1098] : memref<320000xi32, #tpu.memory_space<hbm>> -> memref<400xi32, #tpu.memory_space<hbm>>
        tpu.enqueue_dma source(%dma_start3A_1110 : memref<400xi32, #tpu.memory_space<hbm>>) target(%dma_start3A_1109 : memref<400xi32, #tpu.memory_space<vmem>>) target_semaphore(%dma_start3A_1106 : memref<!tpu.dma_semaphore, #tpu.memory_space<semaphore_mem>>)
      } else {
      }
      %eq3A_1061 = arith.constant 1 : i32
      %eq3A_1062 = arith.cmpi eq, %rem3A_124, %eq3A_1061 : i32
      %convert_element_type3A_1063 = arith.extui %eq3A_1062 : i1 to i32
      %cond3A_1064 = arith.constant 0 : i32
      %cond3A_1065 = arith.cmpi ne, %convert_element_type3A_1063, %cond3A_1064 : i32
      scf.if %cond3A_1065 {
        %mul3A_1076 = arith.constant 400 : i32
        %mul3A_1077 = arith.muli %scan3A_123, %mul3A_1076 : i32
        %add3A_1078 = arith.addi %multiple_of3A, %mul3A_1077 : i32
        %dma_start3A_1079 = arith.constant 1 : i32
        %dma_start3A_1080 = arith.constant 1 : i32
        %dma_start3A_1081 = arith.constant 0 : i32
        %dma_start3A_1082 = tpu.memref_slice %arg10[%dma_start3A_1079, %dma_start3A_1081] : memref<2x400xf32, #tpu.memory_space<vmem>> -> memref<1x400xf32, #tpu.memory_space<vmem>>
        %dma_start3A_1083 = tpu.memref_squeeze %dma_start3A_1082 : memref<1x400xf32, #tpu.memory_space<vmem>> -> memref<400xf32, #tpu.memory_space<vmem>>
        %dma_start3A_1084 = tpu.memref_slice %arg6[%add3A_1078] : memref<320000xf32, #tpu.memory_space<hbm>> -> memref<400xf32, #tpu.memory_space<hbm>>
        %dma_start3A_1085 = tpu.memref_slice %arg16[%dma_start3A_1080] : memref<2x!tpu.dma_semaphore, #tpu.memory_space<semaphore_mem>> -> memref<1x!tpu.dma_semaphore, #tpu.memory_space<semaphore_mem>>
        %dma_start3A_1086 = tpu.memref_squeeze %dma_start3A_1085 : memref<1x!tpu.dma_semaphore, #tpu.memory_space<semaphore_mem>> -> memref<!tpu.dma_semaphore, #tpu.memory_space<semaphore_mem>>
        %dma_start3A_1087 = tpu.memref_slice %arg6[%add3A_1078] : memref<320000xf32, #tpu.memory_space<hbm>> -> memref<400xf32, #tpu.memory_space<hbm>>
        %dma_start3A_1088 = arith.constant 0 : i32
        %dma_start3A_1089 = tpu.memref_slice %arg10[%dma_start3A_1079, %dma_start3A_1088] : memref<2x400xf32, #tpu.memory_space<vmem>> -> memref<1x400xf32, #tpu.memory_space<vmem>>
        %dma_start3A_1090 = tpu.memref_squeeze %dma_start3A_1089 : memref<1x400xf32, #tpu.memory_space<vmem>> -> memref<400xf32, #tpu.memory_space<vmem>>
        tpu.enqueue_dma source(%dma_start3A_1090 : memref<400xf32, #tpu.memory_space<vmem>>) target(%dma_start3A_1087 : memref<400xf32, #tpu.memory_space<hbm>>) target_semaphore(%dma_start3A_1086 : memref<!tpu.dma_semaphore, #tpu.memory_space<semaphore_mem>>)
      } else {
      }
      %eq3A_1066 = arith.constant 1 : i32
      %eq3A_1067 = arith.cmpi eq, %rem3A_124, %eq3A_1066 : i32
      %add3A_1068 = arith.constant 2 : i32
      %add3A_1069 = arith.addi %scan3A_123, %add3A_1068 : i32
      %lt3A_1070 = arith.constant 25 : i32
      %lt3A_1071 = arith.cmpi slt, %add3A_1069, %lt3A_1070 : i32
      %and3A_1072 = arith.andi %eq3A_1067, %lt3A_1071 : i1
      %convert_element_type3A_1073 = arith.extui %and3A_1072 : i1 to i32
      %cond3A_1074 = arith.constant 0 : i32
      %cond3A_1075 = arith.cmpi ne, %convert_element_type3A_1073, %cond3A_1074 : i32
      scf.if %cond3A_1075 {
        %add3A_1076 = arith.constant 2 : i32
        %add3A_1077 = arith.addi %scan3A_123, %add3A_1076 : i32
        %mul3A_1078 = arith.constant 400 : i32
        %mul3A_1079 = arith.muli %add3A_1077, %mul3A_1078 : i32
        %add3A_1080 = arith.addi %multiple_of3A, %mul3A_1079 : i32
        %dma_start3A_1081 = arith.constant 1 : i32
        %dma_start3A_1082 = arith.constant 400 : i32
        %dma_start3A_1083 = arith.constant 0 : i32
        %dma_start3A_1084 = tpu.memref_slice %arg8[%dma_start3A_1082, %dma_start3A_1083] : memref<800x128xf32, #tpu.memory_space<vmem>> -> memref<400x128xf32, #tpu.memory_space<vmem>>
        %dma_start3A_1085 = arith.constant 0 : i32
        %dma_start3A_1086 = tpu.memref_slice %arg2[%add3A_1080, %dma_start3A_1085] : memref<320000x128xf32, #tpu.memory_space<hbm>> -> memref<400x128xf32, #tpu.memory_space<hbm>>
        %dma_start3A_1087 = tpu.memref_slice %arg14[%dma_start3A_1081] : memref<2x!tpu.dma_semaphore, #tpu.memory_space<semaphore_mem>> -> memref<1x!tpu.dma_semaphore, #tpu.memory_space<semaphore_mem>>
        %dma_start3A_1088 = tpu.memref_squeeze %dma_start3A_1087 : memref<1x!tpu.dma_semaphore, #tpu.memory_space<semaphore_mem>> -> memref<!tpu.dma_semaphore, #tpu.memory_space<semaphore_mem>>
        %dma_start3A_1089 = arith.constant 400 : i32
        %dma_start3A_1090 = arith.constant 0 : i32
        %dma_start3A_1091 = tpu.memref_slice %arg8[%dma_start3A_1089, %dma_start3A_1090] : memref<800x128xf32, #tpu.memory_space<vmem>> -> memref<400x128xf32, #tpu.memory_space<vmem>>
        %dma_start3A_1092 = arith.constant 0 : i32
        %dma_start3A_1093 = tpu.memref_slice %arg2[%add3A_1080, %dma_start3A_1092] : memref<320000x128xf32, #tpu.memory_space<hbm>> -> memref<400x128xf32, #tpu.memory_space<hbm>>
        tpu.enqueue_dma source(%dma_start3A_1093 : memref<400x128xf32, #tpu.memory_space<hbm>>) target(%dma_start3A_1091 : memref<400x128xf32, #tpu.memory_space<vmem>>) target_semaphore(%dma_start3A_1088 : memref<!tpu.dma_semaphore, #tpu.memory_space<semaphore_mem>>)
        %add3A_1094 = arith.constant 2 : i32
        %add3A_1095 = arith.addi %scan3A_123, %add3A_1094 : i32
        %mul3A_1096 = arith.constant 400 : i32
        %mul3A_1097 = arith.muli %add3A_1095, %mul3A_1096 : i32
        %add3A_1098 = arith.addi %multiple_of3A, %mul3A_1097 : i32
        %dma_start3A_1099 = arith.constant 1 : i32
        %dma_start3A_1100 = arith.constant 1 : i32
        %dma_start3A_1101 = arith.constant 0 : i32
        %dma_start3A_1102 = tpu.memref_slice %arg9[%dma_start3A_1099, %dma_start3A_1101] : memref<2x400xi32, #tpu.memory_space<vmem>> -> memref<1x400xi32, #tpu.memory_space<vmem>>
        %dma_start3A_1103 = tpu.memref_squeeze %dma_start3A_1102 : memref<1x400xi32, #tpu.memory_space<vmem>> -> memref<400xi32, #tpu.memory_space<vmem>>
        %dma_start3A_1104 = tpu.memref_slice %arg3[%add3A_1098] : memref<320000xi32, #tpu.memory_space<hbm>> -> memref<400xi32, #tpu.memory_space<hbm>>
        %dma_start3A_1105 = tpu.memref_slice %arg15[%dma_start3A_1100] : memref<2x!tpu.dma_semaphore, #tpu.memory_space<semaphore_mem>> -> memref<1x!tpu.dma_semaphore, #tpu.memory_space<semaphore_mem>>
        %dma_start3A_1106 = tpu.memref_squeeze %dma_start3A_1105 : memref<1x!tpu.dma_semaphore, #tpu.memory_space<semaphore_mem>> -> memref<!tpu.dma_semaphore, #tpu.memory_space<semaphore_mem>>
        %dma_start3A_1107 = arith.constant 0 : i32
        %dma_start3A_1108 = tpu.memref_slice %arg9[%dma_start3A_1099, %dma_start3A_1107] : memref<2x400xi32, #tpu.memory_space<vmem>> -> memref<1x400xi32, #tpu.memory_space<vmem>>
        %dma_start3A_1109 = tpu.memref_squeeze %dma_start3A_1108 : memref<1x400xi32, #tpu.memory_space<vmem>> -> memref<400xi32, #tpu.memory_space<vmem>>
        %dma_start3A_1110 = tpu.memref_slice %arg3[%add3A_1098] : memref<320000xi32, #tpu.memory_space<hbm>> -> memref<400xi32, #tpu.memory_space<hbm>>
        tpu.enqueue_dma source(%dma_start3A_1110 : memref<400xi32, #tpu.memory_space<hbm>>) target(%dma_start3A_1109 : memref<400xi32, #tpu.memory_space<vmem>>) target_semaphore(%dma_start3A_1106 : memref<!tpu.dma_semaphore, #tpu.memory_space<semaphore_mem>>)
      } else {
      }
    }
    %scan3A_95 = arith.constant 25 : i32
    %add3A_96 = arith.constant 9200 : i32
    %add3A_97 = arith.addi %multiple_of3A, %add3A_96 : i32
    %dma_wait3A = arith.constant 1 : i32
    %dma_wait3A_98 = arith.constant 1 : i32
    %dma_wait3A_99 = arith.constant 0 : i32
    %dma_wait3A_100 = tpu.memref_slice %arg10[%dma_wait3A, %dma_wait3A_99] : memref<2x400xf32, #tpu.memory_space<vmem>> -> memref<1x400xf32, #tpu.memory_space<vmem>>
    %dma_wait3A_101 = tpu.memref_squeeze %dma_wait3A_100 : memref<1x400xf32, #tpu.memory_space<vmem>> -> memref<400xf32, #tpu.memory_space<vmem>>
    %dma_wait3A_102 = tpu.memref_slice %arg6[%add3A_97] : memref<320000xf32, #tpu.memory_space<hbm>> -> memref<400xf32, #tpu.memory_space<hbm>>
    %dma_wait3A_103 = tpu.memref_slice %arg16[%dma_wait3A_98] : memref<2x!tpu.dma_semaphore, #tpu.memory_space<semaphore_mem>> -> memref<1x!tpu.dma_semaphore, #tpu.memory_space<semaphore_mem>>
    %dma_wait3A_104 = tpu.memref_squeeze %dma_wait3A_103 : memref<1x!tpu.dma_semaphore, #tpu.memory_space<semaphore_mem>> -> memref<!tpu.dma_semaphore, #tpu.memory_space<semaphore_mem>>
    %dma_wait3A_105 = tpu.memref_slice %arg6[%add3A_97] : memref<320000xf32, #tpu.memory_space<hbm>> -> memref<400xf32, #tpu.memory_space<hbm>>
    %dma_wait3A_106 = arith.constant 0 : i32
    %dma_wait3A_107 = tpu.memref_slice %arg10[%dma_wait3A, %dma_wait3A_106] : memref<2x400xf32, #tpu.memory_space<vmem>> -> memref<1x400xf32, #tpu.memory_space<vmem>>
    %dma_wait3A_108 = tpu.memref_squeeze %dma_wait3A_107 : memref<1x400xf32, #tpu.memory_space<vmem>> -> memref<400xf32, #tpu.memory_space<vmem>>
    tpu.wait_dma2 semaphore(%dma_wait3A_104 : memref<!tpu.dma_semaphore, #tpu.memory_space<semaphore_mem>>) src(%dma_wait3A_108 : memref<400xf32, #tpu.memory_space<vmem>>) dst(%dma_wait3A_105 : memref<400xf32, #tpu.memory_space<hbm>>)
    %add3A_109 = arith.constant 9600 : i32
    %add3A_110 = arith.addi %multiple_of3A, %add3A_109 : i32
    %dma_wait3A_111 = arith.constant 0 : i32
    %dma_wait3A_112 = arith.constant 0 : i32
    %dma_wait3A_113 = arith.constant 0 : i32
    %dma_wait3A_114 = tpu.memref_slice %arg10[%dma_wait3A_111, %dma_wait3A_113] : memref<2x400xf32, #tpu.memory_space<vmem>> -> memref<1x400xf32, #tpu.memory_space<vmem>>
    %dma_wait3A_115 = tpu.memref_squeeze %dma_wait3A_114 : memref<1x400xf32, #tpu.memory_space<vmem>> -> memref<400xf32, #tpu.memory_space<vmem>>
    %dma_wait3A_116 = tpu.memref_slice %arg6[%add3A_110] : memref<320000xf32, #tpu.memory_space<hbm>> -> memref<400xf32, #tpu.memory_space<hbm>>
    %dma_wait3A_117 = tpu.memref_slice %arg16[%dma_wait3A_112] : memref<2x!tpu.dma_semaphore, #tpu.memory_space<semaphore_mem>> -> memref<1x!tpu.dma_semaphore, #tpu.memory_space<semaphore_mem>>
    %dma_wait3A_118 = tpu.memref_squeeze %dma_wait3A_117 : memref<1x!tpu.dma_semaphore, #tpu.memory_space<semaphore_mem>> -> memref<!tpu.dma_semaphore, #tpu.memory_space<semaphore_mem>>
    %dma_wait3A_119 = tpu.memref_slice %arg6[%add3A_110] : memref<320000xf32, #tpu.memory_space<hbm>> -> memref<400xf32, #tpu.memory_space<hbm>>
    %dma_wait3A_120 = arith.constant 0 : i32
    %dma_wait3A_121 = tpu.memref_slice %arg10[%dma_wait3A_111, %dma_wait3A_120] : memref<2x400xf32, #tpu.memory_space<vmem>> -> memref<1x400xf32, #tpu.memory_space<vmem>>
    %dma_wait3A_122 = tpu.memref_squeeze %dma_wait3A_121 : memref<1x400xf32, #tpu.memory_space<vmem>> -> memref<400xf32, #tpu.memory_space<vmem>>
    tpu.wait_dma2 semaphore(%dma_wait3A_118 : memref<!tpu.dma_semaphore, #tpu.memory_space<semaphore_mem>>) src(%dma_wait3A_122 : memref<400xf32, #tpu.memory_space<vmem>>) dst(%dma_wait3A_119 : memref<400xf32, #tpu.memory_space<hbm>>)
    "tpu.region"() ({
      %run_scoped3A_123 = tpu.sem_alloc : memref<!tpu.dma_semaphore, #tpu.memory_space<semaphore_mem>>
      %dma_start3A_124 = arith.constant 0 : i32
      %dma_start3A_125 = tpu.memref_slice %arg7[%add3A, %dma_start3A_124] : memref<32x10240xf32, #tpu.memory_space<hbm>> -> memref<1x10240xf32, #tpu.memory_space<hbm>>
      %dma_start3A_126 = tpu.memref_squeeze %dma_start3A_125 : memref<1x10240xf32, #tpu.memory_space<hbm>> -> memref<10240xf32, #tpu.memory_space<hbm>>
      %dma_start3A_127 = arith.constant 0 : i32
      %dma_start3A_128 = tpu.memref_slice %arg7[%add3A, %dma_start3A_127] : memref<32x10240xf32, #tpu.memory_space<hbm>> -> memref<1x10240xf32, #tpu.memory_space<hbm>>
      %dma_start3A_129 = tpu.memref_squeeze %dma_start3A_128 : memref<1x10240xf32, #tpu.memory_space<hbm>> -> memref<10240xf32, #tpu.memory_space<hbm>>
      tpu.enqueue_dma source(%arg11 : memref<10240xf32, #tpu.memory_space<vmem>>) target(%dma_start3A_129 : memref<10240xf32, #tpu.memory_space<hbm>>) target_semaphore(%run_scoped3A_123 : memref<!tpu.dma_semaphore, #tpu.memory_space<semaphore_mem>>)
      %dma_wait3A_130 = arith.constant 0 : i32
      %dma_wait3A_131 = tpu.memref_slice %arg7[%add3A, %dma_wait3A_130] : memref<32x10240xf32, #tpu.memory_space<hbm>> -> memref<1x10240xf32, #tpu.memory_space<hbm>>
      %dma_wait3A_132 = tpu.memref_squeeze %dma_wait3A_131 : memref<1x10240xf32, #tpu.memory_space<hbm>> -> memref<10240xf32, #tpu.memory_space<hbm>>
      %dma_wait3A_133 = arith.constant 0 : i32
      %dma_wait3A_134 = tpu.memref_slice %arg7[%add3A, %dma_wait3A_133] : memref<32x10240xf32, #tpu.memory_space<hbm>> -> memref<1x10240xf32, #tpu.memory_space<hbm>>
      %dma_wait3A_135 = tpu.memref_squeeze %dma_wait3A_134 : memref<1x10240xf32, #tpu.memory_space<hbm>> -> memref<10240xf32, #tpu.memory_space<hbm>>
      tpu.wait_dma2 semaphore(%run_scoped3A_123 : memref<!tpu.dma_semaphore, #tpu.memory_space<semaphore_mem>>) src(%arg11 : memref<10240xf32, #tpu.memory_space<vmem>>) dst(%dma_wait3A_135 : memref<10240xf32, #tpu.memory_space<hbm>>)
      tpu.yield
    }) : () -> ()
    return
  }
}

</mosaic_0001>

<sc_bundles>
// kernel: kernel.4.cloned.1.call-start
scs
__scs_entry_jumppad:
0x0: {  	(pc) =	sbr.rel $0x88, $3  }
0x1: {  	(tag) =	ssettag $0x0;
	lr =	simm.s32 $0x1  }
0x2: {  	[smem:$0x3F9D] =	sst lr;
	_ =	strace $0xD0000000  }
0x3: {  	_ = 	snop  }
0x4: {  	_ = 	snop  }
0x5: {  	_ = 	snop  }
0x6: {  	_ = 	snop  }
0x7: {  	_ = 	snop  }
__scs_overlays_trampoline_lowered:
0x8: {  	[smem:$0x3FAC] =	sst s0  }
0x9: {  	[smem:$0x3FAD] =	sst s1  }
0xa: {  	[smem:$0x3FAE] =	sst s2  }
0xb: {  	[smem:$0x3FAF] =	sst s3  }
0xc: {  	[smem:$0x3FB0] =	sst s4  }
0xd: {  	[smem:$0x3FB1] =	sst s5  }
0xe: {  	[smem:$0x3FB2] =	sst s6  }
0xf: {  	[smem:$0x3FB3] =	sst s7  }
0x10: {  	[smem:$0x3FB4] =	sst s8  }
0x11: {  	[smem:$0x3FB5] =	sst s9;
	s0 =	simm.s32 @!p0 $0x0  }
0x12: {  	s1 =	sld [smem:$0x3F9B];
	s0 =	simm.s32 @p0 $0x1  }
0x13: {  	[smem:$0x3FB6] =	sst s0;
	s0 =	simm.s32 @!p1 $0x0  }
0x14: {  	s2 =	sld [smem:$0x3F9A];
	s0 =	simm.s32 @p1 $0x1  }
0x15: {  	[smem:$0x3FB7] =	sst s0;
	s0 =	simm.s32 @!p2 $0x0  }
0x16: {  	s3 =	sld [smem:$0x3FDB];
	s0 =	simm.s32 @p2 $0x1  }
0x17: {  	s4 =	simm.s32 $0x1BF5;
	[smem:$0x3FB9] =	sst s0  }
0x18: {  	s0 =	sld [smem:$0x3F9C];
	_ =	swait.ge [sflag:s4], $0x0  }
0x19: {  	s7 =	sld [smem:$0x3F9D]  }
0x1a: {  	s8 =	sadd.s32 $0xFFFFE003, lr  }
0x1b: {  	s9 =	sadd.s32 $0xFFFFFEF7, lr;
	s5 =	simm.s32 $0xFFFFFFFF;
	p2 =	slt.u32 s8, $0xFFFFF086  }
0x1c: {  	p1 =	slt.u32 s9, $0xF7A;
	s5 =	simm.s32 @!p2 $0x0  }
0x1d: {  	s5 =	simm.s32 @p1 $0x1;
	p0 =	seq.s32 s7, s2  }
0x1e: {  	s7 =	smul.u32 @!p0 $0xF7A, s2;
	p2 =	seq.s32 @!p0 s5, $0x0  }
0x1f: {  	s9 =	smul.u32 $0xF7A, s1;
	s8 =	simm.s32 @!p0 $0x1BF5;
	p2 =	por !p2, p0  }
0x20: {  	[sflag:s8] =	ssyncset.s32 @!p0 $0xFFFFF086;
	s6 =	sadd.s32 @!p0 s3, s7;
	s7 =	simm.s32 @!p0 $0x108  }
0x21: {  	s3 =	sadd.s32 s3, s9;
	s6 =	sadd.s32 @!p0 $0x88, s6;
	s7 =	simm.s32 @p2 $0x1082  }
0x22: {  	[simem:s7], [sflag:s8] =	dma.local @!p0 [hbm:s6], $0xF7A  }
0x23: {  	s9 =	sor.u32 $0xD0000000, s2;
	s6 =	simm.s32 $0x108;
	_ =	swait.ge @!p0 [sflag:s8], $0x0  }
0x24: {  	s3 =	sadd.s32 $0x88, s3;
	s6 =	simm.s32 @!p1 $0x1082;
	[sflag:s4] =	ssyncset.s32 $0xFFFFF086  }
0x25: {  	[simem:s6], [sflag:s4] =	dma.local [hbm:s3], $0xF7A  }
0x26: {  	[smem:$0x3F9D] =	sst s1;
	(tag) =	ssettag s2;
	_ =	strace s9  }
0x27: {  	s1 =	sld [smem:$0x3FAD]  }
0x28: {  	s2 =	sld [smem:$0x3FAE]  }
0x29: {  	s4 =	sld [smem:$0x3FB0]  }
0x2a: {  	p0 =	seq.s32 s5, $0x0;
	s5 =	sld [smem:$0x3FB1]  }
0x2b: {  	s6 =	sld [smem:$0x3FB2]  }
0x2c: {  	s7 =	sld [smem:$0x3FB3]  }
0x2d: {  	s3 =	simm.s32 $0x108;
	s8 =	sld [smem:$0x3FB4]  }
0x2e: {  	s3 =	simm.s32 @!p0 $0x1082;
	s9 =	sld [smem:$0x3FB5]  }
0x2f: {  	lr =	sadd.s32 s0, s3;
	s0 =	sld [smem:$0x3FAC]  }
0x30: {  	s3 =	sld [smem:$0x3FAF]  }
0x31: {  	[smem:$0x3FB8] =	sst s10  }
0x32: {  	s10 =	sld [smem:$0x3FB6];
	_ =	sdelay $0x3  }
0x33: {  	p0 =	seq.s32 s10, $0x1;
	s10 =	sld [smem:$0x3FB8];
	_ =	sdelay $0x3  }
0x34: {  	[smem:$0x3FB8] =	sst s10  }
0x35: {  	s10 =	sld [smem:$0x3FB7];
	_ =	sdelay $0x3  }
0x36: {  	p1 =	seq.s32 s10, $0x1;
	s10 =	sld [smem:$0x3FB8];
	_ =	sdelay $0x3  }
0x37: {  	[smem:$0x3FB8] =	sst s10  }
0x38: {  	s10 =	sld [smem:$0x3FB9]  }
0x39: {  	_ = 	snop;
	(pc) =	sbr.ind lr, $3  }
0x3a: {  	_ = 	snop  }
0x3b: {  	_ = 	snop  }
0x3c: {  	p2 =	seq.s32 s10, $0x1;
	s10 =	sld [smem:$0x3FB8]  }
0x3d: {  	_ =	shalt  }
0x3e: {  	_ =	shalt  }
0x3f: {  	_ =	shalt  }
0x40: {  	_ =	shalt  }
0x41: {  	_ =	shalt  }
0x42: {  	_ =	shalt  }
0x43: {  	_ =	shalt  }
0x44: {  	_ =	shalt  }
0x45: {  	_ =	shalt  }
0x46: {  	_ =	shalt  }
0x47: {  	_ =	shalt  }
0x48: {  	_ =	shalt  }
0x49: {  	_ =	shalt  }
0x4a: {  	_ =	shalt  }
0x4b: {  	_ =	shalt  }
0x4c: {  	_ =	shalt  }
0x4d: {  	_ =	shalt  }
0x4e: {  	_ =	shalt  }
0x4f: {  	_ =	shalt  }
0x50: {  	_ =	shalt  }
0x51: {  	_ =	shalt  }
0x52: {  	_ =	shalt  }
0x53: {  	_ =	shalt  }
0x54: {  	_ =	shalt  }
0x55: {  	_ =	shalt  }
0x56: {  	_ =	shalt  }
0x57: {  	_ =	shalt  }
0x58: {  	_ =	shalt  }
0x59: {  	_ =	shalt  }
0x5a: {  	_ =	shalt  }
0x5b: {  	_ =	shalt  }
0x5c: {  	_ =	shalt  }
0x5d: {  	_ =	shalt  }
0x5e: {  	_ =	shalt  }
0x5f: {  	_ =	shalt  }
0x60: {  	_ =	shalt  }
0x61: {  	_ =	shalt  }
0x62: {  	_ =	shalt  }
0x63: {  	_ =	shalt  }
0x64: {  	_ =	shalt  }
0x65: {  	_ =	shalt  }
0x66: {  	_ =	shalt  }
0x67: {  	_ =	shalt  }
0x68: {  	_ =	shalt  }
0x69: {  	_ =	shalt  }
0x6a: {  	_ =	shalt  }
0x6b: {  	_ =	shalt  }
0x6c: {  	_ =	shalt  }
0x6d: {  	_ =	shalt  }
0x6e: {  	_ =	shalt  }
0x6f: {  	_ =	shalt  }
0x70: {  	_ =	shalt  }
0x71: {  	_ =	shalt  }
0x72: {  	_ =	shalt  }
0x73: {  	_ =	shalt  }
0x74: {  	_ =	shalt  }
0x75: {  	_ =	shalt  }
0x76: {  	_ =	shalt  }
0x77: {  	_ =	shalt  }
0x78: {  	_ =	shalt  }
0x79: {  	_ =	shalt  }
0x7a: {  	_ =	shalt  }
0x7b: {  	_ =	shalt  }
0x7c: {  	_ =	shalt  }
0x7d: {  	_ =	shalt  }
0x7e: {  	_ =	shalt  }
0x7f: {  	_ =	shalt  }
0x80: {  	_ =	shalt  }
0x81: {  	_ =	shalt  }
0x82: {  	_ =	shalt  }
0x83: {  	_ =	shalt  }
0x84: {  	_ =	shalt  }
0x85: {  	_ =	shalt  }
0x86: {  	_ =	shalt  }
0x87: {  	_ =	shalt  }
.Lfunc_end0:
.L_simem_size_0:
called_computation_lowered:
.L_overlay_start_0:
0x88: {  	s2 =	sld [smem:$0x3FD9]  }
0x89: {  	s3 =	sld [smem:$0x3FFE];
	_ =	sdelay $0x1  }
0x8a: {  	s1 =	srdreg.scid  }
0x8b: {  	s0 =	sand.u32 $0x1, s1  }
0x8c: {  	s14 =	sshll.u32 s0, $0xA;
	s2 =	sadd.s32 s3, s2  }
0x8d: {  	s2 =	sadd.s32 s2, s14  }
0x8e: {  	[smem:$0x3FC4] =	sst s2  }
0x8f: {  	_ = 	snop  }
0x90: {  	s2 =	sld [smem:$0x3FD0]  }
0x91: {  	s15 =	sld [smem:$0x3FC9]  }
0x92: {  	s4 =	sld [smem:$0x3FC8]  }
0x93: {  	s6 =	simm.s32 $0xA;
	s7 =	simm.s32 $0x10;
	s5 =	sld [smem:$0x3FC7]  }
0x94: {  	[smem:s7], [sflag:s6] =	dma.local [hbm:s2], $0x1  }
0x95: {  	_ =	swait.eq [sflag:s6], $0x1  }
0x96: {  	[sflag:s6] =	ssyncset.done $0x0  }
0x97: {  	[sflag:s6] =	ssyncadd.s32 $0xFFFFFFFF  }
0x98: {  	s16 =	sld [smem:$0x11];
	(tm) =	ssettm $0x1  }
0x99: {  	s17 =	sld [smem:$0x3FFB];
	_ =	sdelay $0x3  }
0x9a: {  	_ =	strace s17  }
0x9b: {  	s6 =	sld [smem:$0x3FFC];
	_ =	sdelay $0x3  }
0x9c: {  	_ =	strace s6  }
0x9d: {  	s6 =	sld [smem:$0x3FFD];
	_ =	sdelay $0x3  }
0x9e: {  	_ =	strace s6  }
0x9f: {  	_ =	strace $0x8FFFFFFF  }
0xa0: {  	s18 =	sld [smem:$0x3FDB];
	_ =	sdelay $0x1  }
0xa1: {  	s19 =	simm.s32 $_scs_section_size  }
0xa2: {  	s8 =	simm.s32 $_size__tile_overlayer_lowered;
	s9 =	simm.s32 $_tile_overlayer_lowered  }
0xa3: {  	s22 =	simm.s32 $0x1BFF;
	s21 =	sshll.u32 s9, $0x1;
	s6 =	sadd.s32 s19, s18  }
0xa4: {  	s10 =	simm.s32 $0x0;
	s20 =	sshll.u32 s8, $0x1;
	s8 =	sadd.s32 s21, s6  }
0xa5: {  	[timem:s10], [sflag:s22] =	dma.local [hbm:s8], s20  }
0xa6: {  	_ =	swait.ge [sflag:s22], s20  }
0xa7: {  	s7 =	ssub.s32 $0x0, s20;
	[sflag:s22] =	ssyncset.done $0x0  }
0xa8: {  	[sflag:s22] =	ssyncadd.s32 s7;
	_ =	sdelay $0x1  }
0xa9: {  	s23 =	simm.s32 $0x1B8B  }
0xaa: {  	_ =	swait.ge [sflag:s23], $0x1  }
0xab: {  	[sflag:s23] =	ssyncset.done $0x0  }
0xac: {  	s25 =	simm.s32 $0x1B8E;
	s24 =	sld [smem:$0x3FFE];
	[sflag:s23] =	ssyncadd.s32 $0xFFFFFFFF  }
0xad: {  	s26 =	simm.s32 $execute0_lowered;
	[smem:$0x3FD2] =	sst s25  }
0xae: {  	s8 =	sshll.u32 s26, $0x1;
	_ =	strace $0x80000046;
	[dreg:$0x1] =	wrdreg $0xFFFFFFFF  }
0xaf: {  	s28 =	simm.s32 $_size_execute0_lowered;
	s6 =	sadd.s32 s6, s8;
	[dreg:$0x0] =	wrdreg $0x0  }
0xb0: {  	s8 =	sshll.u32 s28, $0x1;
	[dreg:$0x2] =	wrdreg s6  }
0xb1: {  	[dreg:$0x3] =	wrdreg s8  }
0xb2: {  	[dreg:$0x4] =	wrdreg $0xC0  }
0xb3: {  	_ =	task [dreg:s10], $0x5FFFF  }
0xb4: {  	[dreg:$0x1] =	wrdreg $0xFFFFFFFF  }
0xb5: {  	[dreg:$0x0] =	wrdreg $0x60  }
0xb6: {  	[dreg:$0x2] =	wrdreg s15  }
0xb7: {  	[dreg:$0x3] =	wrdreg s4  }
0xb8: {  	[dreg:$0x4] =	wrdreg s5  }
0xb9: {  	[dreg:$0x5] =	wrdreg s24  }
0xba: {  	[dreg:$0x6] =	wrdreg s16  }
0xbb: {  	[dreg:$0x7] =	wrdreg $0x9  }
0xbc: {  	_ =	task.clear_ibuf [dreg:s10], $0x8FFFF;
	_ =	strace $0x90000046  }
0xbd: {  	s29 =	simm.s32 $0x9;
	_ =	strace $0x80000048  }
0xbe: {  	_ =	swait.ge [sflag:s29], $0x1  }
0xbf: {  	[sflag:s29] =	ssyncadd.s32 $0xFFFFFFFF  }
0xc0: {  	_ =	strace $0x90000048  }
0xc1: {  	_ =	sfence  }
0xc2: {  	s30 =	sld [smem:$0x0];
	_ =	sdelay $0x2  }
0xc3: {  	s31 =	sshll.u32 s1, $0xD;
	s1 =	sshrl.u32 s1, $0x2  }
0xc4: {  	s3 =	sand.u32 $0x4000, s31;
	s1 =	sadd.s32 s1, s30  }
0xc5: {  	s0 =	sor.u32 s3, s0;
	s1 =	sshll.u32 s1, $0x11  }
0xc6: {  	s0 =	sor.u32 s1, s0  }
0xc7: {  	s0 =	sadd.s32 $0x8F2B, s0  }
0xc8: {  	[sflag:s0] =	ssyncadd.remote.s32 $0x1  }
0xc9: {  	_ =	sfence.sel $0xFFFF  }
0xca: {  	[dreg:$0x0] =	wrdreg $0xFFFFFFFF;
	(pc) =	sbr.abs _section_cstart, $3  }
0xcb: {  	[dreg:$0x1] =	wrdreg $0xFFFFFFFF  }
0xcc: {  	_ =	task.clear_ibuf [dreg:s10], $0x2FFFF;
	_ =	strace $0x9FFFFFFF  }
0xcd: {  	(tm) =	ssettm $0x7FFFFFFF  }
tec
execute0_lowered:
.L_overlay_start_1:
0x0: {  	(tag) =	ssettag $0x1  }
0x1: {  	vm1 =	vmmov $0x7  }
0x2: {  	v1 =	vimm.s32 $0x0;
	v2 =	vimm.s32 $0xEDCBA987;
	v3 =	vimm.s32 $0xDCBA9876  }
0x3: {  	v4 =	vimm.s32 $0x54321000;
	v5 =	vimm.s32 $0xE40000;
	v1 =	vsel vm1, $0xFFFFFFFF, v1  }
0x4: {  	v2 =	vunpack.c.l.s4.s8 v2;
	v3 =	vunpack.c.l.s4.s8 v3;
	[tilespmem:$0x1FEB0] =	vst v1;
	v1 =	vimm.s32 $0x65432100  }
0x5: {  	v4 =	vunpack.c.l.s4.s8 v4;
	v5 =	vunpack.c.l.s2.s4 v5;
	v1 =	vunpack.c.l.s4.s8 v1  }
0x6: {  	s0 =	rddreg [dreg:$0x0];
	v2 =	vunpack.c.0.s8.s32 v2;
	v3 =	vunpack.c.0.s8.s32 v3  }
0x7: {  	s1 =	rddreg [dreg:$0x1];
	v4 =	vunpack.c.0.s8.s32 v4;
	v5 =	vunpack.c.l.s4.s8 v5;
	v1 =	vunpack.c.0.s8.s32 v1  }
0x8: {  	s4 =	srdreg.scid;
	s3 =	stileid.u32;
	v6 =	vimm.s32 $0x7060504;
	v2 =	vand.u32 $0xF, v2;
	v3 =	vand.u32 $0xF, v3  }
0x9: {  	s2 =	rddreg [dreg:$0x2];
	s4 =	sand.u32 $0x1, s4;
	s6 =	sshll.u32 s3, $0x1;
	v1 =	vcombine.low v1, v2;
	v2 =	vcombine.low v4, v3;
	v3 =	vunpack.c.0.s8.s32 v5  }
0xa: {  	s9 =	rddreg [dreg:$0x3];
	v6 =	vunpack.c.0.s8.s32 v6;
	s8 =	sor.u32 s4, s6;
	s6 =	simm.s32 $0x0  }
0xb: {  	vm8 =	vcmask $0x3F30;
	[smem:$0x7FF] =	sst s6;
	v3 =	vand.u32 $0x3, v3  }
0xc: {  	s5 =	rddreg [dreg:$0x4];
	_ =	strace $0x80000047;
	[tilespmem:$0x1FF10] =	vst v1;
	v1 =	vimm.s32 $0x0;
	v15 =	vsel vm8, v6, v3;
	vm8 =	vmmov $0x7fff  }
0xd: {  	v1 =	vsel vm8, $0xFFFFFFFF, v1  }
0xe: {  	vm14 =	vmmov $0x1ff;
	[tilespmem:$0x1FF20] =	vst v1;
	v1 =	vimm.s32 $0x0  }
0xf: {  	v1 =	vsel vm14, $0xFFFFFFFF, v1  }
0x10: {  	vm4 =	vmmov $0x3ff;
	[tilespmem:$0x1FF30] =	vst v1;
	v1 =	vimm.s32 $0x0  }
0x11: {  	v1 =	vsel vm4, $0xFFFFFFFF, v1  }
0x12: {  	vm9 =	vmmov $0x7ff;
	[tilespmem:$0x1FF40] =	vst v1;
	v1 =	vimm.s32 $0x0  }
0x13: {  	v1 =	vsel vm9, $0xFFFFFFFF, v1  }
0x14: {  	vm10 =	vmmov $0xfff;
	[tilespmem:$0x1FF50] =	vst v1;
	v1 =	vimm.s32 $0x0  }
0x15: {  	v1 =	vsel vm10, $0xFFFFFFFF, v1  }
0x16: {  	vm11 =	vmmov $0x1fff;
	[tilespmem:$0x1FF60] =	vst v1;
	v1 =	vimm.s32 $0x0  }
0x17: {  	v1 =	vsel vm11, $0xFFFFFFFF, v1  }
0x18: {  	vm1 =	vmmov $0xff;
	[tilespmem:$0x1FF70] =	vst v1;
	v1 =	vimm.s32 $0x0  }
0x19: {  	v1 =	vsel vm1, $0xFFFFFFFF, v1  }
0x1a: {  	vm7 =	vmmov $0x7f;
	[tilespmem:$0x1FF80] =	vst v1;
	v1 =	vimm.s32 $0x0  }
0x1b: {  	vm2 =	vmmov $0xf;
	vm5 =	vmmov $0x1f;
	v1 =	vsel vm7, $0xFFFFFFFF, v1  }
0x1c: {  	v55 =	vimm.s32 $0xFFEDCBA9;
	v56 =	vimm.s32 $0x87654321;
	[tilespmem:$0x1FF90] =	vst v1;
	v1 =	vimm.s32 $0x0  }
0x1d: {  	v4 =	vunpack.c.l.s4.s8 v55;
	v5 =	vunpack.c.l.s4.s8 v56;
	v1 =	vsel vm2, $0xFFFFFFFF, v1  }
0x1e: {  	vm6 =	vmmov $0x3f;
	v57 =	vimm.s32 $0xBA987654;
	[tilespmem:$0x1FFA0] =	vst v1;
	v1 =	vimm.s32 $0x0  }
0x1f: {  	s15 =	simm.s32 $0x1BE40;
	v4 =	vunpack.c.0.s8.s32 v4;
	v5 =	vunpack.c.0.s8.s32 v5;
	[tilespmem:$0x1FF00] =	vst v2;
	v1 =	vsel vm6, $0xFFFFFFFF, v1  }
0x20: {  	v58 =	vimm.s32 $0x32100000;
	s16 =	simm.s32 $0x7;
	s17 =	simm.s32 $0x1BEC0;
	s18 =	simm.s32 $0x19000;
	v6 =	vunpack.c.l.s4.s8 v57;
	[tilespmem:$0x1FFB0] =	vst v1;
	v1 =	vimm.s32 $0x0  }
0x21: {  	s19 =	simm.s32 $0xC800;
	s20 =	simm.s32 $0x19190;
	s21 =	simm.s32 $0x19640;
	v3 =	vcombine.low v5, v4;
	v5 =	vunpack.c.l.s4.s8 v58;
	[tilespmem:$0x1FEE0] =	vst v15;
	v1 =	vsel vm5, $0xFFFFFFFF, v1  }
0x22: {  	vm12 =	vmmov $0x3fff;
	s22 =	simm.s32 $0x6;
	s23 =	simm.s32 $0x5;
	s10 =	smul.u32 $0x500, s8;
	v6 =	vunpack.c.0.s8.s32 v6;
	[tilespmem:$0x1FFC0] =	vst v1;
	v1 =	vimm.s32 $0x0  }
0x23: {  	vm15 =	vmmov $0x3;
	s24 =	simm.s32 $0x0;
	s4 =	ssub.s32 $0x2, s4;
	s7 =	smul.u32 $0x2710, s8;
	v5 =	vunpack.c.0.s8.s32 v5;
	[tilespmem:$0x1FEC0] =	vst v3;
	v1 =	vsel vm12, $0xFFFFFFFF, v1  }
0x24: {  	s11 =	smul.u32 $0x27100, s8;
	s8 =	sadd.s32 $0xC00, s9;
	s29 =	sshrl.u32 s4, $0x1;
	v63 =	vand.u32 $0xF, v3;
	v6 =	vand.u32 $0xF, v6;
	[tilespmem:$0x1FFD0] =	vst v1;
	v1 =	vimm.s32 $0x0  }
0x25: {  	s4 =	ssub.s32 s4, s29;
	s13 =	sadd.s32 s10, s9;
	s30 =	sadd.s32 $0x190, s7;
	[tilespmem:$0x1FEF0] =	vst v63;
	v59 =	vcombine.low v5, v6;
	v1 =	vsel vm15, $0xFFFFFFFF, v1  }
0x26: {  	vm0 =	vmmov $0x1;
	s9 =	sadd.s32 s0, s11;
	s31 =	sshrl.u32 s7, $0x3;
	s12 =	sshll.u32 s30, $0x4;
	[tilespmem:$0x1FFE0] =	vst v1;
	v1 =	vimm.s32 $0x0  }
0x27: {  	s14 =	sshrl.u32 s30, $0x3;
	s10 =	sadd.s32 s1, s31;
	s13 =	sadd.s32 $0xE00, s13;
	[tilespmem:$0x1FED0] =	vst v59;
	v1 =	vsel vm0, $0xFFFFFFFF, v1  }
0x28: {  	v0 =	vimm.f32 $-Inf;
	s11 =	sadd.s32 s0, s12;
	s12 =	sadd.s32 s1, s14;
	s14 =	smax.u32 s4, $0x1;
	[tilespmem:$0x1FFF0] =	vst v1  }
.LBB2_1:
0x29: {  	[tilespmem:s15], [sflag:$0x7] =	stream.linear.gather [hbm4b:s2+s6], $0x80, $0x38;
	[tilespmem:$0x1BED0] =	vst v63  }
0x2a: {  	_ =	swait.ge [sflag:s16], $0x80  }
0x2b: {  	[sflag:s16] =	ssyncset.done $0x0  }
0x2c: {  	[sflag:s16] =	ssyncadd.s32 $0xFFFFFF80  }
0x2d: {  	[tilespmem:s17], [sflag:$0x7] =	stream.linear.gather [hbm4b:s8+s6], $0x10, $0x38;
	[tilespmem:$0x1BED0] =	vst v63  }
0x2e: {  	_ =	swait.ge [sflag:s16], $0x10  }
0x2f: {  	[sflag:s16] =	ssyncset.done $0x0  }
0x30: {  	[sflag:s16] =	ssyncadd.s32 $0xFFFFFFF0  }
0x31: {  	[tilespmem:s6], [sflag:$0x1] =	stream.linear.gather [hbm4b:s9+s6], $0xC800, $0x38;
	[tilespmem:$0x1BED0] =	vst v63  }
0x32: {  	_ = 	snop  }
0x33: {  	[tilespmem:s18], [sflag:$0x3] =	stream.linear.gather [hbm4b:s10+s6], $0x190, $0x38;
	[tilespmem:$0x1BED0] =	vst v63  }
0x34: {  	_ = 	snop  }
0x35: {  	[tilespmem:s19], [sflag:$0x2] =	stream.linear.gather [hbm4b:s11+s6], $0xC800, $0x38;
	[tilespmem:$0x1BED0] =	vst v63  }
0x36: {  	s4 =	simm.s32 $0x19680  }
0x37: {  	[tilespmem:s20], [sflag:$0x4] =	stream.linear.gather [hbm4b:s12+s6], $0x190, $0x38;
	[tilespmem:$0x1BED0] =	vst v63  }
0x38: {  	[tilespmem:s4+$0xFFFFFFC0] =	vst v0  }
0x39: {  	[tilespmem:s4+$0x30] =	vst v0  }
0x3a: {  	[tilespmem:s4+$0x20] =	vst v0  }
0x3b: {  	[tilespmem:s4+$0x10] =	vst v0  }
0x3c: {  	[tilespmem:s4+$0x0] =	vst v0  }
0x3d: {  	[tilespmem:s4+$0xFFFFFFF0] =	vst v0  }
0x3e: {  	s25 =	simm.s32 $0x0;
	[tilespmem:s4+$0xFFFFFFE0] =	vst v0  }
.LBB2_2:
0x3f: {  	s25 =	sadd.s32 $0x8, s25;
	[tilespmem:s4+$0xFFFFFFD0] =	vst v0;
	s4 =	sadd.s32 $0x80, s4  }
0x40: {  	[tilespmem:s4+$0xFFFFFFC0] =	vst v0;
	p0 =	slt.u32 s25, $0x278  }
0x41: {  	[tilespmem:s4+$0x30] =	vst v0  }
.Ltmp0:
0x42: {  	[tilespmem:s4+$0x20] =	vst v0;
	(pc) =	sbr.rel @p0 .LBB2_2-.Ltmp0, $4  }
0x43: {  	[tilespmem:s4+$0x10] =	vst v0  }
0x44: {  	[tilespmem:s4+$0x0] =	vst v0  }
0x45: {  	[tilespmem:s4+$0xFFFFFFF0] =	vst v0  }
0x46: {  	[tilespmem:s4+$0xFFFFFFE0] =	vst v0  }
0x47: {  	[tilespmem:s4+$0xFFFFFFD0] =	vst v0  }
0x48: {  	v7 =	vld [tilespmem:$0x1BE40]  }
0x49: {  	v8 =	vld [tilespmem:$0x1BE50]  }
0x4a: {  	v9 =	vld [tilespmem:$0x1BE60]  }
0x4b: {  	v0 =	vld [tilespmem:$0x1BEC0]  }
0x4c: {  	v10 =	vld [tilespmem:$0x1BE70]  }
0x4d: {  	v11 =	vld [tilespmem:$0x1BE80]  }
0x4e: {  	v12 =	vld [tilespmem:$0x1BE90]  }
0x4f: {  	v13 =	vld [tilespmem:$0x1BEA0]  }
0x50: {  	s25 =	simm.s32 $0x0;
	v14 =	vld [tilespmem:$0x1BEB0];
	[tilespmem:$0x1FEA0] =	vst v0  }
.LBB2_4:
0x51: {  	s28 =	sand.u32 $0x1, s25  }
0x52: {  	p0 =	seq.s32 s28, $0x0  }
0x53: {  	s4 =	simm.s32 @p0 $0x1  }
0x54: {  	_ =	swait.ge @p0 [sflag:s4], $0xC800  }
0x55: {  	[sflag:s4] =	ssyncset.done @p0 $0x0  }
0x56: {  	[sflag:s4] =	ssyncadd.s32 @p0 $0xFFFF3800;
	s4 =	simm.s32 @p0 $0x3  }
0x57: {  	p1 =	slt.u32 @p0 s25, $0x2;
	_ =	swait.ge @p0 [sflag:s4], $0x190  }
0x58: {  	p2 =	por p1, !p0;
	[sflag:s4] =	ssyncset.done @p0 $0x0  }
0x59: {  	[sflag:s4] =	ssyncadd.s32 @p0 $0xFFFFFE70;
	s4 =	simm.s32 @!p2 $0x5  }
0x5a: {  	_ =	swait.ge @!p2 [sflag:s4], $0x190  }
0x5b: {  	[sflag:s4] =	ssyncset.done @!p2 $0x0  }
0x5c: {  	p3 =	por @p0 $0x0, $0x0;
	[sflag:s4] =	ssyncadd.s32 @!p2 $0xFFFFFE70;
	s4 =	simm.s32 @!p0 $0x2  }
0x5d: {  	p1 =	por !p1, !p0;
	p2 =	por @!p2 $0x1, $0x1;
	_ =	swait.ge @!p0 [sflag:s4], $0xC800  }
0x5e: {  	p2 =	por @!p1 p3, p3;
	[sflag:s4] =	ssyncset.done @!p0 $0x0  }
0x5f: {  	p1 =	sgt.u32 @!p0 s25, $0x1;
	[sflag:s4] =	ssyncadd.s32 @!p0 $0xFFFF3800;
	s4 =	simm.s32 @!p0 $0x4  }
0x60: {  	p2 =	por @!p0 p1, p1;
	_ =	swait.ge @!p0 [sflag:s4], $0x190  }
0x61: {  	p2 =	por !p2, p0;
	[sflag:s4] =	ssyncset.done @!p0 $0x0  }
0x62: {  	s26 =	smul.u32 $0x190, s28;
	[sflag:s4] =	ssyncadd.s32 @!p0 $0xFFFFFE70;
	s4 =	simm.s32 @!p2 $0x6  }
0x63: {  	_ =	swait.ge @!p2 [sflag:s4], $0x190  }
0x64: {  	v0 =	vmov s26;
	[sflag:s4] =	ssyncset.done @!p2 $0x0  }
0x65: {  	s29 =	simm.s32 $0x0;
	p1 =	seq.s32 s28, $0x1;
	[tilespmem:$0x1FE90] =	vst v0;
	[sflag:s4] =	ssyncadd.s32 @!p2 $0xFFFFFE70  }
.LBB2_5:
0x66: {  	s30 =	sshll.u32 s29, $0x4  }
0x67: {  	s4 =	sadd.s32 s26, s30  }
0x68: {  	s31 =	sshll.u32 s4, $0x7  }
0x69: {  	s4 =	sand.u32 $0x3FFFFF80, s31  }
0x6a: {  	v17 =	vld [tilespmem:s4+$0x0]  }
0x6b: {  	v18 =	vld [tilespmem:s4+$0x10]  }
0x6c: {  	v19 =	vld [tilespmem:s4+$0x20]  }
0x6d: {  	v20 =	vld [tilespmem:s4+$0x30]  }
0x6e: {  	v21 =	vld [tilespmem:s4+$0x40]  }
0x6f: {  	v22 =	vld [tilespmem:s4+$0x50]  }
0x70: {  	v23 =	vld [tilespmem:s4+$0x60]  }
0x71: {  	v24 =	vld [tilespmem:s4+$0x70]  }
0x72: {  	v25 =	vld [tilespmem:s4+$0x80]  }
0x73: {  	v26 =	vld [tilespmem:s4+$0x90]  }
0x74: {  	v27 =	vld [tilespmem:s4+$0xA0]  }
0x75: {  	v28 =	vld [tilespmem:s4+$0xB0]  }
0x76: {  	v29 =	vld [tilespmem:s4+$0xC0]  }
0x77: {  	v30 =	vld [tilespmem:s4+$0xD0]  }
0x78: {  	v31 =	vld [tilespmem:s4+$0xE0]  }
0x79: {  	v32 =	vld [tilespmem:s4+$0xF0]  }
0x7a: {  	v33 =	vld [tilespmem:s4+$0x100]  }
0x7b: {  	v34 =	vld [tilespmem:s4+$0x110]  }
0x7c: {  	v35 =	vld [tilespmem:s4+$0x120]  }
0x7d: {  	v36 =	vld [tilespmem:s4+$0x130]  }
0x7e: {  	v37 =	vld [tilespmem:s4+$0x140]  }
0x7f: {  	v38 =	vld [tilespmem:s4+$0x150]  }
0x80: {  	v39 =	vld [tilespmem:s4+$0x160]  }
0x81: {  	v40 =	vld [tilespmem:s4+$0x170]  }
0x82: {  	v41 =	vld [tilespmem:s4+$0x180]  }
0x83: {  	v42 =	vld [tilespmem:s4+$0x190]  }
0x84: {  	v43 =	vld [tilespmem:s4+$0x1A0]  }
0x85: {  	v44 =	vld [tilespmem:s4+$0x1B0]  }
0x86: {  	v45 =	vld [tilespmem:s4+$0x1C0]  }
0x87: {  	v46 =	vld [tilespmem:s4+$0x1D0]  }
0x88: {  	v47 =	vld [tilespmem:s4+$0x1E0]  }
0x89: {  	v48 =	vld [tilespmem:s4+$0x1F0]  }
0x8a: {  	v49 =	vld [tilespmem:s4+$0x200]  }
0x8b: {  	v50 =	vld [tilespmem:s4+$0x210]  }
0x8c: {  	v51 =	vld [tilespmem:s4+$0x220]  }
0x8d: {  	v52 =	vld [tilespmem:s4+$0x230]  }
0x8e: {  	v53 =	vld [tilespmem:s4+$0x240]  }
0x8f: {  	v54 =	vld [tilespmem:s4+$0x250]  }
0x90: {  	v55 =	vld [tilespmem:s4+$0x260]  }
0x91: {  	v56 =	vld [tilespmem:s4+$0x270]  }
0x92: {  	v57 =	vld [tilespmem:s4+$0x280]  }
0x93: {  	v58 =	vld [tilespmem:s4+$0x290]  }
0x94: {  	v59 =	vld [tilespmem:s4+$0x2A0]  }
0x95: {  	v60 =	vld [tilespmem:s4+$0x2B0]  }
0x96: {  	v61 =	vld [tilespmem:s4+$0x2C0]  }
0x97: {  	v62 =	vld [tilespmem:s4+$0x2D0]  }
0x98: {  	v63 =	vld [tilespmem:s4+$0x2E0]  }
0x99: {  	v4 =	vld [tilespmem:s4+$0x2F0]  }
0x9a: {  	v6 =	vld [tilespmem:s4+$0x300]  }
0x9b: {  	v15 =	vld [tilespmem:s4+$0x310];
	v17 =	vmul.f32 v17, v7;
	v18 =	vmul.f32 v18, v8  }
0x9c: {  	v0 =	vld [tilespmem:s4+$0x320];
	v19 =	vmul.f32 v19, v9;
	v20 =	vmul.f32 v20, v10  }
0x9d: {  	v1 =	vld [tilespmem:s4+$0x330];
	v21 =	vmul.f32 v21, v11;
	v22 =	vmul.f32 v22, v12  }
0x9e: {  	v23 =	vmul.f32 v23, v13;
	v2 =	vmul.f32 v28, v10;
	v28 =	vld [tilespmem:s4+$0x3B0]  }
0x9f: {  	v3 =	vmul.f32 v30, v12;
	v30 =	vmul.f32 v32, v14;
	v32 =	vld [tilespmem:s4+$0x3C0]  }
0xa0: {  	v24 =	vmul.f32 v24, v14;
	v16 =	vmul.f32 v38, v12;
	v38 =	vld [tilespmem:s4+$0x3F0]  }
0xa1: {  	v17 =	vadd.f32 v18, v17;
	v18 =	vadd.f32 v20, v19;
	v19 =	vmul.f32 v25, v7;
	v25 =	vld [tilespmem:s4+$0x340]  }
0xa2: {  	v6 =	vmul.f32 v6, v7;
	v21 =	vadd.f32 v22, v21;
	v22 =	vmul.f32 v27, v9;
	v27 =	vld [tilespmem:s4+$0x350]  }
0xa3: {  	v15 =	vmul.f32 v15, v8;
	v23 =	vadd.f32 v24, v23;
	v24 =	vmul.f32 v29, v11;
	v29 =	vld [tilespmem:s4+$0x360]  }
0xa4: {  	v20 =	vmul.f32 v26, v8;
	v26 =	vld [tilespmem:s4+$0x380]  }
0xa5: {  	v6 =	vadd.f32 v15, v6;
	v15 =	vld [tilespmem:s4+$0x540]  }
0xa6: {  	v17 =	vadd.f32 v18, v17;
	v18 =	vmul.f32 v31, v13;
	v31 =	vld [tilespmem:s4+$0x370];
	v19 =	vadd.f32 v20, v19  }
0xa7: {  	v2 =	vadd.f32 v2, v22;
	v3 =	vadd.f32 v3, v24;
	v24 =	vld [tilespmem:s4+$0x390]  }
0xa8: {  	v21 =	vadd.f32 v23, v21;
	v23 =	vld [tilespmem:s4+$0x3A0];
	v20 =	vmul.f32 v33, v7;
	v22 =	vmul.f32 v34, v8  }
0xa9: {  	v34 =	vld [tilespmem:s4+$0x3D0];
	v33 =	vmul.f32 v43, v9;
	v43 =	vmul.f32 v51, v9  }
0xaa: {  	v51 =	vld [tilespmem:s4+$0x4A0];
	v18 =	vadd.f32 v30, v18;
	v17 =	vadd.f32 v21, v17;
	v21 =	vmul.f32 v35, v9  }
0xab: {  	v19 =	vadd.f32 v2, v19;
	v2 =	vmul.f32 v39, v13;
	v39 =	vmul.f32 v44, v10;
	v44 =	vld [tilespmem:s4+$0x420]  }
0xac: {  	v30 =	vmul.f32 v36, v10;
	v20 =	vadd.f32 v22, v20;
	v22 =	vmul.f32 v41, v7;
	v41 =	vld [tilespmem:s4+$0x460]  }
0xad: {  	v18 =	vadd.f32 v18, v3;
	v3 =	vmul.f32 v40, v14;
	v40 =	vld [tilespmem:s4+$0x400]  }
0xae: {  	v21 =	vadd.f32 v30, v21;
	v30 =	vmul.f32 v42, v8;
	v42 =	vld [tilespmem:s4+$0x410]  }
0xaf: {  	v18 =	vadd.f32 v18, v19;
	v19 =	vmul.f32 v37, v11;
	v37 =	vld [tilespmem:s4+$0x3E0]  }
0xb0: {  	v29 =	vmul.f32 v29, v13;
	v22 =	vadd.f32 v30, v22;
	v30 =	vld [tilespmem:s4+$0x450]  }
0xb1: {  	v31 =	vmul.f32 v31, v14;
	v35 =	vadd.f32 v3, v2;
	v2 =	vmul.f32 v46, v12;
	v46 =	vld [tilespmem:s4+$0x470]  }
0xb2: {  	v0 =	vmul.f32 v0, v9;
	v3 =	vmul.f32 v47, v13;
	v47 =	vld [tilespmem:s4+$0x480]  }
0xb3: {  	v1 =	vmul.f32 v1, v10;
	v36 =	vmul.f32 v45, v11;
	v29 =	vadd.f32 v31, v29;
	v31 =	vld [tilespmem:s4+$0x5A0]  }
0xb4: {  	v19 =	vadd.f32 v16, v19;
	v16 =	vmul.f32 v48, v14;
	v48 =	vadd.f32 v39, v33;
	v33 =	vld [tilespmem:s4+$0x430]  }
0xb5: {  	v52 =	vmul.f32 v52, v10;
	v0 =	vadd.f32 v1, v0;
	v39 =	vld [tilespmem:s4+$0x440]  }
0xb6: {  	v56 =	vmul.f32 v56, v14;
	v36 =	vadd.f32 v2, v36;
	v2 =	vmul.f32 v53, v11;
	v53 =	vld [tilespmem:s4+$0x4B0]  }
0xb7: {  	v0 =	vadd.f32 v0, v6;
	v45 =	vmul.f32 v57, v7;
	v57 =	vmul.f32 v42, v8;
	v42 =	vld [tilespmem:s4+$0x600]  }
0xb8: {  	v20 =	vadd.f32 v21, v20;
	v21 =	vadd.f32 v16, v3;
	v16 =	vmul.f32 v55, v13;
	v55 =	vld [tilespmem:s4+$0x4C0]  }
0xb9: {  	v19 =	vadd.f32 v35, v19;
	v3 =	vmul.f32 v54, v12;
	v54 =	vmul.f32 v40, v7;
	v40 =	vld [tilespmem:s4+$0x5C0]  }
0xba: {  	v22 =	vadd.f32 v48, v22;
	v35 =	vmul.f32 v49, v7;
	v6 =	vmul.f32 v37, v13;
	v37 =	vld [tilespmem:s4+$0x5F0]  }
0xbb: {  	v21 =	vadd.f32 v21, v36;
	v36 =	vmul.f32 v50, v8;
	v48 =	vadd.f32 v56, v16;
	v56 =	vld [tilespmem:s4+$0x4D0]  }
0xbc: {  	v16 =	vmul.f32 v63, v13;
	v63 =	vmul.f32 v32, v11;
	v32 =	vadd.f32 v57, v54;
	v54 =	vld [tilespmem:s4+$0x640]  }
0xbd: {  	v43 =	vadd.f32 v52, v43;
	v50 =	vmul.f32 v58, v8;
	v58 =	vmul.f32 v44, v9;
	v44 =	vld [tilespmem:s4+$0x670]  }
0xbe: {  	v20 =	vadd.f32 v19, v20;
	v35 =	vadd.f32 v36, v35;
	v36 =	vld [tilespmem:s4+$0x490]  }
0xbf: {  	v4 =	vmul.f32 v4, v14;
	v19 =	vadd.f32 v21, v22;
	v45 =	vadd.f32 v50, v45;
	v50 =	vld [tilespmem:s4+$0x4E0]  }
0xc0: {  	v21 =	vadd.f32 v3, v2;
	v2 =	vmul.f32 v62, v12;
	v62 =	vmul.f32 v28, v10;
	v28 =	vld [tilespmem:s4+$0x560]  }
0xc1: {  	v60 =	vmul.f32 v60, v10;
	v4 =	vadd.f32 v4, v16;
	v16 =	vmul.f32 v34, v12;
	v34 =	vld [tilespmem:s4+$0x570]  }
0xc2: {  	v61 =	vmul.f32 v61, v11;
	v22 =	vmul.f32 v59, v9;
	v35 =	vadd.f32 v43, v35;
	v43 =	vld [tilespmem:s4+$0x4F0]  }
0xc3: {  	v15 =	vmul.f32 v15, v11;
	v24 =	vmul.f32 v24, v8;
	v21 =	vadd.f32 v48, v21;
	v48 =	vld [tilespmem:s4+$0x500]  }
0xc4: {  	v23 =	vmul.f32 v23, v9;
	v22 =	vadd.f32 v60, v22;
	v60 =	vmul.f32 v27, v12;
	v27 =	vld [tilespmem:s4+$0x530]  }
0xc5: {  	v59 =	vmul.f32 v39, v11;
	v49 =	vadd.f32 v2, v61;
	v61 =	vmul.f32 v26, v7;
	v26 =	vld [tilespmem:s4+$0x550]  }
0xc6: {  	v23 =	vadd.f32 v62, v23;
	v52 =	vadd.f32 v16, v63;
	v62 =	vmul.f32 v53, v10;
	v53 =	vld [tilespmem:s4+$0x630]  }
0xc7: {  	v63 =	vmul.f32 v55, v11;
	v45 =	vadd.f32 v22, v45;
	v4 =	vadd.f32 v4, v49;
	v49 =	vld [tilespmem:s4+$0x510]  }
0xc8: {  	v37 =	vmul.f32 v37, v14;
	v16 =	vmul.f32 v56, v12;
	v22 =	vadd.f32 v21, v35;
	v35 =	vld [tilespmem:s4+$0x520]  }
0xc9: {  	v54 =	vmul.f32 v54, v11;
	v21 =	vadd.f32 v4, v45;
	v45 =	vmul.f32 v38, v14;
	v38 =	vld [tilespmem:s4+$0x580]  }
0xca: {  	v44 =	vmul.f32 v44, v14;
	v1 =	vadd.f32 v24, v61;
	v4 =	vmul.f32 v25, v11;
	v25 =	vld [tilespmem:s4+$0x590]  }
0xcb: {  	v61 =	vmul.f32 v46, v14;
	v36 =	vmul.f32 v36, v8;
	v6 =	vadd.f32 v45, v6;
	v45 =	vld [tilespmem:s4+$0x610]  }
0xcc: {  	v4 =	vadd.f32 v60, v4;
	v60 =	vmul.f32 v41, v13;
	v41 =	vadd.f32 v16, v63;
	v63 =	vld [tilespmem:s4+$0x6F0]  }
0xcd: {  	v28 =	vmul.f32 v28, v13;
	v57 =	vmul.f32 v35, v9;
	v35 =	vld [tilespmem:s4+$0x680]  }
0xce: {  	v34 =	vmul.f32 v34, v14;
	v1 =	vadd.f32 v23, v1;
	v4 =	vadd.f32 v29, v4;
	v29 =	vld [tilespmem:s4+$0x5B0]  }
0xcf: {  	v43 =	vmul.f32 v43, v14;
	v6 =	vadd.f32 v6, v52;
	v39 =	vadd.f32 v61, v60;
	v61 =	vld [tilespmem:s4+$0x6D0]  }
0xd0: {  	v55 =	vmul.f32 v48, v7;
	v23 =	vadd.f32 v4, v0;
	v4 =	vmul.f32 v33, v10;
	v33 =	vld [tilespmem:s4+$0x5D0]  }
0xd1: {  	v27 =	vmul.f32 v27, v10;
	v24 =	vadd.f32 v6, v1;
	v6 =	vmul.f32 v30, v12;
	v30 =	vld [tilespmem:s4+$0x5E0]  }
0xd2: {  	v26 =	vmul.f32 v26, v12;
	v0 =	vadd.f32 v4, v58;
	v4 =	vmul.f32 v47, v7;
	v47 =	vld [tilespmem:s4+$0x620]  }
0xd3: {  	v48 =	vmul.f32 v42, v7;
	v58 =	vmul.f32 v38, v7;
	v38 =	vld [tilespmem:s4+$0x6B0]  }
0xd4: {  	v56 =	vmul.f32 v49, v8;
	v1 =	vadd.f32 v6, v59;
	v59 =	vmul.f32 v31, v9;
	v31 =	vld [tilespmem:s4+$0x6C0]  }
0xd5: {  	v28 =	vadd.f32 v34, v28;
	v52 =	vmul.f32 v50, v13;
	v6 =	vmul.f32 v51, v9;
	v51 =	vld [tilespmem:s4+$0x720]  }
0xd6: {  	v15 =	vadd.f32 v26, v15;
	v60 =	vmul.f32 v40, v11;
	v40 =	vmul.f32 v61, v12;
	v61 =	vld [tilespmem:s4+$0x780]  }
0xd7: {  	v25 =	vmul.f32 v25, v8;
	v0 =	vadd.f32 v0, v32;
	v32 =	vadd.f32 v43, v52;
	v43 =	vld [tilespmem:s4+$0x650]  }
0xd8: {  	v15 =	vadd.f32 v28, v15;
	v29 =	vmul.f32 v29, v10;
	v6 =	vadd.f32 v62, v6;
	v62 =	vld [tilespmem:s4+$0x6E0]  }
0xd9: {  	v4 =	vadd.f32 v36, v4;
	v1 =	vadd.f32 v39, v1;
	v52 =	vmul.f32 v53, v10;
	v53 =	vld [tilespmem:s4+$0x730]  }
0xda: {  	v49 =	vmul.f32 v45, v8;
	v39 =	vadd.f32 v56, v55;
	v25 =	vadd.f32 v25, v58;
	v56 =	vld [tilespmem:s4+$0x740]  }
0xdb: {  	v33 =	vmul.f32 v33, v12;
	v26 =	vadd.f32 v29, v59;
	v4 =	vadd.f32 v6, v4;
	v6 =	vld [tilespmem:s4+$0x660]  }
0xdc: {  	v30 =	vmul.f32 v30, v13;
	v29 =	vadd.f32 v49, v48;
	v32 =	vadd.f32 v32, v41;
	v41 =	vld [tilespmem:s4+$0x6A0]  }
0xdd: {  	v35 =	vmul.f32 v35, v7;
	v0 =	vadd.f32 v1, v0;
	v1 =	vadd.f32 v27, v57;
	v57 =	vld [tilespmem:s4+$0x750]  }
0xde: {  	v27 =	vmul.f32 v63, v14;
	v3 =	vadd.f32 v33, v60;
	v30 =	vadd.f32 v37, v30;
	v33 =	vld [tilespmem:s4+$0x700]  }
0xdf: {  	v25 =	vadd.f32 v26, v25;
	v26 =	vld [tilespmem:s4+$0x710];
	v31 =	vmul.f32 v31, v11;
	v4 =	vadd.f32 v32, v4  }
0xe0: {  	v38 =	vmul.f32 v38, v10;
	v32 =	vld [tilespmem:s4+$0x690];
	v1 =	vadd.f32 v1, v39;
	v46 =	vadd.f32 v30, v3  }
0xe1: {  	v51 =	vmul.f32 v51, v9;
	v55 =	vmul.f32 v43, v12;
	v3 =	vld [tilespmem:s4+$0x7A0];
	v45 =	vadd.f32 v40, v31  }
0xe2: {  	v62 =	vmul.f32 v62, v13;
	v1 =	vadd.f32 v15, v1;
	v25 =	vadd.f32 v46, v25;
	v46 =	vld [tilespmem:s4+$0x7B0]  }
0xe3: {  	v15 =	vmul.f32 v47, v9;
	v6 =	vmul.f32 v6, v13;
	v28 =	vadd.f32 v55, v54;
	v54 =	vld [tilespmem:s4+$0x7E0]  }
0xe4: {  	(xrf2) =	vadd.scan.msk.f32 $0xffff, v17;
	v59 =	vmul.f32 v41, v9;
	v27 =	vadd.f32 v27, v62;
	v55 =	vmul.f32 v57, v12;
	v57 =	vld [tilespmem:s4+$0x7F0]  }
0xe5: {  	(xrf2) =	vadd.scan.msk.f32 $0xffff, v18;
	v58 =	vld [tilespmem:s4+$0x760];
	v15 =	vadd.f32 v52, v15;
	v48 =	vmul.f32 v33, v7;
	v50 =	vmul.f32 v26, v8  }
0xe6: {  	(xrf2) =	vadd.scan.msk.f32 $0xffff, v20;
	v60 =	vld [tilespmem:s4+$0x770];
	v32 =	vmul.f32 v32, v8;
	v6 =	vadd.f32 v44, v6;
	v2 =	vadd.f32 v38, v59  }
0xe7: {  	(xrf2) =	vadd.scan.msk.f32 $0xffff, v19;
	v63 =	vld [tilespmem:s4+$0x790];
	v17 =	vadd.f32 v27, v45;
	v59 =	vmul.f32 v61, v7;
	v15 =	vadd.f32 v15, v29  }
0xe8: {  	(xrf2) =	vadd.scan.msk.f32 $0xffff, v22;
	v52 =	vld [tilespmem:s4+$0x7D0];
	v61 =	vmul.f32 v3, v9;
	v6 =	vadd.f32 v6, v28;
	v62 =	vmul.f32 v46, v10  }
0xe9: {  	(xrf2) =	vadd.scan.msk.f32 $0xffff, v21;
	v49 =	vld [tilespmem:s4+$0x7C0];
	v32 =	vadd.f32 v32, v35;
	v29 =	vmul.f32 v54, v13;
	v31 =	vmul.f32 v57, v14  }
0xea: {  	v6 =	vadd.f32 v6, v15;
	v15 =	vmul.f32 v53, v10;
	v53 =	vmul.f32 v56, v11  }
0xeb: {  	(xrf2) =	vadd.scan.msk.f32 $0xffff, v23;
	v20 =	vadd.f32 v50, v48;
	v56 =	vmul.f32 v58, v13;
	v58 =	vmul.f32 v60, v14  }
0xec: {  	(xrf2) =	vadd.scan.msk.f32 $0xffff, v24;
	v47 =	vadd.f32 v2, v32;
	v60 =	vmul.f32 v63, v8;
	v15 =	vadd.f32 v15, v51  }
0xed: {  	(xrf2) =	vadd.scan.msk.f32 $0xffff, v0;
	v28 =	vmul.f32 v52, v12;
	v18 =	vadd.f32 v55, v53;
	v21 =	vadd.f32 v58, v56  }
0xee: {  	(xrf2) =	vadd.scan.msk.f32 $0xffff, v4;
	v2 =	vld [tilespmem:$0x1FEB0];
	v34 =	vadd.f32 v62, v61;
	v32, _, _ =	vpop (xrf2);
	v63 =	vadd.f32 v15, v20;
	v15 =	vmul.f32 v49, v11  }
0xef: {  	v17 =	vadd.f32 v17, v47;
	(xrf2) =	vadd.scan.msk.f32 $0xffff, v1;
	v35, _, _ =	vpop (xrf2);
	v36 =	vbroadcast v32, $0xF;
	v4 =	vadd.f32 v21, v18  }
0xf0: {  	(xrf2) =	vadd.scan.msk.f32 $0xffff, v25;
	v18 =	vadd.f32 v31, v29;
	v37 =	vbroadcast v35, $0xF;
	v38, _, _ =	vpop (xrf2);
	v15 =	vadd.f32 v28, v15  }
0xf1: {  	v43 =	vld [tilespmem:$0x1FFA0];
	v33 =	vadd.f32 v60, v59;
	(xrf2) =	vadd.scan.msk.f32 $0xffff, v6;
	v6, _, _ =	vpop (xrf2);
	v0 =	vadd.f32 v4, v63;
	v4 =	vbroadcast v38, $0xF  }
0xf2: {  	v44 =	vld [tilespmem:$0x1FFC0];
	v39 =	vsel vm0, v36, v37;
	v6 =	vbroadcast v6, $0xF;
	v40, _, _ =	vpop (xrf2);
	v15 =	vadd.f32 v18, v15  }
0xf3: {  	v46 =	vld [tilespmem:$0x1FFB0];
	v1 =	vadd.f32 v34, v33;
	(xrf2) =	vadd.scan.msk.f32 $0xffff, v17;
	vm0 =	vnez.u8 v2;
	v42, _, _ =	vpop (xrf2);
	v41 =	vsel vm15, v39, v4  }
0xf4: {  	v47 =	vld [tilespmem:$0x1FF90];
	(xrf2) =	vadd.scan.msk.f32 $0xffff, v0;
	v0 =	vsel vm0, v41, v6;
	v6 =	vbroadcast v42, $0xF  }
0xf5: {  	v49 =	vld [tilespmem:$0x1FF80];
	v4 =	vbroadcast v40, $0xF;
	v1 =	vadd.f32 v15, v1  }
0xf6: {  	vm4 =	vnez.u8 v43;
	v50 =	vld [tilespmem:$0x1FF30];
	v15, _, _ =	vpop (xrf2)  }
0xf7: {  	v52 =	vld [tilespmem:$0x1FF40];
	vm5 =	vnez.u8 v44;
	v0 =	vsel vm4, v0, v4;
	v4 =	vbroadcast v15, $0xF;
	v15, _, _ =	vpop (xrf2);
	(xrf2) =	vadd.scan.msk.f32 $0xffff, v1  }
0xf8: {  	v53 =	vld [tilespmem:$0x1FF50];
	vm6 =	vnez.u8 v46;
	v0 =	vsel vm5, v0, v6;
	v45 =	vbroadcast v15, $0xF;
	v6, _, _ =	vpop (xrf2)  }
0xf9: {  	v55 =	vld [tilespmem:$0x1FF60];
	vm7 =	vnez.u8 v47;
	v0 =	vsel vm6, v0, v4;
	v4 =	vbroadcast v6, $0xF;
	v6, _, _ =	vpop (xrf2)  }
0xfa: {  	v56 =	vld [tilespmem:$0x1FF70];
	vm3 =	vnez.u8 v49;
	v0 =	vsel vm7, v0, v45;
	v48 =	vbroadcast v6, $0xF;
	v6, _, _ =	vpop (xrf2)  }
0xfb: {  	v57 =	vld [tilespmem:$0x1FFD0];
	vm10 =	vnez.u8 v50;
	v0 =	vsel vm3, v0, v4;
	v4 =	vbroadcast v6, $0xF;
	v6, _, _ =	vpop (xrf2)  }
0xfc: {  	v59 =	vld [tilespmem:$0x1FF20];
	vm11 =	vnez.u8 v52;
	v0 =	vsel vm10, v0, v48;
	v51 =	vbroadcast v6, $0xF;
	v6, _, _ =	vpop (xrf2)  }
0xfd: {  	v61 =	vld [tilespmem:$0x1FE90];
	vm12 =	vnez.u8 v53;
	v0 =	vsel vm11, v0, v4;
	v4 =	vbroadcast v6, $0xF;
	v6, _, _ =	vpop (xrf2)  }
0xfe: {  	v60 =	vld [tilespmem:$0x1FEA0];
	vm13 =	vnez.u8 v55;
	v0 =	vsel vm12, v0, v51;
	v54 =	vbroadcast v6, $0xF;
	v6, _, _ =	vpop (xrf2)  }
0xff: {  	vm14 =	vnez.u8 v56;
	v0 =	vsel vm13, v0, v4;
	v4 =	vbroadcast v6, $0xF  }
0x100: {  	vm2 =	vnez.u8 v57;
	v0 =	vsel vm14, v0, v54  }
0x101: {  	vm8 =	vnez.u8 v59;
	v0 =	vsel vm2, v0, v4;
	v58, _, _ =	vpop (xrf2)  }
0x102: {  	v0 =	vsel vm8, v0, v58  }
0x103: {  	v0 =	vadd.f32 v0, v60;
	_ =	sdelay $0x1  }
0x104: {  	v16 =	vld [tilespmem:$0x1FF10];
	[tilespmem:v61+s30+$0x19320 ss:$0x1] =	vst.idx.msk $0xffff, v0  }
0x105: {  	v1 =	vld.idx.msk [tilespmem:v61+s30+$0x19000 ss:$0x1], $0xffff;
	_ =	sdelay $0x2  }
0x106: {  	v62 =	vld [tilespmem:$0x1FEF0]  }
0x107: {  	v5 =	vld [tilespmem:$0x1FF00]  }
0x108: {  	v4 =	vperm.xlane v1, v16  }
0x109: {  	v6 =	vperm.xlane v0, v16  }
0x10a: {  	vm9 =	vcmask $0x3F04;
	vm15 =	veq.s32 v4, v1  }
0x10b: {  	v3 =	vld [tilespmem:$0x1FED0];
	v4 =	vmax.f32 v0, v6;
	v6 =	vperm.xlane v1, v62;
	vm15 =	vmand vm15, vm9  }
0x10c: {  	v0 =	vsel vm15, v4, v0;
	v4 =	vperm.xlane v1, v5  }
0x10d: {  	vm1 =	vcmask $0x3F3C;
	vm15 =	vne.s32 v6, v1;
	v15 =	vperm.xlane v0, v5  }
0x10e: {  	vm15 =	vmor vm15, vm1;
	vm1 =	vcmask $0x3F08;
	vm0 =	veq.s32 v4, v1  }
0x10f: {  	v63 =	vld [tilespmem:$0x1FEE0];
	vm0 =	vmand vm0, vm1;
	v4 =	vmax.f32 v0, v15  }
0x110: {  	v0 =	vsel vm0, v4, v0;
	v4 =	vperm.xlane v1, v3  }
0x111: {  	v6 =	vperm.xlane v0, v3  }
0x112: {  	vm1 =	vcmask $0x3F10;
	vm0 =	veq.s32 v4, v1  }
0x113: {  	vm0 =	vmand vm0, vm1;
	v4 =	vmax.f32 v0, v6  }
0x114: {  	v6 =	vld.idx.msk [tilespmem:v1+s21+$0x0], vm15;
	v0 =	vsel vm0, v4, v0;
	v4 =	vperm.xlane v1, v63  }
0x115: {  	v15 =	vperm.xlane v0, v63  }
0x116: {  	vm1 =	vcmask $0x3F20;
	vm0 =	veq.s32 v4, v1  }
0x117: {  	vm0 =	vmand vm0, vm1;
	v4 =	vmax.f32 v0, v15  }
0x118: {  	v0 =	vsel vm0, v4, v0  }
0x119: {  	s31 =	sadd.s32 $0x800, s31;
	v0 =	vmax.f32 v6, v0  }
0x11a: {  	s4 =	sand.u32 $0x3FFFFF80, s31;
	[tilespmem:v1+s21+$0x0] =	vst.idx.msk vm15, v0  }
0x11b: {  	v0 =	vld [tilespmem:s4+$0x0]  }
0x11c: {  	v1 =	vld [tilespmem:s4+$0x10]  }
0x11d: {  	v4 =	vld [tilespmem:s4+$0x20]  }
0x11e: {  	v6 =	vld [tilespmem:s4+$0x30]  }
0x11f: {  	v15 =	vld [tilespmem:s4+$0x40]  }
0x120: {  	v17 =	vld [tilespmem:s4+$0x50]  }
0x121: {  	v18 =	vld [tilespmem:s4+$0x60]  }
0x122: {  	v19 =	vld [tilespmem:s4+$0x70]  }
0x123: {  	v20 =	vld [tilespmem:s4+$0x80]  }
0x124: {  	v21 =	vld [tilespmem:s4+$0x90]  }
0x125: {  	v22 =	vld [tilespmem:s4+$0xA0]  }
0x126: {  	v23 =	vld [tilespmem:s4+$0xB0]  }
0x127: {  	v24 =	vld [tilespmem:s4+$0xC0]  }
0x128: {  	v25 =	vld [tilespmem:s4+$0xD0]  }
0x129: {  	v26 =	vld [tilespmem:s4+$0xE0]  }
0x12a: {  	v27 =	vld [tilespmem:s4+$0xF0]  }
0x12b: {  	v28 =	vld [tilespmem:s4+$0x100]  }
0x12c: {  	v29 =	vld [tilespmem:s4+$0x110]  }
0x12d: {  	v30 =	vld [tilespmem:s4+$0x120]  }
0x12e: {  	v31 =	vld [tilespmem:s4+$0x130]  }
0x12f: {  	v32 =	vld [tilespmem:s4+$0x140]  }
0x130: {  	v33 =	vld [tilespmem:s4+$0x150]  }
0x131: {  	v34 =	vld [tilespmem:s4+$0x160]  }
0x132: {  	v35 =	vld [tilespmem:s4+$0x170]  }
0x133: {  	v36 =	vld [tilespmem:s4+$0x180]  }
0x134: {  	v37 =	vld [tilespmem:s4+$0x190]  }
0x135: {  	v38 =	vld [tilespmem:s4+$0x1A0]  }
0x136: {  	v39 =	vld [tilespmem:s4+$0x1B0]  }
0x137: {  	v40 =	vld [tilespmem:s4+$0x1C0]  }
0x138: {  	v41 =	vld [tilespmem:s4+$0x1D0]  }
0x139: {  	v42 =	vld [tilespmem:s4+$0x1E0]  }
0x13a: {  	v43 =	vld [tilespmem:s4+$0x1F0]  }
0x13b: {  	v44 =	vld [tilespmem:s4+$0x200]  }
0x13c: {  	v45 =	vld [tilespmem:s4+$0x210]  }
0x13d: {  	v46 =	vld [tilespmem:s4+$0x220]  }
0x13e: {  	v47 =	vld [tilespmem:s4+$0x230]  }
0x13f: {  	v48 =	vld [tilespmem:s4+$0x240]  }
0x140: {  	v49 =	vld [tilespmem:s4+$0x250]  }
0x141: {  	v50 =	vld [tilespmem:s4+$0x260]  }
0x142: {  	v51 =	vld [tilespmem:s4+$0x270]  }
0x143: {  	v52 =	vld [tilespmem:s4+$0x280]  }
0x144: {  	v53 =	vld [tilespmem:s4+$0x290]  }
0x145: {  	v54 =	vld [tilespmem:s4+$0x2A0]  }
0x146: {  	v55 =	vld [tilespmem:s4+$0x2B0]  }
0x147: {  	v56 =	vld [tilespmem:s4+$0x2C0]  }
0x148: {  	v57 =	vld [tilespmem:s4+$0x2D0]  }
0x149: {  	v58 =	vld [tilespmem:s4+$0x2E0]  }
0x14a: {  	v59 =	vld [tilespmem:s4+$0x2F0];
	v0 =	vmul.f32 v0, v7  }
0x14b: {  	v60 =	vld [tilespmem:s4+$0x300];
	v1 =	vmul.f32 v1, v8;
	v4 =	vmul.f32 v4, v9  }
0x14c: {  	v61 =	vld [tilespmem:s4+$0x310];
	v6 =	vmul.f32 v6, v10;
	v15 =	vmul.f32 v15, v11  }
0x14d: {  	v62 =	vld [tilespmem:s4+$0x320];
	v17 =	vmul.f32 v17, v12;
	v18 =	vmul.f32 v18, v13  }
0x14e: {  	v63 =	vld [tilespmem:s4+$0x330];
	v19 =	vmul.f32 v19, v14;
	v2 =	vmul.f32 v21, v8  }
0x14f: {  	v21 =	vmul.f32 v23, v10;
	v23 =	vld [tilespmem:s4+$0x340];
	v4 =	vadd.f32 v6, v4;
	v6 =	vmul.f32 v22, v9  }
0x150: {  	v15 =	vadd.f32 v17, v15;
	v17 =	vmul.f32 v24, v11;
	v22 =	vmul.f32 v25, v12;
	v24 =	vld [tilespmem:s4+$0x350]  }
0x151: {  	v18 =	vadd.f32 v19, v18;
	v19 =	vmul.f32 v26, v13;
	v25 =	vmul.f32 v27, v14;
	v26 =	vld [tilespmem:s4+$0x360]  }
0x152: {  	v0 =	vadd.f32 v1, v0;
	v27 =	vld [tilespmem:s4+$0x370]  }
0x153: {  	v34 =	vmul.f32 v34, v13;
	v1 =	vmul.f32 v20, v7;
	v19 =	vadd.f32 v25, v19;
	v25 =	vld [tilespmem:s4+$0x380]  }
0x154: {  	v35 =	vmul.f32 v35, v14;
	v0 =	vadd.f32 v4, v0;
	v4 =	vadd.f32 v18, v15;
	v15 =	vld [tilespmem:s4+$0x390]  }
0x155: {  	v32 =	vmul.f32 v32, v11;
	v1 =	vadd.f32 v2, v1;
	v6 =	vadd.f32 v21, v6;
	v2 =	vld [tilespmem:s4+$0x3A0]  }
0x156: {  	v33 =	vmul.f32 v33, v12;
	v17 =	vadd.f32 v22, v17;
	v21 =	vadd.f32 v35, v34;
	v35 =	vld [tilespmem:s4+$0x410]  }
0x157: {  	v45 =	vmul.f32 v45, v8;
	v22 =	vmul.f32 v38, v9;
	v38 =	vld [tilespmem:s4+$0x450];
	v1 =	vadd.f32 v6, v1  }
0x158: {  	v6 =	vadd.f32 v19, v17;
	v17 =	vadd.f32 v4, v0;
	v0 =	vmul.f32 v28, v7;
	v28 =	vld [tilespmem:s4+$0x3B0]  }
0x159: {  	v34 =	vmul.f32 v44, v7;
	v4 =	vmul.f32 v29, v8;
	v29 =	vld [tilespmem:s4+$0x3C0]  }
0x15a: {  	v20 =	vmul.f32 v36, v7;
	v19 =	vadd.f32 v33, v32;
	v33 =	vld [tilespmem:s4+$0x400]  }
0x15b: {  	v36 =	vmul.f32 v52, v7;
	v44 =	vmul.f32 v53, v8;
	v34 =	vadd.f32 v45, v34;
	v45 =	vld [tilespmem:s4+$0x490]  }
0x15c: {  	v32 =	vmul.f32 v39, v10;
	v39 =	vmul.f32 v47, v10;
	v47 =	vld [tilespmem:s4+$0x4A0]  }
0x15d: {  	v36 =	vadd.f32 v44, v36;
	v44 =	vld [tilespmem:s4+$0x4D0]  }
0x15e: {  	v42 =	vmul.f32 v42, v13;
	v0 =	vadd.f32 v4, v0;
	v4 =	vld [tilespmem:s4+$0x3D0]  }
0x15f: {  	v43 =	vmul.f32 v43, v14;
	v18 =	vadd.f32 v6, v1;
	v6 =	vmul.f32 v31, v10;
	v31 =	vld [tilespmem:s4+$0x3F0]  }
0x160: {  	v1 =	vmul.f32 v30, v9;
	v30 =	vmul.f32 v37, v8;
	v37 =	vld [tilespmem:s4+$0x420]  }
0x161: {  	v26 =	vmul.f32 v26, v13;
	v22 =	vadd.f32 v32, v22;
	v32 =	vld [tilespmem:s4+$0x440]  }
0x162: {  	v27 =	vmul.f32 v27, v14;
	v19 =	vadd.f32 v21, v19;
	v21 =	vadd.f32 v43, v42;
	v42 =	vld [tilespmem:s4+$0x470]  }
0x163: {  	v43 =	vld [tilespmem:s4+$0x480]  }
0x164: {  	v23 =	vmul.f32 v23, v11;
	v24 =	vmul.f32 v24, v12;
	v26 =	vadd.f32 v27, v26;
	v27 =	vld [tilespmem:s4+$0x590]  }
0x165: {  	v53 =	vmul.f32 v35, v8;
	v35 =	vld [tilespmem:s4+$0x5C0]  }
0x166: {  	v40 =	vmul.f32 v40, v11;
	v23 =	vadd.f32 v24, v23;
	v1 =	vadd.f32 v6, v1;
	v6 =	vld [tilespmem:s4+$0x3E0]  }
0x167: {  	v41 =	vmul.f32 v41, v12;
	v48 =	vmul.f32 v48, v11;
	v20 =	vadd.f32 v30, v20;
	v30 =	vld [tilespmem:s4+$0x430]  }
0x168: {  	v56 =	vmul.f32 v56, v11;
	v57 =	vmul.f32 v57, v12;
	v23 =	vadd.f32 v26, v23;
	v26 =	vld [tilespmem:s4+$0x5A0]  }
0x169: {  	v49 =	vmul.f32 v49, v12;
	v0 =	vadd.f32 v1, v0;
	v1 =	vadd.f32 v41, v40;
	v40 =	vld [tilespmem:s4+$0x460]  }
0x16a: {  	v41 =	vadd.f32 v57, v56;
	v57 =	vmul.f32 v61, v8;
	v61 =	vmul.f32 v25, v7;
	v25 =	vld [tilespmem:s4+$0x550]  }
0x16b: {  	v56 =	vmul.f32 v60, v7;
	v60 =	vmul.f32 v47, v9;
	v47 =	vld [tilespmem:s4+$0x610]  }
0x16c: {  	v22 =	vadd.f32 v22, v20;
	v52 =	vmul.f32 v31, v14;
	v31 =	vld [tilespmem:s4+$0x580]  }
0x16d: {  	v20 =	vadd.f32 v19, v0;
	v0 =	vadd.f32 v49, v48;
	v49 =	vld [tilespmem:s4+$0x4B0]  }
0x16e: {  	v54 =	vmul.f32 v54, v9;
	v1 =	vadd.f32 v21, v1;
	v21 =	vmul.f32 v46, v9;
	v46 =	vld [tilespmem:s4+$0x4E0]  }
0x16f: {  	v55 =	vmul.f32 v55, v10;
	v58 =	vmul.f32 v58, v13;
	v48 =	vld [tilespmem:s4+$0x510]  }
0x170: {  	v6 =	vmul.f32 v6, v13;
	v19 =	vadd.f32 v1, v22;
	v22 =	vmul.f32 v51, v14;
	v51 =	vld [tilespmem:s4+$0x4C0]  }
0x171: {  	v1 =	vmul.f32 v50, v13;
	v21 =	vadd.f32 v39, v21;
	v39 =	vadd.f32 v55, v54;
	v50 =	vld [tilespmem:s4+$0x520]  }
0x172: {  	v29 =	vmul.f32 v29, v11;
	v4 =	vmul.f32 v4, v12;
	v6 =	vadd.f32 v52, v6;
	v52 =	vld [tilespmem:s4+$0x680]  }
0x173: {  	v59 =	vmul.f32 v59, v14;
	v15 =	vmul.f32 v15, v8;
	v54 =	vadd.f32 v39, v36;
	v39 =	vld [tilespmem:s4+$0x500]  }
0x174: {  	v2 =	vmul.f32 v2, v9;
	v4 =	vadd.f32 v4, v29;
	v1 =	vadd.f32 v22, v1;
	v36 =	vld [tilespmem:s4+$0x540]  }
0x175: {  	v22 =	vadd.f32 v59, v58;
	v58 =	vmul.f32 v62, v9;
	v62 =	vmul.f32 v28, v10;
	v28 =	vld [tilespmem:s4+$0x560]  }
0x176: {  	v44 =	vmul.f32 v44, v12;
	v4 =	vadd.f32 v6, v4;
	v6 =	vmul.f32 v37, v9;
	v37 =	vld [tilespmem:s4+$0x5D0]  }
0x177: {  	v15 =	vadd.f32 v15, v61;
	v61 =	vmul.f32 v49, v10;
	v49 =	vmul.f32 v48, v8;
	v48 =	vld [tilespmem:s4+$0x720]  }
0x178: {  	v27 =	vmul.f32 v27, v8;
	v59 =	vmul.f32 v63, v10;
	v0 =	vadd.f32 v1, v0;
	v1 =	vld [tilespmem:s4+$0x4F0]  }
0x179: {  	v30 =	vmul.f32 v30, v10;
	v26 =	vmul.f32 v26, v9;
	v55 =	vadd.f32 v22, v41;
	v41 =	vld [tilespmem:s4+$0x530]  }
0x17a: {  	v25 =	vmul.f32 v25, v12;
	v21 =	vadd.f32 v21, v34;
	v34 =	vadd.f32 v59, v58;
	v59 =	vld [tilespmem:s4+$0x5F0]  }
0x17b: {  	v31 =	vmul.f32 v31, v7;
	v2 =	vadd.f32 v62, v2;
	v58 =	vmul.f32 v45, v8;
	v45 =	vld [tilespmem:s4+$0x600]  }
0x17c: {  	v6 =	vadd.f32 v30, v6;
	v62 =	vmul.f32 v51, v11;
	v30 =	vadd.f32 v61, v60;
	v60 =	vld [tilespmem:s4+$0x6E0]  }
0x17d: {  	v61 =	vld [tilespmem:s4+$0x6F0];
	v22 =	vadd.f32 v0, v21;
	v2 =	vadd.f32 v2, v15;
	v15 =	vmul.f32 v33, v7  }
0x17e: {  	v21 =	vadd.f32 v55, v54;
	v33 =	vld [tilespmem:s4+$0x5B0];
	v54 =	vmul.f32 v32, v11;
	v55 =	vmul.f32 v38, v12  }
0x17f: {  	v0 =	vadd.f32 v57, v56;
	v56 =	vmul.f32 v40, v13;
	v38 =	vld [tilespmem:s4+$0x5E0];
	v57 =	vmul.f32 v43, v7  }
0x180: {  	v40 =	vld [tilespmem:s4+$0x630];
	v52 =	vmul.f32 v52, v7;
	v32 =	vadd.f32 v44, v62;
	v36 =	vmul.f32 v36, v11  }
0x181: {  	v28 =	vmul.f32 v28, v13;
	v0 =	vadd.f32 v34, v0;
	v34 =	vld [tilespmem:s4+$0x570];
	v24 =	vadd.f32 v4, v2  }
0x182: {  	v4 =	vmul.f32 v42, v14;
	v15 =	vadd.f32 v53, v15;
	v53 =	vld [tilespmem:s4+$0x690];
	v48 =	vmul.f32 v48, v9  }
0x183: {  	v29 =	vadd.f32 v58, v57;
	v57 =	vld [tilespmem:s4+$0x6D0];
	v1 =	vmul.f32 v1, v14;
	v51 =	vmul.f32 v41, v10  }
0x184: {  	v59 =	vmul.f32 v59, v14;
	v2 =	vadd.f32 v4, v56;
	v4 =	vmul.f32 v46, v13;
	v46 =	vld [tilespmem:s4+$0x620]  }
0x185: {  	v62 =	vmul.f32 v45, v7;
	v6 =	vadd.f32 v6, v15;
	v15 =	vadd.f32 v30, v29;
	v29 =	vld [tilespmem:s4+$0x660]  }
0x186: {  	v45 =	vmul.f32 v47, v8;
	v23 =	vadd.f32 v23, v0;
	v0 =	vadd.f32 v55, v54;
	v54 =	vld [tilespmem:s4+$0x6B0]  }
0x187: {  	v27 =	vadd.f32 v27, v31;
	v55 =	vld [tilespmem:s4+$0x6C0];
	v56 =	vmul.f32 v37, v12;
	v31 =	vmul.f32 v61, v14  }
0x188: {  	v25 =	vadd.f32 v25, v36;
	v33 =	vmul.f32 v33, v10;
	v58 =	vmul.f32 v38, v13;
	v38 =	vld [tilespmem:s4+$0x710]  }
0x189: {  	v40 =	vmul.f32 v40, v10;
	v1 =	vadd.f32 v1, v4;
	v4 =	vld [tilespmem:s4+$0x640];
	v0 =	vadd.f32 v2, v0  }
0x18a: {  	v2 =	vld [tilespmem:s4+$0x650];
	v34 =	vmul.f32 v34, v14;
	v26 =	vadd.f32 v33, v26;
	v30 =	vmul.f32 v53, v8  }
0x18b: {  	v33 =	vld [tilespmem:s4+$0x700];
	v1 =	vadd.f32 v1, v32;
	v0 =	vadd.f32 v0, v6;
	v6 =	vmul.f32 v39, v7  }
0x18c: {  	v39 =	vld [tilespmem:s4+$0x6A0];
	v28 =	vadd.f32 v34, v28;
	v26 =	vadd.f32 v26, v27;
	v47 =	vmul.f32 v46, v9  }
0x18d: {  	v61 =	vld [tilespmem:s4+$0x7A0];
	v27 =	vadd.f32 v45, v62;
	v36 =	vmul.f32 v54, v10;
	v30 =	vadd.f32 v30, v52  }
0x18e: {  	v53 =	vld [tilespmem:s4+$0x750];
	v1 =	vadd.f32 v1, v15;
	v15 =	vmul.f32 v50, v9;
	v6 =	vadd.f32 v49, v6  }
0x18f: {  	v32 =	vld [tilespmem:s4+$0x670];
	v49 =	vmul.f32 v29, v13;
	v46 =	vmul.f32 v38, v8;
	v25 =	vadd.f32 v28, v25  }
0x190: {  	v54 =	vld [tilespmem:s4+$0x760];
	v28 =	vadd.f32 v59, v58;
	v4 =	vmul.f32 v4, v11;
	v2 =	vmul.f32 v2, v12  }
0x191: {  	v34 =	vld [tilespmem:s4+$0x7B0];
	v15 =	vadd.f32 v51, v15;
	v45 =	vmul.f32 v33, v7;
	v39 =	vmul.f32 v39, v9  }
0x192: {  	v51 =	vld [tilespmem:s4+$0x740];
	v2 =	vadd.f32 v2, v4;
	v4 =	vmul.f32 v55, v11;
	v55 =	vmul.f32 v57, v12  }
0x193: {  	(xrf2) =	vadd.scan.msk.f32 $0xffff, v17;
	v52 =	vmul.f32 v53, v12;
	v53 =	vld [tilespmem:s4+$0x7F0];
	v57 =	vmul.f32 v60, v13;
	v6 =	vadd.f32 v15, v6  }
0x194: {  	v60 =	vld [tilespmem:s4+$0x790];
	v15 =	vmul.f32 v35, v11;
	v59 =	vadd.f32 v36, v39;
	v4 =	vadd.f32 v55, v4  }
0x195: {  	(xrf2) =	vadd.scan.msk.f32 $0xffff, v18;
	v50 =	vmul.f32 v32, v14;
	v29 =	vadd.f32 v31, v57;
	v6 =	vadd.f32 v25, v6;
	v25 =	vld [tilespmem:s4+$0x730]  }
0x196: {  	(xrf2) =	vadd.scan.msk.f32 $0xffff, v20;
	v17 =	vadd.f32 v46, v45;
	v54 =	vmul.f32 v54, v13;
	v15 =	vadd.f32 v56, v15;
	v56 =	vld [tilespmem:s4+$0x770]  }
0x197: {  	(xrf2) =	vadd.scan.msk.f32 $0xffff, v19;
	v58 =	vld [tilespmem:s4+$0x780];
	v39 =	vadd.f32 v59, v30;
	v4 =	vadd.f32 v29, v4;
	v51 =	vmul.f32 v51, v11  }
0x198: {  	v44 =	vld [tilespmem:s4+$0x7C0];
	(xrf2) =	vadd.scan.msk.f32 $0xffff, v22;
	v59 =	vmul.f32 v34, v10;
	v15 =	vadd.f32 v28, v15;
	v28 =	vadd.f32 v40, v47  }
0x199: {  	(xrf2) =	vadd.scan.msk.f32 $0xffff, v21;
	v20 =	vmul.f32 v53, v14;
	v47 =	vld [tilespmem:s4+$0x7D0];
	v4 =	vadd.f32 v4, v39;
	v22 =	vadd.f32 v52, v51  }
0x19a: {  	(xrf2) =	vadd.scan.msk.f32 $0xffff, v23;
	v57 =	vmul.f32 v60, v8;
	v15 =	vadd.f32 v15, v26;
	v26 =	vadd.f32 v50, v49;
	v50 =	vld [tilespmem:s4+$0x7E0]  }
0x19b: {  	(xrf2) =	vadd.scan.msk.f32 $0xffff, v24;
	v62 =	vadd.f32 v28, v27;
	v49 =	vmul.f32 v25, v10;
	v55 =	vmul.f32 v56, v14  }
0x19c: {  	(xrf2) =	vadd.scan.msk.f32 $0xffff, v0;
	v36 =	vld [tilespmem:$0x1FFF0];
	v56 =	vmul.f32 v58, v7;
	v58 =	vmul.f32 v61, v9;
	v2 =	vadd.f32 v26, v2  }
0x19d: {  	(xrf2) =	vadd.scan.msk.f32 $0xffff, v1;
	v61 =	vmul.f32 v44, v11;
	v28, _, _ =	vpop (xrf2);
	v18 =	vadd.f32 v49, v48;
	v19 =	vadd.f32 v55, v54  }
0x19e: {  	v39 =	vld [tilespmem:$0x1FFE0];
	(xrf2) =	vadd.scan.msk.f32 $0xffff, v6;
	v6 =	vadd.f32 v57, v56;
	v21 =	vadd.f32 v59, v58;
	v33 =	vbroadcast v28, $0xF  }
0x19f: {  	v30, _, _ =	vpop (xrf2);
	v2 =	vadd.f32 v2, v62;
	v62 =	vmul.f32 v47, v12;
	v27 =	vmul.f32 v50, v13  }
0x1a0: {  	(xrf2) =	vadd.scan.msk.f32 $0xffff, v15;
	v34 =	vbroadcast v30, $0xF;
	v60 =	vadd.f32 v18, v17;
	v26 =	vadd.f32 v19, v22  }
0x1a1: {  	v40 =	vld [tilespmem:$0x1FEB0];
	vm0 =	vnez.u8 v36;
	v32, _, _ =	vpop (xrf2);
	v15 =	vadd.f32 v62, v61;
	(xrf2) =	vadd.scan.msk.f32 $0xffff, v2;
	v31 =	vadd.f32 v20, v27  }
0x1a2: {  	v35, _, _ =	vpop (xrf2);
	v6 =	vadd.f32 v21, v6;
	v2 =	vsel vm0, v33, v34;
	(xrf2) =	vadd.scan.msk.f32 $0xffff, v4;
	v4 =	vbroadcast v32, $0xF  }
0x1a3: {  	v37, _, _ =	vpop (xrf2);
	vm0 =	vnez.u8 v39;
	v0 =	vadd.f32 v26, v60;
	v15 =	vadd.f32 v31, v15  }
0x1a4: {  	v2 =	vsel vm0, v2, v4;
	v4 =	vbroadcast v37, $0xF  }
0x1a5: {  	v1 =	vbroadcast v35, $0xF;
	(xrf2) =	vadd.scan.msk.f32 $0xffff, v0;
	v6 =	vadd.f32 v15, v6  }
0x1a6: {  	v38, _, _ =	vpop (xrf2);
	vm0 =	vnez.u8 v40  }
0x1a7: {  	v0 =	vbroadcast v38, $0xF;
	v1 =	vsel vm0, v2, v1;
	v15, _, _ =	vpop (xrf2)  }
0x1a8: {  	v1 =	vsel vm4, v1, v4;
	(xrf2) =	vadd.scan.msk.f32 $0xffff, v6;
	v41 =	vbroadcast v15, $0xF;
	v4, _, _ =	vpop (xrf2)  }
0x1a9: {  	v0 =	vsel vm5, v1, v0;
	v6, _, _ =	vpop (xrf2);
	v42 =	vbroadcast v4, $0xF  }
0x1aa: {  	v4, _, _ =	vpop (xrf2);
	v0 =	vsel vm6, v0, v41;
	v43 =	vbroadcast v6, $0xF  }
0x1ab: {  	v6, _, _ =	vpop (xrf2);
	v0 =	vsel vm7, v0, v42;
	v44 =	vbroadcast v4, $0xF  }
0x1ac: {  	v4, _, _ =	vpop (xrf2);
	v0 =	vsel vm3, v0, v43;
	v45 =	vbroadcast v6, $0xF  }
0x1ad: {  	v6, _, _ =	vpop (xrf2);
	v0 =	vsel vm10, v0, v44;
	v46 =	vbroadcast v4, $0xF  }
0x1ae: {  	v52 =	vld [tilespmem:$0x1FE90];
	v4, _, _ =	vpop (xrf2);
	v0 =	vsel vm11, v0, v45;
	v47 =	vbroadcast v6, $0xF  }
0x1af: {  	v51 =	vld [tilespmem:$0x1FEA0];
	v6, _, _ =	vpop (xrf2);
	v0 =	vsel vm12, v0, v46;
	v48 =	vbroadcast v4, $0xF  }
0x1b0: {  	v0 =	vsel vm13, v0, v47;
	v49 =	vbroadcast v6, $0xF  }
0x1b1: {  	v0 =	vsel vm14, v0, v48  }
0x1b2: {  	v50, _, _ =	vpop (xrf2);
	v0 =	vsel vm2, v0, v49  }
0x1b3: {  	v0 =	vsel vm8, v0, v50  }
0x1b4: {  	v0 =	vadd.f32 v0, v51;
	_ =	sdelay $0x1  }
0x1b5: {  	[tilespmem:v52+s30+$0x19330 ss:$0x1] =	vst.idx.msk $0xffff, v0  }
0x1b6: {  	v1 =	vld.idx.msk [tilespmem:v52+s30+$0x19010 ss:$0x1], $0xffff;
	_ =	sdelay $0x2  }
0x1b7: {  	v63 =	vld [tilespmem:$0x1FEF0];
	_ =	sdelay $0x1  }
0x1b8: {  	v53 =	vperm.xlane v1, v16  }
0x1b9: {  	v4 =	vperm.xlane v0, v16  }
0x1ba: {  	vm0 =	veq.s32 v53, v1  }
0x1bb: {  	v54 =	vmax.f32 v0, v4;
	v4 =	vperm.xlane v1, v63;
	vm0 =	vmand vm0, vm9  }
0x1bc: {  	v55 =	vperm.xlane v1, v5;
	v0 =	vsel vm0, v54, v0  }
0x1bd: {  	vm2 =	vcmask $0x3F3C;
	vm0 =	vne.s32 v4, v1;
	v6 =	vperm.xlane v0, v5  }
0x1be: {  	vm15 =	veq.s32 v55, v1;
	vm0 =	vmor vm0, vm2;
	vm2 =	vcmask $0x3F08  }
0x1bf: {  	v59 =	vld [tilespmem:$0x1FEE0];
	vm15 =	vmand vm15, vm2;
	v56 =	vmax.f32 v0, v6  }
0x1c0: {  	v57 =	vperm.xlane v1, v3;
	v0 =	vsel vm15, v56, v0  }
0x1c1: {  	v4 =	vperm.xlane v0, v3  }
0x1c2: {  	vm2 =	vcmask $0x3F10;
	vm15 =	veq.s32 v57, v1  }
0x1c3: {  	v62 =	vld [tilespmem:$0x1FFE0];
	vm15 =	vmand vm15, vm2;
	v58 =	vmax.f32 v0, v4  }
0x1c4: {  	v60 =	vperm.xlane v1, v59;
	v4 =	vld.idx.msk [tilespmem:v1+s21+$0x0], vm0;
	v0 =	vsel vm15, v58, v0  }
0x1c5: {  	p2 =	slt.u32 s29, $0x16;
	v63 =	vld [tilespmem:$0x1FFF0];
	v6 =	vperm.xlane v0, v59  }
.Ltmp1:
0x1c6: {  	vm15 =	veq.s32 v60, v1;
	(pc) =	sbr.rel @p2 .LBB2_5-.Ltmp1, $4  }
0x1c7: {  	vm15 =	vmand vm15, vm1;
	v61 =	vmax.f32 v0, v6  }
0x1c8: {  	v0 =	vsel vm15, v61, v0  }
0x1c9: {  	s31 =	sadd.s32 $0x2, s29;
	v0 =	vmax.f32 v4, v0  }
0x1ca: {  	s29 =	smov.u32 s31;
	vm15 =	vnez.u8 v62;
	[tilespmem:v1+s21+$0x0] =	vst.idx.msk vm0, v0;
	vm0 =	vnez.u8 v63  }
0x1cb: {  	s4 =	sshll.u32 s26, $0x7  }
0x1cc: {  	v0 =	vld [tilespmem:s4+$0xC000]  }
0x1cd: {  	v1 =	vld [tilespmem:s4+$0xC010]  }
0x1ce: {  	v2 =	vld [tilespmem:s4+$0xC020]  }
0x1cf: {  	v4 =	vld [tilespmem:s4+$0xC030]  }
0x1d0: {  	v6 =	vld [tilespmem:s4+$0xC040]  }
0x1d1: {  	s28 =	smul.u32 $0x32000, s28;
	v15 =	vld [tilespmem:s4+$0xC050]  }
0x1d2: {  	v16 =	vld [tilespmem:s4+$0xC060]  }
0x1d3: {  	v17 =	vld [tilespmem:s4+$0xC070];
	s31 =	sshrl.u32 s28, $0x2  }
0x1d4: {  	v18 =	vld [tilespmem:s31+$0xC080]  }
0x1d5: {  	v19 =	vld [tilespmem:s31+$0xC090]  }
0x1d6: {  	v20 =	vld [tilespmem:s31+$0xC0A0]  }
0x1d7: {  	v21 =	vld [tilespmem:s31+$0xC0B0]  }
0x1d8: {  	v22 =	vld [tilespmem:s31+$0xC0C0]  }
0x1d9: {  	v23 =	vld [tilespmem:s31+$0xC0D0]  }
0x1da: {  	v24 =	vld [tilespmem:s31+$0xC0E0]  }
0x1db: {  	v25 =	vld [tilespmem:s31+$0xC0F0]  }
0x1dc: {  	v26 =	vld [tilespmem:s31+$0xC100]  }
0x1dd: {  	v27 =	vld [tilespmem:s31+$0xC110]  }
0x1de: {  	v28 =	vld [tilespmem:s31+$0xC120]  }
0x1df: {  	v29 =	vld [tilespmem:s31+$0xC130]  }
0x1e0: {  	v30 =	vld [tilespmem:s31+$0xC140]  }
0x1e1: {  	v31 =	vld [tilespmem:s31+$0xC150]  }
0x1e2: {  	v32 =	vld [tilespmem:s31+$0xC160]  }
0x1e3: {  	v33 =	vld [tilespmem:s31+$0xC170]  }
0x1e4: {  	v34 =	vld [tilespmem:s31+$0xC180]  }
0x1e5: {  	v35 =	vld [tilespmem:s31+$0xC190]  }
0x1e6: {  	v36 =	vld [tilespmem:s31+$0xC1A0]  }
0x1e7: {  	v37 =	vld [tilespmem:s31+$0xC1B0]  }
0x1e8: {  	v38 =	vld [tilespmem:s31+$0xC1C0]  }
0x1e9: {  	v39 =	vld [tilespmem:s31+$0xC1D0]  }
0x1ea: {  	v40 =	vld [tilespmem:s31+$0xC1E0]  }
0x1eb: {  	v41 =	vld [tilespmem:s31+$0xC1F0]  }
0x1ec: {  	v42 =	vld [tilespmem:s31+$0xC200]  }
0x1ed: {  	v43 =	vld [tilespmem:s31+$0xC210]  }
0x1ee: {  	v44 =	vld [tilespmem:s31+$0xC220]  }
0x1ef: {  	v45 =	vld [tilespmem:s31+$0xC230]  }
0x1f0: {  	v46 =	vld [tilespmem:s31+$0xC240]  }
0x1f1: {  	v47 =	vld [tilespmem:s31+$0xC250]  }
0x1f2: {  	v48 =	vld [tilespmem:s31+$0xC260]  }
0x1f3: {  	v49 =	vld [tilespmem:s31+$0xC270]  }
0x1f4: {  	v50 =	vld [tilespmem:s31+$0xC280]  }
0x1f5: {  	v51 =	vld [tilespmem:s31+$0xC290]  }
0x1f6: {  	v52 =	vld [tilespmem:s31+$0xC2A0]  }
0x1f7: {  	v53 =	vld [tilespmem:s31+$0xC2B0]  }
0x1f8: {  	v54 =	vld [tilespmem:s31+$0xC2C0]  }
0x1f9: {  	v55 =	vld [tilespmem:s31+$0xC2D0]  }
0x1fa: {  	v56 =	vld [tilespmem:s31+$0xC2E0]  }
0x1fb: {  	v57 =	vld [tilespmem:s31+$0xC2F0]  }
0x1fc: {  	v58 =	vld [tilespmem:s31+$0xC300]  }
0x1fd: {  	v59 =	vld [tilespmem:s31+$0xC310];
	v0 =	vmul.f32 v0, v7;
	v1 =	vmul.f32 v1, v8  }
0x1fe: {  	v60 =	vld [tilespmem:s31+$0xC320];
	v2 =	vmul.f32 v2, v9;
	v4 =	vmul.f32 v4, v10  }
0x1ff: {  	v61 =	vld [tilespmem:s31+$0xC330];
	v6 =	vmul.f32 v6, v11;
	v15 =	vmul.f32 v15, v12  }
0x200: {  	v62 =	vld [tilespmem:s31+$0xC340];
	v16 =	vmul.f32 v16, v13;
	v17 =	vmul.f32 v17, v14;
	v0 =	vadd.f32 v1, v0  }
0x201: {  	v1 =	vmul.f32 v18, v7;
	v6 =	vadd.f32 v15, v6;
	v15 =	vmul.f32 v22, v11;
	v22 =	vld [tilespmem:s31+$0xC350]  }
0x202: {  	v2 =	vadd.f32 v4, v2;
	v4 =	vmul.f32 v20, v9;
	v20 =	vmul.f32 v23, v12;
	v23 =	vld [tilespmem:s31+$0xC360]  }
0x203: {  	v18 =	vmul.f32 v19, v8;
	v16 =	vadd.f32 v17, v16;
	v17 =	vmul.f32 v24, v13;
	v24 =	vld [tilespmem:s31+$0xC370]  }
0x204: {  	v19 =	vmul.f32 v21, v10;
	v63 =	vmul.f32 v25, v14;
	v25 =	vld [tilespmem:s31+$0xC380]  }
0x205: {  	v21 =	vmul.f32 v27, v8;
	v27 =	vld [tilespmem:s31+$0xC3C0];
	v30 =	vmul.f32 v30, v11  }
0x206: {  	v31 =	vmul.f32 v31, v12;
	v15 =	vadd.f32 v20, v15;
	v20 =	vadd.f32 v16, v6;
	v6 =	vld [tilespmem:s31+$0xC390]  }
0x207: {  	v0 =	vadd.f32 v2, v0;
	v2 =	vld [tilespmem:s31+$0xC3D0]  }
0x208: {  	v1 =	vadd.f32 v18, v1;
	v18 =	vadd.f32 v31, v30;
	v31 =	vld [tilespmem:s31+$0xC400]  }
0x209: {  	v17 =	vadd.f32 v63, v17;
	v63 =	vmul.f32 v28, v9;
	v28 =	vld [tilespmem:s31+$0xC430]  }
0x20a: {  	v32 =	vmul.f32 v32, v13;
	v4 =	vadd.f32 v19, v4;
	v30 =	vld [tilespmem:s31+$0xC440]  }
0x20b: {  	v19 =	vmul.f32 v34, v7;
	v34 =	vmul.f32 v43, v8;
	v43 =	vld [tilespmem:s31+$0xC490]  }
0x20c: {  	v33 =	vmul.f32 v33, v14;
	v1 =	vadd.f32 v4, v1;
	v4 =	vadd.f32 v17, v15;
	v15 =	vld [tilespmem:s31+$0xC3A0]  }
0x20d: {  	v36 =	vmul.f32 v36, v9;
	v16 =	vadd.f32 v20, v0;
	v0 =	vmul.f32 v26, v7;
	v26 =	vld [tilespmem:s31+$0xC3B0]  }
0x20e: {  	v37 =	vmul.f32 v37, v10;
	v40 =	vmul.f32 v40, v13;
	v20 =	vadd.f32 v33, v32;
	v33 =	vld [tilespmem:s31+$0xC410]  }
0x20f: {  	v41 =	vmul.f32 v41, v14;
	v17 =	vadd.f32 v4, v1;
	v4 =	vmul.f32 v29, v10;
	v29 =	vld [tilespmem:s31+$0xC3F0]  }
0x210: {  	v0 =	vadd.f32 v21, v0;
	v21 =	vadd.f32 v37, v36;
	v36 =	vld [tilespmem:s31+$0xC450]  }
0x211: {  	v32 =	vmul.f32 v42, v7;
	v18 =	vadd.f32 v20, v18;
	v20 =	vadd.f32 v41, v40;
	v40 =	vld [tilespmem:s31+$0xC470]  }
0x212: {  	v23 =	vmul.f32 v23, v13;
	v24 =	vmul.f32 v24, v14;
	v41 =	vld [tilespmem:s31+$0xC480]  }
0x213: {  	v32 =	vadd.f32 v34, v32;
	v34 =	vmul.f32 v50, v7;
	v50 =	vld [tilespmem:s31+$0xC550]  }
0x214: {  	v23 =	vadd.f32 v24, v23;
	v24 =	vld [tilespmem:s31+$0xC590]  }
0x215: {  	v42 =	vmul.f32 v51, v8;
	v25 =	vmul.f32 v25, v7;
	v1 =	vadd.f32 v4, v63;
	v4 =	vld [tilespmem:s31+$0xC3E0]  }
0x216: {  	v6 =	vmul.f32 v6, v8;
	v63 =	vmul.f32 v35, v8;
	v35 =	vld [tilespmem:s31+$0xC420]  }
0x217: {  	v38 =	vmul.f32 v38, v11;
	v39 =	vmul.f32 v39, v12;
	v34 =	vadd.f32 v42, v34;
	v42 =	vld [tilespmem:s31+$0xC4D0]  }
0x218: {  	v45 =	vmul.f32 v45, v10;
	v48 =	vmul.f32 v48, v13;
	v6 =	vadd.f32 v6, v25;
	v25 =	vld [tilespmem:s31+$0xC5A0]  }
0x219: {  	v49 =	vmul.f32 v49, v14;
	v0 =	vadd.f32 v1, v0;
	v1 =	vadd.f32 v39, v38;
	v38 =	vld [tilespmem:s31+$0xC460]  }
0x21a: {  	v58 =	vmul.f32 v58, v7;
	v19 =	vadd.f32 v63, v19;
	v39 =	vmul.f32 v47, v12;
	v47 =	vld [tilespmem:s31+$0xC4B0]  }
0x21b: {  	v59 =	vmul.f32 v59, v8;
	v63 =	vmul.f32 v44, v9;
	v44 =	vld [tilespmem:s31+$0xC4E0]  }
0x21c: {  	v60 =	vmul.f32 v60, v9;
	v51 =	vmul.f32 v29, v14;
	v29 =	vld [tilespmem:s31+$0xC580];
	v21 =	vadd.f32 v21, v19  }
0x21d: {  	v37 =	vmul.f32 v52, v9;
	v1 =	vadd.f32 v20, v1;
	v20 =	vadd.f32 v45, v63;
	v45 =	vld [tilespmem:s31+$0xC4A0]  }
0x21e: {  	v52 =	vmul.f32 v54, v11;
	v19 =	vadd.f32 v18, v0;
	v0 =	vmul.f32 v46, v11;
	v46 =	vld [tilespmem:s31+$0xC510]  }
0x21f: {  	v63 =	vmul.f32 v53, v10;
	v18 =	vadd.f32 v1, v21;
	v1 =	vadd.f32 v49, v48;
	v49 =	vld [tilespmem:s31+$0xC4C0]  }
0x220: {  	v54 =	vmul.f32 v56, v13;
	v53 =	vmul.f32 v55, v12;
	v48 =	vld [tilespmem:s31+$0xC520]  }
0x221: {  	v55 =	vmul.f32 v57, v14;
	v37 =	vadd.f32 v63, v37;
	v63 =	vmul.f32 v26, v10;
	v26 =	vld [tilespmem:s31+$0xC560]  }
0x222: {  	v0 =	vadd.f32 v39, v0;
	v39 =	vadd.f32 v53, v52;
	v52 =	vmul.f32 v33, v8;
	v33 =	vld [tilespmem:s31+$0xC5C0]  }
0x223: {  	v61 =	vmul.f32 v61, v10;
	v4 =	vmul.f32 v4, v13;
	v21 =	vadd.f32 v55, v54;
	v55 =	vld [tilespmem:s31+$0xC5D0]  }
0x224: {  	v62 =	vmul.f32 v62, v11;
	v54 =	vmul.f32 v36, v12;
	v36 =	vld [tilespmem:s31+$0xC5E0]  }
0x225: {  	v22 =	vmul.f32 v22, v12;
	v4 =	vadd.f32 v51, v4;
	v51 =	vmul.f32 v50, v12;
	v50 =	vld [tilespmem:s31+$0xC740]  }
0x226: {  	v27 =	vmul.f32 v27, v11;
	v2 =	vmul.f32 v2, v12;
	v0 =	vadd.f32 v1, v0;
	v1 =	vld [tilespmem:s31+$0xC4F0]  }
0x227: {  	v22 =	vadd.f32 v22, v62;
	v28 =	vmul.f32 v28, v10;
	v56 =	vadd.f32 v37, v34;
	v37 =	vld [tilespmem:s31+$0xC500]  }
0x228: {  	v15 =	vmul.f32 v15, v9;
	v2 =	vadd.f32 v2, v27;
	v57 =	vadd.f32 v21, v39;
	v39 =	vld [tilespmem:s31+$0xC530]  }
0x229: {  	v24 =	vmul.f32 v24, v8;
	v42 =	vmul.f32 v42, v12;
	v20 =	vadd.f32 v20, v32;
	v34 =	vld [tilespmem:s31+$0xC540]  }
0x22a: {  	v53 =	vmul.f32 v30, v11;
	v25 =	vmul.f32 v25, v9;
	v15 =	vadd.f32 v63, v15;
	v63 =	vld [tilespmem:s31+$0xC610]  }
0x22b: {  	v32 =	vadd.f32 v61, v60;
	v61 =	vmul.f32 v47, v10;
	v47 =	vmul.f32 v46, v8;
	v46 =	vld [tilespmem:s31+$0xC720]  }
0x22c: {  	v2 =	vadd.f32 v4, v2;
	v6 =	vadd.f32 v15, v6;
	v15 =	vmul.f32 v31, v7;
	v31 =	vld [tilespmem:s31+$0xC5B0]  }
0x22d: {  	v4 =	vmul.f32 v35, v9;
	v21 =	vadd.f32 v0, v20;
	v0 =	vadd.f32 v59, v58;
	v59 =	vld [tilespmem:s31+$0xC5F0]  }
0x22e: {  	v22 =	vadd.f32 v23, v22;
	v60 =	vmul.f32 v45, v9;
	v58 =	vmul.f32 v43, v8;
	v43 =	vld [tilespmem:s31+$0xC600]  }
0x22f: {  	v29 =	vmul.f32 v29, v7;
	v20 =	vadd.f32 v57, v56;
	v56 =	vmul.f32 v38, v13;
	v38 =	vld [tilespmem:s31+$0xC630]  }
0x230: {  	v57 =	vmul.f32 v41, v7;
	v4 =	vadd.f32 v28, v4;
	v28 =	vadd.f32 v61, v60;
	v60 =	vld [tilespmem:s31+$0xC6F0]  }
0x231: {  	v62 =	vmul.f32 v49, v11;
	v26 =	vmul.f32 v26, v13;
	v0 =	vadd.f32 v32, v0;
	v32 =	vld [tilespmem:s31+$0xC570]  }
0x232: {  	v55 =	vmul.f32 v55, v12;
	v23 =	vadd.f32 v2, v6;
	v15 =	vadd.f32 v52, v15;
	v52 =	vld [tilespmem:s31+$0xC690]  }
0x233: {  	v6 =	vmul.f32 v40, v14;
	v27 =	vadd.f32 v58, v57;
	v57 =	vmul.f32 v36, v13;
	v36 =	vld [tilespmem:s31+$0xC710]  }
0x234: {  	v24 =	vadd.f32 v24, v29;
	v1 =	vmul.f32 v1, v14;
	v49 =	vmul.f32 v39, v10;
	v39 =	vld [tilespmem:s31+$0xC680]  }
0x235: {  	v34 =	vmul.f32 v34, v11;
	v2 =	vadd.f32 v6, v56;
	v6 =	vmul.f32 v44, v13;
	v44 =	vld [tilespmem:s31+$0xC620]  }
0x236: {  	v63 =	vmul.f32 v63, v8;
	v4 =	vadd.f32 v4, v15;
	v15 =	vadd.f32 v28, v27;
	v27 =	vld [tilespmem:s31+$0xC660]  }
0x237: {  	v22 =	vadd.f32 v22, v0;
	v0 =	vadd.f32 v54, v53;
	v53 =	vld [tilespmem:s31+$0xC6A0];
	v31 =	vmul.f32 v31, v10  }
0x238: {  	v30 =	vadd.f32 v42, v62;
	v54 =	vld [tilespmem:s31+$0xC6B0];
	v58 =	vmul.f32 v59, v14;
	v62 =	vmul.f32 v43, v7  }
0x239: {  	v56 =	vld [tilespmem:s31+$0xC6D0];
	v34 =	vadd.f32 v51, v34;
	v38 =	vmul.f32 v38, v10;
	v43 =	vmul.f32 v46, v9  }
0x23a: {  	v59 =	vld [tilespmem:s31+$0xC6E0];
	v46 =	vmul.f32 v50, v11;
	v1 =	vadd.f32 v1, v6;
	v0 =	vadd.f32 v2, v0  }
0x23b: {  	v6 =	vld [tilespmem:s31+$0xC640];
	v29 =	vmul.f32 v60, v14;
	v32 =	vmul.f32 v32, v14;
	v25 =	vadd.f32 v31, v25  }
0x23c: {  	v2 =	vld [tilespmem:s31+$0xC650];
	v61 =	vadd.f32 v58, v57;
	v28 =	vmul.f32 v52, v8;
	v36 =	vmul.f32 v36, v8  }
0x23d: {  	v60 =	vld [tilespmem:s31+$0xC790];
	v1 =	vadd.f32 v1, v30;
	v0 =	vadd.f32 v0, v4;
	v4 =	vmul.f32 v37, v7  }
0x23e: {  	v52 =	vld [tilespmem:s31+$0xC750];
	v51 =	vmul.f32 v39, v7;
	v26 =	vadd.f32 v32, v26;
	v24 =	vadd.f32 v25, v24  }
0x23f: {  	v58 =	vld [tilespmem:s31+$0xC780];
	v45 =	vmul.f32 v44, v9;
	v25 =	vadd.f32 v63, v62;
	v37 =	vmul.f32 v53, v9  }
0x240: {  	v30 =	vld [tilespmem:s31+$0xC670];
	v53 =	vmul.f32 v54, v10;
	v1 =	vadd.f32 v1, v15;
	v15 =	vmul.f32 v48, v9  }
0x241: {  	v32 =	vld [tilespmem:s31+$0xC6C0];
	v4 =	vadd.f32 v47, v4;
	v48 =	vmul.f32 v27, v13;
	v57 =	vmul.f32 v59, v13  }
0x242: {  	(xrf2) =	vadd.scan.msk.f32 $0xffff, v16;
	v47 =	vld [tilespmem:s31+$0xC730];
	v28 =	vadd.f32 v28, v51;
	v26 =	vadd.f32 v26, v34;
	v6 =	vmul.f32 v6, v11  }
0x243: {  	(xrf2) =	vadd.scan.msk.f32 $0xffff, v17;
	v54 =	vld [tilespmem:s31+$0xC760];
	v2 =	vmul.f32 v2, v12;
	v31 =	vadd.f32 v38, v45;
	v15 =	vadd.f32 v49, v15  }
0x244: {  	(xrf2) =	vadd.scan.msk.f32 $0xffff, v19;
	v63 =	vld [tilespmem:s31+$0xC7B0];
	v59 =	vadd.f32 v53, v37;
	v27 =	vadd.f32 v29, v57;
	v51 =	vmul.f32 v58, v7  }
0x245: {  	(xrf2) =	vadd.scan.msk.f32 $0xffff, v18;
	v38 =	vld [tilespmem:s31+$0xC7D0];
	v2 =	vadd.f32 v2, v6;
	v4 =	vadd.f32 v15, v4;
	v15 =	vmul.f32 v33, v11  }
0x246: {  	(xrf2) =	vadd.scan.msk.f32 $0xffff, v21;
	v45 =	vld [tilespmem:s31+$0xC7E0];
	v49 =	vmul.f32 v30, v14;
	v62 =	vadd.f32 v31, v25;
	v31 =	vadd.f32 v59, v28  }
0x247: {  	(xrf2) =	vadd.scan.msk.f32 $0xffff, v20;
	v33 =	vld [tilespmem:s31+$0xC700];
	v6 =	vmul.f32 v32, v11;
	v44 =	vmul.f32 v47, v10;
	v15 =	vadd.f32 v55, v15  }
0x248: {  	(xrf2) =	vadd.scan.msk.f32 $0xffff, v22;
	v47 =	vmul.f32 v52, v12;
	v4 =	vadd.f32 v26, v4;
	v55 =	vmul.f32 v56, v12;
	v56 =	vld [tilespmem:s31+$0xC770]  }
0x249: {  	(xrf2) =	vadd.scan.msk.f32 $0xffff, v23;
	v32 =	vld [tilespmem:s31+$0xC7C0];
	v52 =	vmul.f32 v60, v8;
	v17 =	vadd.f32 v44, v43;
	v15 =	vadd.f32 v61, v15  }
0x24a: {  	(xrf2) =	vadd.scan.msk.f32 $0xffff, v0;
	v57 =	vmul.f32 v38, v12;
	v21 =	vadd.f32 v47, v46;
	v6 =	vadd.f32 v55, v6;
	v61 =	vld [tilespmem:s31+$0xC7A0]  }
0x24b: {  	(xrf2) =	vadd.scan.msk.f32 $0xffff, v1;
	v59 =	vmul.f32 v45, v13;
	v15 =	vadd.f32 v15, v24;
	v24 =	vadd.f32 v49, v48;
	v48 =	vld [tilespmem:s31+$0xC7F0]  }
0x24c: {  	v60, _, _ =	vpop (xrf2);
	(xrf2) =	vadd.scan.msk.f32 $0xffff, v4;
	v4 =	vadd.f32 v52, v51;
	v34 =	vmul.f32 v33, v7;
	v49 =	vmul.f32 v54, v13  }
0x24d: {  	v6 =	vadd.f32 v27, v6;
	v54 =	vmul.f32 v63, v10;
	v50 =	vmul.f32 v56, v14  }
0x24e: {  	v16 =	vadd.f32 v36, v34;
	v56 =	vmul.f32 v32, v11;
	v2 =	vadd.f32 v24, v2  }
0x24f: {  	v6 =	vadd.f32 v6, v31;
	v18 =	vadd.f32 v50, v49;
	v53 =	vmul.f32 v61, v9  }
0x250: {  	v55 =	vadd.f32 v17, v16;
	v61, _, _ =	vpop (xrf2);
	v2 =	vadd.f32 v2, v62;
	v19 =	vmul.f32 v48, v14  }
0x251: {  	(xrf2) =	vadd.scan.msk.f32 $0xffff, v15;
	v15 =	vadd.f32 v57, v56;
	v23 =	vbroadcast v61, $0xF;
	v58 =	vadd.f32 v18, v21  }
0x252: {  	v3 =	vld [tilespmem:$0x1FEB0];
	v63, _, _ =	vpop (xrf2);
	v20 =	vadd.f32 v54, v53;
	v21 =	vbroadcast v60, $0xF;
	(xrf2) =	vadd.scan.msk.f32 $0xffff, v2;
	v62 =	vadd.f32 v19, v59  }
0x253: {  	v27 =	vld [tilespmem:$0x1FFA0];
	v24, _, _ =	vpop (xrf2);
	v0 =	vadd.f32 v58, v55;
	(xrf2) =	vadd.scan.msk.f32 $0xffff, v6;
	v6 =	vbroadcast v63, $0xF  }
0x254: {  	v29 =	vld [tilespmem:$0x1FFC0];
	v25, _, _ =	vpop (xrf2);
	v4 =	vadd.f32 v20, v4;
	v2 =	vsel vm0, v21, v23;
	v15 =	vadd.f32 v62, v15  }
0x255: {  	v31 =	vld [tilespmem:$0x1FFB0];
	v2 =	vsel vm15, v2, v6;
	v6 =	vbroadcast v25, $0xF  }
0x256: {  	v33 =	vld [tilespmem:$0x1FF90];
	v1 =	vbroadcast v24, $0xF;
	(xrf2) =	vadd.scan.msk.f32 $0xffff, v0;
	v4 =	vadd.f32 v15, v4  }
0x257: {  	v35 =	vld [tilespmem:$0x1FF80];
	v26, _, _ =	vpop (xrf2);
	vm0 =	vnez.u8 v3  }
0x258: {  	v37 =	vld [tilespmem:$0x1FF30];
	vm2 =	vnez.u8 v27;
	v0 =	vbroadcast v26, $0xF;
	v1 =	vsel vm0, v2, v1;
	v15, _, _ =	vpop (xrf2)  }
0x259: {  	v39 =	vld [tilespmem:$0x1FF40];
	vm5 =	vnez.u8 v29;
	v1 =	vsel vm2, v1, v6;
	(xrf2) =	vadd.scan.msk.f32 $0xffff, v4;
	v28 =	vbroadcast v15, $0xF;
	v6, _, _ =	vpop (xrf2)  }
0x25a: {  	v41 =	vld [tilespmem:$0x1FF50];
	vm6 =	vnez.u8 v31;
	v0 =	vsel vm5, v1, v0;
	v4, _, _ =	vpop (xrf2);
	v30 =	vbroadcast v6, $0xF  }
0x25b: {  	v43 =	vld [tilespmem:$0x1FF60];
	vm7 =	vnez.u8 v33;
	v6, _, _ =	vpop (xrf2);
	v0 =	vsel vm6, v0, v28;
	v32 =	vbroadcast v4, $0xF  }
0x25c: {  	vm14 =	vnez.u8 v35;
	v45 =	vld [tilespmem:$0x1FF70];
	v4, _, _ =	vpop (xrf2);
	v0 =	vsel vm7, v0, v30;
	v34 =	vbroadcast v6, $0xF  }
0x25d: {  	vm9 =	vnez.u8 v37;
	v46 =	vld [tilespmem:$0x1FFD0];
	v6, _, _ =	vpop (xrf2);
	v0 =	vsel vm14, v0, v32;
	v36 =	vbroadcast v4, $0xF  }
0x25e: {  	vm4 =	vnez.u8 v39;
	v48 =	vld [tilespmem:$0x1FF20];
	v4, _, _ =	vpop (xrf2);
	v0 =	vsel vm9, v0, v34;
	v38 =	vbroadcast v6, $0xF  }
0x25f: {  	vm11 =	vnez.u8 v41;
	v49 =	vld [tilespmem:$0x1FEA0];
	v6, _, _ =	vpop (xrf2);
	v0 =	vsel vm4, v0, v36;
	v40 =	vbroadcast v4, $0xF  }
0x260: {  	vm10 =	vnez.u8 v43;
	v50 =	vld [tilespmem:$0x1FF10];
	v4, _, _ =	vpop (xrf2);
	v0 =	vsel vm11, v0, v38;
	v42 =	vbroadcast v6, $0xF  }
0x261: {  	vm13 =	vnez.u8 v45;
	v0 =	vsel vm10, v0, v40;
	v44 =	vbroadcast v4, $0xF;
	v4 =	vld [tilespmem:s26+$0x19180]  }
0x262: {  	vm12 =	vnez.u8 v46;
	v0 =	vsel vm13, v0, v42  }
0x263: {  	vm8 =	vnez.u8 v48;
	v47, _, _ =	vpop (xrf2);
	v0 =	vsel vm12, v0, v44  }
0x264: {  	v54 =	vld [tilespmem:$0x1FEC0];
	v0 =	vsel vm8, v0, v47  }
0x265: {  	v55 =	vld [tilespmem:$0x1FF00];
	v0 =	vadd.f32 v0, v49  }
0x266: {  	v51 =	vperm.xlane v4, v50  }
0x267: {  	v52 =	vperm.xlane v0, v50  }
0x268: {  	vm3 =	vcmask $0x3F04;
	vm0 =	veq.s32 v51, v4  }
0x269: {  	v5 =	vld [tilespmem:$0x1FED0];
	v2 =	vperm.xlane v4, v54;
	vm0 =	vmand vm0, vm3;
	v53 =	vmax.f32 v0, v52  }
0x26a: {  	v6 =	vperm.xlane v4, v55;
	v1 =	vsel vm0, v53, v0  }
0x26b: {  	vm1 =	vcmask $0x3F3C;
	vm0 =	vne.s32 v2, v4;
	v15 =	vperm.xlane v1, v55  }
0x26c: {  	vm15 =	veq.s32 v6, v4;
	vm0 =	vmor vm0, vm1;
	vm1 =	vcmask $0x3F08  }
0x26d: {  	vm15 =	vmand vm15, vm1;
	v56 =	vmax.f32 v1, v15;
	v15 =	vld [tilespmem:$0x1FEE0]  }
0x26e: {  	v57 =	vperm.xlane v4, v5;
	v1 =	vsel vm15, v56, v1  }
0x26f: {  	v6 =	vperm.xlane v1, v5  }
0x270: {  	vm1 =	vcmask $0x3F10;
	vm15 =	veq.s32 v57, v4  }
0x271: {  	[tilespmem:s26+$0x194A0] =	vst v0;
	vm15 =	vmand vm15, vm1;
	v58 =	vmax.f32 v1, v6  }
0x272: {  	v60 =	vld.idx.msk [tilespmem:v4+s21+$0x0], vm0;
	v0 =	vsel vm15, v58, v1;
	v59 =	vperm.xlane v4, v15  }
0x273: {  	v6 =	vperm.xlane v0, v15  }
0x274: {  	s4 =	smul.u32 @p0 $0x190, s25;
	vm3 =	vcmask $0x3F20;
	vm15 =	veq.s32 v59, v4  }
0x275: {  	vm15 =	vmand vm15, vm3;
	v61 =	vmax.f32 v0, v6  }
0x276: {  	p2 =	sgt.u32 @p0 s25, $0x16;
	s29 =	simm.s32 @p0 $0x19320;
	s4 =	sadd.s32 @p0 s7, s4;
	v0 =	vsel vm15, v61, v0  }
0x277: {  	p3 =	por p2, !p0;
	s4 =	sshrl.u32 @p0 s4, $0x3;
	s26 =	sadd.s32 @p0 $0x2, s25;
	v0 =	vmax.f32 v60, v0  }
0x278: {  	s28 =	simm.s32 @p0 $0x0;
	s4 =	sadd.s32 @p0 s5, s4;
	s30 =	smul.u32 @!p3 $0x190, s26;
	[tilespmem:v4+s21+$0x0] =	vst.idx.msk vm0, v0  }
0x279: {  	[hbm4b:s4+s28] =	stream.linear.scatter @p0 [tilespmem:s29], [sflag:$0x5], $0x190, $0x38;
	[tilespmem:$0x1BED0] =	vst v63  }
0x27a: {  	s4 =	sadd.s32 @!p3 s7, s30  }
0x27b: {  	s28 =	sshll.u32 @!p3 s4, $0x4  }
0x27c: {  	s28 =	sand.u32 @!p3 $0x1FFFFF00, s28  }
0x27d: {  	s29 =	simm.s32 @!p3 $0x0;
	s4 =	sshrl.u32 @!p3 s4, $0x3;
	s28 =	sadd.s32 @!p3 s0, s28  }
0x27e: {  	[tilespmem:s29], [sflag:$0x1] =	stream.linear.gather @!p3 [hbm4b:s28+s29], $0xC800, $0x38;
	[tilespmem:$0x1BED0] =	vst v63  }
0x27f: {  	p4 =	por @p0 $0x0, $0x0;
	s4 =	sadd.s32 @!p3 s1, s4;
	s28 =	simm.s32 @!p3 $0x19000  }
0x280: {  	[tilespmem:s28], [sflag:$0x3] =	stream.linear.gather @!p3 [hbm4b:s4+s29], $0x190, $0x38;
	[tilespmem:$0x1BED0] =	vst v63  }
0x281: {  	p2 =	por !p2, !p0;
	s4 =	smul.u32 @p1 $0x190, s25;
	p3 =	por @!p3 $0x1, $0x1  }
0x282: {  	s28 =	sadd.s32 @!p0 $0x2, s25;
	p3 =	por @!p2 p4, p4;
	p2 =	slt.u32 @!p0 s25, $0x17  }
0x283: {  	s29 =	simm.s32 @p1 $0x194B0;
	s4 =	sadd.s32 @p1 s7, s4;
	p3 =	por @!p0 p2, p2  }
0x284: {  	s28 =	smov.u32 @p0 s26;
	s4 =	sshrl.u32 @p1 s4, $0x3;
	p0 =	por !p3, !p1  }
0x285: {  	s26 =	simm.s32 @p1 $0x0;
	s4 =	sadd.s32 @p1 s5, s4;
	s28 =	smul.u32 @!p0 $0x190, s28  }
0x286: {  	[hbm4b:s4+s26] =	stream.linear.scatter @p1 [tilespmem:s29], [sflag:$0x6], $0x190, $0x38;
	[tilespmem:$0x1BED0] =	vst v63  }
0x287: {  	s4 =	sadd.s32 @!p0 s7, s28  }
0x288: {  	s26 =	sshll.u32 @!p0 s4, $0x4  }
0x289: {  	s29 =	simm.s32 @!p0 $0xC800;
	s26 =	sand.u32 @!p0 $0x1FFFFF00, s26  }
0x28a: {  	s28 =	simm.s32 @!p0 $0x0;
	s4 =	sshrl.u32 @!p0 s4, $0x3;
	s26 =	sadd.s32 @!p0 s0, s26  }
0x28b: {  	[tilespmem:s29], [sflag:$0x2] =	stream.linear.gather @!p0 [hbm4b:s26+s28], $0xC800, $0x38;
	[tilespmem:$0x1BED0] =	vst v63  }
0x28c: {  	s25 =	sadd.s32 $0x1, s25;
	s4 =	sadd.s32 @!p0 s1, s4;
	s26 =	simm.s32 @!p0 $0x19190  }
0x28d: {  	v63 =	vld [tilespmem:$0x1FFF0];
	[tilespmem:s26], [sflag:$0x4] =	stream.linear.gather @!p0 [hbm4b:s4+s28], $0x190, $0x38  }
0x28e: {  	v62 =	vld [tilespmem:$0x1FFE0];
	p0 =	sne.s32 s25, $0x19  }
.Ltmp2:
0x28f: {  	_ = 	snop;
	(pc) =	sbr.rel @p0 .LBB2_4-.Ltmp2, $2  }
0x290: {  	_ =	sdelay $0x2  }
0x291: {  	vm15 =	vnez.u8 v62;
	vm0 =	vnez.u8 v63  }
0x292: {  	_ =	swait.ge [sflag:s22], $0x190  }
0x293: {  	[sflag:s22] =	ssyncset.done $0x0  }
0x294: {  	[sflag:s22] =	ssyncadd.s32 $0xFFFFFE70  }
0x295: {  	s24 =	sadd.s32 $0x1, s24;
	_ =	swait.ge [sflag:s23], $0x190  }
0x296: {  	p0 =	sne.s32 s24, s14;
	[sflag:s23] =	ssyncset.done $0x0  }
.Ltmp3:
0x297: {  	[sflag:s23] =	ssyncadd.s32 $0xFFFFFE70;
	(pc) =	sbr.rel @p0 .LBB2_1-.Ltmp3, $4  }
0x298: {  	[hbm4b:s13+s6] =	stream.linear.scatter [tilespmem:s21], [sflag:$0x7], $0x2800, $0x38;
	[tilespmem:$0x1BED0] =	vst v63  }
0x299: {  	_ =	swait.ge [sflag:s16], $0x2800  }
0x29a: {  	[sflag:s16] =	ssyncset.done $0x0  }
0x29b: {  	v0 =	vimm.f32 $-Inf;
	[sflag:s16] =	ssyncadd.s32 $0xFFFFD800  }
0x29c: {  	_ =	sfence.sel $0x180000  }
0x29d: {  	[bflag:$0x0] =	sbarrier.arrive $0xFFFF  }
0x29e: {  	_ =	strace $0x90000047  }
0x29f: {  	[bflag:$0x2] =	sbarrier.arrive $0xFFFF  }
0x2a0: {  	p0 =	sne.s32 s3, $0x0;
	s0 =	rddreg [dreg:$0x5]  }
0x2a1: {  	s0 =	sadd.s32 @!p0 $0x100000, s0  }
0x2a2: {  	[sflag:s0] =	ssyncadd.tile.s32 @!p0 $0x1;
	_ =	shalt  }
.Lfunc_end2:
_tile_overlayer_lowered:
.L_overlay_start_2:
0x2a3: {  	(tag) =	ssettag $0x2  }
0x2a4: {  	s0 =	rddreg [dreg:$0x0];
	s2 =	stileid.u32  }
0x2a5: {  	s1 =	rddreg [dreg:$0x1];
	p0 =	sne.s32 s2, $0x0  }
0x2a6: {  	s3 =	rddreg [dreg:$0x2];
	[bflag:$0x3] =	sbarrier.arrive $0xFFFF;
	s2 =	simm.s32 @!p0 $0x1C07  }
0x2a7: {  	[timem:s3], [sflag:s2] =	dma.local @!p0 [hbm:s0], s1  }
0x2a8: {  	s0 =	simm.s32 @!p0 $0x7  }
0x2a9: {  	_ =	swait.ge @!p0 [sflag:s0], s1  }
0x2aa: {  	s1 =	ssub.s32 @!p0 $0x0, s1;
	[sflag:s0] =	ssyncset.done @!p0 $0x0  }
0x2ab: {  	[sflag:s0] =	ssyncadd.s32 @!p0 s1  }
0x2ac: {  	[bflag:$0x3] =	sbarrier.arrive $0xFFFF  }
0x2ad: {  	_ =	shalt  }

// kernel: kernel.7.cloned.1.call-start
scs
__scs_entry_jumppad:
0x0: {  	(pc) =	sbr.rel $0x88, $3  }
0x1: {  	(tag) =	ssettag $0x0;
	lr =	simm.s32 $0x1  }
0x2: {  	[smem:$0x3F9D] =	sst lr;
	_ =	strace $0xD0000000  }
0x3: {  	_ = 	snop  }
0x4: {  	_ = 	snop  }
0x5: {  	_ = 	snop  }
0x6: {  	_ = 	snop  }
0x7: {  	_ = 	snop  }
__scs_overlays_trampoline_lowered:
0x8: {  	[smem:$0x3FAC] =	sst s0  }
0x9: {  	[smem:$0x3FAD] =	sst s1  }
0xa: {  	[smem:$0x3FAE] =	sst s2  }
0xb: {  	[smem:$0x3FAF] =	sst s3  }
0xc: {  	[smem:$0x3FB0] =	sst s4  }
0xd: {  	[smem:$0x3FB1] =	sst s5  }
0xe: {  	[smem:$0x3FB2] =	sst s6  }
0xf: {  	[smem:$0x3FB3] =	sst s7  }
0x10: {  	[smem:$0x3FB4] =	sst s8  }
0x11: {  	[smem:$0x3FB5] =	sst s9;
	s0 =	simm.s32 @!p0 $0x0  }
0x12: {  	s1 =	sld [smem:$0x3F9B];
	s0 =	simm.s32 @p0 $0x1  }
0x13: {  	[smem:$0x3FB6] =	sst s0;
	s0 =	simm.s32 @!p1 $0x0  }
0x14: {  	s2 =	sld [smem:$0x3F9A];
	s0 =	simm.s32 @p1 $0x1  }
0x15: {  	[smem:$0x3FB7] =	sst s0;
	s0 =	simm.s32 @!p2 $0x0  }
0x16: {  	s3 =	sld [smem:$0x3FDB];
	s0 =	simm.s32 @p2 $0x1  }
0x17: {  	s4 =	simm.s32 $0x1BF5;
	[smem:$0x3FB9] =	sst s0  }
0x18: {  	s0 =	sld [smem:$0x3F9C];
	_ =	swait.ge [sflag:s4], $0x0  }
0x19: {  	s7 =	sld [smem:$0x3F9D]  }
0x1a: {  	s8 =	sadd.s32 $0xFFFFE003, lr  }
0x1b: {  	s9 =	sadd.s32 $0xFFFFFEF7, lr;
	s5 =	simm.s32 $0xFFFFFFFF;
	p2 =	slt.u32 s8, $0xFFFFF086  }
0x1c: {  	p1 =	slt.u32 s9, $0xF7A;
	s5 =	simm.s32 @!p2 $0x0  }
0x1d: {  	s5 =	simm.s32 @p1 $0x1;
	p0 =	seq.s32 s7, s2  }
0x1e: {  	s7 =	smul.u32 @!p0 $0xF7A, s2;
	p2 =	seq.s32 @!p0 s5, $0x0  }
0x1f: {  	s9 =	smul.u32 $0xF7A, s1;
	s8 =	simm.s32 @!p0 $0x1BF5;
	p2 =	por !p2, p0  }
0x20: {  	[sflag:s8] =	ssyncset.s32 @!p0 $0xFFFFF086;
	s6 =	sadd.s32 @!p0 s3, s7;
	s7 =	simm.s32 @!p0 $0x108  }
0x21: {  	s3 =	sadd.s32 s3, s9;
	s6 =	sadd.s32 @!p0 $0x88, s6;
	s7 =	simm.s32 @p2 $0x1082  }
0x22: {  	[simem:s7], [sflag:s8] =	dma.local @!p0 [hbm:s6], $0xF7A  }
0x23: {  	s9 =	sor.u32 $0xD0000000, s2;
	s6 =	simm.s32 $0x108;
	_ =	swait.ge @!p0 [sflag:s8], $0x0  }
0x24: {  	s3 =	sadd.s32 $0x88, s3;
	s6 =	simm.s32 @!p1 $0x1082;
	[sflag:s4] =	ssyncset.s32 $0xFFFFF086  }
0x25: {  	[simem:s6], [sflag:s4] =	dma.local [hbm:s3], $0xF7A  }
0x26: {  	[smem:$0x3F9D] =	sst s1;
	(tag) =	ssettag s2;
	_ =	strace s9  }
0x27: {  	s1 =	sld [smem:$0x3FAD]  }
0x28: {  	s2 =	sld [smem:$0x3FAE]  }
0x29: {  	s4 =	sld [smem:$0x3FB0]  }
0x2a: {  	p0 =	seq.s32 s5, $0x0;
	s5 =	sld [smem:$0x3FB1]  }
0x2b: {  	s6 =	sld [smem:$0x3FB2]  }
0x2c: {  	s7 =	sld [smem:$0x3FB3]  }
0x2d: {  	s3 =	simm.s32 $0x108;
	s8 =	sld [smem:$0x3FB4]  }
0x2e: {  	s3 =	simm.s32 @!p0 $0x1082;
	s9 =	sld [smem:$0x3FB5]  }
0x2f: {  	lr =	sadd.s32 s0, s3;
	s0 =	sld [smem:$0x3FAC]  }
0x30: {  	s3 =	sld [smem:$0x3FAF]  }
0x31: {  	[smem:$0x3FB8] =	sst s10  }
0x32: {  	s10 =	sld [smem:$0x3FB6];
	_ =	sdelay $0x3  }
0x33: {  	p0 =	seq.s32 s10, $0x1;
	s10 =	sld [smem:$0x3FB8];
	_ =	sdelay $0x3  }
0x34: {  	[smem:$0x3FB8] =	sst s10  }
0x35: {  	s10 =	sld [smem:$0x3FB7];
	_ =	sdelay $0x3  }
0x36: {  	p1 =	seq.s32 s10, $0x1;
	s10 =	sld [smem:$0x3FB8];
	_ =	sdelay $0x3  }
0x37: {  	[smem:$0x3FB8] =	sst s10  }
0x38: {  	s10 =	sld [smem:$0x3FB9]  }
0x39: {  	_ = 	snop;
	(pc) =	sbr.ind lr, $3  }
0x3a: {  	_ = 	snop  }
0x3b: {  	_ = 	snop  }
0x3c: {  	p2 =	seq.s32 s10, $0x1;
	s10 =	sld [smem:$0x3FB8]  }
0x3d: {  	_ =	shalt  }
0x3e: {  	_ =	shalt  }
0x3f: {  	_ =	shalt  }
0x40: {  	_ =	shalt  }
0x41: {  	_ =	shalt  }
0x42: {  	_ =	shalt  }
0x43: {  	_ =	shalt  }
0x44: {  	_ =	shalt  }
0x45: {  	_ =	shalt  }
0x46: {  	_ =	shalt  }
0x47: {  	_ =	shalt  }
0x48: {  	_ =	shalt  }
0x49: {  	_ =	shalt  }
0x4a: {  	_ =	shalt  }
0x4b: {  	_ =	shalt  }
0x4c: {  	_ =	shalt  }
0x4d: {  	_ =	shalt  }
0x4e: {  	_ =	shalt  }
0x4f: {  	_ =	shalt  }
0x50: {  	_ =	shalt  }
0x51: {  	_ =	shalt  }
0x52: {  	_ =	shalt  }
0x53: {  	_ =	shalt  }
0x54: {  	_ =	shalt  }
0x55: {  	_ =	shalt  }
0x56: {  	_ =	shalt  }
0x57: {  	_ =	shalt  }
0x58: {  	_ =	shalt  }
0x59: {  	_ =	shalt  }
0x5a: {  	_ =	shalt  }
0x5b: {  	_ =	shalt  }
0x5c: {  	_ =	shalt  }
0x5d: {  	_ =	shalt  }
0x5e: {  	_ =	shalt  }
0x5f: {  	_ =	shalt  }
0x60: {  	_ =	shalt  }
0x61: {  	_ =	shalt  }
0x62: {  	_ =	shalt  }
0x63: {  	_ =	shalt  }
0x64: {  	_ =	shalt  }
0x65: {  	_ =	shalt  }
0x66: {  	_ =	shalt  }
0x67: {  	_ =	shalt  }
0x68: {  	_ =	shalt  }
0x69: {  	_ =	shalt  }
0x6a: {  	_ =	shalt  }
0x6b: {  	_ =	shalt  }
0x6c: {  	_ =	shalt  }
0x6d: {  	_ =	shalt  }
0x6e: {  	_ =	shalt  }
0x6f: {  	_ =	shalt  }
0x70: {  	_ =	shalt  }
0x71: {  	_ =	shalt  }
0x72: {  	_ =	shalt  }
0x73: {  	_ =	shalt  }
0x74: {  	_ =	shalt  }
0x75: {  	_ =	shalt  }
0x76: {  	_ =	shalt  }
0x77: {  	_ =	shalt  }
0x78: {  	_ =	shalt  }
0x79: {  	_ =	shalt  }
0x7a: {  	_ =	shalt  }
0x7b: {  	_ =	shalt  }
0x7c: {  	_ =	shalt  }
0x7d: {  	_ =	shalt  }
0x7e: {  	_ =	shalt  }
0x7f: {  	_ =	shalt  }
0x80: {  	_ =	shalt  }
0x81: {  	_ =	shalt  }
0x82: {  	_ =	shalt  }
0x83: {  	_ =	shalt  }
0x84: {  	_ =	shalt  }
0x85: {  	_ =	shalt  }
0x86: {  	_ =	shalt  }
0x87: {  	_ =	shalt  }
.Lfunc_end0:
.L_simem_size_0:
called_computation.1_lowered:
.L_overlay_start_0:
0x88: {  	s2 =	sld [smem:$0x3FD9]  }
0x89: {  	s3 =	sld [smem:$0x3FFE];
	_ =	sdelay $0x1  }
0x8a: {  	s1 =	srdreg.scid  }
0x8b: {  	s0 =	sand.u32 $0x1, s1  }
0x8c: {  	s16 =	sshll.u32 s0, $0xA;
	s2 =	sadd.s32 s3, s2  }
0x8d: {  	s2 =	sadd.s32 s2, s16  }
0x8e: {  	[smem:$0x3FC4] =	sst s2  }
0x8f: {  	_ = 	snop  }
0x90: {  	(tm) =	ssettm $0x1  }
0x91: {  	s17 =	sld [smem:$0x3FFB];
	_ =	sdelay $0x3  }
0x92: {  	_ =	strace s17  }
0x93: {  	s2 =	sld [smem:$0x3FFC];
	_ =	sdelay $0x3  }
0x94: {  	_ =	strace s2  }
0x95: {  	s2 =	sld [smem:$0x3FFD];
	_ =	sdelay $0x3  }
0x96: {  	_ =	strace s2  }
0x97: {  	_ =	strace $0x8FFFFFFF  }
0x98: {  	s18 =	sld [smem:$0x3FDB];
	_ =	sdelay $0x1  }
0x99: {  	s19 =	simm.s32 $_scs_section_size  }
0x9a: {  	s4 =	simm.s32 $_size__tile_overlayer_lowered;
	s5 =	simm.s32 $_tile_overlayer_lowered  }
0x9b: {  	s22 =	simm.s32 $0x1BFF;
	s21 =	sshll.u32 s5, $0x1;
	s2 =	sadd.s32 s19, s18  }
0x9c: {  	s6 =	simm.s32 $0x0;
	s20 =	sshll.u32 s4, $0x1;
	s4 =	sadd.s32 s21, s2  }
0x9d: {  	[timem:s6], [sflag:s22] =	dma.local [hbm:s4], s20  }
0x9e: {  	_ =	swait.ge [sflag:s22], s20  }
0x9f: {  	s3 =	ssub.s32 $0x0, s20;
	[sflag:s22] =	ssyncset.done $0x0  }
0xa0: {  	[sflag:s22] =	ssyncadd.s32 s3;
	_ =	sdelay $0x1  }
0xa1: {  	s23 =	simm.s32 $0x1B8B  }
0xa2: {  	_ =	swait.ge [sflag:s23], $0x1  }
0xa3: {  	[sflag:s23] =	ssyncset.done $0x0  }
0xa4: {  	s25 =	simm.s32 $0x1B8E;
	s24 =	sld [smem:$0x3FFE];
	[sflag:s23] =	ssyncadd.s32 $0xFFFFFFFF  }
0xa5: {  	s26 =	simm.s32 $execute0_lowered;
	[smem:$0x3FD2] =	sst s25  }
0xa6: {  	s4 =	sshll.u32 s26, $0x1;
	_ =	strace $0x80000049;
	[dreg:$0x1] =	wrdreg $0xFFFFFFFF  }
0xa7: {  	s28 =	simm.s32 $_size_execute0_lowered;
	s2 =	sadd.s32 s2, s4;
	[dreg:$0x0] =	wrdreg $0x0  }
0xa8: {  	s4 =	sshll.u32 s28, $0x1;
	[dreg:$0x2] =	wrdreg s2  }
0xa9: {  	[dreg:$0x3] =	wrdreg s4  }
0xaa: {  	[dreg:$0x4] =	wrdreg $0xC0  }
0xab: {  	_ =	task [dreg:s6], $0x5FFFF  }
0xac: {  	[dreg:$0x1] =	wrdreg $0xFFFFFFFF  }
0xad: {  	[dreg:$0x0] =	wrdreg $0x60  }
0xae: {  	[dreg:$0x2] =	wrdreg s24  }
0xaf: {  	[dreg:$0x3] =	wrdreg $0x9  }
0xb0: {  	_ =	task.clear_ibuf [dreg:s6], $0x4FFFF;
	_ =	strace $0x90000049  }
0xb1: {  	s29 =	simm.s32 $0x9;
	_ =	strace $0x8000004B  }
0xb2: {  	_ =	swait.ge [sflag:s29], $0x1  }
0xb3: {  	[sflag:s29] =	ssyncadd.s32 $0xFFFFFFFF  }
0xb4: {  	_ =	strace $0x9000004B  }
0xb5: {  	_ =	sfence  }
0xb6: {  	s30 =	sld [smem:$0x0];
	_ =	sdelay $0x2  }
0xb7: {  	s31 =	sshll.u32 s1, $0xD;
	s1 =	sshrl.u32 s1, $0x2  }
0xb8: {  	s3 =	sand.u32 $0x4000, s31;
	s1 =	sadd.s32 s1, s30  }
0xb9: {  	s0 =	sor.u32 s3, s0;
	s1 =	sshll.u32 s1, $0x11  }
0xba: {  	s0 =	sor.u32 s1, s0  }
0xbb: {  	s0 =	sadd.s32 $0x8F2B, s0  }
0xbc: {  	[sflag:s0] =	ssyncadd.remote.s32 $0x1  }
0xbd: {  	_ =	sfence.sel $0xFFFF  }
0xbe: {  	[dreg:$0x0] =	wrdreg $0xFFFFFFFF;
	(pc) =	sbr.abs _section_cstart, $3  }
0xbf: {  	[dreg:$0x1] =	wrdreg $0xFFFFFFFF  }
0xc0: {  	_ =	task.clear_ibuf [dreg:s6], $0x2FFFF;
	_ =	strace $0x9FFFFFFF  }
0xc1: {  	(tm) =	ssettm $0x7FFFFFFF  }
tec
execute0_lowered:
.L_overlay_start_1:
0x0: {  	(tag) =	ssettag $0x1  }
0x1: {  	s1 =	srdreg.scid  }
0x2: {  	s0 =	stileid.u32;
	s4 =	rddreg [dreg:$0x0]  }
0x3: {  	s2 =	simm.s32 $0x0;
	s7 =	simm.s32 $0x2800;
	s8 =	simm.s32 $0x1  }
0x4: {  	s9 =	simm.s32 $0x0;
	s3 =	sand.u32 $0x1, s1;
	s30 =	sshll.u32 s0, $0x1  }
.Ltmp0:
0x5: {  	s1 =	rddreg [dreg:$0x1];
	s6 =	sor.u32 s3, s30;
	(pc) =	sbr.rel .LBB2_1-.Ltmp0, $4  }
0x6: {  	[smem:$0x7FF] =	sst s2;
	s3 =	ssub.s32 $0x2, s3;
	s5 =	smul.u32 $0x28, s6  }
0x7: {  	_ =	strace $0x8000004A;
	s31 =	sshrl.u32 s3, $0x1;
	p0 =	seq.s32 s6, $0x1F  }
0x8: {  	s6 =	simm.s32 $0x140;
	s4 =	sadd.s32 s5, s4;
	s5 =	ssub.s32 s3, s31  }
0x9: {  	s3 =	sadd.s32 $0xE00, s4;
	s4 =	sadd.s32 $0xAE00, s4;
	s5 =	smax.u32 s5, $0x1  }
.LBB2_7:
0xa: {  	v6 =	vld [tilespmem:s12+$0x140];
	v1 =	vmax.f32 v5, v1  }
0xb: {  	v35 =	vld [tilespmem:s12+$0x280];
	v1 =	vmax.f32 v1, v2  }
0xc: {  	v36 =	vld [tilespmem:s12+$0x3C0];
	v1 =	vmax.f32 v1, v3  }
0xd: {  	v37 =	vld [tilespmem:s12+$0x500];
	v1 =	vmax.f32 v1, v4  }
0xe: {  	v38 =	vld [tilespmem:s12+$0x640];
	[tilespmem:s10+$0x2800] =	vst v1  }
0xf: {  	v0 =	vmax.f32 v0, v6;
	v1 =	vld [tilespmem:s12+$0x780]  }
0x10: {  	v39 =	vld [tilespmem:s12+$0x8C0];
	v0 =	vmax.f32 v0, v35  }
0x11: {  	v40 =	vld [tilespmem:s12+$0xA00];
	v0 =	vmax.f32 v0, v36  }
0x12: {  	v41 =	vld [tilespmem:s12+$0xB40];
	v0 =	vmax.f32 v0, v37  }
0x13: {  	v42 =	vld [tilespmem:s12+$0xC80];
	v0 =	vmax.f32 v0, v38  }
0x14: {  	v43 =	vld [tilespmem:s12+$0xDC0];
	v0 =	vmax.f32 v0, v1  }
0x15: {  	v44 =	vld [tilespmem:s12+$0xF00];
	v0 =	vmax.f32 v0, v39  }
0x16: {  	v45 =	vld [tilespmem:s12+$0x1040];
	v0 =	vmax.f32 v0, v40  }
0x17: {  	v46 =	vld [tilespmem:s12+$0x1180];
	v0 =	vmax.f32 v0, v41  }
0x18: {  	v47 =	vld [tilespmem:s12+$0x12C0];
	v0 =	vmax.f32 v0, v42  }
0x19: {  	v48 =	vld [tilespmem:s12+$0x1400];
	v0 =	vmax.f32 v0, v43  }
0x1a: {  	v49 =	vld [tilespmem:s12+$0x1540];
	v0 =	vmax.f32 v0, v44  }
0x1b: {  	v50 =	vld [tilespmem:s12+$0x1680];
	v0 =	vmax.f32 v0, v45  }
0x1c: {  	v51 =	vld [tilespmem:s12+$0x17C0];
	v0 =	vmax.f32 v0, v46  }
0x1d: {  	v52 =	vld [tilespmem:s12+$0x1900];
	v0 =	vmax.f32 v0, v47  }
0x1e: {  	v53 =	vld [tilespmem:s12+$0x1A40];
	v0 =	vmax.f32 v0, v48  }
0x1f: {  	v54 =	vld [tilespmem:s12+$0x1B80];
	v0 =	vmax.f32 v0, v49  }
0x20: {  	v55 =	vld [tilespmem:s12+$0x1CC0];
	v0 =	vmax.f32 v0, v50  }
0x21: {  	v56 =	vld [tilespmem:s12+$0x1E00];
	v0 =	vmax.f32 v0, v51  }
0x22: {  	v57 =	vld [tilespmem:s12+$0x1F40];
	v0 =	vmax.f32 v0, v52  }
0x23: {  	v58 =	vld [tilespmem:s12+$0x2080];
	v0 =	vmax.f32 v0, v53  }
0x24: {  	v59 =	vld [tilespmem:s12+$0x21C0];
	v0 =	vmax.f32 v0, v54  }
0x25: {  	v60 =	vld [tilespmem:s12+$0x2300];
	v0 =	vmax.f32 v0, v55  }
0x26: {  	v61 =	vld [tilespmem:s12+$0x2440];
	v0 =	vmax.f32 v0, v56  }
0x27: {  	v62 =	vld [tilespmem:s12+$0x2580];
	v0 =	vmax.f32 v0, v57  }
0x28: {  	v63 =	vld [tilespmem:s12+$0x26C0];
	v0 =	vmax.f32 v0, v58  }
0x29: {  	v0 =	vmax.f32 v0, v59  }
0x2a: {  	v0 =	vmax.f32 v0, v60  }
0x2b: {  	v0 =	vmax.f32 v0, v61  }
0x2c: {  	v0 =	vmax.f32 v0, v62  }
0x2d: {  	v0 =	vmax.f32 v0, v63  }
0x2e: {  	[tilespmem:s12+$0x2800] =	vst v0  }
0x2f: {  	[hbm4b:s4+s2] =	stream.linear.scatter [tilespmem:s7], [sflag:$0x1], $0x50, $0x38;
	[tilespmem:$0x2940] =	vst v63  }
0x30: {  	_ =	swait.ge [sflag:s8], $0x50  }
0x31: {  	[sflag:s8] =	ssyncset.done $0x0  }
0x32: {  	[sflag:s8] =	ssyncadd.s32 $0xFFFFFFB0  }
.LBB2_8:
0x33: {  	s9 =	sadd.s32 $0x1, s9  }
0x34: {  	p1 =	sne.s32 s9, s5  }
.Ltmp1:
0x35: {  	_ = 	snop;
	(pc) =	sbr.rel @!p1 .LBB2_9-.Ltmp1, $1  }
0x36: {  	_ =	sdelay $0x3  }
.LBB2_1:
.Ltmp2:
0x37: {  	(pc) =	sbr.rel @!p0 .LBB2_2-.Ltmp2, $4  }
0x38: {  	[tilespmem:s2], [sflag:$0x1] =	stream.strided.gather [hbm4b:s3+s6], $0x2800, s7, s6, $0x38;
	[tilespmem:$0x2940] =	vst v63  }
0x39: {  	_ =	swait.ge [sflag:s8], $0x2800  }
0x3a: {  	[sflag:s8] =	ssyncset.done $0x0  }
0x3b: {  	s10 =	simm.s32 $0x0;
	[sflag:s8] =	ssyncadd.s32 $0xFFFFD800  }
0x3c: {  	v0 =	vld [tilespmem:s10+$0x0]  }
0x3d: {  	v1 =	vld [tilespmem:s10+$0x140]  }
0x3e: {  	v2 =	vld [tilespmem:s10+$0x280]  }
0x3f: {  	v3 =	vld [tilespmem:s10+$0x3C0]  }
0x40: {  	v4 =	vld [tilespmem:s10+$0x500]  }
0x41: {  	v5 =	vld [tilespmem:s10+$0x640]  }
0x42: {  	v0 =	vmax.f32 v0, v1;
	v1 =	vld [tilespmem:s10+$0x780]  }
0x43: {  	v0 =	vmax.f32 v0, v2;
	v2 =	vld [tilespmem:s10+$0x8C0]  }
0x44: {  	v0 =	vmax.f32 v0, v3;
	v3 =	vld [tilespmem:s10+$0xA00]  }
0x45: {  	v0 =	vmax.f32 v0, v4;
	v4 =	vld [tilespmem:s10+$0xB40]  }
0x46: {  	v0 =	vmax.f32 v0, v5;
	v5 =	vld [tilespmem:s10+$0xC80]  }
0x47: {  	v0 =	vmax.f32 v0, v1;
	v1 =	vld [tilespmem:s10+$0xDC0]  }
0x48: {  	v0 =	vmax.f32 v0, v2;
	v2 =	vld [tilespmem:s10+$0xF00]  }
0x49: {  	v0 =	vmax.f32 v0, v3;
	v3 =	vld [tilespmem:s10+$0x1040]  }
0x4a: {  	v0 =	vmax.f32 v0, v4;
	v4 =	vld [tilespmem:s10+$0x1180]  }
0x4b: {  	v0 =	vmax.f32 v0, v5;
	v5 =	vld [tilespmem:s10+$0x12C0]  }
0x4c: {  	v0 =	vmax.f32 v0, v1;
	v1 =	vld [tilespmem:s10+$0x1400]  }
0x4d: {  	v0 =	vmax.f32 v0, v2;
	v2 =	vld [tilespmem:s10+$0x1540]  }
0x4e: {  	v0 =	vmax.f32 v0, v3;
	v3 =	vld [tilespmem:s10+$0x1680]  }
0x4f: {  	v0 =	vmax.f32 v0, v4;
	v4 =	vld [tilespmem:s10+$0x17C0]  }
0x50: {  	v0 =	vmax.f32 v0, v5;
	v5 =	vld [tilespmem:s10+$0x1900]  }
0x51: {  	v0 =	vmax.f32 v0, v1;
	v1 =	vld [tilespmem:s10+$0x1A40]  }
0x52: {  	v0 =	vmax.f32 v0, v2;
	v2 =	vld [tilespmem:s10+$0x1B80]  }
0x53: {  	v0 =	vmax.f32 v0, v3;
	v3 =	vld [tilespmem:s10+$0x1CC0]  }
0x54: {  	v0 =	vmax.f32 v0, v4;
	v4 =	vld [tilespmem:s10+$0x1E00]  }
0x55: {  	v0 =	vmax.f32 v0, v5;
	v5 =	vld [tilespmem:s10+$0x1F40]  }
0x56: {  	v6 =	vld [tilespmem:s10+$0x2080];
	v0 =	vmax.f32 v0, v1  }
0x57: {  	v7 =	vld [tilespmem:s10+$0x21C0];
	v0 =	vmax.f32 v0, v2  }
0x58: {  	v1 =	vld [tilespmem:s10+$0x2300];
	v0 =	vmax.f32 v0, v3  }
0x59: {  	v2 =	vld [tilespmem:s10+$0x2440];
	v0 =	vmax.f32 v0, v4  }
0x5a: {  	v3 =	vld [tilespmem:s10+$0x2580];
	v0 =	vmax.f32 v0, v5  }
0x5b: {  	s12 =	simm.s32 $0x10;
	v4 =	vld [tilespmem:s10+$0x26C0];
	v5 =	vmax.f32 v0, v6  }
0x5c: {  	s11 =	simm.s32 $0x80;
	v0 =	vld [tilespmem:s12+$0x0];
	v5 =	vmax.f32 v5, v7  }
.LBB2_6:
0x5d: {  	p1 =	sne.s32 s11, $0x100;
	v6 =	vld [tilespmem:s12+$0x140];
	v1 =	vmax.f32 v5, v1  }
0x5e: {  	v5 =	vld [tilespmem:s12+$0x280];
	v1 =	vmax.f32 v1, v2  }
0x5f: {  	v2 =	vld [tilespmem:s12+$0x3C0];
	v1 =	vmax.f32 v1, v3  }
0x60: {  	v3 =	vld [tilespmem:s12+$0x500];
	v1 =	vmax.f32 v1, v4  }
0x61: {  	v4 =	vld [tilespmem:s12+$0x640];
	[tilespmem:s10+$0x2800] =	vst v1;
	s10 =	smov.u32 s12  }
0x62: {  	v0 =	vmax.f32 v0, v6;
	v1 =	vld [tilespmem:s10+$0x780]  }
0x63: {  	v0 =	vmax.f32 v0, v5;
	v5 =	vld [tilespmem:s10+$0x8C0]  }
0x64: {  	v0 =	vmax.f32 v0, v2;
	v2 =	vld [tilespmem:s10+$0xA00]  }
0x65: {  	v0 =	vmax.f32 v0, v3;
	v3 =	vld [tilespmem:s10+$0xB40]  }
0x66: {  	v0 =	vmax.f32 v0, v4;
	v4 =	vld [tilespmem:s10+$0xC80]  }
0x67: {  	v0 =	vmax.f32 v0, v1;
	v1 =	vld [tilespmem:s10+$0xDC0]  }
0x68: {  	v0 =	vmax.f32 v0, v5;
	v5 =	vld [tilespmem:s10+$0xF00]  }
0x69: {  	v0 =	vmax.f32 v0, v2;
	v2 =	vld [tilespmem:s10+$0x1040]  }
0x6a: {  	v0 =	vmax.f32 v0, v3;
	v3 =	vld [tilespmem:s10+$0x1180]  }
0x6b: {  	v0 =	vmax.f32 v0, v4;
	v4 =	vld [tilespmem:s10+$0x12C0]  }
0x6c: {  	v0 =	vmax.f32 v0, v1;
	v1 =	vld [tilespmem:s10+$0x1400]  }
0x6d: {  	v0 =	vmax.f32 v0, v5;
	v5 =	vld [tilespmem:s10+$0x1540]  }
0x6e: {  	v0 =	vmax.f32 v0, v2;
	v2 =	vld [tilespmem:s10+$0x1680]  }
0x6f: {  	v0 =	vmax.f32 v0, v3;
	v3 =	vld [tilespmem:s10+$0x17C0]  }
0x70: {  	v0 =	vmax.f32 v0, v4;
	v4 =	vld [tilespmem:s10+$0x1900]  }
0x71: {  	v0 =	vmax.f32 v0, v1;
	v1 =	vld [tilespmem:s10+$0x1A40]  }
0x72: {  	v0 =	vmax.f32 v0, v5;
	v5 =	vld [tilespmem:s10+$0x1B80]  }
0x73: {  	v0 =	vmax.f32 v0, v2;
	v2 =	vld [tilespmem:s10+$0x1CC0]  }
0x74: {  	v0 =	vmax.f32 v0, v3;
	v3 =	vld [tilespmem:s10+$0x1E00]  }
0x75: {  	v0 =	vmax.f32 v0, v4;
	v4 =	vld [tilespmem:s10+$0x1F40]  }
0x76: {  	v0 =	vmax.f32 v0, v1;
	v6 =	vld [tilespmem:s10+$0x2080]  }
0x77: {  	v0 =	vmax.f32 v0, v5;
	v5 =	vld [tilespmem:s10+$0x21C0]  }
.Ltmp3:
0x78: {  	v0 =	vmax.f32 v0, v2;
	v1 =	vld [tilespmem:s10+$0x2300];
	(pc) =	sbr.rel @p1 .LBB2_6-.Ltmp3, $4  }
0x79: {  	v0 =	vmax.f32 v0, v3;
	v2 =	vld [tilespmem:s10+$0x2440]  }
0x7a: {  	v0 =	vmax.f32 v0, v4;
	v3 =	vld [tilespmem:s10+$0x2580]  }
0x7b: {  	s12 =	sshra.s32 s11, $0x2;
	v6 =	vmax.f32 v0, v6;
	v4 =	vld [tilespmem:s10+$0x26C0]  }
0x7c: {  	s11 =	sadd.s32 $0x40, s11;
	v0 =	vld [tilespmem:s12+$0x0];
	v5 =	vmax.f32 v6, v5  }
.Ltmp4:
0x7d: {  	_ = 	snop;
	(pc) =	sbr.rel .LBB2_7-.Ltmp4, $1  }
0x7e: {  	_ =	sdelay $0x3  }
.LBB2_2:
0x7f: {  	v0 =	vld [tilespmem:s10+$0x0]  }
0x80: {  	v1 =	vld [tilespmem:s10+$0x140]  }
0x81: {  	v2 =	vld [tilespmem:s10+$0x280]  }
0x82: {  	v3 =	vld [tilespmem:s10+$0x3C0]  }
0x83: {  	v4 =	vld [tilespmem:s10+$0x500]  }
0x84: {  	v5 =	vld [tilespmem:s10+$0x640]  }
0x85: {  	v0 =	vmax.f32 v0, v1;
	v1 =	vld [tilespmem:s10+$0x780]  }
0x86: {  	v0 =	vmax.f32 v0, v2;
	v2 =	vld [tilespmem:s10+$0x8C0]  }
0x87: {  	v0 =	vmax.f32 v0, v3;
	v3 =	vld [tilespmem:s10+$0xA00]  }
0x88: {  	v0 =	vmax.f32 v0, v4;
	v4 =	vld [tilespmem:s10+$0xB40]  }
0x89: {  	v0 =	vmax.f32 v0, v5;
	v5 =	vld [tilespmem:s10+$0xC80]  }
0x8a: {  	v0 =	vmax.f32 v0, v1;
	v1 =	vld [tilespmem:s10+$0xDC0]  }
0x8b: {  	v0 =	vmax.f32 v0, v2;
	v2 =	vld [tilespmem:s10+$0xF00]  }
0x8c: {  	v0 =	vmax.f32 v0, v3;
	v3 =	vld [tilespmem:s10+$0x1040]  }
0x8d: {  	v0 =	vmax.f32 v0, v4;
	v4 =	vld [tilespmem:s10+$0x1180]  }
0x8e: {  	v0 =	vmax.f32 v0, v5;
	v5 =	vld [tilespmem:s10+$0x12C0]  }
0x8f: {  	v0 =	vmax.f32 v0, v1;
	v1 =	vld [tilespmem:s10+$0x1400]  }
0x90: {  	v0 =	vmax.f32 v0, v2;
	v2 =	vld [tilespmem:s10+$0x1540]  }
0x91: {  	v0 =	vmax.f32 v0, v3;
	v3 =	vld [tilespmem:s10+$0x1680]  }
0x92: {  	v0 =	vmax.f32 v0, v4;
	v4 =	vld [tilespmem:s10+$0x17C0]  }
0x93: {  	v0 =	vmax.f32 v0, v5;
	v5 =	vld [tilespmem:s10+$0x1900]  }
0x94: {  	v0 =	vmax.f32 v0, v1;
	v1 =	vld [tilespmem:s10+$0x1A40]  }
0x95: {  	v0 =	vmax.f32 v0, v2;
	v2 =	vld [tilespmem:s10+$0x1B80]  }
0x96: {  	v0 =	vmax.f32 v0, v3;
	v3 =	vld [tilespmem:s10+$0x1CC0]  }
0x97: {  	v0 =	vmax.f32 v0, v4;
	v4 =	vld [tilespmem:s10+$0x1E00]  }
0x98: {  	v0 =	vmax.f32 v0, v5;
	v5 =	vld [tilespmem:s10+$0x1F40]  }
0x99: {  	v6 =	vld [tilespmem:s10+$0x2080];
	v0 =	vmax.f32 v0, v1  }
0x9a: {  	v7 =	vld [tilespmem:s10+$0x21C0];
	v0 =	vmax.f32 v0, v2  }
0x9b: {  	v1 =	vld [tilespmem:s10+$0x2300];
	v0 =	vmax.f32 v0, v3  }
0x9c: {  	v2 =	vld [tilespmem:s10+$0x2440];
	v0 =	vmax.f32 v0, v4  }
0x9d: {  	v3 =	vld [tilespmem:s10+$0x2580];
	v0 =	vmax.f32 v0, v5  }
0x9e: {  	s12 =	simm.s32 $0x10;
	v4 =	vld [tilespmem:s10+$0x26C0];
	v5 =	vmax.f32 v0, v6  }
0x9f: {  	s11 =	simm.s32 $0x80;
	v0 =	vld [tilespmem:s12+$0x0];
	v5 =	vmax.f32 v5, v7  }
.LBB2_3:
0xa0: {  	p1 =	sne.s32 s11, $0x4C0;
	v6 =	vld [tilespmem:s12+$0x140];
	v1 =	vmax.f32 v5, v1  }
0xa1: {  	v5 =	vld [tilespmem:s12+$0x280];
	v1 =	vmax.f32 v1, v2  }
0xa2: {  	v2 =	vld [tilespmem:s12+$0x3C0];
	v1 =	vmax.f32 v1, v3  }
0xa3: {  	v3 =	vld [tilespmem:s12+$0x500];
	v1 =	vmax.f32 v1, v4  }
0xa4: {  	v4 =	vld [tilespmem:s12+$0x640];
	[tilespmem:s10+$0x2800] =	vst v1;
	s10 =	smov.u32 s12  }
0xa5: {  	v0 =	vmax.f32 v0, v6;
	v1 =	vld [tilespmem:s10+$0x780]  }
0xa6: {  	v0 =	vmax.f32 v0, v5;
	v5 =	vld [tilespmem:s10+$0x8C0]  }
0xa7: {  	v0 =	vmax.f32 v0, v2;
	v2 =	vld [tilespmem:s10+$0xA00]  }
0xa8: {  	v0 =	vmax.f32 v0, v3;
	v3 =	vld [tilespmem:s10+$0xB40]  }
0xa9: {  	v0 =	vmax.f32 v0, v4;
	v4 =	vld [tilespmem:s10+$0xC80]  }
0xaa: {  	v0 =	vmax.f32 v0, v1;
	v1 =	vld [tilespmem:s10+$0xDC0]  }
0xab: {  	v0 =	vmax.f32 v0, v5;
	v5 =	vld [tilespmem:s10+$0xF00]  }
0xac: {  	v0 =	vmax.f32 v0, v2;
	v2 =	vld [tilespmem:s10+$0x1040]  }
0xad: {  	v0 =	vmax.f32 v0, v3;
	v3 =	vld [tilespmem:s10+$0x1180]  }
0xae: {  	v0 =	vmax.f32 v0, v4;
	v4 =	vld [tilespmem:s10+$0x12C0]  }
0xaf: {  	v0 =	vmax.f32 v0, v1;
	v1 =	vld [tilespmem:s10+$0x1400]  }
0xb0: {  	v0 =	vmax.f32 v0, v5;
	v5 =	vld [tilespmem:s10+$0x1540]  }
0xb1: {  	v0 =	vmax.f32 v0, v2;
	v2 =	vld [tilespmem:s10+$0x1680]  }
0xb2: {  	v0 =	vmax.f32 v0, v3;
	v3 =	vld [tilespmem:s10+$0x17C0]  }
0xb3: {  	v0 =	vmax.f32 v0, v4;
	v4 =	vld [tilespmem:s10+$0x1900]  }
0xb4: {  	v0 =	vmax.f32 v0, v1;
	v1 =	vld [tilespmem:s10+$0x1A40]  }
0xb5: {  	v0 =	vmax.f32 v0, v5;
	v5 =	vld [tilespmem:s10+$0x1B80]  }
0xb6: {  	v0 =	vmax.f32 v0, v2;
	v2 =	vld [tilespmem:s10+$0x1CC0]  }
0xb7: {  	v0 =	vmax.f32 v0, v3;
	v3 =	vld [tilespmem:s10+$0x1E00]  }
0xb8: {  	v0 =	vmax.f32 v0, v4;
	v4 =	vld [tilespmem:s10+$0x1F40]  }
0xb9: {  	v0 =	vmax.f32 v0, v1;
	v6 =	vld [tilespmem:s10+$0x2080]  }
0xba: {  	v0 =	vmax.f32 v0, v5;
	v5 =	vld [tilespmem:s10+$0x21C0]  }
.Ltmp5:
0xbb: {  	v0 =	vmax.f32 v0, v2;
	v1 =	vld [tilespmem:s10+$0x2300];
	(pc) =	sbr.rel @p1 .LBB2_3-.Ltmp5, $4  }
0xbc: {  	v0 =	vmax.f32 v0, v3;
	v2 =	vld [tilespmem:s10+$0x2440]  }
0xbd: {  	v0 =	vmax.f32 v0, v4;
	v3 =	vld [tilespmem:s10+$0x2580]  }
0xbe: {  	s12 =	sshra.s32 s11, $0x2;
	v6 =	vmax.f32 v0, v6;
	v4 =	vld [tilespmem:s10+$0x26C0]  }
0xbf: {  	s11 =	sadd.s32 $0x40, s11;
	v0 =	vld [tilespmem:s12+$0x0];
	v5 =	vmax.f32 v6, v5  }
0xc0: {  	v6 =	vld [tilespmem:s12+$0x140];
	v1 =	vmax.f32 v5, v1  }
0xc1: {  	v35 =	vld [tilespmem:s12+$0x280];
	v1 =	vmax.f32 v1, v2  }
0xc2: {  	v36 =	vld [tilespmem:s12+$0x3C0];
	v1 =	vmax.f32 v1, v3  }
0xc3: {  	v37 =	vld [tilespmem:s12+$0x500];
	v1 =	vmax.f32 v1, v4  }
0xc4: {  	v38 =	vld [tilespmem:s12+$0x640];
	[tilespmem:s10+$0x2800] =	vst v1  }
0xc5: {  	v0 =	vmax.f32 v0, v6;
	v1 =	vld [tilespmem:s12+$0x780]  }
0xc6: {  	v39 =	vld [tilespmem:s12+$0x8C0];
	v0 =	vmax.f32 v0, v35  }
0xc7: {  	v40 =	vld [tilespmem:s12+$0xA00];
	v0 =	vmax.f32 v0, v36  }
0xc8: {  	v41 =	vld [tilespmem:s12+$0xB40];
	v0 =	vmax.f32 v0, v37  }
0xc9: {  	v42 =	vld [tilespmem:s12+$0xC80];
	v0 =	vmax.f32 v0, v38  }
0xca: {  	v43 =	vld [tilespmem:s12+$0xDC0];
	v0 =	vmax.f32 v0, v1  }
0xcb: {  	v44 =	vld [tilespmem:s12+$0xF00];
	v0 =	vmax.f32 v0, v39  }
0xcc: {  	v45 =	vld [tilespmem:s12+$0x1040];
	v0 =	vmax.f32 v0, v40  }
0xcd: {  	v46 =	vld [tilespmem:s12+$0x1180];
	v0 =	vmax.f32 v0, v41  }
0xce: {  	v47 =	vld [tilespmem:s12+$0x12C0];
	v0 =	vmax.f32 v0, v42  }
0xcf: {  	v48 =	vld [tilespmem:s12+$0x1400];
	v0 =	vmax.f32 v0, v43  }
0xd0: {  	v49 =	vld [tilespmem:s12+$0x1540];
	v0 =	vmax.f32 v0, v44  }
0xd1: {  	v50 =	vld [tilespmem:s12+$0x1680];
	v0 =	vmax.f32 v0, v45  }
0xd2: {  	v51 =	vld [tilespmem:s12+$0x17C0];
	v0 =	vmax.f32 v0, v46  }
0xd3: {  	v52 =	vld [tilespmem:s12+$0x1900];
	v0 =	vmax.f32 v0, v47  }
0xd4: {  	v53 =	vld [tilespmem:s12+$0x1A40];
	v0 =	vmax.f32 v0, v48  }
0xd5: {  	v54 =	vld [tilespmem:s12+$0x1B80];
	v0 =	vmax.f32 v0, v49  }
0xd6: {  	v55 =	vld [tilespmem:s12+$0x1CC0];
	v0 =	vmax.f32 v0, v50  }
0xd7: {  	v56 =	vld [tilespmem:s12+$0x1E00];
	v0 =	vmax.f32 v0, v51  }
0xd8: {  	v57 =	vld [tilespmem:s12+$0x1F40];
	v0 =	vmax.f32 v0, v52  }
0xd9: {  	v58 =	vld [tilespmem:s12+$0x2080];
	v0 =	vmax.f32 v0, v53  }
0xda: {  	v59 =	vld [tilespmem:s12+$0x21C0];
	v0 =	vmax.f32 v0, v54  }
0xdb: {  	v60 =	vld [tilespmem:s12+$0x2300];
	v0 =	vmax.f32 v0, v55  }
0xdc: {  	v61 =	vld [tilespmem:s12+$0x2440];
	v0 =	vmax.f32 v0, v56  }
0xdd: {  	v62 =	vld [tilespmem:s12+$0x2580];
	v0 =	vmax.f32 v0, v57  }
0xde: {  	v63 =	vld [tilespmem:s12+$0x26C0];
	v0 =	vmax.f32 v0, v58  }
0xdf: {  	v0 =	vmax.f32 v0, v59  }
0xe0: {  	v0 =	vmax.f32 v0, v60  }
0xe1: {  	v0 =	vmax.f32 v0, v61  }
0xe2: {  	v0 =	vmax.f32 v0, v62  }
0xe3: {  	v0 =	vmax.f32 v0, v63  }
.Ltmp6:
0xe4: {  	[tilespmem:s12+$0x2800] =	vst v0;
	(pc) =	sbr.rel .LBB2_8-.Ltmp6, $4  }
0xe5: {  	[hbm4b:s4+s2] =	stream.linear.scatter [tilespmem:s7], [sflag:$0x1], $0x140, $0x38;
	[tilespmem:$0x2940] =	vst v63  }
0xe6: {  	_ =	swait.ge [sflag:s8], $0x140  }
0xe7: {  	[sflag:s8] =	ssyncset.done $0x0  }
0xe8: {  	[sflag:s8] =	ssyncadd.s32 $0xFFFFFEC0  }
.LBB2_9:
0xe9: {  	_ =	sfence.sel $0x180000  }
0xea: {  	[bflag:$0x0] =	sbarrier.arrive $0xFFFF  }
0xeb: {  	p0 =	sne.s32 s0, $0x0;
	_ =	strace $0x9000004A  }
0xec: {  	s0 =	sadd.s32 @!p0 $0x100000, s1;
	[bflag:$0x2] =	sbarrier.arrive $0xFFFF  }
0xed: {  	[sflag:s0] =	ssyncadd.tile.s32 @!p0 $0x1;
	_ =	shalt  }
.Lfunc_end2:
_tile_overlayer_lowered:
.L_overlay_start_2:
0xee: {  	(tag) =	ssettag $0x2  }
0xef: {  	s0 =	rddreg [dreg:$0x0];
	s2 =	stileid.u32  }
0xf0: {  	s1 =	rddreg [dreg:$0x1];
	p0 =	sne.s32 s2, $0x0  }
0xf1: {  	s3 =	rddreg [dreg:$0x2];
	[bflag:$0x3] =	sbarrier.arrive $0xFFFF;
	s2 =	simm.s32 @!p0 $0x1C01  }
0xf2: {  	[timem:s3], [sflag:s2] =	dma.local @!p0 [hbm:s0], s1  }
0xf3: {  	s0 =	simm.s32 @!p0 $0x1  }
0xf4: {  	_ =	swait.ge @!p0 [sflag:s0], s1  }
0xf5: {  	s1 =	ssub.s32 @!p0 $0x0, s1;
	[sflag:s0] =	ssyncset.done @!p0 $0x0  }
0xf6: {  	[sflag:s0] =	ssyncadd.s32 @!p0 s1  }
0xf7: {  	[bflag:$0x3] =	sbarrier.arrive $0xFFFF  }
0xf8: {  	_ =	shalt  }

</sc_bundles>
